<compile_context>
chip_gen: v7x
topology: tpu7x:2x2x1
jax: 0.10.2.dev20260603
libtpu: 0.0.44.dev20260713+nightly
codegen_flags: <defaults>
</compile_context>

<pallas_src>
import functools

import jax
import jax.numpy as jnp
from jax import lax
from jax.experimental import pallas as pl
from jax.experimental.pallas import tpu as pltpu
from jax.experimental.pallas import tpu_sc as plsc

N = 10000
E = 320000
D = 128
NC = 2
NS = 16
NW = NC * NS
EPW = E // NW
NB = EPW // 16
SB = 5
NSB = NB // SB
DEGR = 640
HALF = DEGR * 16 // 2
RPT = N // NS
ZR = 25
CHK = 2000
NCHK = EPW // CHK
SBC = CHK // (SB * 16)

_mesh = plsc.VectorSubcoreMesh(core_axis_name="c", subcore_axis_name="s")


@functools.partial(
    pl.kernel,
    out_type=jax.ShapeDtypeStruct((NC, DEGR, 16), jnp.float32),
    mesh=_mesh,
    compiler_params=pltpu.CompilerParams(needs_layout_passes=False, use_tc_tiling_on_sc=False),
    scratch_types=[
        pltpu.VMEM((EPW,), jnp.int32),
        pltpu.VMEM((EPW,), jnp.float32),
        pltpu.VMEM((16 * HALF + 16,), jnp.float32),
        pltpu.VMEM((DEGR, 16), jnp.float32),
        pltpu.VMEM((DEGR // 128, 128), jnp.int32),
        pltpu.VMEM((40, 16), jnp.float32),
        pltpu.VMEM_SHARED((DEGR, 16), jnp.float32),
        pltpu.SemaphoreType.DMA,
    ],
)
def _deg_kernel(dst_hbm, w_hbm, deg_out, dst_v, w_v, hist, deg_local,
                iota_v, zbuf40, deg_sh, sem):
    cid = lax.axis_index("c")
    sid = lax.axis_index("s")
    wid = sid * NC + cid

    pltpu.sync_copy(dst_hbm.at[wid], dst_v)
    pltpu.sync_copy(w_hbm.at[wid], w_v)

    zero = jnp.zeros((16,), jnp.float32)
    lane = lax.iota(jnp.int32, 16)

    def _zero_hist(i, _):
        hist[pl.ds(i * 16, 16)] = zero
        return 0
    lax.fori_loop(0, (16 * HALF + 16) // 16, _zero_hist, 0, unroll=8)

    for p in range(2):
        def _hist_blk(i, _):
            dvec = dst_v[pl.ds(i * 16, 16)]
            wvec = w_v[pl.ds(i * 16, 16)]
            rel = dvec - p * HALF
            mask = (rel >= 0) & (rel < HALF)
            idx = jnp.where(mask, lane * HALF + rel, 16 * HALF + lane)
            plsc.addupdate_scatter(hist, [idx], wvec)
            return 0
        lax.fori_loop(0, NB, _hist_blk, 0, unroll=2)

        def _red_row(r, _):
            acc = zero
            for j in range(16):
                acc = acc + hist[pl.ds(j * HALF + r * 16, 16)]
            deg_local[p * (HALF // 16) + r, :] = acc
            return 0
        lax.fori_loop(0, HALF // 16, _red_row, 0, unroll=2)
        if p == 0:
            lax.fori_loop(0, (16 * HALF + 16) // 16, _zero_hist, 0, unroll=8)

    for k in range(DEGR // 128):
        for f in range(8):
            iota_v[k, pl.ds(f * 16, 16)] = (
                lane + k * 128 + f * 16)

    def _zero40(i, _):
        zbuf40[i, :] = zero
        return 0
    lax.fori_loop(0, 40, _zero40, 0)
    pltpu.sync_copy(zbuf40, deg_sh.at[pl.ds(sid * 40, 40)])
    plsc.subcore_barrier()
    for k in range(DEGR // 128):
        pltpu.async_copy(deg_local.at[pl.ds(k * 128, 128)],
                         deg_sh.at[iota_v.at[k]], sem, add=True)
    for k in range(DEGR // 128):
        pltpu.make_async_copy(deg_local.at[pl.ds(k * 128, 128)],
                              deg_sh.at[iota_v.at[k]], sem).wait()
    plsc.subcore_barrier()
    pltpu.sync_copy(deg_sh.at[pl.ds(sid * 40, 40)],
                    deg_out.at[cid, pl.ds(sid * 40, 40)])


@functools.partial(
    pl.kernel,
    out_type=jax.ShapeDtypeStruct((NC, N, D), jnp.float32),
    mesh=_mesh,
    compiler_params=pltpu.CompilerParams(needs_layout_passes=False,
                                         use_tc_tiling_on_sc=False),
    scratch_types=[
        pltpu.VMEM((2, CHK), jnp.int32),
        pltpu.VMEM((2, CHK), jnp.int32),
        pltpu.VMEM((2, CHK), jnp.float32),
        pltpu.VMEM((3, SB * 16), jnp.int32),
        pltpu.VMEM((3, SB * 16), jnp.int32),
        pltpu.VMEM((3, SB * 16, D), jnp.float32),
        pltpu.VMEM((ZR, D), jnp.float32),
        pltpu.VMEM_SHARED((N, D), jnp.float32),
        pltpu.SemaphoreType.DMA,
        pltpu.SemaphoreType.DMA,
        pltpu.SemaphoreType.DMA((3,)),
        pltpu.SemaphoreType.DMA((3,)),
    ],
)
def _msg_kernel(src_hbm, dst_hbm, w_hbm, h_hbm, acc_out,
                src_c, dst_c, w_c, sidx, didx, rows,
                zbuf, acc_sh, esem, psem, gsem, wsem):
    cid = lax.axis_index("c")
    sid = lax.axis_index("s")
    wid = sid * NC + cid

    zero = jnp.zeros((16,), jnp.float32)

    def _zero_zbuf(i, _):
        for f in range(D // 16):
            zbuf[i, pl.ds(f * 16, 16)] = zero
        return 0
    lax.fori_loop(0, ZR, _zero_zbuf, 0, unroll=4)

    def _zero_acc(k, _):
        pltpu.async_copy(zbuf, acc_sh.at[pl.ds(sid * RPT + k * ZR, ZR)], esem)
        return 0
    lax.fori_loop(0, RPT // ZR, _zero_acc, 0)

    def _stage(cidx, slot):
        pltpu.async_copy(src_hbm.at[wid, pl.ds(cidx * CHK, CHK)],
                         src_c.at[slot], psem)
        pltpu.async_copy(dst_hbm.at[wid, pl.ds(cidx * CHK, CHK)],
                         dst_c.at[slot], psem)
        pltpu.async_copy(w_hbm.at[wid, pl.ds(cidx * CHK, CHK)],
                         w_c.at[slot], psem)

    def _stage_wait(cidx, slot):
        pltpu.make_async_copy(src_hbm.at[wid, pl.ds(cidx * CHK, CHK)],
                              src_c.at[slot], psem).wait()
        pltpu.make_async_copy(dst_hbm.at[wid, pl.ds(cidx * CHK, CHK)],
                              dst_c.at[slot], psem).wait()
        pltpu.make_async_copy(w_hbm.at[wid, pl.ds(cidx * CHK, CHK)],
                              w_c.at[slot], psem).wait()

    _stage(0, 0)
    _stage_wait(0, 0)

    def _zero_drain(k, _):
        pltpu.make_async_copy(
            zbuf, acc_sh.at[pl.ds(sid * RPT + k * ZR, ZR)], esem).wait()
        return 0
    lax.fori_loop(0, RPT // ZR, _zero_drain, 0)
    plsc.subcore_barrier()

    def _build(lc, slot, p):
        def _f(k, _):
            base = lc * (SB * 16) + k * 16
            sidx[p, pl.ds(k * 16, 16)] = src_c[slot, pl.ds(base, 16)]
            didx[p, pl.ds(k * 16, 16)] = dst_c[slot, pl.ds(base, 16)]
            return 0
        lax.fori_loop(0, SB, _f, 0)

    def _scale_scatter(gq, q):
        lcq = lax.rem(gq, SBC)
        slotq = lax.rem(lax.div(gq, SBC), 2)

        def _scale(j, _):
            fj = plsc.load_gather(
                w_c, [jnp.full((16,), slotq, jnp.int32),
                      jnp.full((16,), lcq * (SB * 16) + j, jnp.int32)])
            for f in range(D // 16):
                rows[q, j, pl.ds(f * 16, 16)] = (
                    rows[q, j, pl.ds(f * 16, 16)] * fj)
            return 0
        lax.fori_loop(0, SB * 16, _scale, 0, unroll=4)
        pltpu.async_copy(rows.at[q], acc_sh.at[didx.at[q]], wsem.at[q],
                         add=True)

    def _step(g, _):
        p = lax.rem(g, 3)
        c = lax.div(g, SBC)
        lc = lax.rem(g, SBC)
        slot = lax.rem(c, 2)

        @pl.when(jnp.logical_and(lc == 1, c < NCHK - 1))
        def _():
            _stage(c + 1, lax.rem(c + 1, 2))

        @pl.when(jnp.logical_and(lc == 0, g > 0))
        def _():
            _stage_wait(c, slot)

        @pl.when(g >= 3)
        def _():
            pltpu.make_async_copy(rows.at[p], acc_sh.at[didx.at[p]],
                                  wsem.at[p]).wait()

        _build(lc, slot, p)
        pltpu.async_copy(h_hbm.at[sidx.at[p]], rows.at[p], gsem.at[p])

        @pl.when(g >= 1)
        def _():
            q = lax.rem(g - 1, 3)
            pltpu.make_async_copy(h_hbm.at[sidx.at[q]], rows.at[q],
                                  gsem.at[q]).wait()
            _scale_scatter(g - 1, q)
        return 0
    lax.fori_loop(0, NSB, _step, 0)

    qlast = lax.rem(NSB - 1, 3)
    pltpu.make_async_copy(h_hbm.at[sidx.at[qlast]], rows.at[qlast],
                          gsem.at[qlast]).wait()
    _scale_scatter(NSB - 1, qlast)
    for q in range(3):
        qd = lax.rem(NSB - 1 - (2 - q), 3)
        pltpu.make_async_copy(rows.at[qd], acc_sh.at[didx.at[qd]],
                              wsem.at[qd]).wait()
    plsc.subcore_barrier()

    pltpu.sync_copy(acc_sh.at[pl.ds(sid * RPT, RPT)],
                    acc_out.at[cid, pl.ds(sid * RPT, RPT)])


_RB = 2000


def _mm_body(x_ref, w_ref, deg_ref, o_ref):
    deg = deg_ref[:, 0:1] + deg_ref[:, 1:2] + 1.0
    dis = lax.rsqrt(deg)
    o_ref[...] = dis * jnp.dot(x_ref[...], w_ref[...],
                               preferred_element_type=jnp.float32)


def _leaky(v):
    return jnp.where(v >= 0, v, 0.01 * v)


def _ep_body(acc_ref, h_ref, deg_ref, x_ref, bc_ref, w1_ref, b1_ref,
             w2_ref, b2_ref, w3_ref, b3_ref, o_ref):
    deg = deg_ref[:, 0:1] + deg_ref[:, 1:2] + 1.0
    dis = lax.rsqrt(deg)
    h = h_ref[...]
    out = dis * (acc_ref[0] + acc_ref[1] + h) + bc_ref[...]
    out = _leaky(out) + x_ref[...]
    h1 = _leaky(jnp.dot(out, w1_ref[...],
                        preferred_element_type=jnp.float32) + b1_ref[...])
    h2 = _leaky(jnp.dot(h1, w2_ref[...],
                        preferred_element_type=jnp.float32) + b2_ref[...])
    o_ref[...] = jnp.dot(h2, w3_ref[...],
                         preferred_element_type=jnp.float32) + b3_ref[...]


@jax.jit
def kernel(x, edge_index, edge_attr, Wc, bc, W1, b1, W2, b2, W3, b3):
    src = edge_index[0].astype(jnp.int32).reshape(NW, EPW)
    dst = edge_index[1].astype(jnp.int32).reshape(NW, EPW)
    wv = edge_attr.astype(jnp.float32).reshape(NW, EPW)

    deg = _deg_kernel(dst, wv)
    degt = deg.reshape(NC, DEGR * 16)[:, :N].T

    h = pl.pallas_call(
        _mm_body,
        grid=(N // _RB,),
        in_specs=[pl.BlockSpec((_RB, D), lambda i: (i, 0)),
                  pl.BlockSpec((D, D), lambda i: (0, 0)),
                  pl.BlockSpec((_RB, NC), lambda i: (i, 0))],
        out_specs=pl.BlockSpec((_RB, D), lambda i: (i, 0)),
        out_shape=jax.ShapeDtypeStruct((N, D), jnp.float32),
    )(x, Wc, degt)

    acc = _msg_kernel(src, dst, wv, h)

    w1p = jnp.zeros((D, D), jnp.float32).at[:, :8].set(W1)
    b1p = jnp.zeros((1, D), jnp.float32).at[0, :8].set(b1)
    w2p = jnp.zeros((D, D), jnp.float32).at[:8, :8].set(W2)
    b2p = jnp.zeros((1, D), jnp.float32).at[0, :8].set(b2)
    w3p = jnp.zeros((D, D), jnp.float32).at[:8, :1].set(W3)
    b3p = jnp.zeros((1, D), jnp.float32).at[0, :1].set(b3)

    full = pl.pallas_call(
        _ep_body,
        grid=(N // _RB,),
        in_specs=[
            pl.BlockSpec((NC, _RB, D), lambda i: (0, i, 0)),
            pl.BlockSpec((_RB, D), lambda i: (i, 0)),
            pl.BlockSpec((_RB, NC), lambda i: (i, 0)),
            pl.BlockSpec((_RB, D), lambda i: (i, 0)),
            pl.BlockSpec((1, D), lambda i: (0, 0)),
            pl.BlockSpec((D, D), lambda i: (0, 0)),
            pl.BlockSpec((1, D), lambda i: (0, 0)),
            pl.BlockSpec((D, D), lambda i: (0, 0)),
            pl.BlockSpec((1, D), lambda i: (0, 0)),
            pl.BlockSpec((D, D), lambda i: (0, 0)),
            pl.BlockSpec((1, D), lambda i: (0, 0)),
        ],
        out_specs=pl.BlockSpec((_RB, D), lambda i: (i, 0)),
        out_shape=jax.ShapeDtypeStruct((N, D), jnp.float32),
    )(acc, h, degt, x, bc.reshape(1, D), w1p, b1p, w2p, b2p, w3p, b3p)

    return full[:, :1]

# --- scband reference (transcript-rebuilt; emitter-appended) ---
"""Pipeline reference for scband-gnnactor-49512382988681 (READ-ONLY COPY).

The authoritative reference and input builder live on the scoring server;
editing this copy changes nothing except your own understanding.
"""

import jax, jax.numpy as jnp
import numpy as np

N_NODES = 10000
N_EDGES = 320000
D = 128

def setup_inputs(seed: int = 0) -> dict:
    key = jax.random.key(seed)
    ks = jax.random.split(key, 12)
    x = jax.random.normal(ks[0], (N_NODES, D), dtype=jnp.float32)
    edge_index = jax.random.randint(ks[1], (2, N_EDGES), 0, N_NODES, dtype=jnp.int64)
    edge_attr = jax.random.uniform(ks[2], (N_EDGES,), dtype=jnp.float32)
    # GCNConv(in_channels=128, out_channels=128) params
    Wc = jax.random.normal(ks[3], (D, D), dtype=jnp.float32) * (1.0 / np.sqrt(D))
    bc = jnp.zeros((D,), dtype=jnp.float32)
    # lin1: 128 -> 8, lin2: 8 -> 8, lin3: 8 -> 1 (stored as [in, out])
    W1 = jax.random.normal(ks[4], (D, 8), dtype=jnp.float32) * (1.0 / np.sqrt(D))
    b1 = jnp.zeros((8,), dtype=jnp.float32)
    W2 = jax.random.normal(ks[5], (8, 8), dtype=jnp.float32) * (1.0 / np.sqrt(8))
    b2 = jnp.zeros((8,), dtype=jnp.float32)
    W3 = jax.random.normal(ks[6], (8, 1), dtype=jnp.float32) * (1.0 / np.sqrt(8))
    b3 = jnp.zeros((1,), dtype=jnp.float32)
    return {"x": x, "edge_index": edge_index, "edge_attr": edge_attr,
            "Wc": Wc, "bc": bc, "W1": W1, "b1": b1, "W2": W2, "b2": b2, "W3": W3, "b3": b3}

def _gcn_conv(x, edge_index, edge_weight, Wc, bc):
    # Faithful PyG GCNConv: add self-loops (weight 1), symmetric normalization
    # with edge weights, linear transform, scatter-add aggregation to dst, bias.
    N = x.shape[0]
    src = edge_index[0]
    dst = edge_index[1]
    loop = jnp.arange(N, dtype=edge_index.dtype)
    src2 = jnp.concatenate([src, loop])
    dst2 = jnp.concatenate([dst, loop])
    w2 = jnp.concatenate([edge_weight, jnp.ones((N,), dtype=edge_weight.dtype)])
    deg = jnp.zeros((N,), dtype=x.dtype).at[dst2].add(w2)
    deg_inv_sqrt = jnp.where(deg > 0, jax.lax.rsqrt(jnp.maximum(deg, 1e-12)), 0.0)
    norm = deg_inv_sqrt[src2] * w2 * deg_inv_sqrt[dst2]
    h = x @ Wc
    msg = h[src2] * norm[:, None]
    out = jnp.zeros((N, h.shape[1]), dtype=x.dtype).at[dst2].add(msg)
    return out + bc

def reference(x, edge_index, edge_attr, Wc, bc, W1, b1, W2, b2, W3, b3):
    out = jax.nn.leaky_relu(_gcn_conv(x, edge_index, edge_attr, Wc, bc), negative_slope=0.01)
    h = out + x
    h = jax.nn.leaky_relu(h @ W1 + b1, negative_slope=0.01)
    h = jax.nn.leaky_relu(h @ W2 + b2, negative_slope=0.01)
    h = h @ W3 + b3
    return h

if __name__ == "__main__":
    import jax
    _d = setup_inputs()
    print(jax.jit(kernel)(*tuple(_d.values())))

</pallas_src>

<mosaic_0001>
#map = affine_map<(d0, d1) -> (0, 0)>
#map1 = affine_map<(d0, d1) -> (0, 0, 0)>
module attributes {stable_mosaic.version = 14 : i64} {
  func.func @_msg_kernel(%arg0: i32, %arg1: i32, %arg2: memref<32x10000xi32, #tpu.memory_space<hbm>>, %arg3: memref<32x10000xi32, #tpu.memory_space<hbm>>, %arg4: memref<32x10000xf32, #tpu.memory_space<hbm>>, %arg5: memref<10000x128xf32, #tpu.memory_space<hbm>>, %arg6: memref<2x10000x128xf32, #tpu.memory_space<hbm>>, %arg7: memref<2x2000xi32, #tpu.memory_space<vmem>>, %arg8: memref<2x2000xi32, #tpu.memory_space<vmem>>, %arg9: memref<2x2000xf32, #tpu.memory_space<vmem>>, %arg10: memref<3x80xi32, #tpu.memory_space<vmem>>, %arg11: memref<3x80xi32, #tpu.memory_space<vmem>>, %arg12: memref<3x80x128xf32, #tpu.memory_space<vmem>>, %arg13: memref<25x128xf32, #tpu.memory_space<vmem>>, %arg14: memref<10000x128xf32, #tpu.memory_space<vmem_shared>>, %arg15: memref<!tpu.dma_semaphore, #tpu.memory_space<semaphore_mem>>, %arg16: memref<!tpu.dma_semaphore, #tpu.memory_space<semaphore_mem>>, %arg17: memref<3x!tpu.dma_semaphore, #tpu.memory_space<semaphore_mem>>, %arg18: memref<3x!tpu.dma_semaphore, #tpu.memory_space<semaphore_mem>>) attributes {dimension_semantics = [#tpu.dimension_semantics<core_parallel>, #tpu.dimension_semantics<subcore_parallel>], iteration_bounds = array<i64: 2, 16>, scalar_prefetch = 0 : i64, scratch_operands = 12 : i64, tpu.core_type = #tpu.core_type<sc_vector_subcore>, window_params = [{transform_indices = #map}, {transform_indices = #map}, {transform_indices = #map}, {transform_indices = #map}, {transform_indices = #map1}]} {
    %mul3A = arith.constant 2 : i32
    %mul3A_0 = arith.muli %arg1, %mul3A : i32
    %add3A = arith.addi %mul3A_0, %arg0 : i32
    %broadcast_in_dim3A = arith.constant 0.000000e+00 : f32
    %broadcast_in_dim3A_1 = vector.broadcast %broadcast_in_dim3A : f32 to vector<16xf32>
    %scan3A = arith.constant 0 : i32
    %scan3A_2 = arith.constant 0 : i32
    %scan3A_3 = arith.constant 24 : i32
    %scan3A_4 = arith.addi %scan3A_2, %scan3A_3 : i32
    %scan3A_5 = arith.constant 4 : i32
    %scan3A_6 = scf.for %scan3A_221 = %scan3A_2 to %scan3A_4 step %scan3A_5 iter_args(%scan3A_222 = %scan3A) -> (i32)  : i32 {
      %swap3A_223 = arith.index_cast %scan3A_221 : i32 to index
      %swap3A_224 = arith.constant 0 : index
      %swap3A_225 = tpu.vector_load %arg13[%swap3A_223, %swap3A_224] {strides = array<i32>} : memref<25x128xf32, #tpu.memory_space<vmem>>, vector<16xf32>,
      tpu.vector_store %arg13[%swap3A_223, %swap3A_224], %broadcast_in_dim3A_1 {strides = array<i32>} : memref<25x128xf32, #tpu.memory_space<vmem>>, vector<16xf32>,
      %swap3A_226 = arith.index_cast %scan3A_221 : i32 to index
      %swap3A_227 = arith.constant 16 : index
      %swap3A_228 = tpu.vector_load %arg13[%swap3A_226, %swap3A_227] {strides = array<i32>} : memref<25x128xf32, #tpu.memory_space<vmem>>, vector<16xf32>,
      tpu.vector_store %arg13[%swap3A_226, %swap3A_227], %broadcast_in_dim3A_1 {strides = array<i32>} : memref<25x128xf32, #tpu.memory_space<vmem>>, vector<16xf32>,
      %swap3A_229 = arith.index_cast %scan3A_221 : i32 to index
      %swap3A_230 = arith.constant 32 : index
      %swap3A_231 = tpu.vector_load %arg13[%swap3A_229, %swap3A_230] {strides = array<i32>} : memref<25x128xf32, #tpu.memory_space<vmem>>, vector<16xf32>,
      tpu.vector_store %arg13[%swap3A_229, %swap3A_230], %broadcast_in_dim3A_1 {strides = array<i32>} : memref<25x128xf32, #tpu.memory_space<vmem>>, vector<16xf32>,
      %swap3A_232 = arith.index_cast %scan3A_221 : i32 to index
      %swap3A_233 = arith.constant 48 : index
      %swap3A_234 = tpu.vector_load %arg13[%swap3A_232, %swap3A_233] {strides = array<i32>} : memref<25x128xf32, #tpu.memory_space<vmem>>, vector<16xf32>,
      tpu.vector_store %arg13[%swap3A_232, %swap3A_233], %broadcast_in_dim3A_1 {strides = array<i32>} : memref<25x128xf32, #tpu.memory_space<vmem>>, vector<16xf32>,
      %swap3A_235 = arith.index_cast %scan3A_221 : i32 to index
      %swap3A_236 = arith.constant 64 : index
      %swap3A_237 = tpu.vector_load %arg13[%swap3A_235, %swap3A_236] {strides = array<i32>} : memref<25x128xf32, #tpu.memory_space<vmem>>, vector<16xf32>,
      tpu.vector_store %arg13[%swap3A_235, %swap3A_236], %broadcast_in_dim3A_1 {strides = array<i32>} : memref<25x128xf32, #tpu.memory_space<vmem>>, vector<16xf32>,
      %swap3A_238 = arith.index_cast %scan3A_221 : i32 to index
      %swap3A_239 = arith.constant 80 : index
      %swap3A_240 = tpu.vector_load %arg13[%swap3A_238, %swap3A_239] {strides = array<i32>} : memref<25x128xf32, #tpu.memory_space<vmem>>, vector<16xf32>,
      tpu.vector_store %arg13[%swap3A_238, %swap3A_239], %broadcast_in_dim3A_1 {strides = array<i32>} : memref<25x128xf32, #tpu.memory_space<vmem>>, vector<16xf32>,
      %swap3A_241 = arith.index_cast %scan3A_221 : i32 to index
      %swap3A_242 = arith.constant 96 : index
      %swap3A_243 = tpu.vector_load %arg13[%swap3A_241, %swap3A_242] {strides = array<i32>} : memref<25x128xf32, #tpu.memory_space<vmem>>, vector<16xf32>,
      tpu.vector_store %arg13[%swap3A_241, %swap3A_242], %broadcast_in_dim3A_1 {strides = array<i32>} : memref<25x128xf32, #tpu.memory_space<vmem>>, vector<16xf32>,
      %swap3A_244 = arith.index_cast %scan3A_221 : i32 to index
      %swap3A_245 = arith.constant 112 : index
      %swap3A_246 = tpu.vector_load %arg13[%swap3A_244, %swap3A_245] {strides = array<i32>} : memref<25x128xf32, #tpu.memory_space<vmem>>, vector<16xf32>,
      tpu.vector_store %arg13[%swap3A_244, %swap3A_245], %broadcast_in_dim3A_1 {strides = array<i32>} : memref<25x128xf32, #tpu.memory_space<vmem>>, vector<16xf32>,
      %scan3A_247 = arith.constant 0 : i32
      %scan3A_248 = arith.constant 1 : i32
      %scan3A_249 = arith.addi %scan3A_221, %scan3A_248 : i32
      %swap3A_250 = arith.index_cast %scan3A_249 : i32 to index
      %swap3A_251 = arith.constant 0 : index
      %swap3A_252 = tpu.vector_load %arg13[%swap3A_250, %swap3A_251] {strides = array<i32>} : memref<25x128xf32, #tpu.memory_space<vmem>>, vector<16xf32>,
      tpu.vector_store %arg13[%swap3A_250, %swap3A_251], %broadcast_in_dim3A_1 {strides = array<i32>} : memref<25x128xf32, #tpu.memory_space<vmem>>, vector<16xf32>,
      %swap3A_253 = arith.index_cast %scan3A_249 : i32 to index
      %swap3A_254 = arith.constant 16 : index
      %swap3A_255 = tpu.vector_load %arg13[%swap3A_253, %swap3A_254] {strides = array<i32>} : memref<25x128xf32, #tpu.memory_space<vmem>>, vector<16xf32>,
      tpu.vector_store %arg13[%swap3A_253, %swap3A_254], %broadcast_in_dim3A_1 {strides = array<i32>} : memref<25x128xf32, #tpu.memory_space<vmem>>, vector<16xf32>,
      %swap3A_256 = arith.index_cast %scan3A_249 : i32 to index
      %swap3A_257 = arith.constant 32 : index
      %swap3A_258 = tpu.vector_load %arg13[%swap3A_256, %swap3A_257] {strides = array<i32>} : memref<25x128xf32, #tpu.memory_space<vmem>>, vector<16xf32>,
      tpu.vector_store %arg13[%swap3A_256, %swap3A_257], %broadcast_in_dim3A_1 {strides = array<i32>} : memref<25x128xf32, #tpu.memory_space<vmem>>, vector<16xf32>,
      %swap3A_259 = arith.index_cast %scan3A_249 : i32 to index
      %swap3A_260 = arith.constant 48 : index
      %swap3A_261 = tpu.vector_load %arg13[%swap3A_259, %swap3A_260] {strides = array<i32>} : memref<25x128xf32, #tpu.memory_space<vmem>>, vector<16xf32>,
      tpu.vector_store %arg13[%swap3A_259, %swap3A_260], %broadcast_in_dim3A_1 {strides = array<i32>} : memref<25x128xf32, #tpu.memory_space<vmem>>, vector<16xf32>,
      %swap3A_262 = arith.index_cast %scan3A_249 : i32 to index
      %swap3A_263 = arith.constant 64 : index
      %swap3A_264 = tpu.vector_load %arg13[%swap3A_262, %swap3A_263] {strides = array<i32>} : memref<25x128xf32, #tpu.memory_space<vmem>>, vector<16xf32>,
      tpu.vector_store %arg13[%swap3A_262, %swap3A_263], %broadcast_in_dim3A_1 {strides = array<i32>} : memref<25x128xf32, #tpu.memory_space<vmem>>, vector<16xf32>,
      %swap3A_265 = arith.index_cast %scan3A_249 : i32 to index
      %swap3A_266 = arith.constant 80 : index
      %swap3A_267 = tpu.vector_load %arg13[%swap3A_265, %swap3A_266] {strides = array<i32>} : memref<25x128xf32, #tpu.memory_space<vmem>>, vector<16xf32>,
      tpu.vector_store %arg13[%swap3A_265, %swap3A_266], %broadcast_in_dim3A_1 {strides = array<i32>} : memref<25x128xf32, #tpu.memory_space<vmem>>, vector<16xf32>,
      %swap3A_268 = arith.index_cast %scan3A_249 : i32 to index
      %swap3A_269 = arith.constant 96 : index
      %swap3A_270 = tpu.vector_load %arg13[%swap3A_268, %swap3A_269] {strides = array<i32>} : memref<25x128xf32, #tpu.memory_space<vmem>>, vector<16xf32>,
      tpu.vector_store %arg13[%swap3A_268, %swap3A_269], %broadcast_in_dim3A_1 {strides = array<i32>} : memref<25x128xf32, #tpu.memory_space<vmem>>, vector<16xf32>,
      %swap3A_271 = arith.index_cast %scan3A_249 : i32 to index
      %swap3A_272 = arith.constant 112 : index
      %swap3A_273 = tpu.vector_load %arg13[%swap3A_271, %swap3A_272] {strides = array<i32>} : memref<25x128xf32, #tpu.memory_space<vmem>>, vector<16xf32>,
      tpu.vector_store %arg13[%swap3A_271, %swap3A_272], %broadcast_in_dim3A_1 {strides = array<i32>} : memref<25x128xf32, #tpu.memory_space<vmem>>, vector<16xf32>,
      %scan3A_274 = arith.constant 0 : i32
      %scan3A_275 = arith.constant 2 : i32
      %scan3A_276 = arith.addi %scan3A_221, %scan3A_275 : i32
      %swap3A_277 = arith.index_cast %scan3A_276 : i32 to index
      %swap3A_278 = arith.constant 0 : index
      %swap3A_279 = tpu.vector_load %arg13[%swap3A_277, %swap3A_278] {strides = array<i32>} : memref<25x128xf32, #tpu.memory_space<vmem>>, vector<16xf32>,
      tpu.vector_store %arg13[%swap3A_277, %swap3A_278], %broadcast_in_dim3A_1 {strides = array<i32>} : memref<25x128xf32, #tpu.memory_space<vmem>>, vector<16xf32>,
      %swap3A_280 = arith.index_cast %scan3A_276 : i32 to index
      %swap3A_281 = arith.constant 16 : index
      %swap3A_282 = tpu.vector_load %arg13[%swap3A_280, %swap3A_281] {strides = array<i32>} : memref<25x128xf32, #tpu.memory_space<vmem>>, vector<16xf32>,
      tpu.vector_store %arg13[%swap3A_280, %swap3A_281], %broadcast_in_dim3A_1 {strides = array<i32>} : memref<25x128xf32, #tpu.memory_space<vmem>>, vector<16xf32>,
      %swap3A_283 = arith.index_cast %scan3A_276 : i32 to index
      %swap3A_284 = arith.constant 32 : index
      %swap3A_285 = tpu.vector_load %arg13[%swap3A_283, %swap3A_284] {strides = array<i32>} : memref<25x128xf32, #tpu.memory_space<vmem>>, vector<16xf32>,
      tpu.vector_store %arg13[%swap3A_283, %swap3A_284], %broadcast_in_dim3A_1 {strides = array<i32>} : memref<25x128xf32, #tpu.memory_space<vmem>>, vector<16xf32>,
      %swap3A_286 = arith.index_cast %scan3A_276 : i32 to index
      %swap3A_287 = arith.constant 48 : index
      %swap3A_288 = tpu.vector_load %arg13[%swap3A_286, %swap3A_287] {strides = array<i32>} : memref<25x128xf32, #tpu.memory_space<vmem>>, vector<16xf32>,
      tpu.vector_store %arg13[%swap3A_286, %swap3A_287], %broadcast_in_dim3A_1 {strides = array<i32>} : memref<25x128xf32, #tpu.memory_space<vmem>>, vector<16xf32>,
      %swap3A_289 = arith.index_cast %scan3A_276 : i32 to index
      %swap3A_290 = arith.constant 64 : index
      %swap3A_291 = tpu.vector_load %arg13[%swap3A_289, %swap3A_290] {strides = array<i32>} : memref<25x128xf32, #tpu.memory_space<vmem>>, vector<16xf32>,
      tpu.vector_store %arg13[%swap3A_289, %swap3A_290], %broadcast_in_dim3A_1 {strides = array<i32>} : memref<25x128xf32, #tpu.memory_space<vmem>>, vector<16xf32>,
      %swap3A_292 = arith.index_cast %scan3A_276 : i32 to index
      %swap3A_293 = arith.constant 80 : index
      %swap3A_294 = tpu.vector_load %arg13[%swap3A_292, %swap3A_293] {strides = array<i32>} : memref<25x128xf32, #tpu.memory_space<vmem>>, vector<16xf32>,
      tpu.vector_store %arg13[%swap3A_292, %swap3A_293], %broadcast_in_dim3A_1 {strides = array<i32>} : memref<25x128xf32, #tpu.memory_space<vmem>>, vector<16xf32>,
      %swap3A_295 = arith.index_cast %scan3A_276 : i32 to index
      %swap3A_296 = arith.constant 96 : index
      %swap3A_297 = tpu.vector_load %arg13[%swap3A_295, %swap3A_296] {strides = array<i32>} : memref<25x128xf32, #tpu.memory_space<vmem>>, vector<16xf32>,
      tpu.vector_store %arg13[%swap3A_295, %swap3A_296], %broadcast_in_dim3A_1 {strides = array<i32>} : memref<25x128xf32, #tpu.memory_space<vmem>>, vector<16xf32>,
      %swap3A_298 = arith.index_cast %scan3A_276 : i32 to index
      %swap3A_299 = arith.constant 112 : index
      %swap3A_300 = tpu.vector_load %arg13[%swap3A_298, %swap3A_299] {strides = array<i32>} : memref<25x128xf32, #tpu.memory_space<vmem>>, vector<16xf32>,
      tpu.vector_store %arg13[%swap3A_298, %swap3A_299], %broadcast_in_dim3A_1 {strides = array<i32>} : memref<25x128xf32, #tpu.memory_space<vmem>>, vector<16xf32>,
      %scan3A_301 = arith.constant 0 : i32
      %scan3A_302 = arith.constant 3 : i32
      %scan3A_303 = arith.addi %scan3A_221, %scan3A_302 : i32
      %swap3A_304 = arith.index_cast %scan3A_303 : i32 to index
      %swap3A_305 = arith.constant 0 : index
      %swap3A_306 = tpu.vector_load %arg13[%swap3A_304, %swap3A_305] {strides = array<i32>} : memref<25x128xf32, #tpu.memory_space<vmem>>, vector<16xf32>,
      tpu.vector_store %arg13[%swap3A_304, %swap3A_305], %broadcast_in_dim3A_1 {strides = array<i32>} : memref<25x128xf32, #tpu.memory_space<vmem>>, vector<16xf32>,
      %swap3A_307 = arith.index_cast %scan3A_303 : i32 to index
      %swap3A_308 = arith.constant 16 : index
      %swap3A_309 = tpu.vector_load %arg13[%swap3A_307, %swap3A_308] {strides = array<i32>} : memref<25x128xf32, #tpu.memory_space<vmem>>, vector<16xf32>,
      tpu.vector_store %arg13[%swap3A_307, %swap3A_308], %broadcast_in_dim3A_1 {strides = array<i32>} : memref<25x128xf32, #tpu.memory_space<vmem>>, vector<16xf32>,
      %swap3A_310 = arith.index_cast %scan3A_303 : i32 to index
      %swap3A_311 = arith.constant 32 : index
      %swap3A_312 = tpu.vector_load %arg13[%swap3A_310, %swap3A_311] {strides = array<i32>} : memref<25x128xf32, #tpu.memory_space<vmem>>, vector<16xf32>,
      tpu.vector_store %arg13[%swap3A_310, %swap3A_311], %broadcast_in_dim3A_1 {strides = array<i32>} : memref<25x128xf32, #tpu.memory_space<vmem>>, vector<16xf32>,
      %swap3A_313 = arith.index_cast %scan3A_303 : i32 to index
      %swap3A_314 = arith.constant 48 : index
      %swap3A_315 = tpu.vector_load %arg13[%swap3A_313, %swap3A_314] {strides = array<i32>} : memref<25x128xf32, #tpu.memory_space<vmem>>, vector<16xf32>,
      tpu.vector_store %arg13[%swap3A_313, %swap3A_314], %broadcast_in_dim3A_1 {strides = array<i32>} : memref<25x128xf32, #tpu.memory_space<vmem>>, vector<16xf32>,
      %swap3A_316 = arith.index_cast %scan3A_303 : i32 to index
      %swap3A_317 = arith.constant 64 : index
      %swap3A_318 = tpu.vector_load %arg13[%swap3A_316, %swap3A_317] {strides = array<i32>} : memref<25x128xf32, #tpu.memory_space<vmem>>, vector<16xf32>,
      tpu.vector_store %arg13[%swap3A_316, %swap3A_317], %broadcast_in_dim3A_1 {strides = array<i32>} : memref<25x128xf32, #tpu.memory_space<vmem>>, vector<16xf32>,
      %swap3A_319 = arith.index_cast %scan3A_303 : i32 to index
      %swap3A_320 = arith.constant 80 : index
      %swap3A_321 = tpu.vector_load %arg13[%swap3A_319, %swap3A_320] {strides = array<i32>} : memref<25x128xf32, #tpu.memory_space<vmem>>, vector<16xf32>,
      tpu.vector_store %arg13[%swap3A_319, %swap3A_320], %broadcast_in_dim3A_1 {strides = array<i32>} : memref<25x128xf32, #tpu.memory_space<vmem>>, vector<16xf32>,
      %swap3A_322 = arith.index_cast %scan3A_303 : i32 to index
      %swap3A_323 = arith.constant 96 : index
      %swap3A_324 = tpu.vector_load %arg13[%swap3A_322, %swap3A_323] {strides = array<i32>} : memref<25x128xf32, #tpu.memory_space<vmem>>, vector<16xf32>,
      tpu.vector_store %arg13[%swap3A_322, %swap3A_323], %broadcast_in_dim3A_1 {strides = array<i32>} : memref<25x128xf32, #tpu.memory_space<vmem>>, vector<16xf32>,
      %swap3A_325 = arith.index_cast %scan3A_303 : i32 to index
      %swap3A_326 = arith.constant 112 : index
      %swap3A_327 = tpu.vector_load %arg13[%swap3A_325, %swap3A_326] {strides = array<i32>} : memref<25x128xf32, #tpu.memory_space<vmem>>, vector<16xf32>,
      tpu.vector_store %arg13[%swap3A_325, %swap3A_326], %broadcast_in_dim3A_1 {strides = array<i32>} : memref<25x128xf32, #tpu.memory_space<vmem>>, vector<16xf32>,
      %scan3A_328 = arith.constant 0 : i32
      scf.yield %scan3A_328 : i32
    }
    %scan3A_7 = arith.constant 24 : i32
    %scan3A_8 = arith.addi %scan3A_2, %scan3A_7 : i32
    %swap3A = arith.index_cast %scan3A_8 : i32 to index
    %swap3A_9 = arith.constant 0 : index
    %swap3A_10 = tpu.vector_load %arg13[%swap3A, %swap3A_9] {strides = array<i32>} : memref<25x128xf32, #tpu.memory_space<vmem>>, vector<16xf32>,
    tpu.vector_store %arg13[%swap3A, %swap3A_9], %broadcast_in_dim3A_1 {strides = array<i32>} : memref<25x128xf32, #tpu.memory_space<vmem>>, vector<16xf32>,
    %swap3A_11 = arith.index_cast %scan3A_8 : i32 to index
    %swap3A_12 = arith.constant 16 : index
    %swap3A_13 = tpu.vector_load %arg13[%swap3A_11, %swap3A_12] {strides = array<i32>} : memref<25x128xf32, #tpu.memory_space<vmem>>, vector<16xf32>,
    tpu.vector_store %arg13[%swap3A_11, %swap3A_12], %broadcast_in_dim3A_1 {strides = array<i32>} : memref<25x128xf32, #tpu.memory_space<vmem>>, vector<16xf32>,
    %swap3A_14 = arith.index_cast %scan3A_8 : i32 to index
    %swap3A_15 = arith.constant 32 : index
    %swap3A_16 = tpu.vector_load %arg13[%swap3A_14, %swap3A_15] {strides = array<i32>} : memref<25x128xf32, #tpu.memory_space<vmem>>, vector<16xf32>,
    tpu.vector_store %arg13[%swap3A_14, %swap3A_15], %broadcast_in_dim3A_1 {strides = array<i32>} : memref<25x128xf32, #tpu.memory_space<vmem>>, vector<16xf32>,
    %swap3A_17 = arith.index_cast %scan3A_8 : i32 to index
    %swap3A_18 = arith.constant 48 : index
    %swap3A_19 = tpu.vector_load %arg13[%swap3A_17, %swap3A_18] {strides = array<i32>} : memref<25x128xf32, #tpu.memory_space<vmem>>, vector<16xf32>,
    tpu.vector_store %arg13[%swap3A_17, %swap3A_18], %broadcast_in_dim3A_1 {strides = array<i32>} : memref<25x128xf32, #tpu.memory_space<vmem>>, vector<16xf32>,
    %swap3A_20 = arith.index_cast %scan3A_8 : i32 to index
    %swap3A_21 = arith.constant 64 : index
    %swap3A_22 = tpu.vector_load %arg13[%swap3A_20, %swap3A_21] {strides = array<i32>} : memref<25x128xf32, #tpu.memory_space<vmem>>, vector<16xf32>,
    tpu.vector_store %arg13[%swap3A_20, %swap3A_21], %broadcast_in_dim3A_1 {strides = array<i32>} : memref<25x128xf32, #tpu.memory_space<vmem>>, vector<16xf32>,
    %swap3A_23 = arith.index_cast %scan3A_8 : i32 to index
    %swap3A_24 = arith.constant 80 : index
    %swap3A_25 = tpu.vector_load %arg13[%swap3A_23, %swap3A_24] {strides = array<i32>} : memref<25x128xf32, #tpu.memory_space<vmem>>, vector<16xf32>,
    tpu.vector_store %arg13[%swap3A_23, %swap3A_24], %broadcast_in_dim3A_1 {strides = array<i32>} : memref<25x128xf32, #tpu.memory_space<vmem>>, vector<16xf32>,
    %swap3A_26 = arith.index_cast %scan3A_8 : i32 to index
    %swap3A_27 = arith.constant 96 : index
    %swap3A_28 = tpu.vector_load %arg13[%swap3A_26, %swap3A_27] {strides = array<i32>} : memref<25x128xf32, #tpu.memory_space<vmem>>, vector<16xf32>,
    tpu.vector_store %arg13[%swap3A_26, %swap3A_27], %broadcast_in_dim3A_1 {strides = array<i32>} : memref<25x128xf32, #tpu.memory_space<vmem>>, vector<16xf32>,
    %swap3A_29 = arith.index_cast %scan3A_8 : i32 to index
    %swap3A_30 = arith.constant 112 : index
    %swap3A_31 = tpu.vector_load %arg13[%swap3A_29, %swap3A_30] {strides = array<i32>} : memref<25x128xf32, #tpu.memory_space<vmem>>, vector<16xf32>,
    tpu.vector_store %arg13[%swap3A_29, %swap3A_30], %broadcast_in_dim3A_1 {strides = array<i32>} : memref<25x128xf32, #tpu.memory_space<vmem>>, vector<16xf32>,
    %scan3A_32 = arith.constant 0 : i32
    %scan3A_33 = arith.constant 25 : i32
    %scan3A_34 = arith.constant 0 : i32
    %scan3A_35 = arith.constant 0 : i32
    %scan3A_36 = arith.constant 25 : i32
    %scan3A_37 = arith.addi %scan3A_35, %scan3A_36 : i32
    %scan3A_38 = arith.constant 1 : i32
    %scan3A_39 = scf.for %scan3A_221 = %scan3A_35 to %scan3A_37 step %scan3A_38 iter_args(%scan3A_222 = %scan3A_34) -> (i32)  : i32 {
      %mul3A_223 = arith.constant 625 : i32
      %mul3A_224 = arith.muli %arg1, %mul3A_223 : i32
      %mul3A_225 = arith.constant 25 : i32
      %mul3A_226 = arith.muli %scan3A_221, %mul3A_225 : i32
      %add3A_227 = arith.addi %mul3A_224, %mul3A_226 : i32
      %dma_start3A_228 = arith.constant 0 : i32
      %dma_start3A_229 = tpu.memref_slice %arg14[%add3A_227, %dma_start3A_228] : memref<10000x128xf32, #tpu.memory_space<vmem_shared>> -> memref<25x128xf32, #tpu.memory_space<vmem_shared>>
      %dma_start3A_230 = arith.constant 0 : i32
      %dma_start3A_231 = tpu.memref_slice %arg14[%add3A_227, %dma_start3A_230] : memref<10000x128xf32, #tpu.memory_space<vmem_shared>> -> memref<25x128xf32, #tpu.memory_space<vmem_shared>>
      tpu.enqueue_dma source(%arg13 : memref<25x128xf32, #tpu.memory_space<vmem>>) target(%dma_start3A_231 : memref<25x128xf32, #tpu.memory_space<vmem_shared>>) target_semaphore(%arg15 : memref<!tpu.dma_semaphore, #tpu.memory_space<semaphore_mem>>)
      %scan3A_232 = arith.constant 0 : i32
      scf.yield %scan3A_232 : i32
    }
    %scan3A_40 = arith.constant 25 : i32
    %dma_start3A = arith.constant 0 : i32
    %dma_start3A_41 = arith.constant 0 : i32
    %dma_start3A_42 = tpu.memref_slice %arg7[%dma_start3A, %dma_start3A_41] : memref<2x2000xi32, #tpu.memory_space<vmem>> -> memref<1x2000xi32, #tpu.memory_space<vmem>>
    %dma_start3A_43 = tpu.memref_squeeze %dma_start3A_42 : memref<1x2000xi32, #tpu.memory_space<vmem>> -> memref<2000xi32, #tpu.memory_space<vmem>>
    %dma_start3A_44 = arith.constant 0 : i32
    %dma_start3A_45 = tpu.memref_slice %arg2[%add3A, %dma_start3A_44] : memref<32x10000xi32, #tpu.memory_space<hbm>> -> memref<1x2000xi32, #tpu.memory_space<hbm>>
    %dma_start3A_46 = tpu.memref_squeeze %dma_start3A_45 : memref<1x2000xi32, #tpu.memory_space<hbm>> -> memref<2000xi32, #tpu.memory_space<hbm>>
    %dma_start3A_47 = arith.constant 0 : i32
    %dma_start3A_48 = tpu.memref_slice %arg7[%dma_start3A, %dma_start3A_47] : memref<2x2000xi32, #tpu.memory_space<vmem>> -> memref<1x2000xi32, #tpu.memory_space<vmem>>
    %dma_start3A_49 = tpu.memref_squeeze %dma_start3A_48 : memref<1x2000xi32, #tpu.memory_space<vmem>> -> memref<2000xi32, #tpu.memory_space<vmem>>
    %dma_start3A_50 = arith.constant 0 : i32
    %dma_start3A_51 = tpu.memref_slice %arg2[%add3A, %dma_start3A_50] : memref<32x10000xi32, #tpu.memory_space<hbm>> -> memref<1x2000xi32, #tpu.memory_space<hbm>>
    %dma_start3A_52 = tpu.memref_squeeze %dma_start3A_51 : memref<1x2000xi32, #tpu.memory_space<hbm>> -> memref<2000xi32, #tpu.memory_space<hbm>>
    tpu.enqueue_dma source(%dma_start3A_52 : memref<2000xi32, #tpu.memory_space<hbm>>) target(%dma_start3A_49 : memref<2000xi32, #tpu.memory_space<vmem>>) target_semaphore(%arg16 : memref<!tpu.dma_semaphore, #tpu.memory_space<semaphore_mem>>)
    %dma_start3A_53 = arith.constant 0 : i32
    %dma_start3A_54 = arith.constant 0 : i32
    %dma_start3A_55 = tpu.memref_slice %arg8[%dma_start3A_53, %dma_start3A_54] : memref<2x2000xi32, #tpu.memory_space<vmem>> -> memref<1x2000xi32, #tpu.memory_space<vmem>>
    %dma_start3A_56 = tpu.memref_squeeze %dma_start3A_55 : memref<1x2000xi32, #tpu.memory_space<vmem>> -> memref<2000xi32, #tpu.memory_space<vmem>>
    %dma_start3A_57 = arith.constant 0 : i32
    %dma_start3A_58 = tpu.memref_slice %arg3[%add3A, %dma_start3A_57] : memref<32x10000xi32, #tpu.memory_space<hbm>> -> memref<1x2000xi32, #tpu.memory_space<hbm>>
    %dma_start3A_59 = tpu.memref_squeeze %dma_start3A_58 : memref<1x2000xi32, #tpu.memory_space<hbm>> -> memref<2000xi32, #tpu.memory_space<hbm>>
    %dma_start3A_60 = arith.constant 0 : i32
    %dma_start3A_61 = tpu.memref_slice %arg8[%dma_start3A_53, %dma_start3A_60] : memref<2x2000xi32, #tpu.memory_space<vmem>> -> memref<1x2000xi32, #tpu.memory_space<vmem>>
    %dma_start3A_62 = tpu.memref_squeeze %dma_start3A_61 : memref<1x2000xi32, #tpu.memory_space<vmem>> -> memref<2000xi32, #tpu.memory_space<vmem>>
    %dma_start3A_63 = arith.constant 0 : i32
    %dma_start3A_64 = tpu.memref_slice %arg3[%add3A, %dma_start3A_63] : memref<32x10000xi32, #tpu.memory_space<hbm>> -> memref<1x2000xi32, #tpu.memory_space<hbm>>
    %dma_start3A_65 = tpu.memref_squeeze %dma_start3A_64 : memref<1x2000xi32, #tpu.memory_space<hbm>> -> memref<2000xi32, #tpu.memory_space<hbm>>
    tpu.enqueue_dma source(%dma_start3A_65 : memref<2000xi32, #tpu.memory_space<hbm>>) target(%dma_start3A_62 : memref<2000xi32, #tpu.memory_space<vmem>>) target_semaphore(%arg16 : memref<!tpu.dma_semaphore, #tpu.memory_space<semaphore_mem>>)
    %dma_start3A_66 = arith.constant 0 : i32
    %dma_start3A_67 = arith.constant 0 : i32
    %dma_start3A_68 = tpu.memref_slice %arg9[%dma_start3A_66, %dma_start3A_67] : memref<2x2000xf32, #tpu.memory_space<vmem>> -> memref<1x2000xf32, #tpu.memory_space<vmem>>
    %dma_start3A_69 = tpu.memref_squeeze %dma_start3A_68 : memref<1x2000xf32, #tpu.memory_space<vmem>> -> memref<2000xf32, #tpu.memory_space<vmem>>
    %dma_start3A_70 = arith.constant 0 : i32
    %dma_start3A_71 = tpu.memref_slice %arg4[%add3A, %dma_start3A_70] : memref<32x10000xf32, #tpu.memory_space<hbm>> -> memref<1x2000xf32, #tpu.memory_space<hbm>>
    %dma_start3A_72 = tpu.memref_squeeze %dma_start3A_71 : memref<1x2000xf32, #tpu.memory_space<hbm>> -> memref<2000xf32, #tpu.memory_space<hbm>>
    %dma_start3A_73 = arith.constant 0 : i32
    %dma_start3A_74 = tpu.memref_slice %arg9[%dma_start3A_66, %dma_start3A_73] : memref<2x2000xf32, #tpu.memory_space<vmem>> -> memref<1x2000xf32, #tpu.memory_space<vmem>>
    %dma_start3A_75 = tpu.memref_squeeze %dma_start3A_74 : memref<1x2000xf32, #tpu.memory_space<vmem>> -> memref<2000xf32, #tpu.memory_space<vmem>>
    %dma_start3A_76 = arith.constant 0 : i32
    %dma_start3A_77 = tpu.memref_slice %arg4[%add3A, %dma_start3A_76] : memref<32x10000xf32, #tpu.memory_space<hbm>> -> memref<1x2000xf32, #tpu.memory_space<hbm>>
    %dma_start3A_78 = tpu.memref_squeeze %dma_start3A_77 : memref<1x2000xf32, #tpu.memory_space<hbm>> -> memref<2000xf32, #tpu.memory_space<hbm>>
    tpu.enqueue_dma source(%dma_start3A_78 : memref<2000xf32, #tpu.memory_space<hbm>>) target(%dma_start3A_75 : memref<2000xf32, #tpu.memory_space<vmem>>) target_semaphore(%arg16 : memref<!tpu.dma_semaphore, #tpu.memory_space<semaphore_mem>>)
    %dma_wait3A = arith.constant 0 : i32
    %dma_wait3A_79 = arith.constant 0 : i32
    %dma_wait3A_80 = tpu.memref_slice %arg7[%dma_wait3A, %dma_wait3A_79] : memref<2x2000xi32, #tpu.memory_space<vmem>> -> memref<1x2000xi32, #tpu.memory_space<vmem>>
    %dma_wait3A_81 = tpu.memref_squeeze %dma_wait3A_80 : memref<1x2000xi32, #tpu.memory_space<vmem>> -> memref<2000xi32, #tpu.memory_space<vmem>>
    %dma_wait3A_82 = arith.constant 0 : i32
    %dma_wait3A_83 = tpu.memref_slice %arg2[%add3A, %dma_wait3A_82] : memref<32x10000xi32, #tpu.memory_space<hbm>> -> memref<1x2000xi32, #tpu.memory_space<hbm>>
    %dma_wait3A_84 = tpu.memref_squeeze %dma_wait3A_83 : memref<1x2000xi32, #tpu.memory_space<hbm>> -> memref<2000xi32, #tpu.memory_space<hbm>>
    %dma_wait3A_85 = arith.constant 0 : i32
    %dma_wait3A_86 = tpu.memref_slice %arg7[%dma_wait3A, %dma_wait3A_85] : memref<2x2000xi32, #tpu.memory_space<vmem>> -> memref<1x2000xi32, #tpu.memory_space<vmem>>
    %dma_wait3A_87 = tpu.memref_squeeze %dma_wait3A_86 : memref<1x2000xi32, #tpu.memory_space<vmem>> -> memref<2000xi32, #tpu.memory_space<vmem>>
    %dma_wait3A_88 = arith.constant 0 : i32
    %dma_wait3A_89 = tpu.memref_slice %arg2[%add3A, %dma_wait3A_88] : memref<32x10000xi32, #tpu.memory_space<hbm>> -> memref<1x2000xi32, #tpu.memory_space<hbm>>
    %dma_wait3A_90 = tpu.memref_squeeze %dma_wait3A_89 : memref<1x2000xi32, #tpu.memory_space<hbm>> -> memref<2000xi32, #tpu.memory_space<hbm>>
    tpu.wait_dma2 semaphore(%arg16 : memref<!tpu.dma_semaphore, #tpu.memory_space<semaphore_mem>>) src(%dma_wait3A_90 : memref<2000xi32, #tpu.memory_space<hbm>>) dst(%dma_wait3A_87 : memref<2000xi32, #tpu.memory_space<vmem>>)
    %dma_wait3A_91 = arith.constant 0 : i32
    %dma_wait3A_92 = arith.constant 0 : i32
    %dma_wait3A_93 = tpu.memref_slice %arg8[%dma_wait3A_91, %dma_wait3A_92] : memref<2x2000xi32, #tpu.memory_space<vmem>> -> memref<1x2000xi32, #tpu.memory_space<vmem>>
    %dma_wait3A_94 = tpu.memref_squeeze %dma_wait3A_93 : memref<1x2000xi32, #tpu.memory_space<vmem>> -> memref<2000xi32, #tpu.memory_space<vmem>>
    %dma_wait3A_95 = arith.constant 0 : i32
    %dma_wait3A_96 = tpu.memref_slice %arg3[%add3A, %dma_wait3A_95] : memref<32x10000xi32, #tpu.memory_space<hbm>> -> memref<1x2000xi32, #tpu.memory_space<hbm>>
    %dma_wait3A_97 = tpu.memref_squeeze %dma_wait3A_96 : memref<1x2000xi32, #tpu.memory_space<hbm>> -> memref<2000xi32, #tpu.memory_space<hbm>>
    %dma_wait3A_98 = arith.constant 0 : i32
    %dma_wait3A_99 = tpu.memref_slice %arg8[%dma_wait3A_91, %dma_wait3A_98] : memref<2x2000xi32, #tpu.memory_space<vmem>> -> memref<1x2000xi32, #tpu.memory_space<vmem>>
    %dma_wait3A_100 = tpu.memref_squeeze %dma_wait3A_99 : memref<1x2000xi32, #tpu.memory_space<vmem>> -> memref<2000xi32, #tpu.memory_space<vmem>>
    %dma_wait3A_101 = arith.constant 0 : i32
    %dma_wait3A_102 = tpu.memref_slice %arg3[%add3A, %dma_wait3A_101] : memref<32x10000xi32, #tpu.memory_space<hbm>> -> memref<1x2000xi32, #tpu.memory_space<hbm>>
    %dma_wait3A_103 = tpu.memref_squeeze %dma_wait3A_102 : memref<1x2000xi32, #tpu.memory_space<hbm>> -> memref<2000xi32, #tpu.memory_space<hbm>>
    tpu.wait_dma2 semaphore(%arg16 : memref<!tpu.dma_semaphore, #tpu.memory_space<semaphore_mem>>) src(%dma_wait3A_103 : memref<2000xi32, #tpu.memory_space<hbm>>) dst(%dma_wait3A_100 : memref<2000xi32, #tpu.memory_space<vmem>>)
    %dma_wait3A_104 = arith.constant 0 : i32
    %dma_wait3A_105 = arith.constant 0 : i32
    %dma_wait3A_106 = tpu.memref_slice %arg9[%dma_wait3A_104, %dma_wait3A_105] : memref<2x2000xf32, #tpu.memory_space<vmem>> -> memref<1x2000xf32, #tpu.memory_space<vmem>>
    %dma_wait3A_107 = tpu.memref_squeeze %dma_wait3A_106 : memref<1x2000xf32, #tpu.memory_space<vmem>> -> memref<2000xf32, #tpu.memory_space<vmem>>
    %dma_wait3A_108 = arith.constant 0 : i32
    %dma_wait3A_109 = tpu.memref_slice %arg4[%add3A, %dma_wait3A_108] : memref<32x10000xf32, #tpu.memory_space<hbm>> -> memref<1x2000xf32, #tpu.memory_space<hbm>>
    %dma_wait3A_110 = tpu.memref_squeeze %dma_wait3A_109 : memref<1x2000xf32, #tpu.memory_space<hbm>> -> memref<2000xf32, #tpu.memory_space<hbm>>
    %dma_wait3A_111 = arith.constant 0 : i32
    %dma_wait3A_112 = tpu.memref_slice %arg9[%dma_wait3A_104, %dma_wait3A_111] : memref<2x2000xf32, #tpu.memory_space<vmem>> -> memref<1x2000xf32, #tpu.memory_space<vmem>>
    %dma_wait3A_113 = tpu.memref_squeeze %dma_wait3A_112 : memref<1x2000xf32, #tpu.memory_space<vmem>> -> memref<2000xf32, #tpu.memory_space<vmem>>
    %dma_wait3A_114 = arith.constant 0 : i32
    %dma_wait3A_115 = tpu.memref_slice %arg4[%add3A, %dma_wait3A_114] : memref<32x10000xf32, #tpu.memory_space<hbm>> -> memref<1x2000xf32, #tpu.memory_space<hbm>>
    %dma_wait3A_116 = tpu.memref_squeeze %dma_wait3A_115 : memref<1x2000xf32, #tpu.memory_space<hbm>> -> memref<2000xf32, #tpu.memory_space<hbm>>
    tpu.wait_dma2 semaphore(%arg16 : memref<!tpu.dma_semaphore, #tpu.memory_space<semaphore_mem>>) src(%dma_wait3A_116 : memref<2000xf32, #tpu.memory_space<hbm>>) dst(%dma_wait3A_113 : memref<2000xf32, #tpu.memory_space<vmem>>)
    %scan3A_117 = arith.constant 0 : i32
    %scan3A_118 = arith.constant 0 : i32
    %scan3A_119 = arith.constant 25 : i32
    %scan3A_120 = arith.addi %scan3A_118, %scan3A_119 : i32
    %scan3A_121 = arith.constant 1 : i32
    %scan3A_122 = scf.for %scan3A_221 = %scan3A_118 to %scan3A_120 step %scan3A_121 iter_args(%scan3A_222 = %scan3A_117) -> (i32)  : i32 {
      %mul3A_223 = arith.constant 625 : i32
      %mul3A_224 = arith.muli %arg1, %mul3A_223 : i32
      %mul3A_225 = arith.constant 25 : i32
      %mul3A_226 = arith.muli %scan3A_221, %mul3A_225 : i32
      %add3A_227 = arith.addi %mul3A_224, %mul3A_226 : i32
      %dma_wait3A_228 = arith.constant 0 : i32
      %dma_wait3A_229 = tpu.memref_slice %arg14[%add3A_227, %dma_wait3A_228] : memref<10000x128xf32, #tpu.memory_space<vmem_shared>> -> memref<25x128xf32, #tpu.memory_space<vmem_shared>>
      %dma_wait3A_230 = arith.constant 0 : i32
      %dma_wait3A_231 = tpu.memref_slice %arg14[%add3A_227, %dma_wait3A_230] : memref<10000x128xf32, #tpu.memory_space<vmem_shared>> -> memref<25x128xf32, #tpu.memory_space<vmem_shared>>
      tpu.wait_dma2 semaphore(%arg15 : memref<!tpu.dma_semaphore, #tpu.memory_space<semaphore_mem>>) src(%arg13 : memref<25x128xf32, #tpu.memory_space<vmem>>) dst(%dma_wait3A_231 : memref<25x128xf32, #tpu.memory_space<vmem_shared>>)
      %scan3A_232 = arith.constant 0 : i32
      scf.yield %scan3A_232 : i32
    }
    %scan3A_123 = arith.constant 25 : i32
    %barrier3A = arith.constant 0 : index
    tpu.barrier barrier_id(%barrier3A)
    %scan3A_124 = arith.constant 0 : i32
    %scan3A_125 = arith.constant 0 : i32
    %scan3A_126 = arith.constant 125 : i32
    %scan3A_127 = arith.addi %scan3A_125, %scan3A_126 : i32
    %scan3A_128 = arith.constant 1 : i32
    %scan3A_129 = scf.for %scan3A_221 = %scan3A_125 to %scan3A_127 step %scan3A_128 iter_args(%scan3A_222 = %scan3A_124) -> (i32)  : i32 {
      %rem3A_223 = arith.constant 3 : i32
      %rem3A_224 = arith.remsi %scan3A_221, %rem3A_223 : i32
      %div3A_225 = arith.constant 25 : i32
      %div3A_226 = arith.divsi %scan3A_221, %div3A_225 : i32
      %rem3A_227 = arith.constant 25 : i32
      %rem3A_228 = arith.remsi %scan3A_221, %rem3A_227 : i32
      %rem3A_229 = arith.constant 2 : i32
      %rem3A_230 = arith.remsi %div3A_226, %rem3A_229 : i32
      %eq3A = arith.constant 1 : i32
      %eq3A_231 = arith.cmpi eq, %rem3A_228, %eq3A : i32
      %lt3A = arith.constant 4 : i32
      %lt3A_232 = arith.cmpi slt, %div3A_226, %lt3A : i32
      %and3A = arith.andi %eq3A_231, %lt3A_232 : i1
      %convert_element_type3A = arith.extui %and3A : i1 to i32
      %cond3A = arith.constant 0 : i32
      %cond3A_233 = arith.cmpi ne, %convert_element_type3A, %cond3A : i32
      scf.if %cond3A_233 {
        %add3A_270 = arith.constant 1 : i32
        %add3A_271 = arith.addi %div3A_226, %add3A_270 : i32
        %add3A_272 = arith.constant 1 : i32
        %add3A_273 = arith.addi %div3A_226, %add3A_272 : i32
        %rem3A_274 = arith.constant 2 : i32
        %rem3A_275 = arith.remsi %add3A_273, %rem3A_274 : i32
        %mul3A_276 = arith.constant 2000 : i32
        %mul3A_277 = arith.muli %add3A_271, %mul3A_276 : i32
        %dma_start3A_278 = arith.constant 0 : i32
        %dma_start3A_279 = tpu.memref_slice %arg7[%rem3A_275, %dma_start3A_278] : memref<2x2000xi32, #tpu.memory_space<vmem>> -> memref<1x2000xi32, #tpu.memory_space<vmem>>
        %dma_start3A_280 = tpu.memref_squeeze %dma_start3A_279 : memref<1x2000xi32, #tpu.memory_space<vmem>> -> memref<2000xi32, #tpu.memory_space<vmem>>
        %dma_start3A_281 = tpu.memref_slice %arg2[%add3A, %mul3A_277] : memref<32x10000xi32, #tpu.memory_space<hbm>> -> memref<1x2000xi32, #tpu.memory_space<hbm>>
        %dma_start3A_282 = tpu.memref_squeeze %dma_start3A_281 : memref<1x2000xi32, #tpu.memory_space<hbm>> -> memref<2000xi32, #tpu.memory_space<hbm>>
        %dma_start3A_283 = arith.constant 0 : i32
        %dma_start3A_284 = tpu.memref_slice %arg7[%rem3A_275, %dma_start3A_283] : memref<2x2000xi32, #tpu.memory_space<vmem>> -> memref<1x2000xi32, #tpu.memory_space<vmem>>
        %dma_start3A_285 = tpu.memref_squeeze %dma_start3A_284 : memref<1x2000xi32, #tpu.memory_space<vmem>> -> memref<2000xi32, #tpu.memory_space<vmem>>
        %dma_start3A_286 = tpu.memref_slice %arg2[%add3A, %mul3A_277] : memref<32x10000xi32, #tpu.memory_space<hbm>> -> memref<1x2000xi32, #tpu.memory_space<hbm>>
        %dma_start3A_287 = tpu.memref_squeeze %dma_start3A_286 : memref<1x2000xi32, #tpu.memory_space<hbm>> -> memref<2000xi32, #tpu.memory_space<hbm>>
        tpu.enqueue_dma source(%dma_start3A_287 : memref<2000xi32, #tpu.memory_space<hbm>>) target(%dma_start3A_285 : memref<2000xi32, #tpu.memory_space<vmem>>) target_semaphore(%arg16 : memref<!tpu.dma_semaphore, #tpu.memory_space<semaphore_mem>>)
        %mul3A_288 = arith.constant 2000 : i32
        %mul3A_289 = arith.muli %add3A_271, %mul3A_288 : i32
        %dma_start3A_290 = arith.constant 0 : i32
        %dma_start3A_291 = tpu.memref_slice %arg8[%rem3A_275, %dma_start3A_290] : memref<2x2000xi32, #tpu.memory_space<vmem>> -> memref<1x2000xi32, #tpu.memory_space<vmem>>
        %dma_start3A_292 = tpu.memref_squeeze %dma_start3A_291 : memref<1x2000xi32, #tpu.memory_space<vmem>> -> memref<2000xi32, #tpu.memory_space<vmem>>
        %dma_start3A_293 = tpu.memref_slice %arg3[%add3A, %mul3A_289] : memref<32x10000xi32, #tpu.memory_space<hbm>> -> memref<1x2000xi32, #tpu.memory_space<hbm>>
        %dma_start3A_294 = tpu.memref_squeeze %dma_start3A_293 : memref<1x2000xi32, #tpu.memory_space<hbm>> -> memref<2000xi32, #tpu.memory_space<hbm>>
        %dma_start3A_295 = arith.constant 0 : i32
        %dma_start3A_296 = tpu.memref_slice %arg8[%rem3A_275, %dma_start3A_295] : memref<2x2000xi32, #tpu.memory_space<vmem>> -> memref<1x2000xi32, #tpu.memory_space<vmem>>
        %dma_start3A_297 = tpu.memref_squeeze %dma_start3A_296 : memref<1x2000xi32, #tpu.memory_space<vmem>> -> memref<2000xi32, #tpu.memory_space<vmem>>
        %dma_start3A_298 = tpu.memref_slice %arg3[%add3A, %mul3A_289] : memref<32x10000xi32, #tpu.memory_space<hbm>> -> memref<1x2000xi32, #tpu.memory_space<hbm>>
        %dma_start3A_299 = tpu.memref_squeeze %dma_start3A_298 : memref<1x2000xi32, #tpu.memory_space<hbm>> -> memref<2000xi32, #tpu.memory_space<hbm>>
        tpu.enqueue_dma source(%dma_start3A_299 : memref<2000xi32, #tpu.memory_space<hbm>>) target(%dma_start3A_297 : memref<2000xi32, #tpu.memory_space<vmem>>) target_semaphore(%arg16 : memref<!tpu.dma_semaphore, #tpu.memory_space<semaphore_mem>>)
        %mul3A_300 = arith.constant 2000 : i32
        %mul3A_301 = arith.muli %add3A_271, %mul3A_300 : i32
        %dma_start3A_302 = arith.constant 0 : i32
        %dma_start3A_303 = tpu.memref_slice %arg9[%rem3A_275, %dma_start3A_302] : memref<2x2000xf32, #tpu.memory_space<vmem>> -> memref<1x2000xf32, #tpu.memory_space<vmem>>
        %dma_start3A_304 = tpu.memref_squeeze %dma_start3A_303 : memref<1x2000xf32, #tpu.memory_space<vmem>> -> memref<2000xf32, #tpu.memory_space<vmem>>
        %dma_start3A_305 = tpu.memref_slice %arg4[%add3A, %mul3A_301] : memref<32x10000xf32, #tpu.memory_space<hbm>> -> memref<1x2000xf32, #tpu.memory_space<hbm>>
        %dma_start3A_306 = tpu.memref_squeeze %dma_start3A_305 : memref<1x2000xf32, #tpu.memory_space<hbm>> -> memref<2000xf32, #tpu.memory_space<hbm>>
        %dma_start3A_307 = arith.constant 0 : i32
        %dma_start3A_308 = tpu.memref_slice %arg9[%rem3A_275, %dma_start3A_307] : memref<2x2000xf32, #tpu.memory_space<vmem>> -> memref<1x2000xf32, #tpu.memory_space<vmem>>
        %dma_start3A_309 = tpu.memref_squeeze %dma_start3A_308 : memref<1x2000xf32, #tpu.memory_space<vmem>> -> memref<2000xf32, #tpu.memory_space<vmem>>
        %dma_start3A_310 = tpu.memref_slice %arg4[%add3A, %mul3A_301] : memref<32x10000xf32, #tpu.memory_space<hbm>> -> memref<1x2000xf32, #tpu.memory_space<hbm>>
        %dma_start3A_311 = tpu.memref_squeeze %dma_start3A_310 : memref<1x2000xf32, #tpu.memory_space<hbm>> -> memref<2000xf32, #tpu.memory_space<hbm>>
        tpu.enqueue_dma source(%dma_start3A_311 : memref<2000xf32, #tpu.memory_space<hbm>>) target(%dma_start3A_309 : memref<2000xf32, #tpu.memory_space<vmem>>) target_semaphore(%arg16 : memref<!tpu.dma_semaphore, #tpu.memory_space<semaphore_mem>>)
      } else {
      }
      %eq3A_234 = arith.constant 0 : i32
      %eq3A_235 = arith.cmpi eq, %rem3A_228, %eq3A_234 : i32
      %gt3A = arith.constant 0 : i32
      %gt3A_236 = arith.cmpi sgt, %scan3A_221, %gt3A : i32
      %and3A_237 = arith.andi %eq3A_235, %gt3A_236 : i1
      %convert_element_type3A_238 = arith.extui %and3A_237 : i1 to i32
      %cond3A_239 = arith.constant 0 : i32
      %cond3A_240 = arith.cmpi ne, %convert_element_type3A_238, %cond3A_239 : i32
      scf.if %cond3A_240 {
        %mul3A_270 = arith.constant 2000 : i32
        %mul3A_271 = arith.muli %div3A_226, %mul3A_270 : i32
        %dma_wait3A_272 = arith.constant 0 : i32
        %dma_wait3A_273 = tpu.memref_slice %arg7[%rem3A_230, %dma_wait3A_272] : memref<2x2000xi32, #tpu.memory_space<vmem>> -> memref<1x2000xi32, #tpu.memory_space<vmem>>
        %dma_wait3A_274 = tpu.memref_squeeze %dma_wait3A_273 : memref<1x2000xi32, #tpu.memory_space<vmem>> -> memref<2000xi32, #tpu.memory_space<vmem>>
        %dma_wait3A_275 = tpu.memref_slice %arg2[%add3A, %mul3A_271] : memref<32x10000xi32, #tpu.memory_space<hbm>> -> memref<1x2000xi32, #tpu.memory_space<hbm>>
        %dma_wait3A_276 = tpu.memref_squeeze %dma_wait3A_275 : memref<1x2000xi32, #tpu.memory_space<hbm>> -> memref<2000xi32, #tpu.memory_space<hbm>>
        %dma_wait3A_277 = arith.constant 0 : i32
        %dma_wait3A_278 = tpu.memref_slice %arg7[%rem3A_230, %dma_wait3A_277] : memref<2x2000xi32, #tpu.memory_space<vmem>> -> memref<1x2000xi32, #tpu.memory_space<vmem>>
        %dma_wait3A_279 = tpu.memref_squeeze %dma_wait3A_278 : memref<1x2000xi32, #tpu.memory_space<vmem>> -> memref<2000xi32, #tpu.memory_space<vmem>>
        %dma_wait3A_280 = tpu.memref_slice %arg2[%add3A, %mul3A_271] : memref<32x10000xi32, #tpu.memory_space<hbm>> -> memref<1x2000xi32, #tpu.memory_space<hbm>>
        %dma_wait3A_281 = tpu.memref_squeeze %dma_wait3A_280 : memref<1x2000xi32, #tpu.memory_space<hbm>> -> memref<2000xi32, #tpu.memory_space<hbm>>
        tpu.wait_dma2 semaphore(%arg16 : memref<!tpu.dma_semaphore, #tpu.memory_space<semaphore_mem>>) src(%dma_wait3A_281 : memref<2000xi32, #tpu.memory_space<hbm>>) dst(%dma_wait3A_279 : memref<2000xi32, #tpu.memory_space<vmem>>)
        %mul3A_282 = arith.constant 2000 : i32
        %mul3A_283 = arith.muli %div3A_226, %mul3A_282 : i32
        %dma_wait3A_284 = arith.constant 0 : i32
        %dma_wait3A_285 = tpu.memref_slice %arg8[%rem3A_230, %dma_wait3A_284] : memref<2x2000xi32, #tpu.memory_space<vmem>> -> memref<1x2000xi32, #tpu.memory_space<vmem>>
        %dma_wait3A_286 = tpu.memref_squeeze %dma_wait3A_285 : memref<1x2000xi32, #tpu.memory_space<vmem>> -> memref<2000xi32, #tpu.memory_space<vmem>>
        %dma_wait3A_287 = tpu.memref_slice %arg3[%add3A, %mul3A_283] : memref<32x10000xi32, #tpu.memory_space<hbm>> -> memref<1x2000xi32, #tpu.memory_space<hbm>>
        %dma_wait3A_288 = tpu.memref_squeeze %dma_wait3A_287 : memref<1x2000xi32, #tpu.memory_space<hbm>> -> memref<2000xi32, #tpu.memory_space<hbm>>
        %dma_wait3A_289 = arith.constant 0 : i32
        %dma_wait3A_290 = tpu.memref_slice %arg8[%rem3A_230, %dma_wait3A_289] : memref<2x2000xi32, #tpu.memory_space<vmem>> -> memref<1x2000xi32, #tpu.memory_space<vmem>>
        %dma_wait3A_291 = tpu.memref_squeeze %dma_wait3A_290 : memref<1x2000xi32, #tpu.memory_space<vmem>> -> memref<2000xi32, #tpu.memory_space<vmem>>
        %dma_wait3A_292 = tpu.memref_slice %arg3[%add3A, %mul3A_283] : memref<32x10000xi32, #tpu.memory_space<hbm>> -> memref<1x2000xi32, #tpu.memory_space<hbm>>
        %dma_wait3A_293 = tpu.memref_squeeze %dma_wait3A_292 : memref<1x2000xi32, #tpu.memory_space<hbm>> -> memref<2000xi32, #tpu.memory_space<hbm>>
        tpu.wait_dma2 semaphore(%arg16 : memref<!tpu.dma_semaphore, #tpu.memory_space<semaphore_mem>>) src(%dma_wait3A_293 : memref<2000xi32, #tpu.memory_space<hbm>>) dst(%dma_wait3A_291 : memref<2000xi32, #tpu.memory_space<vmem>>)
        %mul3A_294 = arith.constant 2000 : i32
        %mul3A_295 = arith.muli %div3A_226, %mul3A_294 : i32
        %dma_wait3A_296 = arith.constant 0 : i32
        %dma_wait3A_297 = tpu.memref_slice %arg9[%rem3A_230, %dma_wait3A_296] : memref<2x2000xf32, #tpu.memory_space<vmem>> -> memref<1x2000xf32, #tpu.memory_space<vmem>>
        %dma_wait3A_298 = tpu.memref_squeeze %dma_wait3A_297 : memref<1x2000xf32, #tpu.memory_space<vmem>> -> memref<2000xf32, #tpu.memory_space<vmem>>
        %dma_wait3A_299 = tpu.memref_slice %arg4[%add3A, %mul3A_295] : memref<32x10000xf32, #tpu.memory_space<hbm>> -> memref<1x2000xf32, #tpu.memory_space<hbm>>
        %dma_wait3A_300 = tpu.memref_squeeze %dma_wait3A_299 : memref<1x2000xf32, #tpu.memory_space<hbm>> -> memref<2000xf32, #tpu.memory_space<hbm>>
        %dma_wait3A_301 = arith.constant 0 : i32
        %dma_wait3A_302 = tpu.memref_slice %arg9[%rem3A_230, %dma_wait3A_301] : memref<2x2000xf32, #tpu.memory_space<vmem>> -> memref<1x2000xf32, #tpu.memory_space<vmem>>
        %dma_wait3A_303 = tpu.memref_squeeze %dma_wait3A_302 : memref<1x2000xf32, #tpu.memory_space<vmem>> -> memref<2000xf32, #tpu.memory_space<vmem>>
        %dma_wait3A_304 = tpu.memref_slice %arg4[%add3A, %mul3A_295] : memref<32x10000xf32, #tpu.memory_space<hbm>> -> memref<1x2000xf32, #tpu.memory_space<hbm>>
        %dma_wait3A_305 = tpu.memref_squeeze %dma_wait3A_304 : memref<1x2000xf32, #tpu.memory_space<hbm>> -> memref<2000xf32, #tpu.memory_space<hbm>>
        tpu.wait_dma2 semaphore(%arg16 : memref<!tpu.dma_semaphore, #tpu.memory_space<semaphore_mem>>) src(%dma_wait3A_305 : memref<2000xf32, #tpu.memory_space<hbm>>) dst(%dma_wait3A_303 : memref<2000xf32, #tpu.memory_space<vmem>>)
      } else {
      }
      %ge3A = arith.constant 3 : i32
      %ge3A_241 = arith.cmpi sge, %scan3A_221, %ge3A : i32
      %convert_element_type3A_242 = arith.extui %ge3A_241 : i1 to i32
      %cond3A_243 = arith.constant 0 : i32
      %cond3A_244 = arith.cmpi ne, %convert_element_type3A_242, %cond3A_243 : i32
      scf.if %cond3A_244 {
        %dma_wait3A_270 = arith.constant 0 : i32
        %dma_wait3A_271 = arith.constant 0 : i32
        %dma_wait3A_272 = tpu.memref_slice %arg12[%rem3A_224, %dma_wait3A_270, %dma_wait3A_271] : memref<3x80x128xf32, #tpu.memory_space<vmem>> -> memref<1x80x128xf32, #tpu.memory_space<vmem>>
        %dma_wait3A_273 = tpu.memref_squeeze %dma_wait3A_272 : memref<1x80x128xf32, #tpu.memory_space<vmem>> -> memref<80x128xf32, #tpu.memory_space<vmem>>
        %dma_wait3A_274 = arith.constant 0 : i32
        %dma_wait3A_275 = tpu.memref_slice %arg11[%rem3A_224, %dma_wait3A_274] : memref<3x80xi32, #tpu.memory_space<vmem>> -> memref<1x80xi32, #tpu.memory_space<vmem>>
        %dma_wait3A_276 = tpu.memref_squeeze %dma_wait3A_275 : memref<1x80xi32, #tpu.memory_space<vmem>> -> memref<80xi32, #tpu.memory_space<vmem>>
        %dma_wait3A_277 = arith.constant 0 : i32
        %dma_wait3A_278 = arith.constant 0 : i32
        %dma_wait3A_279 = tpu.memref_slice %arg14[%dma_wait3A_277, %dma_wait3A_278] : memref<10000x128xf32, #tpu.memory_space<vmem_shared>> -> memref<10000x128xf32, #tpu.memory_space<vmem_shared>>
        %dma_wait3A_280 = tpu.memref_slice %arg18[%rem3A_224] : memref<3x!tpu.dma_semaphore, #tpu.memory_space<semaphore_mem>> -> memref<1x!tpu.dma_semaphore, #tpu.memory_space<semaphore_mem>>
        %dma_wait3A_281 = tpu.memref_squeeze %dma_wait3A_280 : memref<1x!tpu.dma_semaphore, #tpu.memory_space<semaphore_mem>> -> memref<!tpu.dma_semaphore, #tpu.memory_space<semaphore_mem>>
        tpu.wait_indirect_dma semaphore(%dma_wait3A_281 : memref<!tpu.dma_semaphore, #tpu.memory_space<semaphore_mem>>) src(%dma_wait3A_273 : memref<80x128xf32, #tpu.memory_space<vmem>>) dst(%dma_wait3A_279 : memref<10000x128xf32, #tpu.memory_space<vmem_shared>>)
      } else {
      }
      %scan3A_245 = arith.constant 0 : i32
      %scan3A_246 = arith.constant 0 : i32
      %scan3A_247 = arith.constant 5 : i32
      %scan3A_248 = arith.addi %scan3A_246, %scan3A_247 : i32
      %scan3A_249 = arith.constant 1 : i32
      %scan3A_250 = scf.for %scan3A_270 = %scan3A_246 to %scan3A_248 step %scan3A_249 iter_args(%scan3A_271 = %scan3A_245) -> (i32)  : i32 {
        %mul3A_272 = arith.constant 80 : i32
        %mul3A_273 = arith.muli %rem3A_228, %mul3A_272 : i32
        %mul3A_274 = arith.constant 16 : i32
        %mul3A_275 = arith.muli %scan3A_270, %mul3A_274 : i32
        %add3A_276 = arith.addi %mul3A_273, %mul3A_275 : i32
        %get3A = arith.index_cast %rem3A_230 : i32 to index
        %get3A_277 = arith.index_cast %add3A_276 : i32 to index
        %get3A_278 = tpu.vector_load %arg7[%get3A, %get3A_277] {strides = array<i32>} : memref<2x2000xi32, #tpu.memory_space<vmem>>, vector<16xi32>,
        %mul3A_279 = arith.constant 16 : i32
        %mul3A_280 = arith.muli %scan3A_270, %mul3A_279 : i32
        %swap3A_281 = arith.index_cast %rem3A_224 : i32 to index
        %swap3A_282 = arith.index_cast %mul3A_280 : i32 to index
        %swap3A_283 = tpu.vector_load %arg10[%swap3A_281, %swap3A_282] {strides = array<i32>} : memref<3x80xi32, #tpu.memory_space<vmem>>, vector<16xi32>,
        tpu.vector_store %arg10[%swap3A_281, %swap3A_282], %get3A_278 {strides = array<i32>} : memref<3x80xi32, #tpu.memory_space<vmem>>, vector<16xi32>,
        %get3A_284 = arith.index_cast %rem3A_230 : i32 to index
        %get3A_285 = arith.index_cast %add3A_276 : i32 to index
        %get3A_286 = tpu.vector_load %arg8[%get3A_284, %get3A_285] {strides = array<i32>} : memref<2x2000xi32, #tpu.memory_space<vmem>>, vector<16xi32>,
        %mul3A_287 = arith.constant 16 : i32
        %mul3A_288 = arith.muli %scan3A_270, %mul3A_287 : i32
        %swap3A_289 = arith.index_cast %rem3A_224 : i32 to index
        %swap3A_290 = arith.index_cast %mul3A_288 : i32 to index
        %swap3A_291 = tpu.vector_load %arg11[%swap3A_289, %swap3A_290] {strides = array<i32>} : memref<3x80xi32, #tpu.memory_space<vmem>>, vector<16xi32>,
        tpu.vector_store %arg11[%swap3A_289, %swap3A_290], %get3A_286 {strides = array<i32>} : memref<3x80xi32, #tpu.memory_space<vmem>>, vector<16xi32>,
        %scan3A_292 = arith.constant 0 : i32
        scf.yield %scan3A_292 : i32
      }
      %scan3A_251 = arith.constant 5 : i32
      %dma_start3A_252 = arith.constant 0 : i32
      %dma_start3A_253 = arith.constant 0 : i32
      %dma_start3A_254 = tpu.memref_slice %arg12[%rem3A_224, %dma_start3A_252, %dma_start3A_253] : memref<3x80x128xf32, #tpu.memory_space<vmem>> -> memref<1x80x128xf32, #tpu.memory_space<vmem>>
      %dma_start3A_255 = tpu.memref_squeeze %dma_start3A_254 : memref<1x80x128xf32, #tpu.memory_space<vmem>> -> memref<80x128xf32, #tpu.memory_space<vmem>>
      %dma_start3A_256 = arith.constant 0 : i32
      %dma_start3A_257 = tpu.memref_slice %arg10[%rem3A_224, %dma_start3A_256] : memref<3x80xi32, #tpu.memory_space<vmem>> -> memref<1x80xi32, #tpu.memory_space<vmem>>
      %dma_start3A_258 = tpu.memref_squeeze %dma_start3A_257 : memref<1x80xi32, #tpu.memory_space<vmem>> -> memref<80xi32, #tpu.memory_space<vmem>>
      %dma_start3A_259 = arith.constant 0 : i32
      %dma_start3A_260 = arith.constant 0 : i32
      %dma_start3A_261 = tpu.memref_slice %arg5[%dma_start3A_259, %dma_start3A_260] : memref<10000x128xf32, #tpu.memory_space<hbm>> -> memref<10000x128xf32, #tpu.memory_space<hbm>>
      %dma_start3A_262 = tpu.memref_slice %arg17[%rem3A_224] : memref<3x!tpu.dma_semaphore, #tpu.memory_space<semaphore_mem>> -> memref<1x!tpu.dma_semaphore, #tpu.memory_space<semaphore_mem>>
      %dma_start3A_263 = tpu.memref_squeeze %dma_start3A_262 : memref<1x!tpu.dma_semaphore, #tpu.memory_space<semaphore_mem>> -> memref<!tpu.dma_semaphore, #tpu.memory_space<semaphore_mem>>
      tpu.enqueue_indirect_dma source(%dma_start3A_261 : memref<10000x128xf32, #tpu.memory_space<hbm>>) target(%dma_start3A_255 : memref<80x128xf32, #tpu.memory_space<vmem>>) offsets(%dma_start3A_258 : memref<80xi32, #tpu.memory_space<vmem>>) semaphore(%dma_start3A_263 : memref<!tpu.dma_semaphore, #tpu.memory_space<semaphore_mem>>)
      %ge3A_264 = arith.constant 1 : i32
      %ge3A_265 = arith.cmpi sge, %scan3A_221, %ge3A_264 : i32
      %convert_element_type3A_266 = arith.extui %ge3A_265 : i1 to i32
      %cond3A_267 = arith.constant 0 : i32
      %cond3A_268 = arith.cmpi ne, %convert_element_type3A_266, %cond3A_267 : i32
      scf.if %cond3A_268 {
        %sub3A = arith.constant 1 : i32
        %sub3A_270 = arith.subi %scan3A_221, %sub3A : i32
        %rem3A_271 = arith.constant 3 : i32
        %rem3A_272 = arith.remsi %sub3A_270, %rem3A_271 : i32
        %dma_wait3A_273 = arith.constant 0 : i32
        %dma_wait3A_274 = arith.constant 0 : i32
        %dma_wait3A_275 = tpu.memref_slice %arg12[%rem3A_272, %dma_wait3A_273, %dma_wait3A_274] : memref<3x80x128xf32, #tpu.memory_space<vmem>> -> memref<1x80x128xf32, #tpu.memory_space<vmem>>
        %dma_wait3A_276 = tpu.memref_squeeze %dma_wait3A_275 : memref<1x80x128xf32, #tpu.memory_space<vmem>> -> memref<80x128xf32, #tpu.memory_space<vmem>>
        %dma_wait3A_277 = arith.constant 0 : i32
        %dma_wait3A_278 = tpu.memref_slice %arg10[%rem3A_272, %dma_wait3A_277] : memref<3x80xi32, #tpu.memory_space<vmem>> -> memref<1x80xi32, #tpu.memory_space<vmem>>
        %dma_wait3A_279 = tpu.memref_squeeze %dma_wait3A_278 : memref<1x80xi32, #tpu.memory_space<vmem>> -> memref<80xi32, #tpu.memory_space<vmem>>
        %dma_wait3A_280 = arith.constant 0 : i32
        %dma_wait3A_281 = arith.constant 0 : i32
        %dma_wait3A_282 = tpu.memref_slice %arg5[%dma_wait3A_280, %dma_wait3A_281] : memref<10000x128xf32, #tpu.memory_space<hbm>> -> memref<10000x128xf32, #tpu.memory_space<hbm>>
        %dma_wait3A_283 = tpu.memref_slice %arg17[%rem3A_272] : memref<3x!tpu.dma_semaphore, #tpu.memory_space<semaphore_mem>> -> memref<1x!tpu.dma_semaphore, #tpu.memory_space<semaphore_mem>>
        %dma_wait3A_284 = tpu.memref_squeeze %dma_wait3A_283 : memref<1x!tpu.dma_semaphore, #tpu.memory_space<semaphore_mem>> -> memref<!tpu.dma_semaphore, #tpu.memory_space<semaphore_mem>>
        tpu.wait_indirect_dma semaphore(%dma_wait3A_284 : memref<!tpu.dma_semaphore, #tpu.memory_space<semaphore_mem>>) src(%dma_wait3A_282 : memref<10000x128xf32, #tpu.memory_space<hbm>>) dst(%dma_wait3A_276 : memref<80x128xf32, #tpu.memory_space<vmem>>)
        %sub3A_285 = arith.constant 1 : i32
        %sub3A_286 = arith.subi %scan3A_221, %sub3A_285 : i32
        %rem3A_287 = arith.constant 25 : i32
        %rem3A_288 = arith.remsi %sub3A_286, %rem3A_287 : i32
        %div3A_289 = arith.constant 25 : i32
        %div3A_290 = arith.divsi %sub3A_286, %div3A_289 : i32
        %rem3A_291 = arith.constant 2 : i32
        %rem3A_292 = arith.remsi %div3A_290, %rem3A_291 : i32
        %scan3A_293 = arith.constant 0 : i32
        %scan3A_294 = arith.constant 0 : i32
        %scan3A_295 = arith.constant 80 : i32
        %scan3A_296 = arith.addi %scan3A_294, %scan3A_295 : i32
        %scan3A_297 = arith.constant 4 : i32
        %scan3A_298 = scf.for %scan3A_312 = %scan3A_294 to %scan3A_296 step %scan3A_297 iter_args(%scan3A_313 = %scan3A_293) -> (i32)  : i32 {
          %broadcast_in_dim3A_314 = vector.broadcast %rem3A_292 : i32 to vector<16xi32>
          %mul3A_315 = arith.constant 80 : i32
          %mul3A_316 = arith.muli %rem3A_288, %mul3A_315 : i32
          %add3A_317 = arith.addi %mul3A_316, %scan3A_312 : i32
          %broadcast_in_dim3A_318 = vector.broadcast %add3A_317 : i32 to vector<16xi32>
          %gather3A = tpu.vector_load_idx %arg9[%broadcast_in_dim3A_314, %broadcast_in_dim3A_318] : memref<2x2000xf32, #tpu.memory_space<vmem>>[vector<16xi32>, vector<16xi32>], vector<16xf32>,
          %get3A = arith.index_cast %rem3A_272 : i32 to index
          %get3A_319 = arith.index_cast %scan3A_312 : i32 to index
          %get3A_320 = arith.constant 0 : index
          %get3A_321 = tpu.vector_load %arg12[%get3A, %get3A_319, %get3A_320] {strides = array<i32>} : memref<3x80x128xf32, #tpu.memory_space<vmem>>, vector<16xf32>,
          %mul3A_322 = arith.mulf %get3A_321, %gather3A : vector<16xf32>
          %swap3A_323 = arith.index_cast %rem3A_272 : i32 to index
          %swap3A_324 = arith.index_cast %scan3A_312 : i32 to index
          %swap3A_325 = arith.constant 0 : index
          %swap3A_326 = tpu.vector_load %arg12[%swap3A_323, %swap3A_324, %swap3A_325] {strides = array<i32>} : memref<3x80x128xf32, #tpu.memory_space<vmem>>, vector<16xf32>,
          tpu.vector_store %arg12[%swap3A_323, %swap3A_324, %swap3A_325], %mul3A_322 {strides = array<i32>} : memref<3x80x128xf32, #tpu.memory_space<vmem>>, vector<16xf32>,
          %get3A_327 = arith.index_cast %rem3A_272 : i32 to index
          %get3A_328 = arith.index_cast %scan3A_312 : i32 to index
          %get3A_329 = arith.constant 16 : index
          %get3A_330 = tpu.vector_load %arg12[%get3A_327, %get3A_328, %get3A_329] {strides = array<i32>} : memref<3x80x128xf32, #tpu.memory_space<vmem>>, vector<16xf32>,
          %mul3A_331 = arith.mulf %get3A_330, %gather3A : vector<16xf32>
          %swap3A_332 = arith.index_cast %rem3A_272 : i32 to index
          %swap3A_333 = arith.index_cast %scan3A_312 : i32 to index
          %swap3A_334 = arith.constant 16 : index
          %swap3A_335 = tpu.vector_load %arg12[%swap3A_332, %swap3A_333, %swap3A_334] {strides = array<i32>} : memref<3x80x128xf32, #tpu.memory_space<vmem>>, vector<16xf32>,
          tpu.vector_store %arg12[%swap3A_332, %swap3A_333, %swap3A_334], %mul3A_331 {strides = array<i32>} : memref<3x80x128xf32, #tpu.memory_space<vmem>>, vector<16xf32>,
          %get3A_336 = arith.index_cast %rem3A_272 : i32 to index
          %get3A_337 = arith.index_cast %scan3A_312 : i32 to index
          %get3A_338 = arith.constant 32 : index
          %get3A_339 = tpu.vector_load %arg12[%get3A_336, %get3A_337, %get3A_338] {strides = array<i32>} : memref<3x80x128xf32, #tpu.memory_space<vmem>>, vector<16xf32>,
          %mul3A_340 = arith.mulf %get3A_339, %gather3A : vector<16xf32>
          %swap3A_341 = arith.index_cast %rem3A_272 : i32 to index
          %swap3A_342 = arith.index_cast %scan3A_312 : i32 to index
          %swap3A_343 = arith.constant 32 : index
          %swap3A_344 = tpu.vector_load %arg12[%swap3A_341, %swap3A_342, %swap3A_343] {strides = array<i32>} : memref<3x80x128xf32, #tpu.memory_space<vmem>>, vector<16xf32>,
          tpu.vector_store %arg12[%swap3A_341, %swap3A_342, %swap3A_343], %mul3A_340 {strides = array<i32>} : memref<3x80x128xf32, #tpu.memory_space<vmem>>, vector<16xf32>,
          %get3A_345 = arith.index_cast %rem3A_272 : i32 to index
          %get3A_346 = arith.index_cast %scan3A_312 : i32 to index
          %get3A_347 = arith.constant 48 : index
          %get3A_348 = tpu.vector_load %arg12[%get3A_345, %get3A_346, %get3A_347] {strides = array<i32>} : memref<3x80x128xf32, #tpu.memory_space<vmem>>, vector<16xf32>,
          %mul3A_349 = arith.mulf %get3A_348, %gather3A : vector<16xf32>
          %swap3A_350 = arith.index_cast %rem3A_272 : i32 to index
          %swap3A_351 = arith.index_cast %scan3A_312 : i32 to index
          %swap3A_352 = arith.constant 48 : index
          %swap3A_353 = tpu.vector_load %arg12[%swap3A_350, %swap3A_351, %swap3A_352] {strides = array<i32>} : memref<3x80x128xf32, #tpu.memory_space<vmem>>, vector<16xf32>,
          tpu.vector_store %arg12[%swap3A_350, %swap3A_351, %swap3A_352], %mul3A_349 {strides = array<i32>} : memref<3x80x128xf32, #tpu.memory_space<vmem>>, vector<16xf32>,
          %get3A_354 = arith.index_cast %rem3A_272 : i32 to index
          %get3A_355 = arith.index_cast %scan3A_312 : i32 to index
          %get3A_356 = arith.constant 64 : index
          %get3A_357 = tpu.vector_load %arg12[%get3A_354, %get3A_355, %get3A_356] {strides = array<i32>} : memref<3x80x128xf32, #tpu.memory_space<vmem>>, vector<16xf32>,
          %mul3A_358 = arith.mulf %get3A_357, %gather3A : vector<16xf32>
          %swap3A_359 = arith.index_cast %rem3A_272 : i32 to index
          %swap3A_360 = arith.index_cast %scan3A_312 : i32 to index
          %swap3A_361 = arith.constant 64 : index
          %swap3A_362 = tpu.vector_load %arg12[%swap3A_359, %swap3A_360, %swap3A_361] {strides = array<i32>} : memref<3x80x128xf32, #tpu.memory_space<vmem>>, vector<16xf32>,
          tpu.vector_store %arg12[%swap3A_359, %swap3A_360, %swap3A_361], %mul3A_358 {strides = array<i32>} : memref<3x80x128xf32, #tpu.memory_space<vmem>>, vector<16xf32>,
          %get3A_363 = arith.index_cast %rem3A_272 : i32 to index
          %get3A_364 = arith.index_cast %scan3A_312 : i32 to index
          %get3A_365 = arith.constant 80 : index
          %get3A_366 = tpu.vector_load %arg12[%get3A_363, %get3A_364, %get3A_365] {strides = array<i32>} : memref<3x80x128xf32, #tpu.memory_space<vmem>>, vector<16xf32>,
          %mul3A_367 = arith.mulf %get3A_366, %gather3A : vector<16xf32>
          %swap3A_368 = arith.index_cast %rem3A_272 : i32 to index
          %swap3A_369 = arith.index_cast %scan3A_312 : i32 to index
          %swap3A_370 = arith.constant 80 : index
          %swap3A_371 = tpu.vector_load %arg12[%swap3A_368, %swap3A_369, %swap3A_370] {strides = array<i32>} : memref<3x80x128xf32, #tpu.memory_space<vmem>>, vector<16xf32>,
          tpu.vector_store %arg12[%swap3A_368, %swap3A_369, %swap3A_370], %mul3A_367 {strides = array<i32>} : memref<3x80x128xf32, #tpu.memory_space<vmem>>, vector<16xf32>,
          %get3A_372 = arith.index_cast %rem3A_272 : i32 to index
          %get3A_373 = arith.index_cast %scan3A_312 : i32 to index
          %get3A_374 = arith.constant 96 : index
          %get3A_375 = tpu.vector_load %arg12[%get3A_372, %get3A_373, %get3A_374] {strides = array<i32>} : memref<3x80x128xf32, #tpu.memory_space<vmem>>, vector<16xf32>,
          %mul3A_376 = arith.mulf %get3A_375, %gather3A : vector<16xf32>
          %swap3A_377 = arith.index_cast %rem3A_272 : i32 to index
          %swap3A_378 = arith.index_cast %scan3A_312 : i32 to index
          %swap3A_379 = arith.constant 96 : index
          %swap3A_380 = tpu.vector_load %arg12[%swap3A_377, %swap3A_378, %swap3A_379] {strides = array<i32>} : memref<3x80x128xf32, #tpu.memory_space<vmem>>, vector<16xf32>,
          tpu.vector_store %arg12[%swap3A_377, %swap3A_378, %swap3A_379], %mul3A_376 {strides = array<i32>} : memref<3x80x128xf32, #tpu.memory_space<vmem>>, vector<16xf32>,
          %get3A_381 = arith.index_cast %rem3A_272 : i32 to index
          %get3A_382 = arith.index_cast %scan3A_312 : i32 to index
          %get3A_383 = arith.constant 112 : index
          %get3A_384 = tpu.vector_load %arg12[%get3A_381, %get3A_382, %get3A_383] {strides = array<i32>} : memref<3x80x128xf32, #tpu.memory_space<vmem>>, vector<16xf32>,
          %mul3A_385 = arith.mulf %get3A_384, %gather3A : vector<16xf32>
          %swap3A_386 = arith.index_cast %rem3A_272 : i32 to index
          %swap3A_387 = arith.index_cast %scan3A_312 : i32 to index
          %swap3A_388 = arith.constant 112 : index
          %swap3A_389 = tpu.vector_load %arg12[%swap3A_386, %swap3A_387, %swap3A_388] {strides = array<i32>} : memref<3x80x128xf32, #tpu.memory_space<vmem>>, vector<16xf32>,
          tpu.vector_store %arg12[%swap3A_386, %swap3A_387, %swap3A_388], %mul3A_385 {strides = array<i32>} : memref<3x80x128xf32, #tpu.memory_space<vmem>>, vector<16xf32>,
          %scan3A_390 = arith.constant 0 : i32
          %scan3A_391 = arith.constant 1 : i32
          %scan3A_392 = arith.addi %scan3A_312, %scan3A_391 : i32
          %broadcast_in_dim3A_393 = vector.broadcast %rem3A_292 : i32 to vector<16xi32>
          %mul3A_394 = arith.constant 80 : i32
          %mul3A_395 = arith.muli %rem3A_288, %mul3A_394 : i32
          %add3A_396 = arith.addi %mul3A_395, %scan3A_392 : i32
          %broadcast_in_dim3A_397 = vector.broadcast %add3A_396 : i32 to vector<16xi32>
          %gather3A_398 = tpu.vector_load_idx %arg9[%broadcast_in_dim3A_393, %broadcast_in_dim3A_397] : memref<2x2000xf32, #tpu.memory_space<vmem>>[vector<16xi32>, vector<16xi32>], vector<16xf32>,
          %get3A_399 = arith.index_cast %rem3A_272 : i32 to index
          %get3A_400 = arith.index_cast %scan3A_392 : i32 to index
          %get3A_401 = arith.constant 0 : index
          %get3A_402 = tpu.vector_load %arg12[%get3A_399, %get3A_400, %get3A_401] {strides = array<i32>} : memref<3x80x128xf32, #tpu.memory_space<vmem>>, vector<16xf32>,
          %mul3A_403 = arith.mulf %get3A_402, %gather3A_398 : vector<16xf32>
          %swap3A_404 = arith.index_cast %rem3A_272 : i32 to index
          %swap3A_405 = arith.index_cast %scan3A_392 : i32 to index
          %swap3A_406 = arith.constant 0 : index
          %swap3A_407 = tpu.vector_load %arg12[%swap3A_404, %swap3A_405, %swap3A_406] {strides = array<i32>} : memref<3x80x128xf32, #tpu.memory_space<vmem>>, vector<16xf32>,
          tpu.vector_store %arg12[%swap3A_404, %swap3A_405, %swap3A_406], %mul3A_403 {strides = array<i32>} : memref<3x80x128xf32, #tpu.memory_space<vmem>>, vector<16xf32>,
          %get3A_408 = arith.index_cast %rem3A_272 : i32 to index
          %get3A_409 = arith.index_cast %scan3A_392 : i32 to index
          %get3A_410 = arith.constant 16 : index
          %get3A_411 = tpu.vector_load %arg12[%get3A_408, %get3A_409, %get3A_410] {strides = array<i32>} : memref<3x80x128xf32, #tpu.memory_space<vmem>>, vector<16xf32>,
          %mul3A_412 = arith.mulf %get3A_411, %gather3A_398 : vector<16xf32>
          %swap3A_413 = arith.index_cast %rem3A_272 : i32 to index
          %swap3A_414 = arith.index_cast %scan3A_392 : i32 to index
          %swap3A_415 = arith.constant 16 : index
          %swap3A_416 = tpu.vector_load %arg12[%swap3A_413, %swap3A_414, %swap3A_415] {strides = array<i32>} : memref<3x80x128xf32, #tpu.memory_space<vmem>>, vector<16xf32>,
          tpu.vector_store %arg12[%swap3A_413, %swap3A_414, %swap3A_415], %mul3A_412 {strides = array<i32>} : memref<3x80x128xf32, #tpu.memory_space<vmem>>, vector<16xf32>,
          %get3A_417 = arith.index_cast %rem3A_272 : i32 to index
          %get3A_418 = arith.index_cast %scan3A_392 : i32 to index
          %get3A_419 = arith.constant 32 : index
          %get3A_420 = tpu.vector_load %arg12[%get3A_417, %get3A_418, %get3A_419] {strides = array<i32>} : memref<3x80x128xf32, #tpu.memory_space<vmem>>, vector<16xf32>,
          %mul3A_421 = arith.mulf %get3A_420, %gather3A_398 : vector<16xf32>
          %swap3A_422 = arith.index_cast %rem3A_272 : i32 to index
          %swap3A_423 = arith.index_cast %scan3A_392 : i32 to index
          %swap3A_424 = arith.constant 32 : index
          %swap3A_425 = tpu.vector_load %arg12[%swap3A_422, %swap3A_423, %swap3A_424] {strides = array<i32>} : memref<3x80x128xf32, #tpu.memory_space<vmem>>, vector<16xf32>,
          tpu.vector_store %arg12[%swap3A_422, %swap3A_423, %swap3A_424], %mul3A_421 {strides = array<i32>} : memref<3x80x128xf32, #tpu.memory_space<vmem>>, vector<16xf32>,
          %get3A_426 = arith.index_cast %rem3A_272 : i32 to index
          %get3A_427 = arith.index_cast %scan3A_392 : i32 to index
          %get3A_428 = arith.constant 48 : index
          %get3A_429 = tpu.vector_load %arg12[%get3A_426, %get3A_427, %get3A_428] {strides = array<i32>} : memref<3x80x128xf32, #tpu.memory_space<vmem>>, vector<16xf32>,
          %mul3A_430 = arith.mulf %get3A_429, %gather3A_398 : vector<16xf32>
          %swap3A_431 = arith.index_cast %rem3A_272 : i32 to index
          %swap3A_432 = arith.index_cast %scan3A_392 : i32 to index
          %swap3A_433 = arith.constant 48 : index
          %swap3A_434 = tpu.vector_load %arg12[%swap3A_431, %swap3A_432, %swap3A_433] {strides = array<i32>} : memref<3x80x128xf32, #tpu.memory_space<vmem>>, vector<16xf32>,
          tpu.vector_store %arg12[%swap3A_431, %swap3A_432, %swap3A_433], %mul3A_430 {strides = array<i32>} : memref<3x80x128xf32, #tpu.memory_space<vmem>>, vector<16xf32>,
          %get3A_435 = arith.index_cast %rem3A_272 : i32 to index
          %get3A_436 = arith.index_cast %scan3A_392 : i32 to index
          %get3A_437 = arith.constant 64 : index
          %get3A_438 = tpu.vector_load %arg12[%get3A_435, %get3A_436, %get3A_437] {strides = array<i32>} : memref<3x80x128xf32, #tpu.memory_space<vmem>>, vector<16xf32>,
          %mul3A_439 = arith.mulf %get3A_438, %gather3A_398 : vector<16xf32>
          %swap3A_440 = arith.index_cast %rem3A_272 : i32 to index
          %swap3A_441 = arith.index_cast %scan3A_392 : i32 to index
          %swap3A_442 = arith.constant 64 : index
          %swap3A_443 = tpu.vector_load %arg12[%swap3A_440, %swap3A_441, %swap3A_442] {strides = array<i32>} : memref<3x80x128xf32, #tpu.memory_space<vmem>>, vector<16xf32>,
          tpu.vector_store %arg12[%swap3A_440, %swap3A_441, %swap3A_442], %mul3A_439 {strides = array<i32>} : memref<3x80x128xf32, #tpu.memory_space<vmem>>, vector<16xf32>,
          %get3A_444 = arith.index_cast %rem3A_272 : i32 to index
          %get3A_445 = arith.index_cast %scan3A_392 : i32 to index
          %get3A_446 = arith.constant 80 : index
          %get3A_447 = tpu.vector_load %arg12[%get3A_444, %get3A_445, %get3A_446] {strides = array<i32>} : memref<3x80x128xf32, #tpu.memory_space<vmem>>, vector<16xf32>,
          %mul3A_448 = arith.mulf %get3A_447, %gather3A_398 : vector<16xf32>
          %swap3A_449 = arith.index_cast %rem3A_272 : i32 to index
          %swap3A_450 = arith.index_cast %scan3A_392 : i32 to index
          %swap3A_451 = arith.constant 80 : index
          %swap3A_452 = tpu.vector_load %arg12[%swap3A_449, %swap3A_450, %swap3A_451] {strides = array<i32>} : memref<3x80x128xf32, #tpu.memory_space<vmem>>, vector<16xf32>,
          tpu.vector_store %arg12[%swap3A_449, %swap3A_450, %swap3A_451], %mul3A_448 {strides = array<i32>} : memref<3x80x128xf32, #tpu.memory_space<vmem>>, vector<16xf32>,
          %get3A_453 = arith.index_cast %rem3A_272 : i32 to index
          %get3A_454 = arith.index_cast %scan3A_392 : i32 to index
          %get3A_455 = arith.constant 96 : index
          %get3A_456 = tpu.vector_load %arg12[%get3A_453, %get3A_454, %get3A_455] {strides = array<i32>} : memref<3x80x128xf32, #tpu.memory_space<vmem>>, vector<16xf32>,
          %mul3A_457 = arith.mulf %get3A_456, %gather3A_398 : vector<16xf32>
          %swap3A_458 = arith.index_cast %rem3A_272 : i32 to index
          %swap3A_459 = arith.index_cast %scan3A_392 : i32 to index
          %swap3A_460 = arith.constant 96 : index
          %swap3A_461 = tpu.vector_load %arg12[%swap3A_458, %swap3A_459, %swap3A_460] {strides = array<i32>} : memref<3x80x128xf32, #tpu.memory_space<vmem>>, vector<16xf32>,
          tpu.vector_store %arg12[%swap3A_458, %swap3A_459, %swap3A_460], %mul3A_457 {strides = array<i32>} : memref<3x80x128xf32, #tpu.memory_space<vmem>>, vector<16xf32>,
          %get3A_462 = arith.index_cast %rem3A_272 : i32 to index
          %get3A_463 = arith.index_cast %scan3A_392 : i32 to index
          %get3A_464 = arith.constant 112 : index
          %get3A_465 = tpu.vector_load %arg12[%get3A_462, %get3A_463, %get3A_464] {strides = array<i32>} : memref<3x80x128xf32, #tpu.memory_space<vmem>>, vector<16xf32>,
          %mul3A_466 = arith.mulf %get3A_465, %gather3A_398 : vector<16xf32>
          %swap3A_467 = arith.index_cast %rem3A_272 : i32 to index
          %swap3A_468 = arith.index_cast %scan3A_392 : i32 to index
          %swap3A_469 = arith.constant 112 : index
          %swap3A_470 = tpu.vector_load %arg12[%swap3A_467, %swap3A_468, %swap3A_469] {strides = array<i32>} : memref<3x80x128xf32, #tpu.memory_space<vmem>>, vector<16xf32>,
          tpu.vector_store %arg12[%swap3A_467, %swap3A_468, %swap3A_469], %mul3A_466 {strides = array<i32>} : memref<3x80x128xf32, #tpu.memory_space<vmem>>, vector<16xf32>,
          %scan3A_471 = arith.constant 0 : i32
          %scan3A_472 = arith.constant 2 : i32
          %scan3A_473 = arith.addi %scan3A_312, %scan3A_472 : i32
          %broadcast_in_dim3A_474 = vector.broadcast %rem3A_292 : i32 to vector<16xi32>
          %mul3A_475 = arith.constant 80 : i32
          %mul3A_476 = arith.muli %rem3A_288, %mul3A_475 : i32
          %add3A_477 = arith.addi %mul3A_476, %scan3A_473 : i32
          %broadcast_in_dim3A_478 = vector.broadcast %add3A_477 : i32 to vector<16xi32>
          %gather3A_479 = tpu.vector_load_idx %arg9[%broadcast_in_dim3A_474, %broadcast_in_dim3A_478] : memref<2x2000xf32, #tpu.memory_space<vmem>>[vector<16xi32>, vector<16xi32>], vector<16xf32>,
          %get3A_480 = arith.index_cast %rem3A_272 : i32 to index
          %get3A_481 = arith.index_cast %scan3A_473 : i32 to index
          %get3A_482 = arith.constant 0 : index
          %get3A_483 = tpu.vector_load %arg12[%get3A_480, %get3A_481, %get3A_482] {strides = array<i32>} : memref<3x80x128xf32, #tpu.memory_space<vmem>>, vector<16xf32>,
          %mul3A_484 = arith.mulf %get3A_483, %gather3A_479 : vector<16xf32>
          %swap3A_485 = arith.index_cast %rem3A_272 : i32 to index
          %swap3A_486 = arith.index_cast %scan3A_473 : i32 to index
          %swap3A_487 = arith.constant 0 : index
          %swap3A_488 = tpu.vector_load %arg12[%swap3A_485, %swap3A_486, %swap3A_487] {strides = array<i32>} : memref<3x80x128xf32, #tpu.memory_space<vmem>>, vector<16xf32>,
          tpu.vector_store %arg12[%swap3A_485, %swap3A_486, %swap3A_487], %mul3A_484 {strides = array<i32>} : memref<3x80x128xf32, #tpu.memory_space<vmem>>, vector<16xf32>,
          %get3A_489 = arith.index_cast %rem3A_272 : i32 to index
          %get3A_490 = arith.index_cast %scan3A_473 : i32 to index
          %get3A_491 = arith.constant 16 : index
          %get3A_492 = tpu.vector_load %arg12[%get3A_489, %get3A_490, %get3A_491] {strides = array<i32>} : memref<3x80x128xf32, #tpu.memory_space<vmem>>, vector<16xf32>,
          %mul3A_493 = arith.mulf %get3A_492, %gather3A_479 : vector<16xf32>
          %swap3A_494 = arith.index_cast %rem3A_272 : i32 to index
          %swap3A_495 = arith.index_cast %scan3A_473 : i32 to index
          %swap3A_496 = arith.constant 16 : index
          %swap3A_497 = tpu.vector_load %arg12[%swap3A_494, %swap3A_495, %swap3A_496] {strides = array<i32>} : memref<3x80x128xf32, #tpu.memory_space<vmem>>, vector<16xf32>,
          tpu.vector_store %arg12[%swap3A_494, %swap3A_495, %swap3A_496], %mul3A_493 {strides = array<i32>} : memref<3x80x128xf32, #tpu.memory_space<vmem>>, vector<16xf32>,
          %get3A_498 = arith.index_cast %rem3A_272 : i32 to index
          %get3A_499 = arith.index_cast %scan3A_473 : i32 to index
          %get3A_500 = arith.constant 32 : index
          %get3A_501 = tpu.vector_load %arg12[%get3A_498, %get3A_499, %get3A_500] {strides = array<i32>} : memref<3x80x128xf32, #tpu.memory_space<vmem>>, vector<16xf32>,
          %mul3A_502 = arith.mulf %get3A_501, %gather3A_479 : vector<16xf32>
          %swap3A_503 = arith.index_cast %rem3A_272 : i32 to index
          %swap3A_504 = arith.index_cast %scan3A_473 : i32 to index
          %swap3A_505 = arith.constant 32 : index
          %swap3A_506 = tpu.vector_load %arg12[%swap3A_503, %swap3A_504, %swap3A_505] {strides = array<i32>} : memref<3x80x128xf32, #tpu.memory_space<vmem>>, vector<16xf32>,
          tpu.vector_store %arg12[%swap3A_503, %swap3A_504, %swap3A_505], %mul3A_502 {strides = array<i32>} : memref<3x80x128xf32, #tpu.memory_space<vmem>>, vector<16xf32>,
          %get3A_507 = arith.index_cast %rem3A_272 : i32 to index
          %get3A_508 = arith.index_cast %scan3A_473 : i32 to index
          %get3A_509 = arith.constant 48 : index
          %get3A_510 = tpu.vector_load %arg12[%get3A_507, %get3A_508, %get3A_509] {strides = array<i32>} : memref<3x80x128xf32, #tpu.memory_space<vmem>>, vector<16xf32>,
          %mul3A_511 = arith.mulf %get3A_510, %gather3A_479 : vector<16xf32>
          %swap3A_512 = arith.index_cast %rem3A_272 : i32 to index
          %swap3A_513 = arith.index_cast %scan3A_473 : i32 to index
          %swap3A_514 = arith.constant 48 : index
          %swap3A_515 = tpu.vector_load %arg12[%swap3A_512, %swap3A_513, %swap3A_514] {strides = array<i32>} : memref<3x80x128xf32, #tpu.memory_space<vmem>>, vector<16xf32>,
          tpu.vector_store %arg12[%swap3A_512, %swap3A_513, %swap3A_514], %mul3A_511 {strides = array<i32>} : memref<3x80x128xf32, #tpu.memory_space<vmem>>, vector<16xf32>,
          %get3A_516 = arith.index_cast %rem3A_272 : i32 to index
          %get3A_517 = arith.index_cast %scan3A_473 : i32 to index
          %get3A_518 = arith.constant 64 : index
          %get3A_519 = tpu.vector_load %arg12[%get3A_516, %get3A_517, %get3A_518] {strides = array<i32>} : memref<3x80x128xf32, #tpu.memory_space<vmem>>, vector<16xf32>,
          %mul3A_520 = arith.mulf %get3A_519, %gather3A_479 : vector<16xf32>
          %swap3A_521 = arith.index_cast %rem3A_272 : i32 to index
          %swap3A_522 = arith.index_cast %scan3A_473 : i32 to index
          %swap3A_523 = arith.constant 64 : index
          %swap3A_524 = tpu.vector_load %arg12[%swap3A_521, %swap3A_522, %swap3A_523] {strides = array<i32>} : memref<3x80x128xf32, #tpu.memory_space<vmem>>, vector<16xf32>,
          tpu.vector_store %arg12[%swap3A_521, %swap3A_522, %swap3A_523], %mul3A_520 {strides = array<i32>} : memref<3x80x128xf32, #tpu.memory_space<vmem>>, vector<16xf32>,
          %get3A_525 = arith.index_cast %rem3A_272 : i32 to index
          %get3A_526 = arith.index_cast %scan3A_473 : i32 to index
          %get3A_527 = arith.constant 80 : index
          %get3A_528 = tpu.vector_load %arg12[%get3A_525, %get3A_526, %get3A_527] {strides = array<i32>} : memref<3x80x128xf32, #tpu.memory_space<vmem>>, vector<16xf32>,
          %mul3A_529 = arith.mulf %get3A_528, %gather3A_479 : vector<16xf32>
          %swap3A_530 = arith.index_cast %rem3A_272 : i32 to index
          %swap3A_531 = arith.index_cast %scan3A_473 : i32 to index
          %swap3A_532 = arith.constant 80 : index
          %swap3A_533 = tpu.vector_load %arg12[%swap3A_530, %swap3A_531, %swap3A_532] {strides = array<i32>} : memref<3x80x128xf32, #tpu.memory_space<vmem>>, vector<16xf32>,
          tpu.vector_store %arg12[%swap3A_530, %swap3A_531, %swap3A_532], %mul3A_529 {strides = array<i32>} : memref<3x80x128xf32, #tpu.memory_space<vmem>>, vector<16xf32>,
          %get3A_534 = arith.index_cast %rem3A_272 : i32 to index
          %get3A_535 = arith.index_cast %scan3A_473 : i32 to index
          %get3A_536 = arith.constant 96 : index
          %get3A_537 = tpu.vector_load %arg12[%get3A_534, %get3A_535, %get3A_536] {strides = array<i32>} : memref<3x80x128xf32, #tpu.memory_space<vmem>>, vector<16xf32>,
          %mul3A_538 = arith.mulf %get3A_537, %gather3A_479 : vector<16xf32>
          %swap3A_539 = arith.index_cast %rem3A_272 : i32 to index
          %swap3A_540 = arith.index_cast %scan3A_473 : i32 to index
          %swap3A_541 = arith.constant 96 : index
          %swap3A_542 = tpu.vector_load %arg12[%swap3A_539, %swap3A_540, %swap3A_541] {strides = array<i32>} : memref<3x80x128xf32, #tpu.memory_space<vmem>>, vector<16xf32>,
          tpu.vector_store %arg12[%swap3A_539, %swap3A_540, %swap3A_541], %mul3A_538 {strides = array<i32>} : memref<3x80x128xf32, #tpu.memory_space<vmem>>, vector<16xf32>,
          %get3A_543 = arith.index_cast %rem3A_272 : i32 to index
          %get3A_544 = arith.index_cast %scan3A_473 : i32 to index
          %get3A_545 = arith.constant 112 : index
          %get3A_546 = tpu.vector_load %arg12[%get3A_543, %get3A_544, %get3A_545] {strides = array<i32>} : memref<3x80x128xf32, #tpu.memory_space<vmem>>, vector<16xf32>,
          %mul3A_547 = arith.mulf %get3A_546, %gather3A_479 : vector<16xf32>
          %swap3A_548 = arith.index_cast %rem3A_272 : i32 to index
          %swap3A_549 = arith.index_cast %scan3A_473 : i32 to index
          %swap3A_550 = arith.constant 112 : index
          %swap3A_551 = tpu.vector_load %arg12[%swap3A_548, %swap3A_549, %swap3A_550] {strides = array<i32>} : memref<3x80x128xf32, #tpu.memory_space<vmem>>, vector<16xf32>,
          tpu.vector_store %arg12[%swap3A_548, %swap3A_549, %swap3A_550], %mul3A_547 {strides = array<i32>} : memref<3x80x128xf32, #tpu.memory_space<vmem>>, vector<16xf32>,
          %scan3A_552 = arith.constant 0 : i32
          %scan3A_553 = arith.constant 3 : i32
          %scan3A_554 = arith.addi %scan3A_312, %scan3A_553 : i32
          %broadcast_in_dim3A_555 = vector.broadcast %rem3A_292 : i32 to vector<16xi32>
          %mul3A_556 = arith.constant 80 : i32
          %mul3A_557 = arith.muli %rem3A_288, %mul3A_556 : i32
          %add3A_558 = arith.addi %mul3A_557, %scan3A_554 : i32
          %broadcast_in_dim3A_559 = vector.broadcast %add3A_558 : i32 to vector<16xi32>
          %gather3A_560 = tpu.vector_load_idx %arg9[%broadcast_in_dim3A_555, %broadcast_in_dim3A_559] : memref<2x2000xf32, #tpu.memory_space<vmem>>[vector<16xi32>, vector<16xi32>], vector<16xf32>,
          %get3A_561 = arith.index_cast %rem3A_272 : i32 to index
          %get3A_562 = arith.index_cast %scan3A_554 : i32 to index
          %get3A_563 = arith.constant 0 : index
          %get3A_564 = tpu.vector_load %arg12[%get3A_561, %get3A_562, %get3A_563] {strides = array<i32>} : memref<3x80x128xf32, #tpu.memory_space<vmem>>, vector<16xf32>,
          %mul3A_565 = arith.mulf %get3A_564, %gather3A_560 : vector<16xf32>
          %swap3A_566 = arith.index_cast %rem3A_272 : i32 to index
          %swap3A_567 = arith.index_cast %scan3A_554 : i32 to index
          %swap3A_568 = arith.constant 0 : index
          %swap3A_569 = tpu.vector_load %arg12[%swap3A_566, %swap3A_567, %swap3A_568] {strides = array<i32>} : memref<3x80x128xf32, #tpu.memory_space<vmem>>, vector<16xf32>,
          tpu.vector_store %arg12[%swap3A_566, %swap3A_567, %swap3A_568], %mul3A_565 {strides = array<i32>} : memref<3x80x128xf32, #tpu.memory_space<vmem>>, vector<16xf32>,
          %get3A_570 = arith.index_cast %rem3A_272 : i32 to index
          %get3A_571 = arith.index_cast %scan3A_554 : i32 to index
          %get3A_572 = arith.constant 16 : index
          %get3A_573 = tpu.vector_load %arg12[%get3A_570, %get3A_571, %get3A_572] {strides = array<i32>} : memref<3x80x128xf32, #tpu.memory_space<vmem>>, vector<16xf32>,
          %mul3A_574 = arith.mulf %get3A_573, %gather3A_560 : vector<16xf32>
          %swap3A_575 = arith.index_cast %rem3A_272 : i32 to index
          %swap3A_576 = arith.index_cast %scan3A_554 : i32 to index
          %swap3A_577 = arith.constant 16 : index
          %swap3A_578 = tpu.vector_load %arg12[%swap3A_575, %swap3A_576, %swap3A_577] {strides = array<i32>} : memref<3x80x128xf32, #tpu.memory_space<vmem>>, vector<16xf32>,
          tpu.vector_store %arg12[%swap3A_575, %swap3A_576, %swap3A_577], %mul3A_574 {strides = array<i32>} : memref<3x80x128xf32, #tpu.memory_space<vmem>>, vector<16xf32>,
          %get3A_579 = arith.index_cast %rem3A_272 : i32 to index
          %get3A_580 = arith.index_cast %scan3A_554 : i32 to index
          %get3A_581 = arith.constant 32 : index
          %get3A_582 = tpu.vector_load %arg12[%get3A_579, %get3A_580, %get3A_581] {strides = array<i32>} : memref<3x80x128xf32, #tpu.memory_space<vmem>>, vector<16xf32>,
          %mul3A_583 = arith.mulf %get3A_582, %gather3A_560 : vector<16xf32>
          %swap3A_584 = arith.index_cast %rem3A_272 : i32 to index
          %swap3A_585 = arith.index_cast %scan3A_554 : i32 to index
          %swap3A_586 = arith.constant 32 : index
          %swap3A_587 = tpu.vector_load %arg12[%swap3A_584, %swap3A_585, %swap3A_586] {strides = array<i32>} : memref<3x80x128xf32, #tpu.memory_space<vmem>>, vector<16xf32>,
          tpu.vector_store %arg12[%swap3A_584, %swap3A_585, %swap3A_586], %mul3A_583 {strides = array<i32>} : memref<3x80x128xf32, #tpu.memory_space<vmem>>, vector<16xf32>,
          %get3A_588 = arith.index_cast %rem3A_272 : i32 to index
          %get3A_589 = arith.index_cast %scan3A_554 : i32 to index
          %get3A_590 = arith.constant 48 : index
          %get3A_591 = tpu.vector_load %arg12[%get3A_588, %get3A_589, %get3A_590] {strides = array<i32>} : memref<3x80x128xf32, #tpu.memory_space<vmem>>, vector<16xf32>,
          %mul3A_592 = arith.mulf %get3A_591, %gather3A_560 : vector<16xf32>
          %swap3A_593 = arith.index_cast %rem3A_272 : i32 to index
          %swap3A_594 = arith.index_cast %scan3A_554 : i32 to index
          %swap3A_595 = arith.constant 48 : index
          %swap3A_596 = tpu.vector_load %arg12[%swap3A_593, %swap3A_594, %swap3A_595] {strides = array<i32>} : memref<3x80x128xf32, #tpu.memory_space<vmem>>, vector<16xf32>,
          tpu.vector_store %arg12[%swap3A_593, %swap3A_594, %swap3A_595], %mul3A_592 {strides = array<i32>} : memref<3x80x128xf32, #tpu.memory_space<vmem>>, vector<16xf32>,
          %get3A_597 = arith.index_cast %rem3A_272 : i32 to index
          %get3A_598 = arith.index_cast %scan3A_554 : i32 to index
          %get3A_599 = arith.constant 64 : index
          %get3A_600 = tpu.vector_load %arg12[%get3A_597, %get3A_598, %get3A_599] {strides = array<i32>} : memref<3x80x128xf32, #tpu.memory_space<vmem>>, vector<16xf32>,
          %mul3A_601 = arith.mulf %get3A_600, %gather3A_560 : vector<16xf32>
          %swap3A_602 = arith.index_cast %rem3A_272 : i32 to index
          %swap3A_603 = arith.index_cast %scan3A_554 : i32 to index
          %swap3A_604 = arith.constant 64 : index
          %swap3A_605 = tpu.vector_load %arg12[%swap3A_602, %swap3A_603, %swap3A_604] {strides = array<i32>} : memref<3x80x128xf32, #tpu.memory_space<vmem>>, vector<16xf32>,
          tpu.vector_store %arg12[%swap3A_602, %swap3A_603, %swap3A_604], %mul3A_601 {strides = array<i32>} : memref<3x80x128xf32, #tpu.memory_space<vmem>>, vector<16xf32>,
          %get3A_606 = arith.index_cast %rem3A_272 : i32 to index
          %get3A_607 = arith.index_cast %scan3A_554 : i32 to index
          %get3A_608 = arith.constant 80 : index
          %get3A_609 = tpu.vector_load %arg12[%get3A_606, %get3A_607, %get3A_608] {strides = array<i32>} : memref<3x80x128xf32, #tpu.memory_space<vmem>>, vector<16xf32>,
          %mul3A_610 = arith.mulf %get3A_609, %gather3A_560 : vector<16xf32>
          %swap3A_611 = arith.index_cast %rem3A_272 : i32 to index
          %swap3A_612 = arith.index_cast %scan3A_554 : i32 to index
          %swap3A_613 = arith.constant 80 : index
          %swap3A_614 = tpu.vector_load %arg12[%swap3A_611, %swap3A_612, %swap3A_613] {strides = array<i32>} : memref<3x80x128xf32, #tpu.memory_space<vmem>>, vector<16xf32>,
          tpu.vector_store %arg12[%swap3A_611, %swap3A_612, %swap3A_613], %mul3A_610 {strides = array<i32>} : memref<3x80x128xf32, #tpu.memory_space<vmem>>, vector<16xf32>,
          %get3A_615 = arith.index_cast %rem3A_272 : i32 to index
          %get3A_616 = arith.index_cast %scan3A_554 : i32 to index
          %get3A_617 = arith.constant 96 : index
          %get3A_618 = tpu.vector_load %arg12[%get3A_615, %get3A_616, %get3A_617] {strides = array<i32>} : memref<3x80x128xf32, #tpu.memory_space<vmem>>, vector<16xf32>,
          %mul3A_619 = arith.mulf %get3A_618, %gather3A_560 : vector<16xf32>
          %swap3A_620 = arith.index_cast %rem3A_272 : i32 to index
          %swap3A_621 = arith.index_cast %scan3A_554 : i32 to index
          %swap3A_622 = arith.constant 96 : index
          %swap3A_623 = tpu.vector_load %arg12[%swap3A_620, %swap3A_621, %swap3A_622] {strides = array<i32>} : memref<3x80x128xf32, #tpu.memory_space<vmem>>, vector<16xf32>,
          tpu.vector_store %arg12[%swap3A_620, %swap3A_621, %swap3A_622], %mul3A_619 {strides = array<i32>} : memref<3x80x128xf32, #tpu.memory_space<vmem>>, vector<16xf32>,
          %get3A_624 = arith.index_cast %rem3A_272 : i32 to index
          %get3A_625 = arith.index_cast %scan3A_554 : i32 to index
          %get3A_626 = arith.constant 112 : index
          %get3A_627 = tpu.vector_load %arg12[%get3A_624, %get3A_625, %get3A_626] {strides = array<i32>} : memref<3x80x128xf32, #tpu.memory_space<vmem>>, vector<16xf32>,
          %mul3A_628 = arith.mulf %get3A_627, %gather3A_560 : vector<16xf32>
          %swap3A_629 = arith.index_cast %rem3A_272 : i32 to index
          %swap3A_630 = arith.index_cast %scan3A_554 : i32 to index
          %swap3A_631 = arith.constant 112 : index
          %swap3A_632 = tpu.vector_load %arg12[%swap3A_629, %swap3A_630, %swap3A_631] {strides = array<i32>} : memref<3x80x128xf32, #tpu.memory_space<vmem>>, vector<16xf32>,
          tpu.vector_store %arg12[%swap3A_629, %swap3A_630, %swap3A_631], %mul3A_628 {strides = array<i32>} : memref<3x80x128xf32, #tpu.memory_space<vmem>>, vector<16xf32>,
          %scan3A_633 = arith.constant 0 : i32
          scf.yield %scan3A_633 : i32
        }
        %scan3A_299 = arith.constant 80 : i32
        %dma_start3A_300 = arith.constant 0 : i32
        %dma_start3A_301 = arith.constant 0 : i32
        %dma_start3A_302 = tpu.memref_slice %arg12[%rem3A_272, %dma_start3A_300, %dma_start3A_301] : memref<3x80x128xf32, #tpu.memory_space<vmem>> -> memref<1x80x128xf32, #tpu.memory_space<vmem>>
        %dma_start3A_303 = tpu.memref_squeeze %dma_start3A_302 : memref<1x80x128xf32, #tpu.memory_space<vmem>> -> memref<80x128xf32, #tpu.memory_space<vmem>>
        %dma_start3A_304 = arith.constant 0 : i32
        %dma_start3A_305 = tpu.memref_slice %arg11[%rem3A_272, %dma_start3A_304] : memref<3x80xi32, #tpu.memory_space<vmem>> -> memref<1x80xi32, #tpu.memory_space<vmem>>
        %dma_start3A_306 = tpu.memref_squeeze %dma_start3A_305 : memref<1x80xi32, #tpu.memory_space<vmem>> -> memref<80xi32, #tpu.memory_space<vmem>>
        %dma_start3A_307 = arith.constant 0 : i32
        %dma_start3A_308 = arith.constant 0 : i32
        %dma_start3A_309 = tpu.memref_slice %arg14[%dma_start3A_307, %dma_start3A_308] : memref<10000x128xf32, #tpu.memory_space<vmem_shared>> -> memref<10000x128xf32, #tpu.memory_space<vmem_shared>>
        %dma_start3A_310 = tpu.memref_slice %arg18[%rem3A_272] : memref<3x!tpu.dma_semaphore, #tpu.memory_space<semaphore_mem>> -> memref<1x!tpu.dma_semaphore, #tpu.memory_space<semaphore_mem>>
        %dma_start3A_311 = tpu.memref_squeeze %dma_start3A_310 : memref<1x!tpu.dma_semaphore, #tpu.memory_space<semaphore_mem>> -> memref<!tpu.dma_semaphore, #tpu.memory_space<semaphore_mem>>
        tpu.enqueue_indirect_dma source(%dma_start3A_303 : memref<80x128xf32, #tpu.memory_space<vmem>>) target(%dma_start3A_309 : memref<10000x128xf32, #tpu.memory_space<vmem_shared>>) offsets(%dma_start3A_306 : memref<80xi32, #tpu.memory_space<vmem>>) semaphore(%dma_start3A_311 : memref<!tpu.dma_semaphore, #tpu.memory_space<semaphore_mem>>) {add = true}
      } else {
      }
      %scan3A_269 = arith.constant 0 : i32
      scf.yield %scan3A_269 : i32
    }
    %scan3A_130 = arith.constant 125 : i32
    %rem3A = arith.constant 124 : i32
    %rem3A_131 = arith.constant 3 : i32
    %rem3A_132 = arith.remsi %rem3A, %rem3A_131 : i32
    %dma_wait3A_133 = arith.constant 0 : i32
    %dma_wait3A_134 = arith.constant 0 : i32
    %dma_wait3A_135 = tpu.memref_slice %arg12[%rem3A_132, %dma_wait3A_133, %dma_wait3A_134] : memref<3x80x128xf32, #tpu.memory_space<vmem>> -> memref<1x80x128xf32, #tpu.memory_space<vmem>>
    %dma_wait3A_136 = tpu.memref_squeeze %dma_wait3A_135 : memref<1x80x128xf32, #tpu.memory_space<vmem>> -> memref<80x128xf32, #tpu.memory_space<vmem>>
    %dma_wait3A_137 = arith.constant 0 : i32
    %dma_wait3A_138 = tpu.memref_slice %arg10[%rem3A_132, %dma_wait3A_137] : memref<3x80xi32, #tpu.memory_space<vmem>> -> memref<1x80xi32, #tpu.memory_space<vmem>>
    %dma_wait3A_139 = tpu.memref_squeeze %dma_wait3A_138 : memref<1x80xi32, #tpu.memory_space<vmem>> -> memref<80xi32, #tpu.memory_space<vmem>>
    %dma_wait3A_140 = arith.constant 0 : i32
    %dma_wait3A_141 = arith.constant 0 : i32
    %dma_wait3A_142 = tpu.memref_slice %arg5[%dma_wait3A_140, %dma_wait3A_141] : memref<10000x128xf32, #tpu.memory_space<hbm>> -> memref<10000x128xf32, #tpu.memory_space<hbm>>
    %dma_wait3A_143 = tpu.memref_slice %arg17[%rem3A_132] : memref<3x!tpu.dma_semaphore, #tpu.memory_space<semaphore_mem>> -> memref<1x!tpu.dma_semaphore, #tpu.memory_space<semaphore_mem>>
    %dma_wait3A_144 = tpu.memref_squeeze %dma_wait3A_143 : memref<1x!tpu.dma_semaphore, #tpu.memory_space<semaphore_mem>> -> memref<!tpu.dma_semaphore, #tpu.memory_space<semaphore_mem>>
    tpu.wait_indirect_dma semaphore(%dma_wait3A_144 : memref<!tpu.dma_semaphore, #tpu.memory_space<semaphore_mem>>) src(%dma_wait3A_142 : memref<10000x128xf32, #tpu.memory_space<hbm>>) dst(%dma_wait3A_136 : memref<80x128xf32, #tpu.memory_space<vmem>>)
    %rem3A_145 = arith.constant 124 : i32
    %rem3A_146 = arith.constant 25 : i32
    %rem3A_147 = arith.remsi %rem3A_145, %rem3A_146 : i32
    %div3A = arith.constant 124 : i32
    %div3A_148 = arith.constant 25 : i32
    %div3A_149 = arith.divsi %div3A, %div3A_148 : i32
    %rem3A_150 = arith.constant 2 : i32
    %rem3A_151 = arith.remsi %div3A_149, %rem3A_150 : i32
    %scan3A_152 = arith.constant 0 : i32
    %scan3A_153 = arith.constant 0 : i32
    %scan3A_154 = arith.constant 80 : i32
    %scan3A_155 = arith.addi %scan3A_153, %scan3A_154 : i32
    %scan3A_156 = arith.constant 4 : i32
    %scan3A_157 = scf.for %scan3A_221 = %scan3A_153 to %scan3A_155 step %scan3A_156 iter_args(%scan3A_222 = %scan3A_152) -> (i32)  : i32 {
      %broadcast_in_dim3A_223 = vector.broadcast %rem3A_151 : i32 to vector<16xi32>
      %mul3A_224 = arith.constant 80 : i32
      %mul3A_225 = arith.muli %rem3A_147, %mul3A_224 : i32
      %add3A_226 = arith.addi %mul3A_225, %scan3A_221 : i32
      %broadcast_in_dim3A_227 = vector.broadcast %add3A_226 : i32 to vector<16xi32>
      %gather3A = tpu.vector_load_idx %arg9[%broadcast_in_dim3A_223, %broadcast_in_dim3A_227] : memref<2x2000xf32, #tpu.memory_space<vmem>>[vector<16xi32>, vector<16xi32>], vector<16xf32>,
      %get3A = arith.index_cast %rem3A_132 : i32 to index
      %get3A_228 = arith.index_cast %scan3A_221 : i32 to index
      %get3A_229 = arith.constant 0 : index
      %get3A_230 = tpu.vector_load %arg12[%get3A, %get3A_228, %get3A_229] {strides = array<i32>} : memref<3x80x128xf32, #tpu.memory_space<vmem>>, vector<16xf32>,
      %mul3A_231 = arith.mulf %get3A_230, %gather3A : vector<16xf32>
      %swap3A_232 = arith.index_cast %rem3A_132 : i32 to index
      %swap3A_233 = arith.index_cast %scan3A_221 : i32 to index
      %swap3A_234 = arith.constant 0 : index
      %swap3A_235 = tpu.vector_load %arg12[%swap3A_232, %swap3A_233, %swap3A_234] {strides = array<i32>} : memref<3x80x128xf32, #tpu.memory_space<vmem>>, vector<16xf32>,
      tpu.vector_store %arg12[%swap3A_232, %swap3A_233, %swap3A_234], %mul3A_231 {strides = array<i32>} : memref<3x80x128xf32, #tpu.memory_space<vmem>>, vector<16xf32>,
      %get3A_236 = arith.index_cast %rem3A_132 : i32 to index
      %get3A_237 = arith.index_cast %scan3A_221 : i32 to index
      %get3A_238 = arith.constant 16 : index
      %get3A_239 = tpu.vector_load %arg12[%get3A_236, %get3A_237, %get3A_238] {strides = array<i32>} : memref<3x80x128xf32, #tpu.memory_space<vmem>>, vector<16xf32>,
      %mul3A_240 = arith.mulf %get3A_239, %gather3A : vector<16xf32>
      %swap3A_241 = arith.index_cast %rem3A_132 : i32 to index
      %swap3A_242 = arith.index_cast %scan3A_221 : i32 to index
      %swap3A_243 = arith.constant 16 : index
      %swap3A_244 = tpu.vector_load %arg12[%swap3A_241, %swap3A_242, %swap3A_243] {strides = array<i32>} : memref<3x80x128xf32, #tpu.memory_space<vmem>>, vector<16xf32>,
      tpu.vector_store %arg12[%swap3A_241, %swap3A_242, %swap3A_243], %mul3A_240 {strides = array<i32>} : memref<3x80x128xf32, #tpu.memory_space<vmem>>, vector<16xf32>,
      %get3A_245 = arith.index_cast %rem3A_132 : i32 to index
      %get3A_246 = arith.index_cast %scan3A_221 : i32 to index
      %get3A_247 = arith.constant 32 : index
      %get3A_248 = tpu.vector_load %arg12[%get3A_245, %get3A_246, %get3A_247] {strides = array<i32>} : memref<3x80x128xf32, #tpu.memory_space<vmem>>, vector<16xf32>,
      %mul3A_249 = arith.mulf %get3A_248, %gather3A : vector<16xf32>
      %swap3A_250 = arith.index_cast %rem3A_132 : i32 to index
      %swap3A_251 = arith.index_cast %scan3A_221 : i32 to index
      %swap3A_252 = arith.constant 32 : index
      %swap3A_253 = tpu.vector_load %arg12[%swap3A_250, %swap3A_251, %swap3A_252] {strides = array<i32>} : memref<3x80x128xf32, #tpu.memory_space<vmem>>, vector<16xf32>,
      tpu.vector_store %arg12[%swap3A_250, %swap3A_251, %swap3A_252], %mul3A_249 {strides = array<i32>} : memref<3x80x128xf32, #tpu.memory_space<vmem>>, vector<16xf32>,
      %get3A_254 = arith.index_cast %rem3A_132 : i32 to index
      %get3A_255 = arith.index_cast %scan3A_221 : i32 to index
      %get3A_256 = arith.constant 48 : index
      %get3A_257 = tpu.vector_load %arg12[%get3A_254, %get3A_255, %get3A_256] {strides = array<i32>} : memref<3x80x128xf32, #tpu.memory_space<vmem>>, vector<16xf32>,
      %mul3A_258 = arith.mulf %get3A_257, %gather3A : vector<16xf32>
      %swap3A_259 = arith.index_cast %rem3A_132 : i32 to index
      %swap3A_260 = arith.index_cast %scan3A_221 : i32 to index
      %swap3A_261 = arith.constant 48 : index
      %swap3A_262 = tpu.vector_load %arg12[%swap3A_259, %swap3A_260, %swap3A_261] {strides = array<i32>} : memref<3x80x128xf32, #tpu.memory_space<vmem>>, vector<16xf32>,
      tpu.vector_store %arg12[%swap3A_259, %swap3A_260, %swap3A_261], %mul3A_258 {strides = array<i32>} : memref<3x80x128xf32, #tpu.memory_space<vmem>>, vector<16xf32>,
      %get3A_263 = arith.index_cast %rem3A_132 : i32 to index
      %get3A_264 = arith.index_cast %scan3A_221 : i32 to index
      %get3A_265 = arith.constant 64 : index
      %get3A_266 = tpu.vector_load %arg12[%get3A_263, %get3A_264, %get3A_265] {strides = array<i32>} : memref<3x80x128xf32, #tpu.memory_space<vmem>>, vector<16xf32>,
      %mul3A_267 = arith.mulf %get3A_266, %gather3A : vector<16xf32>
      %swap3A_268 = arith.index_cast %rem3A_132 : i32 to index
      %swap3A_269 = arith.index_cast %scan3A_221 : i32 to index
      %swap3A_270 = arith.constant 64 : index
      %swap3A_271 = tpu.vector_load %arg12[%swap3A_268, %swap3A_269, %swap3A_270] {strides = array<i32>} : memref<3x80x128xf32, #tpu.memory_space<vmem>>, vector<16xf32>,
      tpu.vector_store %arg12[%swap3A_268, %swap3A_269, %swap3A_270], %mul3A_267 {strides = array<i32>} : memref<3x80x128xf32, #tpu.memory_space<vmem>>, vector<16xf32>,
      %get3A_272 = arith.index_cast %rem3A_132 : i32 to index
      %get3A_273 = arith.index_cast %scan3A_221 : i32 to index
      %get3A_274 = arith.constant 80 : index
      %get3A_275 = tpu.vector_load %arg12[%get3A_272, %get3A_273, %get3A_274] {strides = array<i32>} : memref<3x80x128xf32, #tpu.memory_space<vmem>>, vector<16xf32>,
      %mul3A_276 = arith.mulf %get3A_275, %gather3A : vector<16xf32>
      %swap3A_277 = arith.index_cast %rem3A_132 : i32 to index
      %swap3A_278 = arith.index_cast %scan3A_221 : i32 to index
      %swap3A_279 = arith.constant 80 : index
      %swap3A_280 = tpu.vector_load %arg12[%swap3A_277, %swap3A_278, %swap3A_279] {strides = array<i32>} : memref<3x80x128xf32, #tpu.memory_space<vmem>>, vector<16xf32>,
      tpu.vector_store %arg12[%swap3A_277, %swap3A_278, %swap3A_279], %mul3A_276 {strides = array<i32>} : memref<3x80x128xf32, #tpu.memory_space<vmem>>, vector<16xf32>,
      %get3A_281 = arith.index_cast %rem3A_132 : i32 to index
      %get3A_282 = arith.index_cast %scan3A_221 : i32 to index
      %get3A_283 = arith.constant 96 : index
      %get3A_284 = tpu.vector_load %arg12[%get3A_281, %get3A_282, %get3A_283] {strides = array<i32>} : memref<3x80x128xf32, #tpu.memory_space<vmem>>, vector<16xf32>,
      %mul3A_285 = arith.mulf %get3A_284, %gather3A : vector<16xf32>
      %swap3A_286 = arith.index_cast %rem3A_132 : i32 to index
      %swap3A_287 = arith.index_cast %scan3A_221 : i32 to index
      %swap3A_288 = arith.constant 96 : index
      %swap3A_289 = tpu.vector_load %arg12[%swap3A_286, %swap3A_287, %swap3A_288] {strides = array<i32>} : memref<3x80x128xf32, #tpu.memory_space<vmem>>, vector<16xf32>,
      tpu.vector_store %arg12[%swap3A_286, %swap3A_287, %swap3A_288], %mul3A_285 {strides = array<i32>} : memref<3x80x128xf32, #tpu.memory_space<vmem>>, vector<16xf32>,
      %get3A_290 = arith.index_cast %rem3A_132 : i32 to index
      %get3A_291 = arith.index_cast %scan3A_221 : i32 to index
      %get3A_292 = arith.constant 112 : index
      %get3A_293 = tpu.vector_load %arg12[%get3A_290, %get3A_291, %get3A_292] {strides = array<i32>} : memref<3x80x128xf32, #tpu.memory_space<vmem>>, vector<16xf32>,
      %mul3A_294 = arith.mulf %get3A_293, %gather3A : vector<16xf32>
      %swap3A_295 = arith.index_cast %rem3A_132 : i32 to index
      %swap3A_296 = arith.index_cast %scan3A_221 : i32 to index
      %swap3A_297 = arith.constant 112 : index
      %swap3A_298 = tpu.vector_load %arg12[%swap3A_295, %swap3A_296, %swap3A_297] {strides = array<i32>} : memref<3x80x128xf32, #tpu.memory_space<vmem>>, vector<16xf32>,
      tpu.vector_store %arg12[%swap3A_295, %swap3A_296, %swap3A_297], %mul3A_294 {strides = array<i32>} : memref<3x80x128xf32, #tpu.memory_space<vmem>>, vector<16xf32>,
      %scan3A_299 = arith.constant 0 : i32
      %scan3A_300 = arith.constant 1 : i32
      %scan3A_301 = arith.addi %scan3A_221, %scan3A_300 : i32
      %broadcast_in_dim3A_302 = vector.broadcast %rem3A_151 : i32 to vector<16xi32>
      %mul3A_303 = arith.constant 80 : i32
      %mul3A_304 = arith.muli %rem3A_147, %mul3A_303 : i32
      %add3A_305 = arith.addi %mul3A_304, %scan3A_301 : i32
      %broadcast_in_dim3A_306 = vector.broadcast %add3A_305 : i32 to vector<16xi32>
      %gather3A_307 = tpu.vector_load_idx %arg9[%broadcast_in_dim3A_302, %broadcast_in_dim3A_306] : memref<2x2000xf32, #tpu.memory_space<vmem>>[vector<16xi32>, vector<16xi32>], vector<16xf32>,
      %get3A_308 = arith.index_cast %rem3A_132 : i32 to index
      %get3A_309 = arith.index_cast %scan3A_301 : i32 to index
      %get3A_310 = arith.constant 0 : index
      %get3A_311 = tpu.vector_load %arg12[%get3A_308, %get3A_309, %get3A_310] {strides = array<i32>} : memref<3x80x128xf32, #tpu.memory_space<vmem>>, vector<16xf32>,
      %mul3A_312 = arith.mulf %get3A_311, %gather3A_307 : vector<16xf32>
      %swap3A_313 = arith.index_cast %rem3A_132 : i32 to index
      %swap3A_314 = arith.index_cast %scan3A_301 : i32 to index
      %swap3A_315 = arith.constant 0 : index
      %swap3A_316 = tpu.vector_load %arg12[%swap3A_313, %swap3A_314, %swap3A_315] {strides = array<i32>} : memref<3x80x128xf32, #tpu.memory_space<vmem>>, vector<16xf32>,
      tpu.vector_store %arg12[%swap3A_313, %swap3A_314, %swap3A_315], %mul3A_312 {strides = array<i32>} : memref<3x80x128xf32, #tpu.memory_space<vmem>>, vector<16xf32>,
      %get3A_317 = arith.index_cast %rem3A_132 : i32 to index
      %get3A_318 = arith.index_cast %scan3A_301 : i32 to index
      %get3A_319 = arith.constant 16 : index
      %get3A_320 = tpu.vector_load %arg12[%get3A_317, %get3A_318, %get3A_319] {strides = array<i32>} : memref<3x80x128xf32, #tpu.memory_space<vmem>>, vector<16xf32>,
      %mul3A_321 = arith.mulf %get3A_320, %gather3A_307 : vector<16xf32>
      %swap3A_322 = arith.index_cast %rem3A_132 : i32 to index
      %swap3A_323 = arith.index_cast %scan3A_301 : i32 to index
      %swap3A_324 = arith.constant 16 : index
      %swap3A_325 = tpu.vector_load %arg12[%swap3A_322, %swap3A_323, %swap3A_324] {strides = array<i32>} : memref<3x80x128xf32, #tpu.memory_space<vmem>>, vector<16xf32>,
      tpu.vector_store %arg12[%swap3A_322, %swap3A_323, %swap3A_324], %mul3A_321 {strides = array<i32>} : memref<3x80x128xf32, #tpu.memory_space<vmem>>, vector<16xf32>,
      %get3A_326 = arith.index_cast %rem3A_132 : i32 to index
      %get3A_327 = arith.index_cast %scan3A_301 : i32 to index
      %get3A_328 = arith.constant 32 : index
      %get3A_329 = tpu.vector_load %arg12[%get3A_326, %get3A_327, %get3A_328] {strides = array<i32>} : memref<3x80x128xf32, #tpu.memory_space<vmem>>, vector<16xf32>,
      %mul3A_330 = arith.mulf %get3A_329, %gather3A_307 : vector<16xf32>
      %swap3A_331 = arith.index_cast %rem3A_132 : i32 to index
      %swap3A_332 = arith.index_cast %scan3A_301 : i32 to index
      %swap3A_333 = arith.constant 32 : index
      %swap3A_334 = tpu.vector_load %arg12[%swap3A_331, %swap3A_332, %swap3A_333] {strides = array<i32>} : memref<3x80x128xf32, #tpu.memory_space<vmem>>, vector<16xf32>,
      tpu.vector_store %arg12[%swap3A_331, %swap3A_332, %swap3A_333], %mul3A_330 {strides = array<i32>} : memref<3x80x128xf32, #tpu.memory_space<vmem>>, vector<16xf32>,
      %get3A_335 = arith.index_cast %rem3A_132 : i32 to index
      %get3A_336 = arith.index_cast %scan3A_301 : i32 to index
      %get3A_337 = arith.constant 48 : index
      %get3A_338 = tpu.vector_load %arg12[%get3A_335, %get3A_336, %get3A_337] {strides = array<i32>} : memref<3x80x128xf32, #tpu.memory_space<vmem>>, vector<16xf32>,
      %mul3A_339 = arith.mulf %get3A_338, %gather3A_307 : vector<16xf32>
      %swap3A_340 = arith.index_cast %rem3A_132 : i32 to index
      %swap3A_341 = arith.index_cast %scan3A_301 : i32 to index
      %swap3A_342 = arith.constant 48 : index
      %swap3A_343 = tpu.vector_load %arg12[%swap3A_340, %swap3A_341, %swap3A_342] {strides = array<i32>} : memref<3x80x128xf32, #tpu.memory_space<vmem>>, vector<16xf32>,
      tpu.vector_store %arg12[%swap3A_340, %swap3A_341, %swap3A_342], %mul3A_339 {strides = array<i32>} : memref<3x80x128xf32, #tpu.memory_space<vmem>>, vector<16xf32>,
      %get3A_344 = arith.index_cast %rem3A_132 : i32 to index
      %get3A_345 = arith.index_cast %scan3A_301 : i32 to index
      %get3A_346 = arith.constant 64 : index
      %get3A_347 = tpu.vector_load %arg12[%get3A_344, %get3A_345, %get3A_346] {strides = array<i32>} : memref<3x80x128xf32, #tpu.memory_space<vmem>>, vector<16xf32>,
      %mul3A_348 = arith.mulf %get3A_347, %gather3A_307 : vector<16xf32>
      %swap3A_349 = arith.index_cast %rem3A_132 : i32 to index
      %swap3A_350 = arith.index_cast %scan3A_301 : i32 to index
      %swap3A_351 = arith.constant 64 : index
      %swap3A_352 = tpu.vector_load %arg12[%swap3A_349, %swap3A_350, %swap3A_351] {strides = array<i32>} : memref<3x80x128xf32, #tpu.memory_space<vmem>>, vector<16xf32>,
      tpu.vector_store %arg12[%swap3A_349, %swap3A_350, %swap3A_351], %mul3A_348 {strides = array<i32>} : memref<3x80x128xf32, #tpu.memory_space<vmem>>, vector<16xf32>,
      %get3A_353 = arith.index_cast %rem3A_132 : i32 to index
      %get3A_354 = arith.index_cast %scan3A_301 : i32 to index
      %get3A_355 = arith.constant 80 : index
      %get3A_356 = tpu.vector_load %arg12[%get3A_353, %get3A_354, %get3A_355] {strides = array<i32>} : memref<3x80x128xf32, #tpu.memory_space<vmem>>, vector<16xf32>,
      %mul3A_357 = arith.mulf %get3A_356, %gather3A_307 : vector<16xf32>
      %swap3A_358 = arith.index_cast %rem3A_132 : i32 to index
      %swap3A_359 = arith.index_cast %scan3A_301 : i32 to index
      %swap3A_360 = arith.constant 80 : index
      %swap3A_361 = tpu.vector_load %arg12[%swap3A_358, %swap3A_359, %swap3A_360] {strides = array<i32>} : memref<3x80x128xf32, #tpu.memory_space<vmem>>, vector<16xf32>,
      tpu.vector_store %arg12[%swap3A_358, %swap3A_359, %swap3A_360], %mul3A_357 {strides = array<i32>} : memref<3x80x128xf32, #tpu.memory_space<vmem>>, vector<16xf32>,
      %get3A_362 = arith.index_cast %rem3A_132 : i32 to index
      %get3A_363 = arith.index_cast %scan3A_301 : i32 to index
      %get3A_364 = arith.constant 96 : index
      %get3A_365 = tpu.vector_load %arg12[%get3A_362, %get3A_363, %get3A_364] {strides = array<i32>} : memref<3x80x128xf32, #tpu.memory_space<vmem>>, vector<16xf32>,
      %mul3A_366 = arith.mulf %get3A_365, %gather3A_307 : vector<16xf32>
      %swap3A_367 = arith.index_cast %rem3A_132 : i32 to index
      %swap3A_368 = arith.index_cast %scan3A_301 : i32 to index
      %swap3A_369 = arith.constant 96 : index
      %swap3A_370 = tpu.vector_load %arg12[%swap3A_367, %swap3A_368, %swap3A_369] {strides = array<i32>} : memref<3x80x128xf32, #tpu.memory_space<vmem>>, vector<16xf32>,
      tpu.vector_store %arg12[%swap3A_367, %swap3A_368, %swap3A_369], %mul3A_366 {strides = array<i32>} : memref<3x80x128xf32, #tpu.memory_space<vmem>>, vector<16xf32>,
      %get3A_371 = arith.index_cast %rem3A_132 : i32 to index
      %get3A_372 = arith.index_cast %scan3A_301 : i32 to index
      %get3A_373 = arith.constant 112 : index
      %get3A_374 = tpu.vector_load %arg12[%get3A_371, %get3A_372, %get3A_373] {strides = array<i32>} : memref<3x80x128xf32, #tpu.memory_space<vmem>>, vector<16xf32>,
      %mul3A_375 = arith.mulf %get3A_374, %gather3A_307 : vector<16xf32>
      %swap3A_376 = arith.index_cast %rem3A_132 : i32 to index
      %swap3A_377 = arith.index_cast %scan3A_301 : i32 to index
      %swap3A_378 = arith.constant 112 : index
      %swap3A_379 = tpu.vector_load %arg12[%swap3A_376, %swap3A_377, %swap3A_378] {strides = array<i32>} : memref<3x80x128xf32, #tpu.memory_space<vmem>>, vector<16xf32>,
      tpu.vector_store %arg12[%swap3A_376, %swap3A_377, %swap3A_378], %mul3A_375 {strides = array<i32>} : memref<3x80x128xf32, #tpu.memory_space<vmem>>, vector<16xf32>,
      %scan3A_380 = arith.constant 0 : i32
      %scan3A_381 = arith.constant 2 : i32
      %scan3A_382 = arith.addi %scan3A_221, %scan3A_381 : i32
      %broadcast_in_dim3A_383 = vector.broadcast %rem3A_151 : i32 to vector<16xi32>
      %mul3A_384 = arith.constant 80 : i32
      %mul3A_385 = arith.muli %rem3A_147, %mul3A_384 : i32
      %add3A_386 = arith.addi %mul3A_385, %scan3A_382 : i32
      %broadcast_in_dim3A_387 = vector.broadcast %add3A_386 : i32 to vector<16xi32>
      %gather3A_388 = tpu.vector_load_idx %arg9[%broadcast_in_dim3A_383, %broadcast_in_dim3A_387] : memref<2x2000xf32, #tpu.memory_space<vmem>>[vector<16xi32>, vector<16xi32>], vector<16xf32>,
      %get3A_389 = arith.index_cast %rem3A_132 : i32 to index
      %get3A_390 = arith.index_cast %scan3A_382 : i32 to index
      %get3A_391 = arith.constant 0 : index
      %get3A_392 = tpu.vector_load %arg12[%get3A_389, %get3A_390, %get3A_391] {strides = array<i32>} : memref<3x80x128xf32, #tpu.memory_space<vmem>>, vector<16xf32>,
      %mul3A_393 = arith.mulf %get3A_392, %gather3A_388 : vector<16xf32>
      %swap3A_394 = arith.index_cast %rem3A_132 : i32 to index
      %swap3A_395 = arith.index_cast %scan3A_382 : i32 to index
      %swap3A_396 = arith.constant 0 : index
      %swap3A_397 = tpu.vector_load %arg12[%swap3A_394, %swap3A_395, %swap3A_396] {strides = array<i32>} : memref<3x80x128xf32, #tpu.memory_space<vmem>>, vector<16xf32>,
      tpu.vector_store %arg12[%swap3A_394, %swap3A_395, %swap3A_396], %mul3A_393 {strides = array<i32>} : memref<3x80x128xf32, #tpu.memory_space<vmem>>, vector<16xf32>,
      %get3A_398 = arith.index_cast %rem3A_132 : i32 to index
      %get3A_399 = arith.index_cast %scan3A_382 : i32 to index
      %get3A_400 = arith.constant 16 : index
      %get3A_401 = tpu.vector_load %arg12[%get3A_398, %get3A_399, %get3A_400] {strides = array<i32>} : memref<3x80x128xf32, #tpu.memory_space<vmem>>, vector<16xf32>,
      %mul3A_402 = arith.mulf %get3A_401, %gather3A_388 : vector<16xf32>
      %swap3A_403 = arith.index_cast %rem3A_132 : i32 to index
      %swap3A_404 = arith.index_cast %scan3A_382 : i32 to index
      %swap3A_405 = arith.constant 16 : index
      %swap3A_406 = tpu.vector_load %arg12[%swap3A_403, %swap3A_404, %swap3A_405] {strides = array<i32>} : memref<3x80x128xf32, #tpu.memory_space<vmem>>, vector<16xf32>,
      tpu.vector_store %arg12[%swap3A_403, %swap3A_404, %swap3A_405], %mul3A_402 {strides = array<i32>} : memref<3x80x128xf32, #tpu.memory_space<vmem>>, vector<16xf32>,
      %get3A_407 = arith.index_cast %rem3A_132 : i32 to index
      %get3A_408 = arith.index_cast %scan3A_382 : i32 to index
      %get3A_409 = arith.constant 32 : index
      %get3A_410 = tpu.vector_load %arg12[%get3A_407, %get3A_408, %get3A_409] {strides = array<i32>} : memref<3x80x128xf32, #tpu.memory_space<vmem>>, vector<16xf32>,
      %mul3A_411 = arith.mulf %get3A_410, %gather3A_388 : vector<16xf32>
      %swap3A_412 = arith.index_cast %rem3A_132 : i32 to index
      %swap3A_413 = arith.index_cast %scan3A_382 : i32 to index
      %swap3A_414 = arith.constant 32 : index
      %swap3A_415 = tpu.vector_load %arg12[%swap3A_412, %swap3A_413, %swap3A_414] {strides = array<i32>} : memref<3x80x128xf32, #tpu.memory_space<vmem>>, vector<16xf32>,
      tpu.vector_store %arg12[%swap3A_412, %swap3A_413, %swap3A_414], %mul3A_411 {strides = array<i32>} : memref<3x80x128xf32, #tpu.memory_space<vmem>>, vector<16xf32>,
      %get3A_416 = arith.index_cast %rem3A_132 : i32 to index
      %get3A_417 = arith.index_cast %scan3A_382 : i32 to index
      %get3A_418 = arith.constant 48 : index
      %get3A_419 = tpu.vector_load %arg12[%get3A_416, %get3A_417, %get3A_418] {strides = array<i32>} : memref<3x80x128xf32, #tpu.memory_space<vmem>>, vector<16xf32>,
      %mul3A_420 = arith.mulf %get3A_419, %gather3A_388 : vector<16xf32>
      %swap3A_421 = arith.index_cast %rem3A_132 : i32 to index
      %swap3A_422 = arith.index_cast %scan3A_382 : i32 to index
      %swap3A_423 = arith.constant 48 : index
      %swap3A_424 = tpu.vector_load %arg12[%swap3A_421, %swap3A_422, %swap3A_423] {strides = array<i32>} : memref<3x80x128xf32, #tpu.memory_space<vmem>>, vector<16xf32>,
      tpu.vector_store %arg12[%swap3A_421, %swap3A_422, %swap3A_423], %mul3A_420 {strides = array<i32>} : memref<3x80x128xf32, #tpu.memory_space<vmem>>, vector<16xf32>,
      %get3A_425 = arith.index_cast %rem3A_132 : i32 to index
      %get3A_426 = arith.index_cast %scan3A_382 : i32 to index
      %get3A_427 = arith.constant 64 : index
      %get3A_428 = tpu.vector_load %arg12[%get3A_425, %get3A_426, %get3A_427] {strides = array<i32>} : memref<3x80x128xf32, #tpu.memory_space<vmem>>, vector<16xf32>,
      %mul3A_429 = arith.mulf %get3A_428, %gather3A_388 : vector<16xf32>
      %swap3A_430 = arith.index_cast %rem3A_132 : i32 to index
      %swap3A_431 = arith.index_cast %scan3A_382 : i32 to index
      %swap3A_432 = arith.constant 64 : index
      %swap3A_433 = tpu.vector_load %arg12[%swap3A_430, %swap3A_431, %swap3A_432] {strides = array<i32>} : memref<3x80x128xf32, #tpu.memory_space<vmem>>, vector<16xf32>,
      tpu.vector_store %arg12[%swap3A_430, %swap3A_431, %swap3A_432], %mul3A_429 {strides = array<i32>} : memref<3x80x128xf32, #tpu.memory_space<vmem>>, vector<16xf32>,
      %get3A_434 = arith.index_cast %rem3A_132 : i32 to index
      %get3A_435 = arith.index_cast %scan3A_382 : i32 to index
      %get3A_436 = arith.constant 80 : index
      %get3A_437 = tpu.vector_load %arg12[%get3A_434, %get3A_435, %get3A_436] {strides = array<i32>} : memref<3x80x128xf32, #tpu.memory_space<vmem>>, vector<16xf32>,
      %mul3A_438 = arith.mulf %get3A_437, %gather3A_388 : vector<16xf32>
      %swap3A_439 = arith.index_cast %rem3A_132 : i32 to index
      %swap3A_440 = arith.index_cast %scan3A_382 : i32 to index
      %swap3A_441 = arith.constant 80 : index
      %swap3A_442 = tpu.vector_load %arg12[%swap3A_439, %swap3A_440, %swap3A_441] {strides = array<i32>} : memref<3x80x128xf32, #tpu.memory_space<vmem>>, vector<16xf32>,
      tpu.vector_store %arg12[%swap3A_439, %swap3A_440, %swap3A_441], %mul3A_438 {strides = array<i32>} : memref<3x80x128xf32, #tpu.memory_space<vmem>>, vector<16xf32>,
      %get3A_443 = arith.index_cast %rem3A_132 : i32 to index
      %get3A_444 = arith.index_cast %scan3A_382 : i32 to index
      %get3A_445 = arith.constant 96 : index
      %get3A_446 = tpu.vector_load %arg12[%get3A_443, %get3A_444, %get3A_445] {strides = array<i32>} : memref<3x80x128xf32, #tpu.memory_space<vmem>>, vector<16xf32>,
      %mul3A_447 = arith.mulf %get3A_446, %gather3A_388 : vector<16xf32>
      %swap3A_448 = arith.index_cast %rem3A_132 : i32 to index
      %swap3A_449 = arith.index_cast %scan3A_382 : i32 to index
      %swap3A_450 = arith.constant 96 : index
      %swap3A_451 = tpu.vector_load %arg12[%swap3A_448, %swap3A_449, %swap3A_450] {strides = array<i32>} : memref<3x80x128xf32, #tpu.memory_space<vmem>>, vector<16xf32>,
      tpu.vector_store %arg12[%swap3A_448, %swap3A_449, %swap3A_450], %mul3A_447 {strides = array<i32>} : memref<3x80x128xf32, #tpu.memory_space<vmem>>, vector<16xf32>,
      %get3A_452 = arith.index_cast %rem3A_132 : i32 to index
      %get3A_453 = arith.index_cast %scan3A_382 : i32 to index
      %get3A_454 = arith.constant 112 : index
      %get3A_455 = tpu.vector_load %arg12[%get3A_452, %get3A_453, %get3A_454] {strides = array<i32>} : memref<3x80x128xf32, #tpu.memory_space<vmem>>, vector<16xf32>,
      %mul3A_456 = arith.mulf %get3A_455, %gather3A_388 : vector<16xf32>
      %swap3A_457 = arith.index_cast %rem3A_132 : i32 to index
      %swap3A_458 = arith.index_cast %scan3A_382 : i32 to index
      %swap3A_459 = arith.constant 112 : index
      %swap3A_460 = tpu.vector_load %arg12[%swap3A_457, %swap3A_458, %swap3A_459] {strides = array<i32>} : memref<3x80x128xf32, #tpu.memory_space<vmem>>, vector<16xf32>,
      tpu.vector_store %arg12[%swap3A_457, %swap3A_458, %swap3A_459], %mul3A_456 {strides = array<i32>} : memref<3x80x128xf32, #tpu.memory_space<vmem>>, vector<16xf32>,
      %scan3A_461 = arith.constant 0 : i32
      %scan3A_462 = arith.constant 3 : i32
      %scan3A_463 = arith.addi %scan3A_221, %scan3A_462 : i32
      %broadcast_in_dim3A_464 = vector.broadcast %rem3A_151 : i32 to vector<16xi32>
      %mul3A_465 = arith.constant 80 : i32
      %mul3A_466 = arith.muli %rem3A_147, %mul3A_465 : i32
      %add3A_467 = arith.addi %mul3A_466, %scan3A_463 : i32
      %broadcast_in_dim3A_468 = vector.broadcast %add3A_467 : i32 to vector<16xi32>
      %gather3A_469 = tpu.vector_load_idx %arg9[%broadcast_in_dim3A_464, %broadcast_in_dim3A_468] : memref<2x2000xf32, #tpu.memory_space<vmem>>[vector<16xi32>, vector<16xi32>], vector<16xf32>,
      %get3A_470 = arith.index_cast %rem3A_132 : i32 to index
      %get3A_471 = arith.index_cast %scan3A_463 : i32 to index
      %get3A_472 = arith.constant 0 : index
      %get3A_473 = tpu.vector_load %arg12[%get3A_470, %get3A_471, %get3A_472] {strides = array<i32>} : memref<3x80x128xf32, #tpu.memory_space<vmem>>, vector<16xf32>,
      %mul3A_474 = arith.mulf %get3A_473, %gather3A_469 : vector<16xf32>
      %swap3A_475 = arith.index_cast %rem3A_132 : i32 to index
      %swap3A_476 = arith.index_cast %scan3A_463 : i32 to index
      %swap3A_477 = arith.constant 0 : index
      %swap3A_478 = tpu.vector_load %arg12[%swap3A_475, %swap3A_476, %swap3A_477] {strides = array<i32>} : memref<3x80x128xf32, #tpu.memory_space<vmem>>, vector<16xf32>,
      tpu.vector_store %arg12[%swap3A_475, %swap3A_476, %swap3A_477], %mul3A_474 {strides = array<i32>} : memref<3x80x128xf32, #tpu.memory_space<vmem>>, vector<16xf32>,
      %get3A_479 = arith.index_cast %rem3A_132 : i32 to index
      %get3A_480 = arith.index_cast %scan3A_463 : i32 to index
      %get3A_481 = arith.constant 16 : index
      %get3A_482 = tpu.vector_load %arg12[%get3A_479, %get3A_480, %get3A_481] {strides = array<i32>} : memref<3x80x128xf32, #tpu.memory_space<vmem>>, vector<16xf32>,
      %mul3A_483 = arith.mulf %get3A_482, %gather3A_469 : vector<16xf32>
      %swap3A_484 = arith.index_cast %rem3A_132 : i32 to index
      %swap3A_485 = arith.index_cast %scan3A_463 : i32 to index
      %swap3A_486 = arith.constant 16 : index
      %swap3A_487 = tpu.vector_load %arg12[%swap3A_484, %swap3A_485, %swap3A_486] {strides = array<i32>} : memref<3x80x128xf32, #tpu.memory_space<vmem>>, vector<16xf32>,
      tpu.vector_store %arg12[%swap3A_484, %swap3A_485, %swap3A_486], %mul3A_483 {strides = array<i32>} : memref<3x80x128xf32, #tpu.memory_space<vmem>>, vector<16xf32>,
      %get3A_488 = arith.index_cast %rem3A_132 : i32 to index
      %get3A_489 = arith.index_cast %scan3A_463 : i32 to index
      %get3A_490 = arith.constant 32 : index
      %get3A_491 = tpu.vector_load %arg12[%get3A_488, %get3A_489, %get3A_490] {strides = array<i32>} : memref<3x80x128xf32, #tpu.memory_space<vmem>>, vector<16xf32>,
      %mul3A_492 = arith.mulf %get3A_491, %gather3A_469 : vector<16xf32>
      %swap3A_493 = arith.index_cast %rem3A_132 : i32 to index
      %swap3A_494 = arith.index_cast %scan3A_463 : i32 to index
      %swap3A_495 = arith.constant 32 : index
      %swap3A_496 = tpu.vector_load %arg12[%swap3A_493, %swap3A_494, %swap3A_495] {strides = array<i32>} : memref<3x80x128xf32, #tpu.memory_space<vmem>>, vector<16xf32>,
      tpu.vector_store %arg12[%swap3A_493, %swap3A_494, %swap3A_495], %mul3A_492 {strides = array<i32>} : memref<3x80x128xf32, #tpu.memory_space<vmem>>, vector<16xf32>,
      %get3A_497 = arith.index_cast %rem3A_132 : i32 to index
      %get3A_498 = arith.index_cast %scan3A_463 : i32 to index
      %get3A_499 = arith.constant 48 : index
      %get3A_500 = tpu.vector_load %arg12[%get3A_497, %get3A_498, %get3A_499] {strides = array<i32>} : memref<3x80x128xf32, #tpu.memory_space<vmem>>, vector<16xf32>,
      %mul3A_501 = arith.mulf %get3A_500, %gather3A_469 : vector<16xf32>
      %swap3A_502 = arith.index_cast %rem3A_132 : i32 to index
      %swap3A_503 = arith.index_cast %scan3A_463 : i32 to index
      %swap3A_504 = arith.constant 48 : index
      %swap3A_505 = tpu.vector_load %arg12[%swap3A_502, %swap3A_503, %swap3A_504] {strides = array<i32>} : memref<3x80x128xf32, #tpu.memory_space<vmem>>, vector<16xf32>,
      tpu.vector_store %arg12[%swap3A_502, %swap3A_503, %swap3A_504], %mul3A_501 {strides = array<i32>} : memref<3x80x128xf32, #tpu.memory_space<vmem>>, vector<16xf32>,
      %get3A_506 = arith.index_cast %rem3A_132 : i32 to index
      %get3A_507 = arith.index_cast %scan3A_463 : i32 to index
      %get3A_508 = arith.constant 64 : index
      %get3A_509 = tpu.vector_load %arg12[%get3A_506, %get3A_507, %get3A_508] {strides = array<i32>} : memref<3x80x128xf32, #tpu.memory_space<vmem>>, vector<16xf32>,
      %mul3A_510 = arith.mulf %get3A_509, %gather3A_469 : vector<16xf32>
      %swap3A_511 = arith.index_cast %rem3A_132 : i32 to index
      %swap3A_512 = arith.index_cast %scan3A_463 : i32 to index
      %swap3A_513 = arith.constant 64 : index
      %swap3A_514 = tpu.vector_load %arg12[%swap3A_511, %swap3A_512, %swap3A_513] {strides = array<i32>} : memref<3x80x128xf32, #tpu.memory_space<vmem>>, vector<16xf32>,
      tpu.vector_store %arg12[%swap3A_511, %swap3A_512, %swap3A_513], %mul3A_510 {strides = array<i32>} : memref<3x80x128xf32, #tpu.memory_space<vmem>>, vector<16xf32>,
      %get3A_515 = arith.index_cast %rem3A_132 : i32 to index
      %get3A_516 = arith.index_cast %scan3A_463 : i32 to index
      %get3A_517 = arith.constant 80 : index
      %get3A_518 = tpu.vector_load %arg12[%get3A_515, %get3A_516, %get3A_517] {strides = array<i32>} : memref<3x80x128xf32, #tpu.memory_space<vmem>>, vector<16xf32>,
      %mul3A_519 = arith.mulf %get3A_518, %gather3A_469 : vector<16xf32>
      %swap3A_520 = arith.index_cast %rem3A_132 : i32 to index
      %swap3A_521 = arith.index_cast %scan3A_463 : i32 to index
      %swap3A_522 = arith.constant 80 : index
      %swap3A_523 = tpu.vector_load %arg12[%swap3A_520, %swap3A_521, %swap3A_522] {strides = array<i32>} : memref<3x80x128xf32, #tpu.memory_space<vmem>>, vector<16xf32>,
      tpu.vector_store %arg12[%swap3A_520, %swap3A_521, %swap3A_522], %mul3A_519 {strides = array<i32>} : memref<3x80x128xf32, #tpu.memory_space<vmem>>, vector<16xf32>,
      %get3A_524 = arith.index_cast %rem3A_132 : i32 to index
      %get3A_525 = arith.index_cast %scan3A_463 : i32 to index
      %get3A_526 = arith.constant 96 : index
      %get3A_527 = tpu.vector_load %arg12[%get3A_524, %get3A_525, %get3A_526] {strides = array<i32>} : memref<3x80x128xf32, #tpu.memory_space<vmem>>, vector<16xf32>,
      %mul3A_528 = arith.mulf %get3A_527, %gather3A_469 : vector<16xf32>
      %swap3A_529 = arith.index_cast %rem3A_132 : i32 to index
      %swap3A_530 = arith.index_cast %scan3A_463 : i32 to index
      %swap3A_531 = arith.constant 96 : index
      %swap3A_532 = tpu.vector_load %arg12[%swap3A_529, %swap3A_530, %swap3A_531] {strides = array<i32>} : memref<3x80x128xf32, #tpu.memory_space<vmem>>, vector<16xf32>,
      tpu.vector_store %arg12[%swap3A_529, %swap3A_530, %swap3A_531], %mul3A_528 {strides = array<i32>} : memref<3x80x128xf32, #tpu.memory_space<vmem>>, vector<16xf32>,
      %get3A_533 = arith.index_cast %rem3A_132 : i32 to index
      %get3A_534 = arith.index_cast %scan3A_463 : i32 to index
      %get3A_535 = arith.constant 112 : index
      %get3A_536 = tpu.vector_load %arg12[%get3A_533, %get3A_534, %get3A_535] {strides = array<i32>} : memref<3x80x128xf32, #tpu.memory_space<vmem>>, vector<16xf32>,
      %mul3A_537 = arith.mulf %get3A_536, %gather3A_469 : vector<16xf32>
      %swap3A_538 = arith.index_cast %rem3A_132 : i32 to index
      %swap3A_539 = arith.index_cast %scan3A_463 : i32 to index
      %swap3A_540 = arith.constant 112 : index
      %swap3A_541 = tpu.vector_load %arg12[%swap3A_538, %swap3A_539, %swap3A_540] {strides = array<i32>} : memref<3x80x128xf32, #tpu.memory_space<vmem>>, vector<16xf32>,
      tpu.vector_store %arg12[%swap3A_538, %swap3A_539, %swap3A_540], %mul3A_537 {strides = array<i32>} : memref<3x80x128xf32, #tpu.memory_space<vmem>>, vector<16xf32>,
      %scan3A_542 = arith.constant 0 : i32
      scf.yield %scan3A_542 : i32
    }
    %scan3A_158 = arith.constant 80 : i32
    %dma_start3A_159 = arith.constant 0 : i32
    %dma_start3A_160 = arith.constant 0 : i32
    %dma_start3A_161 = tpu.memref_slice %arg12[%rem3A_132, %dma_start3A_159, %dma_start3A_160] : memref<3x80x128xf32, #tpu.memory_space<vmem>> -> memref<1x80x128xf32, #tpu.memory_space<vmem>>
    %dma_start3A_162 = tpu.memref_squeeze %dma_start3A_161 : memref<1x80x128xf32, #tpu.memory_space<vmem>> -> memref<80x128xf32, #tpu.memory_space<vmem>>
    %dma_start3A_163 = arith.constant 0 : i32
    %dma_start3A_164 = tpu.memref_slice %arg11[%rem3A_132, %dma_start3A_163] : memref<3x80xi32, #tpu.memory_space<vmem>> -> memref<1x80xi32, #tpu.memory_space<vmem>>
    %dma_start3A_165 = tpu.memref_squeeze %dma_start3A_164 : memref<1x80xi32, #tpu.memory_space<vmem>> -> memref<80xi32, #tpu.memory_space<vmem>>
    %dma_start3A_166 = arith.constant 0 : i32
    %dma_start3A_167 = arith.constant 0 : i32
    %dma_start3A_168 = tpu.memref_slice %arg14[%dma_start3A_166, %dma_start3A_167] : memref<10000x128xf32, #tpu.memory_space<vmem_shared>> -> memref<10000x128xf32, #tpu.memory_space<vmem_shared>>
    %dma_start3A_169 = tpu.memref_slice %arg18[%rem3A_132] : memref<3x!tpu.dma_semaphore, #tpu.memory_space<semaphore_mem>> -> memref<1x!tpu.dma_semaphore, #tpu.memory_space<semaphore_mem>>
    %dma_start3A_170 = tpu.memref_squeeze %dma_start3A_169 : memref<1x!tpu.dma_semaphore, #tpu.memory_space<semaphore_mem>> -> memref<!tpu.dma_semaphore, #tpu.memory_space<semaphore_mem>>
    tpu.enqueue_indirect_dma source(%dma_start3A_162 : memref<80x128xf32, #tpu.memory_space<vmem>>) target(%dma_start3A_168 : memref<10000x128xf32, #tpu.memory_space<vmem_shared>>) offsets(%dma_start3A_165 : memref<80xi32, #tpu.memory_space<vmem>>) semaphore(%dma_start3A_170 : memref<!tpu.dma_semaphore, #tpu.memory_space<semaphore_mem>>) {add = true}
    %rem3A_171 = arith.constant 122 : i32
    %rem3A_172 = arith.constant 3 : i32
    %rem3A_173 = arith.remsi %rem3A_171, %rem3A_172 : i32
    %dma_wait3A_174 = arith.constant 0 : i32
    %dma_wait3A_175 = arith.constant 0 : i32
    %dma_wait3A_176 = tpu.memref_slice %arg12[%rem3A_173, %dma_wait3A_174, %dma_wait3A_175] : memref<3x80x128xf32, #tpu.memory_space<vmem>> -> memref<1x80x128xf32, #tpu.memory_space<vmem>>
    %dma_wait3A_177 = tpu.memref_squeeze %dma_wait3A_176 : memref<1x80x128xf32, #tpu.memory_space<vmem>> -> memref<80x128xf32, #tpu.memory_space<vmem>>
    %dma_wait3A_178 = arith.constant 0 : i32
    %dma_wait3A_179 = tpu.memref_slice %arg11[%rem3A_173, %dma_wait3A_178] : memref<3x80xi32, #tpu.memory_space<vmem>> -> memref<1x80xi32, #tpu.memory_space<vmem>>
    %dma_wait3A_180 = tpu.memref_squeeze %dma_wait3A_179 : memref<1x80xi32, #tpu.memory_space<vmem>> -> memref<80xi32, #tpu.memory_space<vmem>>
    %dma_wait3A_181 = arith.constant 0 : i32
    %dma_wait3A_182 = arith.constant 0 : i32
    %dma_wait3A_183 = tpu.memref_slice %arg14[%dma_wait3A_181, %dma_wait3A_182] : memref<10000x128xf32, #tpu.memory_space<vmem_shared>> -> memref<10000x128xf32, #tpu.memory_space<vmem_shared>>
    %dma_wait3A_184 = tpu.memref_slice %arg18[%rem3A_173] : memref<3x!tpu.dma_semaphore, #tpu.memory_space<semaphore_mem>> -> memref<1x!tpu.dma_semaphore, #tpu.memory_space<semaphore_mem>>
    %dma_wait3A_185 = tpu.memref_squeeze %dma_wait3A_184 : memref<1x!tpu.dma_semaphore, #tpu.memory_space<semaphore_mem>> -> memref<!tpu.dma_semaphore, #tpu.memory_space<semaphore_mem>>
    tpu.wait_indirect_dma semaphore(%dma_wait3A_185 : memref<!tpu.dma_semaphore, #tpu.memory_space<semaphore_mem>>) src(%dma_wait3A_177 : memref<80x128xf32, #tpu.memory_space<vmem>>) dst(%dma_wait3A_183 : memref<10000x128xf32, #tpu.memory_space<vmem_shared>>)
    %rem3A_186 = arith.constant 123 : i32
    %rem3A_187 = arith.constant 3 : i32
    %rem3A_188 = arith.remsi %rem3A_186, %rem3A_187 : i32
    %dma_wait3A_189 = arith.constant 0 : i32
    %dma_wait3A_190 = arith.constant 0 : i32
    %dma_wait3A_191 = tpu.memref_slice %arg12[%rem3A_188, %dma_wait3A_189, %dma_wait3A_190] : memref<3x80x128xf32, #tpu.memory_space<vmem>> -> memref<1x80x128xf32, #tpu.memory_space<vmem>>
    %dma_wait3A_192 = tpu.memref_squeeze %dma_wait3A_191 : memref<1x80x128xf32, #tpu.memory_space<vmem>> -> memref<80x128xf32, #tpu.memory_space<vmem>>
    %dma_wait3A_193 = arith.constant 0 : i32
    %dma_wait3A_194 = tpu.memref_slice %arg11[%rem3A_188, %dma_wait3A_193] : memref<3x80xi32, #tpu.memory_space<vmem>> -> memref<1x80xi32, #tpu.memory_space<vmem>>
    %dma_wait3A_195 = tpu.memref_squeeze %dma_wait3A_194 : memref<1x80xi32, #tpu.memory_space<vmem>> -> memref<80xi32, #tpu.memory_space<vmem>>
    %dma_wait3A_196 = arith.constant 0 : i32
    %dma_wait3A_197 = arith.constant 0 : i32
    %dma_wait3A_198 = tpu.memref_slice %arg14[%dma_wait3A_196, %dma_wait3A_197] : memref<10000x128xf32, #tpu.memory_space<vmem_shared>> -> memref<10000x128xf32, #tpu.memory_space<vmem_shared>>
    %dma_wait3A_199 = tpu.memref_slice %arg18[%rem3A_188] : memref<3x!tpu.dma_semaphore, #tpu.memory_space<semaphore_mem>> -> memref<1x!tpu.dma_semaphore, #tpu.memory_space<semaphore_mem>>
    %dma_wait3A_200 = tpu.memref_squeeze %dma_wait3A_199 : memref<1x!tpu.dma_semaphore, #tpu.memory_space<semaphore_mem>> -> memref<!tpu.dma_semaphore, #tpu.memory_space<semaphore_mem>>
    tpu.wait_indirect_dma semaphore(%dma_wait3A_200 : memref<!tpu.dma_semaphore, #tpu.memory_space<semaphore_mem>>) src(%dma_wait3A_192 : memref<80x128xf32, #tpu.memory_space<vmem>>) dst(%dma_wait3A_198 : memref<10000x128xf32, #tpu.memory_space<vmem_shared>>)
    %rem3A_201 = arith.constant 124 : i32
    %rem3A_202 = arith.constant 3 : i32
    %rem3A_203 = arith.remsi %rem3A_201, %rem3A_202 : i32
    %dma_wait3A_204 = arith.constant 0 : i32
    %dma_wait3A_205 = arith.constant 0 : i32
    %dma_wait3A_206 = tpu.memref_slice %arg12[%rem3A_203, %dma_wait3A_204, %dma_wait3A_205] : memref<3x80x128xf32, #tpu.memory_space<vmem>> -> memref<1x80x128xf32, #tpu.memory_space<vmem>>
    %dma_wait3A_207 = tpu.memref_squeeze %dma_wait3A_206 : memref<1x80x128xf32, #tpu.memory_space<vmem>> -> memref<80x128xf32, #tpu.memory_space<vmem>>
    %dma_wait3A_208 = arith.constant 0 : i32
    %dma_wait3A_209 = tpu.memref_slice %arg11[%rem3A_203, %dma_wait3A_208] : memref<3x80xi32, #tpu.memory_space<vmem>> -> memref<1x80xi32, #tpu.memory_space<vmem>>
    %dma_wait3A_210 = tpu.memref_squeeze %dma_wait3A_209 : memref<1x80xi32, #tpu.memory_space<vmem>> -> memref<80xi32, #tpu.memory_space<vmem>>
    %dma_wait3A_211 = arith.constant 0 : i32
    %dma_wait3A_212 = arith.constant 0 : i32
    %dma_wait3A_213 = tpu.memref_slice %arg14[%dma_wait3A_211, %dma_wait3A_212] : memref<10000x128xf32, #tpu.memory_space<vmem_shared>> -> memref<10000x128xf32, #tpu.memory_space<vmem_shared>>
    %dma_wait3A_214 = tpu.memref_slice %arg18[%rem3A_203] : memref<3x!tpu.dma_semaphore, #tpu.memory_space<semaphore_mem>> -> memref<1x!tpu.dma_semaphore, #tpu.memory_space<semaphore_mem>>
    %dma_wait3A_215 = tpu.memref_squeeze %dma_wait3A_214 : memref<1x!tpu.dma_semaphore, #tpu.memory_space<semaphore_mem>> -> memref<!tpu.dma_semaphore, #tpu.memory_space<semaphore_mem>>
    tpu.wait_indirect_dma semaphore(%dma_wait3A_215 : memref<!tpu.dma_semaphore, #tpu.memory_space<semaphore_mem>>) src(%dma_wait3A_207 : memref<80x128xf32, #tpu.memory_space<vmem>>) dst(%dma_wait3A_213 : memref<10000x128xf32, #tpu.memory_space<vmem_shared>>)
    %barrier3A_216 = arith.constant 0 : index
    tpu.barrier barrier_id(%barrier3A_216)
    %mul3A_217 = arith.constant 625 : i32
    %mul3A_218 = arith.muli %arg1, %mul3A_217 : i32
    %mul3A_219 = arith.constant 625 : i32
    %mul3A_220 = arith.muli %arg1, %mul3A_219 : i32
    "tpu.region"() ({
      %run_scoped3A = tpu.sem_alloc : memref<!tpu.dma_semaphore, #tpu.memory_space<semaphore_mem>>
      %dma_start3A_221 = arith.constant 0 : i32
      %dma_start3A_222 = tpu.memref_slice %arg6[%arg0, %mul3A_220, %dma_start3A_221] : memref<2x10000x128xf32, #tpu.memory_space<hbm>> -> memref<1x625x128xf32, #tpu.memory_space<hbm>>
      %dma_start3A_223 = tpu.memref_squeeze %dma_start3A_222 : memref<1x625x128xf32, #tpu.memory_space<hbm>> -> memref<625x128xf32, #tpu.memory_space<hbm>>
      %dma_start3A_224 = arith.constant 0 : i32
      %dma_start3A_225 = tpu.memref_slice %arg14[%mul3A_218, %dma_start3A_224] : memref<10000x128xf32, #tpu.memory_space<vmem_shared>> -> memref<625x128xf32, #tpu.memory_space<vmem_shared>>
      tpu.enqueue_dma source(%dma_start3A_225 : memref<625x128xf32, #tpu.memory_space<vmem_shared>>) target(%dma_start3A_223 : memref<625x128xf32, #tpu.memory_space<hbm>>) target_semaphore(%run_scoped3A : memref<!tpu.dma_semaphore, #tpu.memory_space<semaphore_mem>>)
      %dma_wait3A_226 = arith.constant 0 : i32
      %dma_wait3A_227 = tpu.memref_slice %arg6[%arg0, %mul3A_220, %dma_wait3A_226] : memref<2x10000x128xf32, #tpu.memory_space<hbm>> -> memref<1x625x128xf32, #tpu.memory_space<hbm>>
      %dma_wait3A_228 = tpu.memref_squeeze %dma_wait3A_227 : memref<1x625x128xf32, #tpu.memory_space<hbm>> -> memref<625x128xf32, #tpu.memory_space<hbm>>
      %dma_wait3A_229 = arith.constant 0 : i32
      %dma_wait3A_230 = tpu.memref_slice %arg14[%mul3A_218, %dma_wait3A_229] : memref<10000x128xf32, #tpu.memory_space<vmem_shared>> -> memref<625x128xf32, #tpu.memory_space<vmem_shared>>
      tpu.wait_dma2 semaphore(%run_scoped3A : memref<!tpu.dma_semaphore, #tpu.memory_space<semaphore_mem>>) src(%dma_wait3A_230 : memref<625x128xf32, #tpu.memory_space<vmem_shared>>) dst(%dma_wait3A_228 : memref<625x128xf32, #tpu.memory_space<hbm>>)
      tpu.yield
    }) : () -> ()
    return
  }
}

#map = affine_map<(d0, d1) -> (0, 0)>
#map1 = affine_map<(d0, d1) -> (0, 0, 0)>
module attributes {stable_mosaic.version = 14 : i64} {
  func.func @_deg_kernel(%arg0: i32, %arg1: i32, %arg2: memref<32x10000xi32, #tpu.memory_space<hbm>>, %arg3: memref<32x10000xf32, #tpu.memory_space<hbm>>, %arg4: memref<2x640x16xf32, #tpu.memory_space<hbm>>, %arg5: memref<10000xi32, #tpu.memory_space<vmem>>, %arg6: memref<10000xf32, #tpu.memory_space<vmem>>, %arg7: memref<81936xf32, #tpu.memory_space<vmem>>, %arg8: memref<640x16xf32, #tpu.memory_space<vmem>>, %arg9: memref<5x128xi32, #tpu.memory_space<vmem>>, %arg10: memref<40x16xf32, #tpu.memory_space<vmem>>, %arg11: memref<640x16xf32, #tpu.memory_space<vmem_shared>>, %arg12: memref<!tpu.dma_semaphore, #tpu.memory_space<semaphore_mem>>) attributes {dimension_semantics = [#tpu.dimension_semantics<core_parallel>, #tpu.dimension_semantics<subcore_parallel>], iteration_bounds = array<i64: 2, 16>, scalar_prefetch = 0 : i64, scratch_operands = 8 : i64, tpu.core_type = #tpu.core_type<sc_vector_subcore>, window_params = [{transform_indices = #map}, {transform_indices = #map}, {transform_indices = #map1}]} {
    %mul3A = arith.constant 2 : i32
    %mul3A_0 = arith.muli %arg1, %mul3A : i32
    %add3A = arith.addi %mul3A_0, %arg0 : i32
    "tpu.region"() ({
      %run_scoped3A = tpu.sem_alloc : memref<!tpu.dma_semaphore, #tpu.memory_space<semaphore_mem>>
      %dma_start3A_620 = arith.constant 0 : i32
      %dma_start3A_621 = tpu.memref_slice %arg2[%add3A, %dma_start3A_620] : memref<32x10000xi32, #tpu.memory_space<hbm>> -> memref<1x10000xi32, #tpu.memory_space<hbm>>
      %dma_start3A_622 = tpu.memref_squeeze %dma_start3A_621 : memref<1x10000xi32, #tpu.memory_space<hbm>> -> memref<10000xi32, #tpu.memory_space<hbm>>
      %dma_start3A_623 = arith.constant 0 : i32
      %dma_start3A_624 = tpu.memref_slice %arg2[%add3A, %dma_start3A_623] : memref<32x10000xi32, #tpu.memory_space<hbm>> -> memref<1x10000xi32, #tpu.memory_space<hbm>>
      %dma_start3A_625 = tpu.memref_squeeze %dma_start3A_624 : memref<1x10000xi32, #tpu.memory_space<hbm>> -> memref<10000xi32, #tpu.memory_space<hbm>>
      tpu.enqueue_dma source(%dma_start3A_625 : memref<10000xi32, #tpu.memory_space<hbm>>) target(%arg5 : memref<10000xi32, #tpu.memory_space<vmem>>) target_semaphore(%run_scoped3A : memref<!tpu.dma_semaphore, #tpu.memory_space<semaphore_mem>>)
      %dma_wait3A_626 = arith.constant 0 : i32
      %dma_wait3A_627 = tpu.memref_slice %arg2[%add3A, %dma_wait3A_626] : memref<32x10000xi32, #tpu.memory_space<hbm>> -> memref<1x10000xi32, #tpu.memory_space<hbm>>
      %dma_wait3A_628 = tpu.memref_squeeze %dma_wait3A_627 : memref<1x10000xi32, #tpu.memory_space<hbm>> -> memref<10000xi32, #tpu.memory_space<hbm>>
      %dma_wait3A_629 = arith.constant 0 : i32
      %dma_wait3A_630 = tpu.memref_slice %arg2[%add3A, %dma_wait3A_629] : memref<32x10000xi32, #tpu.memory_space<hbm>> -> memref<1x10000xi32, #tpu.memory_space<hbm>>
      %dma_wait3A_631 = tpu.memref_squeeze %dma_wait3A_630 : memref<1x10000xi32, #tpu.memory_space<hbm>> -> memref<10000xi32, #tpu.memory_space<hbm>>
      tpu.wait_dma2 semaphore(%run_scoped3A : memref<!tpu.dma_semaphore, #tpu.memory_space<semaphore_mem>>) src(%dma_wait3A_631 : memref<10000xi32, #tpu.memory_space<hbm>>) dst(%arg5 : memref<10000xi32, #tpu.memory_space<vmem>>)
      tpu.yield
    }) : () -> ()
    "tpu.region"() ({
      %run_scoped3A = tpu.sem_alloc : memref<!tpu.dma_semaphore, #tpu.memory_space<semaphore_mem>>
      %dma_start3A_620 = arith.constant 0 : i32
      %dma_start3A_621 = tpu.memref_slice %arg3[%add3A, %dma_start3A_620] : memref<32x10000xf32, #tpu.memory_space<hbm>> -> memref<1x10000xf32, #tpu.memory_space<hbm>>
      %dma_start3A_622 = tpu.memref_squeeze %dma_start3A_621 : memref<1x10000xf32, #tpu.memory_space<hbm>> -> memref<10000xf32, #tpu.memory_space<hbm>>
      %dma_start3A_623 = arith.constant 0 : i32
      %dma_start3A_624 = tpu.memref_slice %arg3[%add3A, %dma_start3A_623] : memref<32x10000xf32, #tpu.memory_space<hbm>> -> memref<1x10000xf32, #tpu.memory_space<hbm>>
      %dma_start3A_625 = tpu.memref_squeeze %dma_start3A_624 : memref<1x10000xf32, #tpu.memory_space<hbm>> -> memref<10000xf32, #tpu.memory_space<hbm>>
      tpu.enqueue_dma source(%dma_start3A_625 : memref<10000xf32, #tpu.memory_space<hbm>>) target(%arg6 : memref<10000xf32, #tpu.memory_space<vmem>>) target_semaphore(%run_scoped3A : memref<!tpu.dma_semaphore, #tpu.memory_space<semaphore_mem>>)
      %dma_wait3A_626 = arith.constant 0 : i32
      %dma_wait3A_627 = tpu.memref_slice %arg3[%add3A, %dma_wait3A_626] : memref<32x10000xf32, #tpu.memory_space<hbm>> -> memref<1x10000xf32, #tpu.memory_space<hbm>>
      %dma_wait3A_628 = tpu.memref_squeeze %dma_wait3A_627 : memref<1x10000xf32, #tpu.memory_space<hbm>> -> memref<10000xf32, #tpu.memory_space<hbm>>
      %dma_wait3A_629 = arith.constant 0 : i32
      %dma_wait3A_630 = tpu.memref_slice %arg3[%add3A, %dma_wait3A_629] : memref<32x10000xf32, #tpu.memory_space<hbm>> -> memref<1x10000xf32, #tpu.memory_space<hbm>>
      %dma_wait3A_631 = tpu.memref_squeeze %dma_wait3A_630 : memref<1x10000xf32, #tpu.memory_space<hbm>> -> memref<10000xf32, #tpu.memory_space<hbm>>
      tpu.wait_dma2 semaphore(%run_scoped3A : memref<!tpu.dma_semaphore, #tpu.memory_space<semaphore_mem>>) src(%dma_wait3A_631 : memref<10000xf32, #tpu.memory_space<hbm>>) dst(%arg6 : memref<10000xf32, #tpu.memory_space<vmem>>)
      tpu.yield
    }) : () -> ()
    %broadcast_in_dim3A = arith.constant 0.000000e+00 : f32
    %broadcast_in_dim3A_1 = vector.broadcast %broadcast_in_dim3A : f32 to vector<16xf32>
    %iota3A = tpu.iota {dimensions = array<i32: 0>} : vector<16xi32>
    %scan3A = arith.constant 0 : i32
    %scan3A_2 = arith.constant 0 : i32
    %scan3A_3 = arith.constant 5120 : i32
    %scan3A_4 = arith.addi %scan3A_2, %scan3A_3 : i32
    %scan3A_5 = arith.constant 8 : i32
    %scan3A_6 = scf.for %scan3A_620 = %scan3A_2 to %scan3A_4 step %scan3A_5 iter_args(%scan3A_621 = %scan3A) -> (i32)  : i32 {
      %mul3A_622 = arith.constant 16 : i32
      %mul3A_623 = arith.muli %scan3A_620, %mul3A_622 : i32
      %swap3A_624 = arith.index_cast %mul3A_623 : i32 to index
      %swap3A_625 = tpu.vector_load %arg7[%swap3A_624] {strides = array<i32>} : memref<81936xf32, #tpu.memory_space<vmem>>, vector<16xf32>,
      tpu.vector_store %arg7[%swap3A_624], %broadcast_in_dim3A_1 {strides = array<i32>} : memref<81936xf32, #tpu.memory_space<vmem>>, vector<16xf32>,
      %scan3A_626 = arith.constant 0 : i32
      %scan3A_627 = arith.constant 1 : i32
      %scan3A_628 = arith.addi %scan3A_620, %scan3A_627 : i32
      %mul3A_629 = arith.constant 16 : i32
      %mul3A_630 = arith.muli %scan3A_628, %mul3A_629 : i32
      %swap3A_631 = arith.index_cast %mul3A_630 : i32 to index
      %swap3A_632 = tpu.vector_load %arg7[%swap3A_631] {strides = array<i32>} : memref<81936xf32, #tpu.memory_space<vmem>>, vector<16xf32>,
      tpu.vector_store %arg7[%swap3A_631], %broadcast_in_dim3A_1 {strides = array<i32>} : memref<81936xf32, #tpu.memory_space<vmem>>, vector<16xf32>,
      %scan3A_633 = arith.constant 0 : i32
      %scan3A_634 = arith.constant 2 : i32
      %scan3A_635 = arith.addi %scan3A_620, %scan3A_634 : i32
      %mul3A_636 = arith.constant 16 : i32
      %mul3A_637 = arith.muli %scan3A_635, %mul3A_636 : i32
      %swap3A_638 = arith.index_cast %mul3A_637 : i32 to index
      %swap3A_639 = tpu.vector_load %arg7[%swap3A_638] {strides = array<i32>} : memref<81936xf32, #tpu.memory_space<vmem>>, vector<16xf32>,
      tpu.vector_store %arg7[%swap3A_638], %broadcast_in_dim3A_1 {strides = array<i32>} : memref<81936xf32, #tpu.memory_space<vmem>>, vector<16xf32>,
      %scan3A_640 = arith.constant 0 : i32
      %scan3A_641 = arith.constant 3 : i32
      %scan3A_642 = arith.addi %scan3A_620, %scan3A_641 : i32
      %mul3A_643 = arith.constant 16 : i32
      %mul3A_644 = arith.muli %scan3A_642, %mul3A_643 : i32
      %swap3A_645 = arith.index_cast %mul3A_644 : i32 to index
      %swap3A_646 = tpu.vector_load %arg7[%swap3A_645] {strides = array<i32>} : memref<81936xf32, #tpu.memory_space<vmem>>, vector<16xf32>,
      tpu.vector_store %arg7[%swap3A_645], %broadcast_in_dim3A_1 {strides = array<i32>} : memref<81936xf32, #tpu.memory_space<vmem>>, vector<16xf32>,
      %scan3A_647 = arith.constant 0 : i32
      %scan3A_648 = arith.constant 4 : i32
      %scan3A_649 = arith.addi %scan3A_620, %scan3A_648 : i32
      %mul3A_650 = arith.constant 16 : i32
      %mul3A_651 = arith.muli %scan3A_649, %mul3A_650 : i32
      %swap3A_652 = arith.index_cast %mul3A_651 : i32 to index
      %swap3A_653 = tpu.vector_load %arg7[%swap3A_652] {strides = array<i32>} : memref<81936xf32, #tpu.memory_space<vmem>>, vector<16xf32>,
      tpu.vector_store %arg7[%swap3A_652], %broadcast_in_dim3A_1 {strides = array<i32>} : memref<81936xf32, #tpu.memory_space<vmem>>, vector<16xf32>,
      %scan3A_654 = arith.constant 0 : i32
      %scan3A_655 = arith.constant 5 : i32
      %scan3A_656 = arith.addi %scan3A_620, %scan3A_655 : i32
      %mul3A_657 = arith.constant 16 : i32
      %mul3A_658 = arith.muli %scan3A_656, %mul3A_657 : i32
      %swap3A_659 = arith.index_cast %mul3A_658 : i32 to index
      %swap3A_660 = tpu.vector_load %arg7[%swap3A_659] {strides = array<i32>} : memref<81936xf32, #tpu.memory_space<vmem>>, vector<16xf32>,
      tpu.vector_store %arg7[%swap3A_659], %broadcast_in_dim3A_1 {strides = array<i32>} : memref<81936xf32, #tpu.memory_space<vmem>>, vector<16xf32>,
      %scan3A_661 = arith.constant 0 : i32
      %scan3A_662 = arith.constant 6 : i32
      %scan3A_663 = arith.addi %scan3A_620, %scan3A_662 : i32
      %mul3A_664 = arith.constant 16 : i32
      %mul3A_665 = arith.muli %scan3A_663, %mul3A_664 : i32
      %swap3A_666 = arith.index_cast %mul3A_665 : i32 to index
      %swap3A_667 = tpu.vector_load %arg7[%swap3A_666] {strides = array<i32>} : memref<81936xf32, #tpu.memory_space<vmem>>, vector<16xf32>,
      tpu.vector_store %arg7[%swap3A_666], %broadcast_in_dim3A_1 {strides = array<i32>} : memref<81936xf32, #tpu.memory_space<vmem>>, vector<16xf32>,
      %scan3A_668 = arith.constant 0 : i32
      %scan3A_669 = arith.constant 7 : i32
      %scan3A_670 = arith.addi %scan3A_620, %scan3A_669 : i32
      %mul3A_671 = arith.constant 16 : i32
      %mul3A_672 = arith.muli %scan3A_670, %mul3A_671 : i32
      %swap3A_673 = arith.index_cast %mul3A_672 : i32 to index
      %swap3A_674 = tpu.vector_load %arg7[%swap3A_673] {strides = array<i32>} : memref<81936xf32, #tpu.memory_space<vmem>>, vector<16xf32>,
      tpu.vector_store %arg7[%swap3A_673], %broadcast_in_dim3A_1 {strides = array<i32>} : memref<81936xf32, #tpu.memory_space<vmem>>, vector<16xf32>,
      %scan3A_675 = arith.constant 0 : i32
      scf.yield %scan3A_675 : i32
    }
    %scan3A_7 = arith.constant 5120 : i32
    %scan3A_8 = arith.addi %scan3A_2, %scan3A_7 : i32
    %mul3A_9 = arith.constant 16 : i32
    %mul3A_10 = arith.muli %scan3A_8, %mul3A_9 : i32
    %swap3A = arith.index_cast %mul3A_10 : i32 to index
    %swap3A_11 = tpu.vector_load %arg7[%swap3A] {strides = array<i32>} : memref<81936xf32, #tpu.memory_space<vmem>>, vector<16xf32>,
    tpu.vector_store %arg7[%swap3A], %broadcast_in_dim3A_1 {strides = array<i32>} : memref<81936xf32, #tpu.memory_space<vmem>>, vector<16xf32>,
    %scan3A_12 = arith.constant 0 : i32
    %scan3A_13 = arith.constant 5121 : i32
    %scan3A_14 = arith.constant 0 : i32
    %scan3A_15 = arith.constant 0 : i32
    %scan3A_16 = arith.constant 624 : i32
    %scan3A_17 = arith.addi %scan3A_15, %scan3A_16 : i32
    %scan3A_18 = arith.constant 2 : i32
    %scan3A_19 = scf.for %scan3A_620 = %scan3A_15 to %scan3A_17 step %scan3A_18 iter_args(%scan3A_621 = %scan3A_14) -> (i32)  : i32 {
      %mul3A_622 = arith.constant 16 : i32
      %mul3A_623 = arith.muli %scan3A_620, %mul3A_622 : i32
      %get3A_624 = arith.index_cast %mul3A_623 : i32 to index
      %get3A_625 = tpu.vector_load %arg5[%get3A_624] {strides = array<i32>} : memref<10000xi32, #tpu.memory_space<vmem>>, vector<16xi32>,
      %mul3A_626 = arith.constant 16 : i32
      %mul3A_627 = arith.muli %scan3A_620, %mul3A_626 : i32
      %get3A_628 = arith.index_cast %mul3A_627 : i32 to index
      %get3A_629 = tpu.vector_load %arg6[%get3A_628] {strides = array<i32>} : memref<10000xf32, #tpu.memory_space<vmem>>, vector<16xf32>,
      %sub3A_630 = arith.constant 0 : i32
      %sub3A_631 = vector.broadcast %sub3A_630 : i32 to vector<16xi32>
      %sub3A_632 = arith.subi %get3A_625, %sub3A_631 : vector<16xi32>
      %ge3A_633 = arith.constant 0 : i32
      %ge3A_634 = vector.broadcast %ge3A_633 : i32 to vector<16xi32>
      %ge3A_635 = arith.cmpi sge, %sub3A_632, %ge3A_634 : vector<16xi32>
      %lt3A_636 = arith.constant 5120 : i32
      %lt3A_637 = vector.broadcast %lt3A_636 : i32 to vector<16xi32>
      %lt3A_638 = arith.cmpi slt, %sub3A_632, %lt3A_637 : vector<16xi32>
      %and3A_639 = arith.andi %ge3A_635, %lt3A_638 : vector<16xi1>
      %mul3A_640 = arith.constant 5120 : i32
      %mul3A_641 = vector.broadcast %mul3A_640 : i32 to vector<16xi32>
      %mul3A_642 = arith.muli %iota3A, %mul3A_641 : vector<16xi32>
      %add3A_643 = arith.addi %mul3A_642, %sub3A_632 : vector<16xi32>
      %add3A_644 = arith.constant 81920 : i32
      %add3A_645 = vector.broadcast %add3A_644 : i32 to vector<16xi32>
      %add3A_646 = arith.addi %add3A_645, %iota3A : vector<16xi32>
      %select_n3A_647 = arith.select %and3A_639, %add3A_643, %add3A_646 : vector<16xi1>, vector<16xi32>
      tpu.vector_store_idx %arg7[%select_n3A_647], %get3A_629 {add = true} : memref<81936xf32, #tpu.memory_space<vmem>>[vector<16xi32>], vector<16xf32>,
      %scan3A_648 = arith.constant 0 : i32
      %scan3A_649 = arith.constant 1 : i32
      %scan3A_650 = arith.addi %scan3A_620, %scan3A_649 : i32
      %mul3A_651 = arith.constant 16 : i32
      %mul3A_652 = arith.muli %scan3A_650, %mul3A_651 : i32
      %get3A_653 = arith.index_cast %mul3A_652 : i32 to index
      %get3A_654 = tpu.vector_load %arg5[%get3A_653] {strides = array<i32>} : memref<10000xi32, #tpu.memory_space<vmem>>, vector<16xi32>,
      %mul3A_655 = arith.constant 16 : i32
      %mul3A_656 = arith.muli %scan3A_650, %mul3A_655 : i32
      %get3A_657 = arith.index_cast %mul3A_656 : i32 to index
      %get3A_658 = tpu.vector_load %arg6[%get3A_657] {strides = array<i32>} : memref<10000xf32, #tpu.memory_space<vmem>>, vector<16xf32>,
      %sub3A_659 = arith.constant 0 : i32
      %sub3A_660 = vector.broadcast %sub3A_659 : i32 to vector<16xi32>
      %sub3A_661 = arith.subi %get3A_654, %sub3A_660 : vector<16xi32>
      %ge3A_662 = arith.constant 0 : i32
      %ge3A_663 = vector.broadcast %ge3A_662 : i32 to vector<16xi32>
      %ge3A_664 = arith.cmpi sge, %sub3A_661, %ge3A_663 : vector<16xi32>
      %lt3A_665 = arith.constant 5120 : i32
      %lt3A_666 = vector.broadcast %lt3A_665 : i32 to vector<16xi32>
      %lt3A_667 = arith.cmpi slt, %sub3A_661, %lt3A_666 : vector<16xi32>
      %and3A_668 = arith.andi %ge3A_664, %lt3A_667 : vector<16xi1>
      %mul3A_669 = arith.constant 5120 : i32
      %mul3A_670 = vector.broadcast %mul3A_669 : i32 to vector<16xi32>
      %mul3A_671 = arith.muli %iota3A, %mul3A_670 : vector<16xi32>
      %add3A_672 = arith.addi %mul3A_671, %sub3A_661 : vector<16xi32>
      %add3A_673 = arith.constant 81920 : i32
      %add3A_674 = vector.broadcast %add3A_673 : i32 to vector<16xi32>
      %add3A_675 = arith.addi %add3A_674, %iota3A : vector<16xi32>
      %select_n3A_676 = arith.select %and3A_668, %add3A_672, %add3A_675 : vector<16xi1>, vector<16xi32>
      tpu.vector_store_idx %arg7[%select_n3A_676], %get3A_658 {add = true} : memref<81936xf32, #tpu.memory_space<vmem>>[vector<16xi32>], vector<16xf32>,
      %scan3A_677 = arith.constant 0 : i32
      scf.yield %scan3A_677 : i32
    }
    %scan3A_20 = arith.constant 624 : i32
    %scan3A_21 = arith.addi %scan3A_15, %scan3A_20 : i32
    %mul3A_22 = arith.constant 16 : i32
    %mul3A_23 = arith.muli %scan3A_21, %mul3A_22 : i32
    %get3A = arith.index_cast %mul3A_23 : i32 to index
    %get3A_24 = tpu.vector_load %arg5[%get3A] {strides = array<i32>} : memref<10000xi32, #tpu.memory_space<vmem>>, vector<16xi32>,
    %mul3A_25 = arith.constant 16 : i32
    %mul3A_26 = arith.muli %scan3A_21, %mul3A_25 : i32
    %get3A_27 = arith.index_cast %mul3A_26 : i32 to index
    %get3A_28 = tpu.vector_load %arg6[%get3A_27] {strides = array<i32>} : memref<10000xf32, #tpu.memory_space<vmem>>, vector<16xf32>,
    %sub3A = arith.constant 0 : i32
    %sub3A_29 = vector.broadcast %sub3A : i32 to vector<16xi32>
    %sub3A_30 = arith.subi %get3A_24, %sub3A_29 : vector<16xi32>
    %ge3A = arith.constant 0 : i32
    %ge3A_31 = vector.broadcast %ge3A : i32 to vector<16xi32>
    %ge3A_32 = arith.cmpi sge, %sub3A_30, %ge3A_31 : vector<16xi32>
    %lt3A = arith.constant 5120 : i32
    %lt3A_33 = vector.broadcast %lt3A : i32 to vector<16xi32>
    %lt3A_34 = arith.cmpi slt, %sub3A_30, %lt3A_33 : vector<16xi32>
    %and3A = arith.andi %ge3A_32, %lt3A_34 : vector<16xi1>
    %mul3A_35 = arith.constant 5120 : i32
    %mul3A_36 = vector.broadcast %mul3A_35 : i32 to vector<16xi32>
    %mul3A_37 = arith.muli %iota3A, %mul3A_36 : vector<16xi32>
    %add3A_38 = arith.addi %mul3A_37, %sub3A_30 : vector<16xi32>
    %add3A_39 = arith.constant 81920 : i32
    %add3A_40 = vector.broadcast %add3A_39 : i32 to vector<16xi32>
    %add3A_41 = arith.addi %add3A_40, %iota3A : vector<16xi32>
    %select_n3A = arith.select %and3A, %add3A_38, %add3A_41 : vector<16xi1>, vector<16xi32>
    tpu.vector_store_idx %arg7[%select_n3A], %get3A_28 {add = true} : memref<81936xf32, #tpu.memory_space<vmem>>[vector<16xi32>], vector<16xf32>,
    %scan3A_42 = arith.constant 0 : i32
    %scan3A_43 = arith.constant 625 : i32
    %scan3A_44 = arith.constant 0 : i32
    %scan3A_45 = arith.constant 0 : i32
    %scan3A_46 = arith.constant 320 : i32
    %scan3A_47 = arith.addi %scan3A_45, %scan3A_46 : i32
    %scan3A_48 = arith.constant 2 : i32
    %scan3A_49 = scf.for %scan3A_620 = %scan3A_45 to %scan3A_47 step %scan3A_48 iter_args(%scan3A_621 = %scan3A_44) -> (i32)  : i32 {
      %mul3A_622 = arith.constant 16 : i32
      %mul3A_623 = arith.muli %scan3A_620, %mul3A_622 : i32
      %add3A_624 = arith.constant 0 : i32
      %add3A_625 = arith.addi %add3A_624, %mul3A_623 : i32
      %get3A_626 = arith.index_cast %add3A_625 : i32 to index
      %get3A_627 = tpu.vector_load %arg7[%get3A_626] {strides = array<i32>} : memref<81936xf32, #tpu.memory_space<vmem>>, vector<16xf32>,
      %add3A_628 = arith.addf %broadcast_in_dim3A_1, %get3A_627 : vector<16xf32>
      %mul3A_629 = arith.constant 16 : i32
      %mul3A_630 = arith.muli %scan3A_620, %mul3A_629 : i32
      %add3A_631 = arith.constant 5120 : i32
      %add3A_632 = arith.addi %add3A_631, %mul3A_630 : i32
      %get3A_633 = arith.index_cast %add3A_632 : i32 to index
      %get3A_634 = tpu.vector_load %arg7[%get3A_633] {strides = array<i32>} : memref<81936xf32, #tpu.memory_space<vmem>>, vector<16xf32>,
      %add3A_635 = arith.addf %add3A_628, %get3A_634 : vector<16xf32>
      %mul3A_636 = arith.constant 16 : i32
      %mul3A_637 = arith.muli %scan3A_620, %mul3A_636 : i32
      %add3A_638 = arith.constant 10240 : i32
      %add3A_639 = arith.addi %add3A_638, %mul3A_637 : i32
      %get3A_640 = arith.index_cast %add3A_639 : i32 to index
      %get3A_641 = tpu.vector_load %arg7[%get3A_640] {strides = array<i32>} : memref<81936xf32, #tpu.memory_space<vmem>>, vector<16xf32>,
      %add3A_642 = arith.addf %add3A_635, %get3A_641 : vector<16xf32>
      %mul3A_643 = arith.constant 16 : i32
      %mul3A_644 = arith.muli %scan3A_620, %mul3A_643 : i32
      %add3A_645 = arith.constant 15360 : i32
      %add3A_646 = arith.addi %add3A_645, %mul3A_644 : i32
      %get3A_647 = arith.index_cast %add3A_646 : i32 to index
      %get3A_648 = tpu.vector_load %arg7[%get3A_647] {strides = array<i32>} : memref<81936xf32, #tpu.memory_space<vmem>>, vector<16xf32>,
      %add3A_649 = arith.addf %add3A_642, %get3A_648 : vector<16xf32>
      %mul3A_650 = arith.constant 16 : i32
      %mul3A_651 = arith.muli %scan3A_620, %mul3A_650 : i32
      %add3A_652 = arith.constant 20480 : i32
      %add3A_653 = arith.addi %add3A_652, %mul3A_651 : i32
      %get3A_654 = arith.index_cast %add3A_653 : i32 to index
      %get3A_655 = tpu.vector_load %arg7[%get3A_654] {strides = array<i32>} : memref<81936xf32, #tpu.memory_space<vmem>>, vector<16xf32>,
      %add3A_656 = arith.addf %add3A_649, %get3A_655 : vector<16xf32>
      %mul3A_657 = arith.constant 16 : i32
      %mul3A_658 = arith.muli %scan3A_620, %mul3A_657 : i32
      %add3A_659 = arith.constant 25600 : i32
      %add3A_660 = arith.addi %add3A_659, %mul3A_658 : i32
      %get3A_661 = arith.index_cast %add3A_660 : i32 to index
      %get3A_662 = tpu.vector_load %arg7[%get3A_661] {strides = array<i32>} : memref<81936xf32, #tpu.memory_space<vmem>>, vector<16xf32>,
      %add3A_663 = arith.addf %add3A_656, %get3A_662 : vector<16xf32>
      %mul3A_664 = arith.constant 16 : i32
      %mul3A_665 = arith.muli %scan3A_620, %mul3A_664 : i32
      %add3A_666 = arith.constant 30720 : i32
      %add3A_667 = arith.addi %add3A_666, %mul3A_665 : i32
      %get3A_668 = arith.index_cast %add3A_667 : i32 to index
      %get3A_669 = tpu.vector_load %arg7[%get3A_668] {strides = array<i32>} : memref<81936xf32, #tpu.memory_space<vmem>>, vector<16xf32>,
      %add3A_670 = arith.addf %add3A_663, %get3A_669 : vector<16xf32>
      %mul3A_671 = arith.constant 16 : i32
      %mul3A_672 = arith.muli %scan3A_620, %mul3A_671 : i32
      %add3A_673 = arith.constant 35840 : i32
      %add3A_674 = arith.addi %add3A_673, %mul3A_672 : i32
      %get3A_675 = arith.index_cast %add3A_674 : i32 to index
      %get3A_676 = tpu.vector_load %arg7[%get3A_675] {strides = array<i32>} : memref<81936xf32, #tpu.memory_space<vmem>>, vector<16xf32>,
      %add3A_677 = arith.addf %add3A_670, %get3A_676 : vector<16xf32>
      %mul3A_678 = arith.constant 16 : i32
      %mul3A_679 = arith.muli %scan3A_620, %mul3A_678 : i32
      %add3A_680 = arith.constant 40960 : i32
      %add3A_681 = arith.addi %add3A_680, %mul3A_679 : i32
      %get3A_682 = arith.index_cast %add3A_681 : i32 to index
      %get3A_683 = tpu.vector_load %arg7[%get3A_682] {strides = array<i32>} : memref<81936xf32, #tpu.memory_space<vmem>>, vector<16xf32>,
      %add3A_684 = arith.addf %add3A_677, %get3A_683 : vector<16xf32>
      %mul3A_685 = arith.constant 16 : i32
      %mul3A_686 = arith.muli %scan3A_620, %mul3A_685 : i32
      %add3A_687 = arith.constant 46080 : i32
      %add3A_688 = arith.addi %add3A_687, %mul3A_686 : i32
      %get3A_689 = arith.index_cast %add3A_688 : i32 to index
      %get3A_690 = tpu.vector_load %arg7[%get3A_689] {strides = array<i32>} : memref<81936xf32, #tpu.memory_space<vmem>>, vector<16xf32>,
      %add3A_691 = arith.addf %add3A_684, %get3A_690 : vector<16xf32>
      %mul3A_692 = arith.constant 16 : i32
      %mul3A_693 = arith.muli %scan3A_620, %mul3A_692 : i32
      %add3A_694 = arith.constant 51200 : i32
      %add3A_695 = arith.addi %add3A_694, %mul3A_693 : i32
      %get3A_696 = arith.index_cast %add3A_695 : i32 to index
      %get3A_697 = tpu.vector_load %arg7[%get3A_696] {strides = array<i32>} : memref<81936xf32, #tpu.memory_space<vmem>>, vector<16xf32>,
      %add3A_698 = arith.addf %add3A_691, %get3A_697 : vector<16xf32>
      %mul3A_699 = arith.constant 16 : i32
      %mul3A_700 = arith.muli %scan3A_620, %mul3A_699 : i32
      %add3A_701 = arith.constant 56320 : i32
      %add3A_702 = arith.addi %add3A_701, %mul3A_700 : i32
      %get3A_703 = arith.index_cast %add3A_702 : i32 to index
      %get3A_704 = tpu.vector_load %arg7[%get3A_703] {strides = array<i32>} : memref<81936xf32, #tpu.memory_space<vmem>>, vector<16xf32>,
      %add3A_705 = arith.addf %add3A_698, %get3A_704 : vector<16xf32>
      %mul3A_706 = arith.constant 16 : i32
      %mul3A_707 = arith.muli %scan3A_620, %mul3A_706 : i32
      %add3A_708 = arith.constant 61440 : i32
      %add3A_709 = arith.addi %add3A_708, %mul3A_707 : i32
      %get3A_710 = arith.index_cast %add3A_709 : i32 to index
      %get3A_711 = tpu.vector_load %arg7[%get3A_710] {strides = array<i32>} : memref<81936xf32, #tpu.memory_space<vmem>>, vector<16xf32>,
      %add3A_712 = arith.addf %add3A_705, %get3A_711 : vector<16xf32>
      %mul3A_713 = arith.constant 16 : i32
      %mul3A_714 = arith.muli %scan3A_620, %mul3A_713 : i32
      %add3A_715 = arith.constant 66560 : i32
      %add3A_716 = arith.addi %add3A_715, %mul3A_714 : i32
      %get3A_717 = arith.index_cast %add3A_716 : i32 to index
      %get3A_718 = tpu.vector_load %arg7[%get3A_717] {strides = array<i32>} : memref<81936xf32, #tpu.memory_space<vmem>>, vector<16xf32>,
      %add3A_719 = arith.addf %add3A_712, %get3A_718 : vector<16xf32>
      %mul3A_720 = arith.constant 16 : i32
      %mul3A_721 = arith.muli %scan3A_620, %mul3A_720 : i32
      %add3A_722 = arith.constant 71680 : i32
      %add3A_723 = arith.addi %add3A_722, %mul3A_721 : i32
      %get3A_724 = arith.index_cast %add3A_723 : i32 to index
      %get3A_725 = tpu.vector_load %arg7[%get3A_724] {strides = array<i32>} : memref<81936xf32, #tpu.memory_space<vmem>>, vector<16xf32>,
      %add3A_726 = arith.addf %add3A_719, %get3A_725 : vector<16xf32>
      %mul3A_727 = arith.constant 16 : i32
      %mul3A_728 = arith.muli %scan3A_620, %mul3A_727 : i32
      %add3A_729 = arith.constant 76800 : i32
      %add3A_730 = arith.addi %add3A_729, %mul3A_728 : i32
      %get3A_731 = arith.index_cast %add3A_730 : i32 to index
      %get3A_732 = tpu.vector_load %arg7[%get3A_731] {strides = array<i32>} : memref<81936xf32, #tpu.memory_space<vmem>>, vector<16xf32>,
      %add3A_733 = arith.addf %add3A_726, %get3A_732 : vector<16xf32>
      %add3A_734 = arith.constant 0 : i32
      %add3A_735 = arith.addi %add3A_734, %scan3A_620 : i32
      %swap3A_736 = arith.index_cast %add3A_735 : i32 to index
      %swap3A_737 = arith.constant 0 : index
      %swap3A_738 = tpu.vector_load %arg8[%swap3A_736, %swap3A_737] {strides = array<i32>} : memref<640x16xf32, #tpu.memory_space<vmem>>, vector<16xf32>,
      tpu.vector_store %arg8[%swap3A_736, %swap3A_737], %add3A_733 {strides = array<i32>} : memref<640x16xf32, #tpu.memory_space<vmem>>, vector<16xf32>,
      %scan3A_739 = arith.constant 0 : i32
      %scan3A_740 = arith.constant 1 : i32
      %scan3A_741 = arith.addi %scan3A_620, %scan3A_740 : i32
      %mul3A_742 = arith.constant 16 : i32
      %mul3A_743 = arith.muli %scan3A_741, %mul3A_742 : i32
      %add3A_744 = arith.constant 0 : i32
      %add3A_745 = arith.addi %add3A_744, %mul3A_743 : i32
      %get3A_746 = arith.index_cast %add3A_745 : i32 to index
      %get3A_747 = tpu.vector_load %arg7[%get3A_746] {strides = array<i32>} : memref<81936xf32, #tpu.memory_space<vmem>>, vector<16xf32>,
      %add3A_748 = arith.addf %broadcast_in_dim3A_1, %get3A_747 : vector<16xf32>
      %mul3A_749 = arith.constant 16 : i32
      %mul3A_750 = arith.muli %scan3A_741, %mul3A_749 : i32
      %add3A_751 = arith.constant 5120 : i32
      %add3A_752 = arith.addi %add3A_751, %mul3A_750 : i32
      %get3A_753 = arith.index_cast %add3A_752 : i32 to index
      %get3A_754 = tpu.vector_load %arg7[%get3A_753] {strides = array<i32>} : memref<81936xf32, #tpu.memory_space<vmem>>, vector<16xf32>,
      %add3A_755 = arith.addf %add3A_748, %get3A_754 : vector<16xf32>
      %mul3A_756 = arith.constant 16 : i32
      %mul3A_757 = arith.muli %scan3A_741, %mul3A_756 : i32
      %add3A_758 = arith.constant 10240 : i32
      %add3A_759 = arith.addi %add3A_758, %mul3A_757 : i32
      %get3A_760 = arith.index_cast %add3A_759 : i32 to index
      %get3A_761 = tpu.vector_load %arg7[%get3A_760] {strides = array<i32>} : memref<81936xf32, #tpu.memory_space<vmem>>, vector<16xf32>,
      %add3A_762 = arith.addf %add3A_755, %get3A_761 : vector<16xf32>
      %mul3A_763 = arith.constant 16 : i32
      %mul3A_764 = arith.muli %scan3A_741, %mul3A_763 : i32
      %add3A_765 = arith.constant 15360 : i32
      %add3A_766 = arith.addi %add3A_765, %mul3A_764 : i32
      %get3A_767 = arith.index_cast %add3A_766 : i32 to index
      %get3A_768 = tpu.vector_load %arg7[%get3A_767] {strides = array<i32>} : memref<81936xf32, #tpu.memory_space<vmem>>, vector<16xf32>,
      %add3A_769 = arith.addf %add3A_762, %get3A_768 : vector<16xf32>
      %mul3A_770 = arith.constant 16 : i32
      %mul3A_771 = arith.muli %scan3A_741, %mul3A_770 : i32
      %add3A_772 = arith.constant 20480 : i32
      %add3A_773 = arith.addi %add3A_772, %mul3A_771 : i32
      %get3A_774 = arith.index_cast %add3A_773 : i32 to index
      %get3A_775 = tpu.vector_load %arg7[%get3A_774] {strides = array<i32>} : memref<81936xf32, #tpu.memory_space<vmem>>, vector<16xf32>,
      %add3A_776 = arith.addf %add3A_769, %get3A_775 : vector<16xf32>
      %mul3A_777 = arith.constant 16 : i32
      %mul3A_778 = arith.muli %scan3A_741, %mul3A_777 : i32
      %add3A_779 = arith.constant 25600 : i32
      %add3A_780 = arith.addi %add3A_779, %mul3A_778 : i32
      %get3A_781 = arith.index_cast %add3A_780 : i32 to index
      %get3A_782 = tpu.vector_load %arg7[%get3A_781] {strides = array<i32>} : memref<81936xf32, #tpu.memory_space<vmem>>, vector<16xf32>,
      %add3A_783 = arith.addf %add3A_776, %get3A_782 : vector<16xf32>
      %mul3A_784 = arith.constant 16 : i32
      %mul3A_785 = arith.muli %scan3A_741, %mul3A_784 : i32
      %add3A_786 = arith.constant 30720 : i32
      %add3A_787 = arith.addi %add3A_786, %mul3A_785 : i32
      %get3A_788 = arith.index_cast %add3A_787 : i32 to index
      %get3A_789 = tpu.vector_load %arg7[%get3A_788] {strides = array<i32>} : memref<81936xf32, #tpu.memory_space<vmem>>, vector<16xf32>,
      %add3A_790 = arith.addf %add3A_783, %get3A_789 : vector<16xf32>
      %mul3A_791 = arith.constant 16 : i32
      %mul3A_792 = arith.muli %scan3A_741, %mul3A_791 : i32
      %add3A_793 = arith.constant 35840 : i32
      %add3A_794 = arith.addi %add3A_793, %mul3A_792 : i32
      %get3A_795 = arith.index_cast %add3A_794 : i32 to index
      %get3A_796 = tpu.vector_load %arg7[%get3A_795] {strides = array<i32>} : memref<81936xf32, #tpu.memory_space<vmem>>, vector<16xf32>,
      %add3A_797 = arith.addf %add3A_790, %get3A_796 : vector<16xf32>
      %mul3A_798 = arith.constant 16 : i32
      %mul3A_799 = arith.muli %scan3A_741, %mul3A_798 : i32
      %add3A_800 = arith.constant 40960 : i32
      %add3A_801 = arith.addi %add3A_800, %mul3A_799 : i32
      %get3A_802 = arith.index_cast %add3A_801 : i32 to index
      %get3A_803 = tpu.vector_load %arg7[%get3A_802] {strides = array<i32>} : memref<81936xf32, #tpu.memory_space<vmem>>, vector<16xf32>,
      %add3A_804 = arith.addf %add3A_797, %get3A_803 : vector<16xf32>
      %mul3A_805 = arith.constant 16 : i32
      %mul3A_806 = arith.muli %scan3A_741, %mul3A_805 : i32
      %add3A_807 = arith.constant 46080 : i32
      %add3A_808 = arith.addi %add3A_807, %mul3A_806 : i32
      %get3A_809 = arith.index_cast %add3A_808 : i32 to index
      %get3A_810 = tpu.vector_load %arg7[%get3A_809] {strides = array<i32>} : memref<81936xf32, #tpu.memory_space<vmem>>, vector<16xf32>,
      %add3A_811 = arith.addf %add3A_804, %get3A_810 : vector<16xf32>
      %mul3A_812 = arith.constant 16 : i32
      %mul3A_813 = arith.muli %scan3A_741, %mul3A_812 : i32
      %add3A_814 = arith.constant 51200 : i32
      %add3A_815 = arith.addi %add3A_814, %mul3A_813 : i32
      %get3A_816 = arith.index_cast %add3A_815 : i32 to index
      %get3A_817 = tpu.vector_load %arg7[%get3A_816] {strides = array<i32>} : memref<81936xf32, #tpu.memory_space<vmem>>, vector<16xf32>,
      %add3A_818 = arith.addf %add3A_811, %get3A_817 : vector<16xf32>
      %mul3A_819 = arith.constant 16 : i32
      %mul3A_820 = arith.muli %scan3A_741, %mul3A_819 : i32
      %add3A_821 = arith.constant 56320 : i32
      %add3A_822 = arith.addi %add3A_821, %mul3A_820 : i32
      %get3A_823 = arith.index_cast %add3A_822 : i32 to index
      %get3A_824 = tpu.vector_load %arg7[%get3A_823] {strides = array<i32>} : memref<81936xf32, #tpu.memory_space<vmem>>, vector<16xf32>,
      %add3A_825 = arith.addf %add3A_818, %get3A_824 : vector<16xf32>
      %mul3A_826 = arith.constant 16 : i32
      %mul3A_827 = arith.muli %scan3A_741, %mul3A_826 : i32
      %add3A_828 = arith.constant 61440 : i32
      %add3A_829 = arith.addi %add3A_828, %mul3A_827 : i32
      %get3A_830 = arith.index_cast %add3A_829 : i32 to index
      %get3A_831 = tpu.vector_load %arg7[%get3A_830] {strides = array<i32>} : memref<81936xf32, #tpu.memory_space<vmem>>, vector<16xf32>,
      %add3A_832 = arith.addf %add3A_825, %get3A_831 : vector<16xf32>
      %mul3A_833 = arith.constant 16 : i32
      %mul3A_834 = arith.muli %scan3A_741, %mul3A_833 : i32
      %add3A_835 = arith.constant 66560 : i32
      %add3A_836 = arith.addi %add3A_835, %mul3A_834 : i32
      %get3A_837 = arith.index_cast %add3A_836 : i32 to index
      %get3A_838 = tpu.vector_load %arg7[%get3A_837] {strides = array<i32>} : memref<81936xf32, #tpu.memory_space<vmem>>, vector<16xf32>,
      %add3A_839 = arith.addf %add3A_832, %get3A_838 : vector<16xf32>
      %mul3A_840 = arith.constant 16 : i32
      %mul3A_841 = arith.muli %scan3A_741, %mul3A_840 : i32
      %add3A_842 = arith.constant 71680 : i32
      %add3A_843 = arith.addi %add3A_842, %mul3A_841 : i32
      %get3A_844 = arith.index_cast %add3A_843 : i32 to index
      %get3A_845 = tpu.vector_load %arg7[%get3A_844] {strides = array<i32>} : memref<81936xf32, #tpu.memory_space<vmem>>, vector<16xf32>,
      %add3A_846 = arith.addf %add3A_839, %get3A_845 : vector<16xf32>
      %mul3A_847 = arith.constant 16 : i32
      %mul3A_848 = arith.muli %scan3A_741, %mul3A_847 : i32
      %add3A_849 = arith.constant 76800 : i32
      %add3A_850 = arith.addi %add3A_849, %mul3A_848 : i32
      %get3A_851 = arith.index_cast %add3A_850 : i32 to index
      %get3A_852 = tpu.vector_load %arg7[%get3A_851] {strides = array<i32>} : memref<81936xf32, #tpu.memory_space<vmem>>, vector<16xf32>,
      %add3A_853 = arith.addf %add3A_846, %get3A_852 : vector<16xf32>
      %add3A_854 = arith.constant 0 : i32
      %add3A_855 = arith.addi %add3A_854, %scan3A_741 : i32
      %swap3A_856 = arith.index_cast %add3A_855 : i32 to index
      %swap3A_857 = arith.constant 0 : index
      %swap3A_858 = tpu.vector_load %arg8[%swap3A_856, %swap3A_857] {strides = array<i32>} : memref<640x16xf32, #tpu.memory_space<vmem>>, vector<16xf32>,
      tpu.vector_store %arg8[%swap3A_856, %swap3A_857], %add3A_853 {strides = array<i32>} : memref<640x16xf32, #tpu.memory_space<vmem>>, vector<16xf32>,
      %scan3A_859 = arith.constant 0 : i32
      scf.yield %scan3A_859 : i32
    }
    %scan3A_50 = arith.constant 320 : i32
    %scan3A_51 = arith.constant 0 : i32
    %scan3A_52 = arith.constant 0 : i32
    %scan3A_53 = arith.constant 5120 : i32
    %scan3A_54 = arith.addi %scan3A_52, %scan3A_53 : i32
    %scan3A_55 = arith.constant 8 : i32
    %scan3A_56 = scf.for %scan3A_620 = %scan3A_52 to %scan3A_54 step %scan3A_55 iter_args(%scan3A_621 = %scan3A_51) -> (i32)  : i32 {
      %mul3A_622 = arith.constant 16 : i32
      %mul3A_623 = arith.muli %scan3A_620, %mul3A_622 : i32
      %swap3A_624 = arith.index_cast %mul3A_623 : i32 to index
      %swap3A_625 = tpu.vector_load %arg7[%swap3A_624] {strides = array<i32>} : memref<81936xf32, #tpu.memory_space<vmem>>, vector<16xf32>,
      tpu.vector_store %arg7[%swap3A_624], %broadcast_in_dim3A_1 {strides = array<i32>} : memref<81936xf32, #tpu.memory_space<vmem>>, vector<16xf32>,
      %scan3A_626 = arith.constant 0 : i32
      %scan3A_627 = arith.constant 1 : i32
      %scan3A_628 = arith.addi %scan3A_620, %scan3A_627 : i32
      %mul3A_629 = arith.constant 16 : i32
      %mul3A_630 = arith.muli %scan3A_628, %mul3A_629 : i32
      %swap3A_631 = arith.index_cast %mul3A_630 : i32 to index
      %swap3A_632 = tpu.vector_load %arg7[%swap3A_631] {strides = array<i32>} : memref<81936xf32, #tpu.memory_space<vmem>>, vector<16xf32>,
      tpu.vector_store %arg7[%swap3A_631], %broadcast_in_dim3A_1 {strides = array<i32>} : memref<81936xf32, #tpu.memory_space<vmem>>, vector<16xf32>,
      %scan3A_633 = arith.constant 0 : i32
      %scan3A_634 = arith.constant 2 : i32
      %scan3A_635 = arith.addi %scan3A_620, %scan3A_634 : i32
      %mul3A_636 = arith.constant 16 : i32
      %mul3A_637 = arith.muli %scan3A_635, %mul3A_636 : i32
      %swap3A_638 = arith.index_cast %mul3A_637 : i32 to index
      %swap3A_639 = tpu.vector_load %arg7[%swap3A_638] {strides = array<i32>} : memref<81936xf32, #tpu.memory_space<vmem>>, vector<16xf32>,
      tpu.vector_store %arg7[%swap3A_638], %broadcast_in_dim3A_1 {strides = array<i32>} : memref<81936xf32, #tpu.memory_space<vmem>>, vector<16xf32>,
      %scan3A_640 = arith.constant 0 : i32
      %scan3A_641 = arith.constant 3 : i32
      %scan3A_642 = arith.addi %scan3A_620, %scan3A_641 : i32
      %mul3A_643 = arith.constant 16 : i32
      %mul3A_644 = arith.muli %scan3A_642, %mul3A_643 : i32
      %swap3A_645 = arith.index_cast %mul3A_644 : i32 to index
      %swap3A_646 = tpu.vector_load %arg7[%swap3A_645] {strides = array<i32>} : memref<81936xf32, #tpu.memory_space<vmem>>, vector<16xf32>,
      tpu.vector_store %arg7[%swap3A_645], %broadcast_in_dim3A_1 {strides = array<i32>} : memref<81936xf32, #tpu.memory_space<vmem>>, vector<16xf32>,
      %scan3A_647 = arith.constant 0 : i32
      %scan3A_648 = arith.constant 4 : i32
      %scan3A_649 = arith.addi %scan3A_620, %scan3A_648 : i32
      %mul3A_650 = arith.constant 16 : i32
      %mul3A_651 = arith.muli %scan3A_649, %mul3A_650 : i32
      %swap3A_652 = arith.index_cast %mul3A_651 : i32 to index
      %swap3A_653 = tpu.vector_load %arg7[%swap3A_652] {strides = array<i32>} : memref<81936xf32, #tpu.memory_space<vmem>>, vector<16xf32>,
      tpu.vector_store %arg7[%swap3A_652], %broadcast_in_dim3A_1 {strides = array<i32>} : memref<81936xf32, #tpu.memory_space<vmem>>, vector<16xf32>,
      %scan3A_654 = arith.constant 0 : i32
      %scan3A_655 = arith.constant 5 : i32
      %scan3A_656 = arith.addi %scan3A_620, %scan3A_655 : i32
      %mul3A_657 = arith.constant 16 : i32
      %mul3A_658 = arith.muli %scan3A_656, %mul3A_657 : i32
      %swap3A_659 = arith.index_cast %mul3A_658 : i32 to index
      %swap3A_660 = tpu.vector_load %arg7[%swap3A_659] {strides = array<i32>} : memref<81936xf32, #tpu.memory_space<vmem>>, vector<16xf32>,
      tpu.vector_store %arg7[%swap3A_659], %broadcast_in_dim3A_1 {strides = array<i32>} : memref<81936xf32, #tpu.memory_space<vmem>>, vector<16xf32>,
      %scan3A_661 = arith.constant 0 : i32
      %scan3A_662 = arith.constant 6 : i32
      %scan3A_663 = arith.addi %scan3A_620, %scan3A_662 : i32
      %mul3A_664 = arith.constant 16 : i32
      %mul3A_665 = arith.muli %scan3A_663, %mul3A_664 : i32
      %swap3A_666 = arith.index_cast %mul3A_665 : i32 to index
      %swap3A_667 = tpu.vector_load %arg7[%swap3A_666] {strides = array<i32>} : memref<81936xf32, #tpu.memory_space<vmem>>, vector<16xf32>,
      tpu.vector_store %arg7[%swap3A_666], %broadcast_in_dim3A_1 {strides = array<i32>} : memref<81936xf32, #tpu.memory_space<vmem>>, vector<16xf32>,
      %scan3A_668 = arith.constant 0 : i32
      %scan3A_669 = arith.constant 7 : i32
      %scan3A_670 = arith.addi %scan3A_620, %scan3A_669 : i32
      %mul3A_671 = arith.constant 16 : i32
      %mul3A_672 = arith.muli %scan3A_670, %mul3A_671 : i32
      %swap3A_673 = arith.index_cast %mul3A_672 : i32 to index
      %swap3A_674 = tpu.vector_load %arg7[%swap3A_673] {strides = array<i32>} : memref<81936xf32, #tpu.memory_space<vmem>>, vector<16xf32>,
      tpu.vector_store %arg7[%swap3A_673], %broadcast_in_dim3A_1 {strides = array<i32>} : memref<81936xf32, #tpu.memory_space<vmem>>, vector<16xf32>,
      %scan3A_675 = arith.constant 0 : i32
      scf.yield %scan3A_675 : i32
    }
    %scan3A_57 = arith.constant 5120 : i32
    %scan3A_58 = arith.addi %scan3A_52, %scan3A_57 : i32
    %mul3A_59 = arith.constant 16 : i32
    %mul3A_60 = arith.muli %scan3A_58, %mul3A_59 : i32
    %swap3A_61 = arith.index_cast %mul3A_60 : i32 to index
    %swap3A_62 = tpu.vector_load %arg7[%swap3A_61] {strides = array<i32>} : memref<81936xf32, #tpu.memory_space<vmem>>, vector<16xf32>,
    tpu.vector_store %arg7[%swap3A_61], %broadcast_in_dim3A_1 {strides = array<i32>} : memref<81936xf32, #tpu.memory_space<vmem>>, vector<16xf32>,
    %scan3A_63 = arith.constant 0 : i32
    %scan3A_64 = arith.constant 5121 : i32
    %scan3A_65 = arith.constant 0 : i32
    %scan3A_66 = arith.constant 0 : i32
    %scan3A_67 = arith.constant 624 : i32
    %scan3A_68 = arith.addi %scan3A_66, %scan3A_67 : i32
    %scan3A_69 = arith.constant 2 : i32
    %scan3A_70 = scf.for %scan3A_620 = %scan3A_66 to %scan3A_68 step %scan3A_69 iter_args(%scan3A_621 = %scan3A_65) -> (i32)  : i32 {
      %mul3A_622 = arith.constant 16 : i32
      %mul3A_623 = arith.muli %scan3A_620, %mul3A_622 : i32
      %get3A_624 = arith.index_cast %mul3A_623 : i32 to index
      %get3A_625 = tpu.vector_load %arg5[%get3A_624] {strides = array<i32>} : memref<10000xi32, #tpu.memory_space<vmem>>, vector<16xi32>,
      %mul3A_626 = arith.constant 16 : i32
      %mul3A_627 = arith.muli %scan3A_620, %mul3A_626 : i32
      %get3A_628 = arith.index_cast %mul3A_627 : i32 to index
      %get3A_629 = tpu.vector_load %arg6[%get3A_628] {strides = array<i32>} : memref<10000xf32, #tpu.memory_space<vmem>>, vector<16xf32>,
      %sub3A_630 = arith.constant 5120 : i32
      %sub3A_631 = vector.broadcast %sub3A_630 : i32 to vector<16xi32>
      %sub3A_632 = arith.subi %get3A_625, %sub3A_631 : vector<16xi32>
      %ge3A_633 = arith.constant 0 : i32
      %ge3A_634 = vector.broadcast %ge3A_633 : i32 to vector<16xi32>
      %ge3A_635 = arith.cmpi sge, %sub3A_632, %ge3A_634 : vector<16xi32>
      %lt3A_636 = arith.constant 5120 : i32
      %lt3A_637 = vector.broadcast %lt3A_636 : i32 to vector<16xi32>
      %lt3A_638 = arith.cmpi slt, %sub3A_632, %lt3A_637 : vector<16xi32>
      %and3A_639 = arith.andi %ge3A_635, %lt3A_638 : vector<16xi1>
      %mul3A_640 = arith.constant 5120 : i32
      %mul3A_641 = vector.broadcast %mul3A_640 : i32 to vector<16xi32>
      %mul3A_642 = arith.muli %iota3A, %mul3A_641 : vector<16xi32>
      %add3A_643 = arith.addi %mul3A_642, %sub3A_632 : vector<16xi32>
      %add3A_644 = arith.constant 81920 : i32
      %add3A_645 = vector.broadcast %add3A_644 : i32 to vector<16xi32>
      %add3A_646 = arith.addi %add3A_645, %iota3A : vector<16xi32>
      %select_n3A_647 = arith.select %and3A_639, %add3A_643, %add3A_646 : vector<16xi1>, vector<16xi32>
      tpu.vector_store_idx %arg7[%select_n3A_647], %get3A_629 {add = true} : memref<81936xf32, #tpu.memory_space<vmem>>[vector<16xi32>], vector<16xf32>,
      %scan3A_648 = arith.constant 0 : i32
      %scan3A_649 = arith.constant 1 : i32
      %scan3A_650 = arith.addi %scan3A_620, %scan3A_649 : i32
      %mul3A_651 = arith.constant 16 : i32
      %mul3A_652 = arith.muli %scan3A_650, %mul3A_651 : i32
      %get3A_653 = arith.index_cast %mul3A_652 : i32 to index
      %get3A_654 = tpu.vector_load %arg5[%get3A_653] {strides = array<i32>} : memref<10000xi32, #tpu.memory_space<vmem>>, vector<16xi32>,
      %mul3A_655 = arith.constant 16 : i32
      %mul3A_656 = arith.muli %scan3A_650, %mul3A_655 : i32
      %get3A_657 = arith.index_cast %mul3A_656 : i32 to index
      %get3A_658 = tpu.vector_load %arg6[%get3A_657] {strides = array<i32>} : memref<10000xf32, #tpu.memory_space<vmem>>, vector<16xf32>,
      %sub3A_659 = arith.constant 5120 : i32
      %sub3A_660 = vector.broadcast %sub3A_659 : i32 to vector<16xi32>
      %sub3A_661 = arith.subi %get3A_654, %sub3A_660 : vector<16xi32>
      %ge3A_662 = arith.constant 0 : i32
      %ge3A_663 = vector.broadcast %ge3A_662 : i32 to vector<16xi32>
      %ge3A_664 = arith.cmpi sge, %sub3A_661, %ge3A_663 : vector<16xi32>
      %lt3A_665 = arith.constant 5120 : i32
      %lt3A_666 = vector.broadcast %lt3A_665 : i32 to vector<16xi32>
      %lt3A_667 = arith.cmpi slt, %sub3A_661, %lt3A_666 : vector<16xi32>
      %and3A_668 = arith.andi %ge3A_664, %lt3A_667 : vector<16xi1>
      %mul3A_669 = arith.constant 5120 : i32
      %mul3A_670 = vector.broadcast %mul3A_669 : i32 to vector<16xi32>
      %mul3A_671 = arith.muli %iota3A, %mul3A_670 : vector<16xi32>
      %add3A_672 = arith.addi %mul3A_671, %sub3A_661 : vector<16xi32>
      %add3A_673 = arith.constant 81920 : i32
      %add3A_674 = vector.broadcast %add3A_673 : i32 to vector<16xi32>
      %add3A_675 = arith.addi %add3A_674, %iota3A : vector<16xi32>
      %select_n3A_676 = arith.select %and3A_668, %add3A_672, %add3A_675 : vector<16xi1>, vector<16xi32>
      tpu.vector_store_idx %arg7[%select_n3A_676], %get3A_658 {add = true} : memref<81936xf32, #tpu.memory_space<vmem>>[vector<16xi32>], vector<16xf32>,
      %scan3A_677 = arith.constant 0 : i32
      scf.yield %scan3A_677 : i32
    }
    %scan3A_71 = arith.constant 624 : i32
    %scan3A_72 = arith.addi %scan3A_66, %scan3A_71 : i32
    %mul3A_73 = arith.constant 16 : i32
    %mul3A_74 = arith.muli %scan3A_72, %mul3A_73 : i32
    %get3A_75 = arith.index_cast %mul3A_74 : i32 to index
    %get3A_76 = tpu.vector_load %arg5[%get3A_75] {strides = array<i32>} : memref<10000xi32, #tpu.memory_space<vmem>>, vector<16xi32>,
    %mul3A_77 = arith.constant 16 : i32
    %mul3A_78 = arith.muli %scan3A_72, %mul3A_77 : i32
    %get3A_79 = arith.index_cast %mul3A_78 : i32 to index
    %get3A_80 = tpu.vector_load %arg6[%get3A_79] {strides = array<i32>} : memref<10000xf32, #tpu.memory_space<vmem>>, vector<16xf32>,
    %sub3A_81 = arith.constant 5120 : i32
    %sub3A_82 = vector.broadcast %sub3A_81 : i32 to vector<16xi32>
    %sub3A_83 = arith.subi %get3A_76, %sub3A_82 : vector<16xi32>
    %ge3A_84 = arith.constant 0 : i32
    %ge3A_85 = vector.broadcast %ge3A_84 : i32 to vector<16xi32>
    %ge3A_86 = arith.cmpi sge, %sub3A_83, %ge3A_85 : vector<16xi32>
    %lt3A_87 = arith.constant 5120 : i32
    %lt3A_88 = vector.broadcast %lt3A_87 : i32 to vector<16xi32>
    %lt3A_89 = arith.cmpi slt, %sub3A_83, %lt3A_88 : vector<16xi32>
    %and3A_90 = arith.andi %ge3A_86, %lt3A_89 : vector<16xi1>
    %mul3A_91 = arith.constant 5120 : i32
    %mul3A_92 = vector.broadcast %mul3A_91 : i32 to vector<16xi32>
    %mul3A_93 = arith.muli %iota3A, %mul3A_92 : vector<16xi32>
    %add3A_94 = arith.addi %mul3A_93, %sub3A_83 : vector<16xi32>
    %add3A_95 = arith.constant 81920 : i32
    %add3A_96 = vector.broadcast %add3A_95 : i32 to vector<16xi32>
    %add3A_97 = arith.addi %add3A_96, %iota3A : vector<16xi32>
    %select_n3A_98 = arith.select %and3A_90, %add3A_94, %add3A_97 : vector<16xi1>, vector<16xi32>
    tpu.vector_store_idx %arg7[%select_n3A_98], %get3A_80 {add = true} : memref<81936xf32, #tpu.memory_space<vmem>>[vector<16xi32>], vector<16xf32>,
    %scan3A_99 = arith.constant 0 : i32
    %scan3A_100 = arith.constant 625 : i32
    %scan3A_101 = arith.constant 0 : i32
    %scan3A_102 = arith.constant 0 : i32
    %scan3A_103 = arith.constant 320 : i32
    %scan3A_104 = arith.addi %scan3A_102, %scan3A_103 : i32
    %scan3A_105 = arith.constant 2 : i32
    %scan3A_106 = scf.for %scan3A_620 = %scan3A_102 to %scan3A_104 step %scan3A_105 iter_args(%scan3A_621 = %scan3A_101) -> (i32)  : i32 {
      %mul3A_622 = arith.constant 16 : i32
      %mul3A_623 = arith.muli %scan3A_620, %mul3A_622 : i32
      %add3A_624 = arith.constant 0 : i32
      %add3A_625 = arith.addi %add3A_624, %mul3A_623 : i32
      %get3A_626 = arith.index_cast %add3A_625 : i32 to index
      %get3A_627 = tpu.vector_load %arg7[%get3A_626] {strides = array<i32>} : memref<81936xf32, #tpu.memory_space<vmem>>, vector<16xf32>,
      %add3A_628 = arith.addf %broadcast_in_dim3A_1, %get3A_627 : vector<16xf32>
      %mul3A_629 = arith.constant 16 : i32
      %mul3A_630 = arith.muli %scan3A_620, %mul3A_629 : i32
      %add3A_631 = arith.constant 5120 : i32
      %add3A_632 = arith.addi %add3A_631, %mul3A_630 : i32
      %get3A_633 = arith.index_cast %add3A_632 : i32 to index
      %get3A_634 = tpu.vector_load %arg7[%get3A_633] {strides = array<i32>} : memref<81936xf32, #tpu.memory_space<vmem>>, vector<16xf32>,
      %add3A_635 = arith.addf %add3A_628, %get3A_634 : vector<16xf32>
      %mul3A_636 = arith.constant 16 : i32
      %mul3A_637 = arith.muli %scan3A_620, %mul3A_636 : i32
      %add3A_638 = arith.constant 10240 : i32
      %add3A_639 = arith.addi %add3A_638, %mul3A_637 : i32
      %get3A_640 = arith.index_cast %add3A_639 : i32 to index
      %get3A_641 = tpu.vector_load %arg7[%get3A_640] {strides = array<i32>} : memref<81936xf32, #tpu.memory_space<vmem>>, vector<16xf32>,
      %add3A_642 = arith.addf %add3A_635, %get3A_641 : vector<16xf32>
      %mul3A_643 = arith.constant 16 : i32
      %mul3A_644 = arith.muli %scan3A_620, %mul3A_643 : i32
      %add3A_645 = arith.constant 15360 : i32
      %add3A_646 = arith.addi %add3A_645, %mul3A_644 : i32
      %get3A_647 = arith.index_cast %add3A_646 : i32 to index
      %get3A_648 = tpu.vector_load %arg7[%get3A_647] {strides = array<i32>} : memref<81936xf32, #tpu.memory_space<vmem>>, vector<16xf32>,
      %add3A_649 = arith.addf %add3A_642, %get3A_648 : vector<16xf32>
      %mul3A_650 = arith.constant 16 : i32
      %mul3A_651 = arith.muli %scan3A_620, %mul3A_650 : i32
      %add3A_652 = arith.constant 20480 : i32
      %add3A_653 = arith.addi %add3A_652, %mul3A_651 : i32
      %get3A_654 = arith.index_cast %add3A_653 : i32 to index
      %get3A_655 = tpu.vector_load %arg7[%get3A_654] {strides = array<i32>} : memref<81936xf32, #tpu.memory_space<vmem>>, vector<16xf32>,
      %add3A_656 = arith.addf %add3A_649, %get3A_655 : vector<16xf32>
      %mul3A_657 = arith.constant 16 : i32
      %mul3A_658 = arith.muli %scan3A_620, %mul3A_657 : i32
      %add3A_659 = arith.constant 25600 : i32
      %add3A_660 = arith.addi %add3A_659, %mul3A_658 : i32
      %get3A_661 = arith.index_cast %add3A_660 : i32 to index
      %get3A_662 = tpu.vector_load %arg7[%get3A_661] {strides = array<i32>} : memref<81936xf32, #tpu.memory_space<vmem>>, vector<16xf32>,
      %add3A_663 = arith.addf %add3A_656, %get3A_662 : vector<16xf32>
      %mul3A_664 = arith.constant 16 : i32
      %mul3A_665 = arith.muli %scan3A_620, %mul3A_664 : i32
      %add3A_666 = arith.constant 30720 : i32
      %add3A_667 = arith.addi %add3A_666, %mul3A_665 : i32
      %get3A_668 = arith.index_cast %add3A_667 : i32 to index
      %get3A_669 = tpu.vector_load %arg7[%get3A_668] {strides = array<i32>} : memref<81936xf32, #tpu.memory_space<vmem>>, vector<16xf32>,
      %add3A_670 = arith.addf %add3A_663, %get3A_669 : vector<16xf32>
      %mul3A_671 = arith.constant 16 : i32
      %mul3A_672 = arith.muli %scan3A_620, %mul3A_671 : i32
      %add3A_673 = arith.constant 35840 : i32
      %add3A_674 = arith.addi %add3A_673, %mul3A_672 : i32
      %get3A_675 = arith.index_cast %add3A_674 : i32 to index
      %get3A_676 = tpu.vector_load %arg7[%get3A_675] {strides = array<i32>} : memref<81936xf32, #tpu.memory_space<vmem>>, vector<16xf32>,
      %add3A_677 = arith.addf %add3A_670, %get3A_676 : vector<16xf32>
      %mul3A_678 = arith.constant 16 : i32
      %mul3A_679 = arith.muli %scan3A_620, %mul3A_678 : i32
      %add3A_680 = arith.constant 40960 : i32
      %add3A_681 = arith.addi %add3A_680, %mul3A_679 : i32
      %get3A_682 = arith.index_cast %add3A_681 : i32 to index
      %get3A_683 = tpu.vector_load %arg7[%get3A_682] {strides = array<i32>} : memref<81936xf32, #tpu.memory_space<vmem>>, vector<16xf32>,
      %add3A_684 = arith.addf %add3A_677, %get3A_683 : vector<16xf32>
      %mul3A_685 = arith.constant 16 : i32
      %mul3A_686 = arith.muli %scan3A_620, %mul3A_685 : i32
      %add3A_687 = arith.constant 46080 : i32
      %add3A_688 = arith.addi %add3A_687, %mul3A_686 : i32
      %get3A_689 = arith.index_cast %add3A_688 : i32 to index
      %get3A_690 = tpu.vector_load %arg7[%get3A_689] {strides = array<i32>} : memref<81936xf32, #tpu.memory_space<vmem>>, vector<16xf32>,
      %add3A_691 = arith.addf %add3A_684, %get3A_690 : vector<16xf32>
      %mul3A_692 = arith.constant 16 : i32
      %mul3A_693 = arith.muli %scan3A_620, %mul3A_692 : i32
      %add3A_694 = arith.constant 51200 : i32
      %add3A_695 = arith.addi %add3A_694, %mul3A_693 : i32
      %get3A_696 = arith.index_cast %add3A_695 : i32 to index
      %get3A_697 = tpu.vector_load %arg7[%get3A_696] {strides = array<i32>} : memref<81936xf32, #tpu.memory_space<vmem>>, vector<16xf32>,
      %add3A_698 = arith.addf %add3A_691, %get3A_697 : vector<16xf32>
      %mul3A_699 = arith.constant 16 : i32
      %mul3A_700 = arith.muli %scan3A_620, %mul3A_699 : i32
      %add3A_701 = arith.constant 56320 : i32
      %add3A_702 = arith.addi %add3A_701, %mul3A_700 : i32
      %get3A_703 = arith.index_cast %add3A_702 : i32 to index
      %get3A_704 = tpu.vector_load %arg7[%get3A_703] {strides = array<i32>} : memref<81936xf32, #tpu.memory_space<vmem>>, vector<16xf32>,
      %add3A_705 = arith.addf %add3A_698, %get3A_704 : vector<16xf32>
      %mul3A_706 = arith.constant 16 : i32
      %mul3A_707 = arith.muli %scan3A_620, %mul3A_706 : i32
      %add3A_708 = arith.constant 61440 : i32
      %add3A_709 = arith.addi %add3A_708, %mul3A_707 : i32
      %get3A_710 = arith.index_cast %add3A_709 : i32 to index
      %get3A_711 = tpu.vector_load %arg7[%get3A_710] {strides = array<i32>} : memref<81936xf32, #tpu.memory_space<vmem>>, vector<16xf32>,
      %add3A_712 = arith.addf %add3A_705, %get3A_711 : vector<16xf32>
      %mul3A_713 = arith.constant 16 : i32
      %mul3A_714 = arith.muli %scan3A_620, %mul3A_713 : i32
      %add3A_715 = arith.constant 66560 : i32
      %add3A_716 = arith.addi %add3A_715, %mul3A_714 : i32
      %get3A_717 = arith.index_cast %add3A_716 : i32 to index
      %get3A_718 = tpu.vector_load %arg7[%get3A_717] {strides = array<i32>} : memref<81936xf32, #tpu.memory_space<vmem>>, vector<16xf32>,
      %add3A_719 = arith.addf %add3A_712, %get3A_718 : vector<16xf32>
      %mul3A_720 = arith.constant 16 : i32
      %mul3A_721 = arith.muli %scan3A_620, %mul3A_720 : i32
      %add3A_722 = arith.constant 71680 : i32
      %add3A_723 = arith.addi %add3A_722, %mul3A_721 : i32
      %get3A_724 = arith.index_cast %add3A_723 : i32 to index
      %get3A_725 = tpu.vector_load %arg7[%get3A_724] {strides = array<i32>} : memref<81936xf32, #tpu.memory_space<vmem>>, vector<16xf32>,
      %add3A_726 = arith.addf %add3A_719, %get3A_725 : vector<16xf32>
      %mul3A_727 = arith.constant 16 : i32
      %mul3A_728 = arith.muli %scan3A_620, %mul3A_727 : i32
      %add3A_729 = arith.constant 76800 : i32
      %add3A_730 = arith.addi %add3A_729, %mul3A_728 : i32
      %get3A_731 = arith.index_cast %add3A_730 : i32 to index
      %get3A_732 = tpu.vector_load %arg7[%get3A_731] {strides = array<i32>} : memref<81936xf32, #tpu.memory_space<vmem>>, vector<16xf32>,
      %add3A_733 = arith.addf %add3A_726, %get3A_732 : vector<16xf32>
      %add3A_734 = arith.constant 320 : i32
      %add3A_735 = arith.addi %add3A_734, %scan3A_620 : i32
      %swap3A_736 = arith.index_cast %add3A_735 : i32 to index
      %swap3A_737 = arith.constant 0 : index
      %swap3A_738 = tpu.vector_load %arg8[%swap3A_736, %swap3A_737] {strides = array<i32>} : memref<640x16xf32, #tpu.memory_space<vmem>>, vector<16xf32>,
      tpu.vector_store %arg8[%swap3A_736, %swap3A_737], %add3A_733 {strides = array<i32>} : memref<640x16xf32, #tpu.memory_space<vmem>>, vector<16xf32>,
      %scan3A_739 = arith.constant 0 : i32
      %scan3A_740 = arith.constant 1 : i32
      %scan3A_741 = arith.addi %scan3A_620, %scan3A_740 : i32
      %mul3A_742 = arith.constant 16 : i32
      %mul3A_743 = arith.muli %scan3A_741, %mul3A_742 : i32
      %add3A_744 = arith.constant 0 : i32
      %add3A_745 = arith.addi %add3A_744, %mul3A_743 : i32
      %get3A_746 = arith.index_cast %add3A_745 : i32 to index
      %get3A_747 = tpu.vector_load %arg7[%get3A_746] {strides = array<i32>} : memref<81936xf32, #tpu.memory_space<vmem>>, vector<16xf32>,
      %add3A_748 = arith.addf %broadcast_in_dim3A_1, %get3A_747 : vector<16xf32>
      %mul3A_749 = arith.constant 16 : i32
      %mul3A_750 = arith.muli %scan3A_741, %mul3A_749 : i32
      %add3A_751 = arith.constant 5120 : i32
      %add3A_752 = arith.addi %add3A_751, %mul3A_750 : i32
      %get3A_753 = arith.index_cast %add3A_752 : i32 to index
      %get3A_754 = tpu.vector_load %arg7[%get3A_753] {strides = array<i32>} : memref<81936xf32, #tpu.memory_space<vmem>>, vector<16xf32>,
      %add3A_755 = arith.addf %add3A_748, %get3A_754 : vector<16xf32>
      %mul3A_756 = arith.constant 16 : i32
      %mul3A_757 = arith.muli %scan3A_741, %mul3A_756 : i32
      %add3A_758 = arith.constant 10240 : i32
      %add3A_759 = arith.addi %add3A_758, %mul3A_757 : i32
      %get3A_760 = arith.index_cast %add3A_759 : i32 to index
      %get3A_761 = tpu.vector_load %arg7[%get3A_760] {strides = array<i32>} : memref<81936xf32, #tpu.memory_space<vmem>>, vector<16xf32>,
      %add3A_762 = arith.addf %add3A_755, %get3A_761 : vector<16xf32>
      %mul3A_763 = arith.constant 16 : i32
      %mul3A_764 = arith.muli %scan3A_741, %mul3A_763 : i32
      %add3A_765 = arith.constant 15360 : i32
      %add3A_766 = arith.addi %add3A_765, %mul3A_764 : i32
      %get3A_767 = arith.index_cast %add3A_766 : i32 to index
      %get3A_768 = tpu.vector_load %arg7[%get3A_767] {strides = array<i32>} : memref<81936xf32, #tpu.memory_space<vmem>>, vector<16xf32>,
      %add3A_769 = arith.addf %add3A_762, %get3A_768 : vector<16xf32>
      %mul3A_770 = arith.constant 16 : i32
      %mul3A_771 = arith.muli %scan3A_741, %mul3A_770 : i32
      %add3A_772 = arith.constant 20480 : i32
      %add3A_773 = arith.addi %add3A_772, %mul3A_771 : i32
      %get3A_774 = arith.index_cast %add3A_773 : i32 to index
      %get3A_775 = tpu.vector_load %arg7[%get3A_774] {strides = array<i32>} : memref<81936xf32, #tpu.memory_space<vmem>>, vector<16xf32>,
      %add3A_776 = arith.addf %add3A_769, %get3A_775 : vector<16xf32>
      %mul3A_777 = arith.constant 16 : i32
      %mul3A_778 = arith.muli %scan3A_741, %mul3A_777 : i32
      %add3A_779 = arith.constant 25600 : i32
      %add3A_780 = arith.addi %add3A_779, %mul3A_778 : i32
      %get3A_781 = arith.index_cast %add3A_780 : i32 to index
      %get3A_782 = tpu.vector_load %arg7[%get3A_781] {strides = array<i32>} : memref<81936xf32, #tpu.memory_space<vmem>>, vector<16xf32>,
      %add3A_783 = arith.addf %add3A_776, %get3A_782 : vector<16xf32>
      %mul3A_784 = arith.constant 16 : i32
      %mul3A_785 = arith.muli %scan3A_741, %mul3A_784 : i32
      %add3A_786 = arith.constant 30720 : i32
      %add3A_787 = arith.addi %add3A_786, %mul3A_785 : i32
      %get3A_788 = arith.index_cast %add3A_787 : i32 to index
      %get3A_789 = tpu.vector_load %arg7[%get3A_788] {strides = array<i32>} : memref<81936xf32, #tpu.memory_space<vmem>>, vector<16xf32>,
      %add3A_790 = arith.addf %add3A_783, %get3A_789 : vector<16xf32>
      %mul3A_791 = arith.constant 16 : i32
      %mul3A_792 = arith.muli %scan3A_741, %mul3A_791 : i32
      %add3A_793 = arith.constant 35840 : i32
      %add3A_794 = arith.addi %add3A_793, %mul3A_792 : i32
      %get3A_795 = arith.index_cast %add3A_794 : i32 to index
      %get3A_796 = tpu.vector_load %arg7[%get3A_795] {strides = array<i32>} : memref<81936xf32, #tpu.memory_space<vmem>>, vector<16xf32>,
      %add3A_797 = arith.addf %add3A_790, %get3A_796 : vector<16xf32>
      %mul3A_798 = arith.constant 16 : i32
      %mul3A_799 = arith.muli %scan3A_741, %mul3A_798 : i32
      %add3A_800 = arith.constant 40960 : i32
      %add3A_801 = arith.addi %add3A_800, %mul3A_799 : i32
      %get3A_802 = arith.index_cast %add3A_801 : i32 to index
      %get3A_803 = tpu.vector_load %arg7[%get3A_802] {strides = array<i32>} : memref<81936xf32, #tpu.memory_space<vmem>>, vector<16xf32>,
      %add3A_804 = arith.addf %add3A_797, %get3A_803 : vector<16xf32>
      %mul3A_805 = arith.constant 16 : i32
      %mul3A_806 = arith.muli %scan3A_741, %mul3A_805 : i32
      %add3A_807 = arith.constant 46080 : i32
      %add3A_808 = arith.addi %add3A_807, %mul3A_806 : i32
      %get3A_809 = arith.index_cast %add3A_808 : i32 to index
      %get3A_810 = tpu.vector_load %arg7[%get3A_809] {strides = array<i32>} : memref<81936xf32, #tpu.memory_space<vmem>>, vector<16xf32>,
      %add3A_811 = arith.addf %add3A_804, %get3A_810 : vector<16xf32>
      %mul3A_812 = arith.constant 16 : i32
      %mul3A_813 = arith.muli %scan3A_741, %mul3A_812 : i32
      %add3A_814 = arith.constant 51200 : i32
      %add3A_815 = arith.addi %add3A_814, %mul3A_813 : i32
      %get3A_816 = arith.index_cast %add3A_815 : i32 to index
      %get3A_817 = tpu.vector_load %arg7[%get3A_816] {strides = array<i32>} : memref<81936xf32, #tpu.memory_space<vmem>>, vector<16xf32>,
      %add3A_818 = arith.addf %add3A_811, %get3A_817 : vector<16xf32>
      %mul3A_819 = arith.constant 16 : i32
      %mul3A_820 = arith.muli %scan3A_741, %mul3A_819 : i32
      %add3A_821 = arith.constant 56320 : i32
      %add3A_822 = arith.addi %add3A_821, %mul3A_820 : i32
      %get3A_823 = arith.index_cast %add3A_822 : i32 to index
      %get3A_824 = tpu.vector_load %arg7[%get3A_823] {strides = array<i32>} : memref<81936xf32, #tpu.memory_space<vmem>>, vector<16xf32>,
      %add3A_825 = arith.addf %add3A_818, %get3A_824 : vector<16xf32>
      %mul3A_826 = arith.constant 16 : i32
      %mul3A_827 = arith.muli %scan3A_741, %mul3A_826 : i32
      %add3A_828 = arith.constant 61440 : i32
      %add3A_829 = arith.addi %add3A_828, %mul3A_827 : i32
      %get3A_830 = arith.index_cast %add3A_829 : i32 to index
      %get3A_831 = tpu.vector_load %arg7[%get3A_830] {strides = array<i32>} : memref<81936xf32, #tpu.memory_space<vmem>>, vector<16xf32>,
      %add3A_832 = arith.addf %add3A_825, %get3A_831 : vector<16xf32>
      %mul3A_833 = arith.constant 16 : i32
      %mul3A_834 = arith.muli %scan3A_741, %mul3A_833 : i32
      %add3A_835 = arith.constant 66560 : i32
      %add3A_836 = arith.addi %add3A_835, %mul3A_834 : i32
      %get3A_837 = arith.index_cast %add3A_836 : i32 to index
      %get3A_838 = tpu.vector_load %arg7[%get3A_837] {strides = array<i32>} : memref<81936xf32, #tpu.memory_space<vmem>>, vector<16xf32>,
      %add3A_839 = arith.addf %add3A_832, %get3A_838 : vector<16xf32>
      %mul3A_840 = arith.constant 16 : i32
      %mul3A_841 = arith.muli %scan3A_741, %mul3A_840 : i32
      %add3A_842 = arith.constant 71680 : i32
      %add3A_843 = arith.addi %add3A_842, %mul3A_841 : i32
      %get3A_844 = arith.index_cast %add3A_843 : i32 to index
      %get3A_845 = tpu.vector_load %arg7[%get3A_844] {strides = array<i32>} : memref<81936xf32, #tpu.memory_space<vmem>>, vector<16xf32>,
      %add3A_846 = arith.addf %add3A_839, %get3A_845 : vector<16xf32>
      %mul3A_847 = arith.constant 16 : i32
      %mul3A_848 = arith.muli %scan3A_741, %mul3A_847 : i32
      %add3A_849 = arith.constant 76800 : i32
      %add3A_850 = arith.addi %add3A_849, %mul3A_848 : i32
      %get3A_851 = arith.index_cast %add3A_850 : i32 to index
      %get3A_852 = tpu.vector_load %arg7[%get3A_851] {strides = array<i32>} : memref<81936xf32, #tpu.memory_space<vmem>>, vector<16xf32>,
      %add3A_853 = arith.addf %add3A_846, %get3A_852 : vector<16xf32>
      %add3A_854 = arith.constant 320 : i32
      %add3A_855 = arith.addi %add3A_854, %scan3A_741 : i32
      %swap3A_856 = arith.index_cast %add3A_855 : i32 to index
      %swap3A_857 = arith.constant 0 : index
      %swap3A_858 = tpu.vector_load %arg8[%swap3A_856, %swap3A_857] {strides = array<i32>} : memref<640x16xf32, #tpu.memory_space<vmem>>, vector<16xf32>,
      tpu.vector_store %arg8[%swap3A_856, %swap3A_857], %add3A_853 {strides = array<i32>} : memref<640x16xf32, #tpu.memory_space<vmem>>, vector<16xf32>,
      %scan3A_859 = arith.constant 0 : i32
      scf.yield %scan3A_859 : i32
    }
    %scan3A_107 = arith.constant 320 : i32
    %add3A_108 = arith.constant 0 : i32
    %add3A_109 = vector.broadcast %add3A_108 : i32 to vector<16xi32>
    %add3A_110 = arith.addi %iota3A, %add3A_109 : vector<16xi32>
    %add3A_111 = arith.constant 0 : i32
    %add3A_112 = vector.broadcast %add3A_111 : i32 to vector<16xi32>
    %add3A_113 = arith.addi %add3A_110, %add3A_112 : vector<16xi32>
    %swap3A_114 = arith.constant 0 : i32
    %swap3A_115 = arith.index_cast %swap3A_114 : i32 to index
    %swap3A_116 = arith.constant 0 : index
    %swap3A_117 = tpu.vector_load %arg9[%swap3A_115, %swap3A_116] {strides = array<i32>} : memref<5x128xi32, #tpu.memory_space<vmem>>, vector<16xi32>,
    tpu.vector_store %arg9[%swap3A_115, %swap3A_116], %add3A_113 {strides = array<i32>} : memref<5x128xi32, #tpu.memory_space<vmem>>, vector<16xi32>,
    %add3A_118 = arith.constant 0 : i32
    %add3A_119 = vector.broadcast %add3A_118 : i32 to vector<16xi32>
    %add3A_120 = arith.addi %iota3A, %add3A_119 : vector<16xi32>
    %add3A_121 = arith.constant 16 : i32
    %add3A_122 = vector.broadcast %add3A_121 : i32 to vector<16xi32>
    %add3A_123 = arith.addi %add3A_120, %add3A_122 : vector<16xi32>
    %swap3A_124 = arith.constant 0 : i32
    %swap3A_125 = arith.index_cast %swap3A_124 : i32 to index
    %swap3A_126 = arith.constant 16 : index
    %swap3A_127 = tpu.vector_load %arg9[%swap3A_125, %swap3A_126] {strides = array<i32>} : memref<5x128xi32, #tpu.memory_space<vmem>>, vector<16xi32>,
    tpu.vector_store %arg9[%swap3A_125, %swap3A_126], %add3A_123 {strides = array<i32>} : memref<5x128xi32, #tpu.memory_space<vmem>>, vector<16xi32>,
    %add3A_128 = arith.constant 0 : i32
    %add3A_129 = vector.broadcast %add3A_128 : i32 to vector<16xi32>
    %add3A_130 = arith.addi %iota3A, %add3A_129 : vector<16xi32>
    %add3A_131 = arith.constant 32 : i32
    %add3A_132 = vector.broadcast %add3A_131 : i32 to vector<16xi32>
    %add3A_133 = arith.addi %add3A_130, %add3A_132 : vector<16xi32>
    %swap3A_134 = arith.constant 0 : i32
    %swap3A_135 = arith.index_cast %swap3A_134 : i32 to index
    %swap3A_136 = arith.constant 32 : index
    %swap3A_137 = tpu.vector_load %arg9[%swap3A_135, %swap3A_136] {strides = array<i32>} : memref<5x128xi32, #tpu.memory_space<vmem>>, vector<16xi32>,
    tpu.vector_store %arg9[%swap3A_135, %swap3A_136], %add3A_133 {strides = array<i32>} : memref<5x128xi32, #tpu.memory_space<vmem>>, vector<16xi32>,
    %add3A_138 = arith.constant 0 : i32
    %add3A_139 = vector.broadcast %add3A_138 : i32 to vector<16xi32>
    %add3A_140 = arith.addi %iota3A, %add3A_139 : vector<16xi32>
    %add3A_141 = arith.constant 48 : i32
    %add3A_142 = vector.broadcast %add3A_141 : i32 to vector<16xi32>
    %add3A_143 = arith.addi %add3A_140, %add3A_142 : vector<16xi32>
    %swap3A_144 = arith.constant 0 : i32
    %swap3A_145 = arith.index_cast %swap3A_144 : i32 to index
    %swap3A_146 = arith.constant 48 : index
    %swap3A_147 = tpu.vector_load %arg9[%swap3A_145, %swap3A_146] {strides = array<i32>} : memref<5x128xi32, #tpu.memory_space<vmem>>, vector<16xi32>,
    tpu.vector_store %arg9[%swap3A_145, %swap3A_146], %add3A_143 {strides = array<i32>} : memref<5x128xi32, #tpu.memory_space<vmem>>, vector<16xi32>,
    %add3A_148 = arith.constant 0 : i32
    %add3A_149 = vector.broadcast %add3A_148 : i32 to vector<16xi32>
    %add3A_150 = arith.addi %iota3A, %add3A_149 : vector<16xi32>
    %add3A_151 = arith.constant 64 : i32
    %add3A_152 = vector.broadcast %add3A_151 : i32 to vector<16xi32>
    %add3A_153 = arith.addi %add3A_150, %add3A_152 : vector<16xi32>
    %swap3A_154 = arith.constant 0 : i32
    %swap3A_155 = arith.index_cast %swap3A_154 : i32 to index
    %swap3A_156 = arith.constant 64 : index
    %swap3A_157 = tpu.vector_load %arg9[%swap3A_155, %swap3A_156] {strides = array<i32>} : memref<5x128xi32, #tpu.memory_space<vmem>>, vector<16xi32>,
    tpu.vector_store %arg9[%swap3A_155, %swap3A_156], %add3A_153 {strides = array<i32>} : memref<5x128xi32, #tpu.memory_space<vmem>>, vector<16xi32>,
    %add3A_158 = arith.constant 0 : i32
    %add3A_159 = vector.broadcast %add3A_158 : i32 to vector<16xi32>
    %add3A_160 = arith.addi %iota3A, %add3A_159 : vector<16xi32>
    %add3A_161 = arith.constant 80 : i32
    %add3A_162 = vector.broadcast %add3A_161 : i32 to vector<16xi32>
    %add3A_163 = arith.addi %add3A_160, %add3A_162 : vector<16xi32>
    %swap3A_164 = arith.constant 0 : i32
    %swap3A_165 = arith.index_cast %swap3A_164 : i32 to index
    %swap3A_166 = arith.constant 80 : index
    %swap3A_167 = tpu.vector_load %arg9[%swap3A_165, %swap3A_166] {strides = array<i32>} : memref<5x128xi32, #tpu.memory_space<vmem>>, vector<16xi32>,
    tpu.vector_store %arg9[%swap3A_165, %swap3A_166], %add3A_163 {strides = array<i32>} : memref<5x128xi32, #tpu.memory_space<vmem>>, vector<16xi32>,
    %add3A_168 = arith.constant 0 : i32
    %add3A_169 = vector.broadcast %add3A_168 : i32 to vector<16xi32>
    %add3A_170 = arith.addi %iota3A, %add3A_169 : vector<16xi32>
    %add3A_171 = arith.constant 96 : i32
    %add3A_172 = vector.broadcast %add3A_171 : i32 to vector<16xi32>
    %add3A_173 = arith.addi %add3A_170, %add3A_172 : vector<16xi32>
    %swap3A_174 = arith.constant 0 : i32
    %swap3A_175 = arith.index_cast %swap3A_174 : i32 to index
    %swap3A_176 = arith.constant 96 : index
    %swap3A_177 = tpu.vector_load %arg9[%swap3A_175, %swap3A_176] {strides = array<i32>} : memref<5x128xi32, #tpu.memory_space<vmem>>, vector<16xi32>,
    tpu.vector_store %arg9[%swap3A_175, %swap3A_176], %add3A_173 {strides = array<i32>} : memref<5x128xi32, #tpu.memory_space<vmem>>, vector<16xi32>,
    %add3A_178 = arith.constant 0 : i32
    %add3A_179 = vector.broadcast %add3A_178 : i32 to vector<16xi32>
    %add3A_180 = arith.addi %iota3A, %add3A_179 : vector<16xi32>
    %add3A_181 = arith.constant 112 : i32
    %add3A_182 = vector.broadcast %add3A_181 : i32 to vector<16xi32>
    %add3A_183 = arith.addi %add3A_180, %add3A_182 : vector<16xi32>
    %swap3A_184 = arith.constant 0 : i32
    %swap3A_185 = arith.index_cast %swap3A_184 : i32 to index
    %swap3A_186 = arith.constant 112 : index
    %swap3A_187 = tpu.vector_load %arg9[%swap3A_185, %swap3A_186] {strides = array<i32>} : memref<5x128xi32, #tpu.memory_space<vmem>>, vector<16xi32>,
    tpu.vector_store %arg9[%swap3A_185, %swap3A_186], %add3A_183 {strides = array<i32>} : memref<5x128xi32, #tpu.memory_space<vmem>>, vector<16xi32>,
    %add3A_188 = arith.constant 128 : i32
    %add3A_189 = vector.broadcast %add3A_188 : i32 to vector<16xi32>
    %add3A_190 = arith.addi %iota3A, %add3A_189 : vector<16xi32>
    %add3A_191 = arith.constant 0 : i32
    %add3A_192 = vector.broadcast %add3A_191 : i32 to vector<16xi32>
    %add3A_193 = arith.addi %add3A_190, %add3A_192 : vector<16xi32>
    %swap3A_194 = arith.constant 1 : i32
    %swap3A_195 = arith.index_cast %swap3A_194 : i32 to index
    %swap3A_196 = arith.constant 0 : index
    %swap3A_197 = tpu.vector_load %arg9[%swap3A_195, %swap3A_196] {strides = array<i32>} : memref<5x128xi32, #tpu.memory_space<vmem>>, vector<16xi32>,
    tpu.vector_store %arg9[%swap3A_195, %swap3A_196], %add3A_193 {strides = array<i32>} : memref<5x128xi32, #tpu.memory_space<vmem>>, vector<16xi32>,
    %add3A_198 = arith.constant 128 : i32
    %add3A_199 = vector.broadcast %add3A_198 : i32 to vector<16xi32>
    %add3A_200 = arith.addi %iota3A, %add3A_199 : vector<16xi32>
    %add3A_201 = arith.constant 16 : i32
    %add3A_202 = vector.broadcast %add3A_201 : i32 to vector<16xi32>
    %add3A_203 = arith.addi %add3A_200, %add3A_202 : vector<16xi32>
    %swap3A_204 = arith.constant 1 : i32
    %swap3A_205 = arith.index_cast %swap3A_204 : i32 to index
    %swap3A_206 = arith.constant 16 : index
    %swap3A_207 = tpu.vector_load %arg9[%swap3A_205, %swap3A_206] {strides = array<i32>} : memref<5x128xi32, #tpu.memory_space<vmem>>, vector<16xi32>,
    tpu.vector_store %arg9[%swap3A_205, %swap3A_206], %add3A_203 {strides = array<i32>} : memref<5x128xi32, #tpu.memory_space<vmem>>, vector<16xi32>,
    %add3A_208 = arith.constant 128 : i32
    %add3A_209 = vector.broadcast %add3A_208 : i32 to vector<16xi32>
    %add3A_210 = arith.addi %iota3A, %add3A_209 : vector<16xi32>
    %add3A_211 = arith.constant 32 : i32
    %add3A_212 = vector.broadcast %add3A_211 : i32 to vector<16xi32>
    %add3A_213 = arith.addi %add3A_210, %add3A_212 : vector<16xi32>
    %swap3A_214 = arith.constant 1 : i32
    %swap3A_215 = arith.index_cast %swap3A_214 : i32 to index
    %swap3A_216 = arith.constant 32 : index
    %swap3A_217 = tpu.vector_load %arg9[%swap3A_215, %swap3A_216] {strides = array<i32>} : memref<5x128xi32, #tpu.memory_space<vmem>>, vector<16xi32>,
    tpu.vector_store %arg9[%swap3A_215, %swap3A_216], %add3A_213 {strides = array<i32>} : memref<5x128xi32, #tpu.memory_space<vmem>>, vector<16xi32>,
    %add3A_218 = arith.constant 128 : i32
    %add3A_219 = vector.broadcast %add3A_218 : i32 to vector<16xi32>
    %add3A_220 = arith.addi %iota3A, %add3A_219 : vector<16xi32>
    %add3A_221 = arith.constant 48 : i32
    %add3A_222 = vector.broadcast %add3A_221 : i32 to vector<16xi32>
    %add3A_223 = arith.addi %add3A_220, %add3A_222 : vector<16xi32>
    %swap3A_224 = arith.constant 1 : i32
    %swap3A_225 = arith.index_cast %swap3A_224 : i32 to index
    %swap3A_226 = arith.constant 48 : index
    %swap3A_227 = tpu.vector_load %arg9[%swap3A_225, %swap3A_226] {strides = array<i32>} : memref<5x128xi32, #tpu.memory_space<vmem>>, vector<16xi32>,
    tpu.vector_store %arg9[%swap3A_225, %swap3A_226], %add3A_223 {strides = array<i32>} : memref<5x128xi32, #tpu.memory_space<vmem>>, vector<16xi32>,
    %add3A_228 = arith.constant 128 : i32
    %add3A_229 = vector.broadcast %add3A_228 : i32 to vector<16xi32>
    %add3A_230 = arith.addi %iota3A, %add3A_229 : vector<16xi32>
    %add3A_231 = arith.constant 64 : i32
    %add3A_232 = vector.broadcast %add3A_231 : i32 to vector<16xi32>
    %add3A_233 = arith.addi %add3A_230, %add3A_232 : vector<16xi32>
    %swap3A_234 = arith.constant 1 : i32
    %swap3A_235 = arith.index_cast %swap3A_234 : i32 to index
    %swap3A_236 = arith.constant 64 : index
    %swap3A_237 = tpu.vector_load %arg9[%swap3A_235, %swap3A_236] {strides = array<i32>} : memref<5x128xi32, #tpu.memory_space<vmem>>, vector<16xi32>,
    tpu.vector_store %arg9[%swap3A_235, %swap3A_236], %add3A_233 {strides = array<i32>} : memref<5x128xi32, #tpu.memory_space<vmem>>, vector<16xi32>,
    %add3A_238 = arith.constant 128 : i32
    %add3A_239 = vector.broadcast %add3A_238 : i32 to vector<16xi32>
    %add3A_240 = arith.addi %iota3A, %add3A_239 : vector<16xi32>
    %add3A_241 = arith.constant 80 : i32
    %add3A_242 = vector.broadcast %add3A_241 : i32 to vector<16xi32>
    %add3A_243 = arith.addi %add3A_240, %add3A_242 : vector<16xi32>
    %swap3A_244 = arith.constant 1 : i32
    %swap3A_245 = arith.index_cast %swap3A_244 : i32 to index
    %swap3A_246 = arith.constant 80 : index
    %swap3A_247 = tpu.vector_load %arg9[%swap3A_245, %swap3A_246] {strides = array<i32>} : memref<5x128xi32, #tpu.memory_space<vmem>>, vector<16xi32>,
    tpu.vector_store %arg9[%swap3A_245, %swap3A_246], %add3A_243 {strides = array<i32>} : memref<5x128xi32, #tpu.memory_space<vmem>>, vector<16xi32>,
    %add3A_248 = arith.constant 128 : i32
    %add3A_249 = vector.broadcast %add3A_248 : i32 to vector<16xi32>
    %add3A_250 = arith.addi %iota3A, %add3A_249 : vector<16xi32>
    %add3A_251 = arith.constant 96 : i32
    %add3A_252 = vector.broadcast %add3A_251 : i32 to vector<16xi32>
    %add3A_253 = arith.addi %add3A_250, %add3A_252 : vector<16xi32>
    %swap3A_254 = arith.constant 1 : i32
    %swap3A_255 = arith.index_cast %swap3A_254 : i32 to index
    %swap3A_256 = arith.constant 96 : index
    %swap3A_257 = tpu.vector_load %arg9[%swap3A_255, %swap3A_256] {strides = array<i32>} : memref<5x128xi32, #tpu.memory_space<vmem>>, vector<16xi32>,
    tpu.vector_store %arg9[%swap3A_255, %swap3A_256], %add3A_253 {strides = array<i32>} : memref<5x128xi32, #tpu.memory_space<vmem>>, vector<16xi32>,
    %add3A_258 = arith.constant 128 : i32
    %add3A_259 = vector.broadcast %add3A_258 : i32 to vector<16xi32>
    %add3A_260 = arith.addi %iota3A, %add3A_259 : vector<16xi32>
    %add3A_261 = arith.constant 112 : i32
    %add3A_262 = vector.broadcast %add3A_261 : i32 to vector<16xi32>
    %add3A_263 = arith.addi %add3A_260, %add3A_262 : vector<16xi32>
    %swap3A_264 = arith.constant 1 : i32
    %swap3A_265 = arith.index_cast %swap3A_264 : i32 to index
    %swap3A_266 = arith.constant 112 : index
    %swap3A_267 = tpu.vector_load %arg9[%swap3A_265, %swap3A_266] {strides = array<i32>} : memref<5x128xi32, #tpu.memory_space<vmem>>, vector<16xi32>,
    tpu.vector_store %arg9[%swap3A_265, %swap3A_266], %add3A_263 {strides = array<i32>} : memref<5x128xi32, #tpu.memory_space<vmem>>, vector<16xi32>,
    %add3A_268 = arith.constant 256 : i32
    %add3A_269 = vector.broadcast %add3A_268 : i32 to vector<16xi32>
    %add3A_270 = arith.addi %iota3A, %add3A_269 : vector<16xi32>
    %add3A_271 = arith.constant 0 : i32
    %add3A_272 = vector.broadcast %add3A_271 : i32 to vector<16xi32>
    %add3A_273 = arith.addi %add3A_270, %add3A_272 : vector<16xi32>
    %swap3A_274 = arith.constant 2 : i32
    %swap3A_275 = arith.index_cast %swap3A_274 : i32 to index
    %swap3A_276 = arith.constant 0 : index
    %swap3A_277 = tpu.vector_load %arg9[%swap3A_275, %swap3A_276] {strides = array<i32>} : memref<5x128xi32, #tpu.memory_space<vmem>>, vector<16xi32>,
    tpu.vector_store %arg9[%swap3A_275, %swap3A_276], %add3A_273 {strides = array<i32>} : memref<5x128xi32, #tpu.memory_space<vmem>>, vector<16xi32>,
    %add3A_278 = arith.constant 256 : i32
    %add3A_279 = vector.broadcast %add3A_278 : i32 to vector<16xi32>
    %add3A_280 = arith.addi %iota3A, %add3A_279 : vector<16xi32>
    %add3A_281 = arith.constant 16 : i32
    %add3A_282 = vector.broadcast %add3A_281 : i32 to vector<16xi32>
    %add3A_283 = arith.addi %add3A_280, %add3A_282 : vector<16xi32>
    %swap3A_284 = arith.constant 2 : i32
    %swap3A_285 = arith.index_cast %swap3A_284 : i32 to index
    %swap3A_286 = arith.constant 16 : index
    %swap3A_287 = tpu.vector_load %arg9[%swap3A_285, %swap3A_286] {strides = array<i32>} : memref<5x128xi32, #tpu.memory_space<vmem>>, vector<16xi32>,
    tpu.vector_store %arg9[%swap3A_285, %swap3A_286], %add3A_283 {strides = array<i32>} : memref<5x128xi32, #tpu.memory_space<vmem>>, vector<16xi32>,
    %add3A_288 = arith.constant 256 : i32
    %add3A_289 = vector.broadcast %add3A_288 : i32 to vector<16xi32>
    %add3A_290 = arith.addi %iota3A, %add3A_289 : vector<16xi32>
    %add3A_291 = arith.constant 32 : i32
    %add3A_292 = vector.broadcast %add3A_291 : i32 to vector<16xi32>
    %add3A_293 = arith.addi %add3A_290, %add3A_292 : vector<16xi32>
    %swap3A_294 = arith.constant 2 : i32
    %swap3A_295 = arith.index_cast %swap3A_294 : i32 to index
    %swap3A_296 = arith.constant 32 : index
    %swap3A_297 = tpu.vector_load %arg9[%swap3A_295, %swap3A_296] {strides = array<i32>} : memref<5x128xi32, #tpu.memory_space<vmem>>, vector<16xi32>,
    tpu.vector_store %arg9[%swap3A_295, %swap3A_296], %add3A_293 {strides = array<i32>} : memref<5x128xi32, #tpu.memory_space<vmem>>, vector<16xi32>,
    %add3A_298 = arith.constant 256 : i32
    %add3A_299 = vector.broadcast %add3A_298 : i32 to vector<16xi32>
    %add3A_300 = arith.addi %iota3A, %add3A_299 : vector<16xi32>
    %add3A_301 = arith.constant 48 : i32
    %add3A_302 = vector.broadcast %add3A_301 : i32 to vector<16xi32>
    %add3A_303 = arith.addi %add3A_300, %add3A_302 : vector<16xi32>
    %swap3A_304 = arith.constant 2 : i32
    %swap3A_305 = arith.index_cast %swap3A_304 : i32 to index
    %swap3A_306 = arith.constant 48 : index
    %swap3A_307 = tpu.vector_load %arg9[%swap3A_305, %swap3A_306] {strides = array<i32>} : memref<5x128xi32, #tpu.memory_space<vmem>>, vector<16xi32>,
    tpu.vector_store %arg9[%swap3A_305, %swap3A_306], %add3A_303 {strides = array<i32>} : memref<5x128xi32, #tpu.memory_space<vmem>>, vector<16xi32>,
    %add3A_308 = arith.constant 256 : i32
    %add3A_309 = vector.broadcast %add3A_308 : i32 to vector<16xi32>
    %add3A_310 = arith.addi %iota3A, %add3A_309 : vector<16xi32>
    %add3A_311 = arith.constant 64 : i32
    %add3A_312 = vector.broadcast %add3A_311 : i32 to vector<16xi32>
    %add3A_313 = arith.addi %add3A_310, %add3A_312 : vector<16xi32>
    %swap3A_314 = arith.constant 2 : i32
    %swap3A_315 = arith.index_cast %swap3A_314 : i32 to index
    %swap3A_316 = arith.constant 64 : index
    %swap3A_317 = tpu.vector_load %arg9[%swap3A_315, %swap3A_316] {strides = array<i32>} : memref<5x128xi32, #tpu.memory_space<vmem>>, vector<16xi32>,
    tpu.vector_store %arg9[%swap3A_315, %swap3A_316], %add3A_313 {strides = array<i32>} : memref<5x128xi32, #tpu.memory_space<vmem>>, vector<16xi32>,
    %add3A_318 = arith.constant 256 : i32
    %add3A_319 = vector.broadcast %add3A_318 : i32 to vector<16xi32>
    %add3A_320 = arith.addi %iota3A, %add3A_319 : vector<16xi32>
    %add3A_321 = arith.constant 80 : i32
    %add3A_322 = vector.broadcast %add3A_321 : i32 to vector<16xi32>
    %add3A_323 = arith.addi %add3A_320, %add3A_322 : vector<16xi32>
    %swap3A_324 = arith.constant 2 : i32
    %swap3A_325 = arith.index_cast %swap3A_324 : i32 to index
    %swap3A_326 = arith.constant 80 : index
    %swap3A_327 = tpu.vector_load %arg9[%swap3A_325, %swap3A_326] {strides = array<i32>} : memref<5x128xi32, #tpu.memory_space<vmem>>, vector<16xi32>,
    tpu.vector_store %arg9[%swap3A_325, %swap3A_326], %add3A_323 {strides = array<i32>} : memref<5x128xi32, #tpu.memory_space<vmem>>, vector<16xi32>,
    %add3A_328 = arith.constant 256 : i32
    %add3A_329 = vector.broadcast %add3A_328 : i32 to vector<16xi32>
    %add3A_330 = arith.addi %iota3A, %add3A_329 : vector<16xi32>
    %add3A_331 = arith.constant 96 : i32
    %add3A_332 = vector.broadcast %add3A_331 : i32 to vector<16xi32>
    %add3A_333 = arith.addi %add3A_330, %add3A_332 : vector<16xi32>
    %swap3A_334 = arith.constant 2 : i32
    %swap3A_335 = arith.index_cast %swap3A_334 : i32 to index
    %swap3A_336 = arith.constant 96 : index
    %swap3A_337 = tpu.vector_load %arg9[%swap3A_335, %swap3A_336] {strides = array<i32>} : memref<5x128xi32, #tpu.memory_space<vmem>>, vector<16xi32>,
    tpu.vector_store %arg9[%swap3A_335, %swap3A_336], %add3A_333 {strides = array<i32>} : memref<5x128xi32, #tpu.memory_space<vmem>>, vector<16xi32>,
    %add3A_338 = arith.constant 256 : i32
    %add3A_339 = vector.broadcast %add3A_338 : i32 to vector<16xi32>
    %add3A_340 = arith.addi %iota3A, %add3A_339 : vector<16xi32>
    %add3A_341 = arith.constant 112 : i32
    %add3A_342 = vector.broadcast %add3A_341 : i32 to vector<16xi32>
    %add3A_343 = arith.addi %add3A_340, %add3A_342 : vector<16xi32>
    %swap3A_344 = arith.constant 2 : i32
    %swap3A_345 = arith.index_cast %swap3A_344 : i32 to index
    %swap3A_346 = arith.constant 112 : index
    %swap3A_347 = tpu.vector_load %arg9[%swap3A_345, %swap3A_346] {strides = array<i32>} : memref<5x128xi32, #tpu.memory_space<vmem>>, vector<16xi32>,
    tpu.vector_store %arg9[%swap3A_345, %swap3A_346], %add3A_343 {strides = array<i32>} : memref<5x128xi32, #tpu.memory_space<vmem>>, vector<16xi32>,
    %add3A_348 = arith.constant 384 : i32
    %add3A_349 = vector.broadcast %add3A_348 : i32 to vector<16xi32>
    %add3A_350 = arith.addi %iota3A, %add3A_349 : vector<16xi32>
    %add3A_351 = arith.constant 0 : i32
    %add3A_352 = vector.broadcast %add3A_351 : i32 to vector<16xi32>
    %add3A_353 = arith.addi %add3A_350, %add3A_352 : vector<16xi32>
    %swap3A_354 = arith.constant 3 : i32
    %swap3A_355 = arith.index_cast %swap3A_354 : i32 to index
    %swap3A_356 = arith.constant 0 : index
    %swap3A_357 = tpu.vector_load %arg9[%swap3A_355, %swap3A_356] {strides = array<i32>} : memref<5x128xi32, #tpu.memory_space<vmem>>, vector<16xi32>,
    tpu.vector_store %arg9[%swap3A_355, %swap3A_356], %add3A_353 {strides = array<i32>} : memref<5x128xi32, #tpu.memory_space<vmem>>, vector<16xi32>,
    %add3A_358 = arith.constant 384 : i32
    %add3A_359 = vector.broadcast %add3A_358 : i32 to vector<16xi32>
    %add3A_360 = arith.addi %iota3A, %add3A_359 : vector<16xi32>
    %add3A_361 = arith.constant 16 : i32
    %add3A_362 = vector.broadcast %add3A_361 : i32 to vector<16xi32>
    %add3A_363 = arith.addi %add3A_360, %add3A_362 : vector<16xi32>
    %swap3A_364 = arith.constant 3 : i32
    %swap3A_365 = arith.index_cast %swap3A_364 : i32 to index
    %swap3A_366 = arith.constant 16 : index
    %swap3A_367 = tpu.vector_load %arg9[%swap3A_365, %swap3A_366] {strides = array<i32>} : memref<5x128xi32, #tpu.memory_space<vmem>>, vector<16xi32>,
    tpu.vector_store %arg9[%swap3A_365, %swap3A_366], %add3A_363 {strides = array<i32>} : memref<5x128xi32, #tpu.memory_space<vmem>>, vector<16xi32>,
    %add3A_368 = arith.constant 384 : i32
    %add3A_369 = vector.broadcast %add3A_368 : i32 to vector<16xi32>
    %add3A_370 = arith.addi %iota3A, %add3A_369 : vector<16xi32>
    %add3A_371 = arith.constant 32 : i32
    %add3A_372 = vector.broadcast %add3A_371 : i32 to vector<16xi32>
    %add3A_373 = arith.addi %add3A_370, %add3A_372 : vector<16xi32>
    %swap3A_374 = arith.constant 3 : i32
    %swap3A_375 = arith.index_cast %swap3A_374 : i32 to index
    %swap3A_376 = arith.constant 32 : index
    %swap3A_377 = tpu.vector_load %arg9[%swap3A_375, %swap3A_376] {strides = array<i32>} : memref<5x128xi32, #tpu.memory_space<vmem>>, vector<16xi32>,
    tpu.vector_store %arg9[%swap3A_375, %swap3A_376], %add3A_373 {strides = array<i32>} : memref<5x128xi32, #tpu.memory_space<vmem>>, vector<16xi32>,
    %add3A_378 = arith.constant 384 : i32
    %add3A_379 = vector.broadcast %add3A_378 : i32 to vector<16xi32>
    %add3A_380 = arith.addi %iota3A, %add3A_379 : vector<16xi32>
    %add3A_381 = arith.constant 48 : i32
    %add3A_382 = vector.broadcast %add3A_381 : i32 to vector<16xi32>
    %add3A_383 = arith.addi %add3A_380, %add3A_382 : vector<16xi32>
    %swap3A_384 = arith.constant 3 : i32
    %swap3A_385 = arith.index_cast %swap3A_384 : i32 to index
    %swap3A_386 = arith.constant 48 : index
    %swap3A_387 = tpu.vector_load %arg9[%swap3A_385, %swap3A_386] {strides = array<i32>} : memref<5x128xi32, #tpu.memory_space<vmem>>, vector<16xi32>,
    tpu.vector_store %arg9[%swap3A_385, %swap3A_386], %add3A_383 {strides = array<i32>} : memref<5x128xi32, #tpu.memory_space<vmem>>, vector<16xi32>,
    %add3A_388 = arith.constant 384 : i32
    %add3A_389 = vector.broadcast %add3A_388 : i32 to vector<16xi32>
    %add3A_390 = arith.addi %iota3A, %add3A_389 : vector<16xi32>
    %add3A_391 = arith.constant 64 : i32
    %add3A_392 = vector.broadcast %add3A_391 : i32 to vector<16xi32>
    %add3A_393 = arith.addi %add3A_390, %add3A_392 : vector<16xi32>
    %swap3A_394 = arith.constant 3 : i32
    %swap3A_395 = arith.index_cast %swap3A_394 : i32 to index
    %swap3A_396 = arith.constant 64 : index
    %swap3A_397 = tpu.vector_load %arg9[%swap3A_395, %swap3A_396] {strides = array<i32>} : memref<5x128xi32, #tpu.memory_space<vmem>>, vector<16xi32>,
    tpu.vector_store %arg9[%swap3A_395, %swap3A_396], %add3A_393 {strides = array<i32>} : memref<5x128xi32, #tpu.memory_space<vmem>>, vector<16xi32>,
    %add3A_398 = arith.constant 384 : i32
    %add3A_399 = vector.broadcast %add3A_398 : i32 to vector<16xi32>
    %add3A_400 = arith.addi %iota3A, %add3A_399 : vector<16xi32>
    %add3A_401 = arith.constant 80 : i32
    %add3A_402 = vector.broadcast %add3A_401 : i32 to vector<16xi32>
    %add3A_403 = arith.addi %add3A_400, %add3A_402 : vector<16xi32>
    %swap3A_404 = arith.constant 3 : i32
    %swap3A_405 = arith.index_cast %swap3A_404 : i32 to index
    %swap3A_406 = arith.constant 80 : index
    %swap3A_407 = tpu.vector_load %arg9[%swap3A_405, %swap3A_406] {strides = array<i32>} : memref<5x128xi32, #tpu.memory_space<vmem>>, vector<16xi32>,
    tpu.vector_store %arg9[%swap3A_405, %swap3A_406], %add3A_403 {strides = array<i32>} : memref<5x128xi32, #tpu.memory_space<vmem>>, vector<16xi32>,
    %add3A_408 = arith.constant 384 : i32
    %add3A_409 = vector.broadcast %add3A_408 : i32 to vector<16xi32>
    %add3A_410 = arith.addi %iota3A, %add3A_409 : vector<16xi32>
    %add3A_411 = arith.constant 96 : i32
    %add3A_412 = vector.broadcast %add3A_411 : i32 to vector<16xi32>
    %add3A_413 = arith.addi %add3A_410, %add3A_412 : vector<16xi32>
    %swap3A_414 = arith.constant 3 : i32
    %swap3A_415 = arith.index_cast %swap3A_414 : i32 to index
    %swap3A_416 = arith.constant 96 : index
    %swap3A_417 = tpu.vector_load %arg9[%swap3A_415, %swap3A_416] {strides = array<i32>} : memref<5x128xi32, #tpu.memory_space<vmem>>, vector<16xi32>,
    tpu.vector_store %arg9[%swap3A_415, %swap3A_416], %add3A_413 {strides = array<i32>} : memref<5x128xi32, #tpu.memory_space<vmem>>, vector<16xi32>,
    %add3A_418 = arith.constant 384 : i32
    %add3A_419 = vector.broadcast %add3A_418 : i32 to vector<16xi32>
    %add3A_420 = arith.addi %iota3A, %add3A_419 : vector<16xi32>
    %add3A_421 = arith.constant 112 : i32
    %add3A_422 = vector.broadcast %add3A_421 : i32 to vector<16xi32>
    %add3A_423 = arith.addi %add3A_420, %add3A_422 : vector<16xi32>
    %swap3A_424 = arith.constant 3 : i32
    %swap3A_425 = arith.index_cast %swap3A_424 : i32 to index
    %swap3A_426 = arith.constant 112 : index
    %swap3A_427 = tpu.vector_load %arg9[%swap3A_425, %swap3A_426] {strides = array<i32>} : memref<5x128xi32, #tpu.memory_space<vmem>>, vector<16xi32>,
    tpu.vector_store %arg9[%swap3A_425, %swap3A_426], %add3A_423 {strides = array<i32>} : memref<5x128xi32, #tpu.memory_space<vmem>>, vector<16xi32>,
    %add3A_428 = arith.constant 512 : i32
    %add3A_429 = vector.broadcast %add3A_428 : i32 to vector<16xi32>
    %add3A_430 = arith.addi %iota3A, %add3A_429 : vector<16xi32>
    %add3A_431 = arith.constant 0 : i32
    %add3A_432 = vector.broadcast %add3A_431 : i32 to vector<16xi32>
    %add3A_433 = arith.addi %add3A_430, %add3A_432 : vector<16xi32>
    %swap3A_434 = arith.constant 4 : i32
    %swap3A_435 = arith.index_cast %swap3A_434 : i32 to index
    %swap3A_436 = arith.constant 0 : index
    %swap3A_437 = tpu.vector_load %arg9[%swap3A_435, %swap3A_436] {strides = array<i32>} : memref<5x128xi32, #tpu.memory_space<vmem>>, vector<16xi32>,
    tpu.vector_store %arg9[%swap3A_435, %swap3A_436], %add3A_433 {strides = array<i32>} : memref<5x128xi32, #tpu.memory_space<vmem>>, vector<16xi32>,
    %add3A_438 = arith.constant 512 : i32
    %add3A_439 = vector.broadcast %add3A_438 : i32 to vector<16xi32>
    %add3A_440 = arith.addi %iota3A, %add3A_439 : vector<16xi32>
    %add3A_441 = arith.constant 16 : i32
    %add3A_442 = vector.broadcast %add3A_441 : i32 to vector<16xi32>
    %add3A_443 = arith.addi %add3A_440, %add3A_442 : vector<16xi32>
    %swap3A_444 = arith.constant 4 : i32
    %swap3A_445 = arith.index_cast %swap3A_444 : i32 to index
    %swap3A_446 = arith.constant 16 : index
    %swap3A_447 = tpu.vector_load %arg9[%swap3A_445, %swap3A_446] {strides = array<i32>} : memref<5x128xi32, #tpu.memory_space<vmem>>, vector<16xi32>,
    tpu.vector_store %arg9[%swap3A_445, %swap3A_446], %add3A_443 {strides = array<i32>} : memref<5x128xi32, #tpu.memory_space<vmem>>, vector<16xi32>,
    %add3A_448 = arith.constant 512 : i32
    %add3A_449 = vector.broadcast %add3A_448 : i32 to vector<16xi32>
    %add3A_450 = arith.addi %iota3A, %add3A_449 : vector<16xi32>
    %add3A_451 = arith.constant 32 : i32
    %add3A_452 = vector.broadcast %add3A_451 : i32 to vector<16xi32>
    %add3A_453 = arith.addi %add3A_450, %add3A_452 : vector<16xi32>
    %swap3A_454 = arith.constant 4 : i32
    %swap3A_455 = arith.index_cast %swap3A_454 : i32 to index
    %swap3A_456 = arith.constant 32 : index
    %swap3A_457 = tpu.vector_load %arg9[%swap3A_455, %swap3A_456] {strides = array<i32>} : memref<5x128xi32, #tpu.memory_space<vmem>>, vector<16xi32>,
    tpu.vector_store %arg9[%swap3A_455, %swap3A_456], %add3A_453 {strides = array<i32>} : memref<5x128xi32, #tpu.memory_space<vmem>>, vector<16xi32>,
    %add3A_458 = arith.constant 512 : i32
    %add3A_459 = vector.broadcast %add3A_458 : i32 to vector<16xi32>
    %add3A_460 = arith.addi %iota3A, %add3A_459 : vector<16xi32>
    %add3A_461 = arith.constant 48 : i32
    %add3A_462 = vector.broadcast %add3A_461 : i32 to vector<16xi32>
    %add3A_463 = arith.addi %add3A_460, %add3A_462 : vector<16xi32>
    %swap3A_464 = arith.constant 4 : i32
    %swap3A_465 = arith.index_cast %swap3A_464 : i32 to index
    %swap3A_466 = arith.constant 48 : index
    %swap3A_467 = tpu.vector_load %arg9[%swap3A_465, %swap3A_466] {strides = array<i32>} : memref<5x128xi32, #tpu.memory_space<vmem>>, vector<16xi32>,
    tpu.vector_store %arg9[%swap3A_465, %swap3A_466], %add3A_463 {strides = array<i32>} : memref<5x128xi32, #tpu.memory_space<vmem>>, vector<16xi32>,
    %add3A_468 = arith.constant 512 : i32
    %add3A_469 = vector.broadcast %add3A_468 : i32 to vector<16xi32>
    %add3A_470 = arith.addi %iota3A, %add3A_469 : vector<16xi32>
    %add3A_471 = arith.constant 64 : i32
    %add3A_472 = vector.broadcast %add3A_471 : i32 to vector<16xi32>
    %add3A_473 = arith.addi %add3A_470, %add3A_472 : vector<16xi32>
    %swap3A_474 = arith.constant 4 : i32
    %swap3A_475 = arith.index_cast %swap3A_474 : i32 to index
    %swap3A_476 = arith.constant 64 : index
    %swap3A_477 = tpu.vector_load %arg9[%swap3A_475, %swap3A_476] {strides = array<i32>} : memref<5x128xi32, #tpu.memory_space<vmem>>, vector<16xi32>,
    tpu.vector_store %arg9[%swap3A_475, %swap3A_476], %add3A_473 {strides = array<i32>} : memref<5x128xi32, #tpu.memory_space<vmem>>, vector<16xi32>,
    %add3A_478 = arith.constant 512 : i32
    %add3A_479 = vector.broadcast %add3A_478 : i32 to vector<16xi32>
    %add3A_480 = arith.addi %iota3A, %add3A_479 : vector<16xi32>
    %add3A_481 = arith.constant 80 : i32
    %add3A_482 = vector.broadcast %add3A_481 : i32 to vector<16xi32>
    %add3A_483 = arith.addi %add3A_480, %add3A_482 : vector<16xi32>
    %swap3A_484 = arith.constant 4 : i32
    %swap3A_485 = arith.index_cast %swap3A_484 : i32 to index
    %swap3A_486 = arith.constant 80 : index
    %swap3A_487 = tpu.vector_load %arg9[%swap3A_485, %swap3A_486] {strides = array<i32>} : memref<5x128xi32, #tpu.memory_space<vmem>>, vector<16xi32>,
    tpu.vector_store %arg9[%swap3A_485, %swap3A_486], %add3A_483 {strides = array<i32>} : memref<5x128xi32, #tpu.memory_space<vmem>>, vector<16xi32>,
    %add3A_488 = arith.constant 512 : i32
    %add3A_489 = vector.broadcast %add3A_488 : i32 to vector<16xi32>
    %add3A_490 = arith.addi %iota3A, %add3A_489 : vector<16xi32>
    %add3A_491 = arith.constant 96 : i32
    %add3A_492 = vector.broadcast %add3A_491 : i32 to vector<16xi32>
    %add3A_493 = arith.addi %add3A_490, %add3A_492 : vector<16xi32>
    %swap3A_494 = arith.constant 4 : i32
    %swap3A_495 = arith.index_cast %swap3A_494 : i32 to index
    %swap3A_496 = arith.constant 96 : index
    %swap3A_497 = tpu.vector_load %arg9[%swap3A_495, %swap3A_496] {strides = array<i32>} : memref<5x128xi32, #tpu.memory_space<vmem>>, vector<16xi32>,
    tpu.vector_store %arg9[%swap3A_495, %swap3A_496], %add3A_493 {strides = array<i32>} : memref<5x128xi32, #tpu.memory_space<vmem>>, vector<16xi32>,
    %add3A_498 = arith.constant 512 : i32
    %add3A_499 = vector.broadcast %add3A_498 : i32 to vector<16xi32>
    %add3A_500 = arith.addi %iota3A, %add3A_499 : vector<16xi32>
    %add3A_501 = arith.constant 112 : i32
    %add3A_502 = vector.broadcast %add3A_501 : i32 to vector<16xi32>
    %add3A_503 = arith.addi %add3A_500, %add3A_502 : vector<16xi32>
    %swap3A_504 = arith.constant 4 : i32
    %swap3A_505 = arith.index_cast %swap3A_504 : i32 to index
    %swap3A_506 = arith.constant 112 : index
    %swap3A_507 = tpu.vector_load %arg9[%swap3A_505, %swap3A_506] {strides = array<i32>} : memref<5x128xi32, #tpu.memory_space<vmem>>, vector<16xi32>,
    tpu.vector_store %arg9[%swap3A_505, %swap3A_506], %add3A_503 {strides = array<i32>} : memref<5x128xi32, #tpu.memory_space<vmem>>, vector<16xi32>,
    %scan3A_508 = arith.constant 0 : i32
    %scan3A_509 = arith.constant 0 : i32
    %scan3A_510 = arith.constant 40 : i32
    %scan3A_511 = arith.addi %scan3A_509, %scan3A_510 : i32
    %scan3A_512 = arith.constant 1 : i32
    %scan3A_513 = scf.for %scan3A_620 = %scan3A_509 to %scan3A_511 step %scan3A_512 iter_args(%scan3A_621 = %scan3A_508) -> (i32)  : i32 {
      %swap3A_622 = arith.index_cast %scan3A_620 : i32 to index
      %swap3A_623 = arith.constant 0 : index
      %swap3A_624 = tpu.vector_load %arg10[%swap3A_622, %swap3A_623] {strides = array<i32>} : memref<40x16xf32, #tpu.memory_space<vmem>>, vector<16xf32>,
      tpu.vector_store %arg10[%swap3A_622, %swap3A_623], %broadcast_in_dim3A_1 {strides = array<i32>} : memref<40x16xf32, #tpu.memory_space<vmem>>, vector<16xf32>,
      %scan3A_625 = arith.constant 0 : i32
      scf.yield %scan3A_625 : i32
    }
    %scan3A_514 = arith.constant 40 : i32
    %mul3A_515 = arith.constant 40 : i32
    %mul3A_516 = arith.muli %arg1, %mul3A_515 : i32
    "tpu.region"() ({
      %run_scoped3A = tpu.sem_alloc : memref<!tpu.dma_semaphore, #tpu.memory_space<semaphore_mem>>
      %dma_start3A_620 = arith.constant 0 : i32
      %dma_start3A_621 = tpu.memref_slice %arg11[%mul3A_516, %dma_start3A_620] : memref<640x16xf32, #tpu.memory_space<vmem_shared>> -> memref<40x16xf32, #tpu.memory_space<vmem_shared>>
      %dma_start3A_622 = arith.constant 0 : i32
      %dma_start3A_623 = tpu.memref_slice %arg11[%mul3A_516, %dma_start3A_622] : memref<640x16xf32, #tpu.memory_space<vmem_shared>> -> memref<40x16xf32, #tpu.memory_space<vmem_shared>>
      tpu.enqueue_dma source(%arg10 : memref<40x16xf32, #tpu.memory_space<vmem>>) target(%dma_start3A_623 : memref<40x16xf32, #tpu.memory_space<vmem_shared>>) target_semaphore(%run_scoped3A : memref<!tpu.dma_semaphore, #tpu.memory_space<semaphore_mem>>)
      %dma_wait3A_624 = arith.constant 0 : i32
      %dma_wait3A_625 = tpu.memref_slice %arg11[%mul3A_516, %dma_wait3A_624] : memref<640x16xf32, #tpu.memory_space<vmem_shared>> -> memref<40x16xf32, #tpu.memory_space<vmem_shared>>
      %dma_wait3A_626 = arith.constant 0 : i32
      %dma_wait3A_627 = tpu.memref_slice %arg11[%mul3A_516, %dma_wait3A_626] : memref<640x16xf32, #tpu.memory_space<vmem_shared>> -> memref<40x16xf32, #tpu.memory_space<vmem_shared>>
      tpu.wait_dma2 semaphore(%run_scoped3A : memref<!tpu.dma_semaphore, #tpu.memory_space<semaphore_mem>>) src(%arg10 : memref<40x16xf32, #tpu.memory_space<vmem>>) dst(%dma_wait3A_627 : memref<40x16xf32, #tpu.memory_space<vmem_shared>>)
      tpu.yield
    }) : () -> ()
    %barrier3A = arith.constant 0 : index
    tpu.barrier barrier_id(%barrier3A)
    %dma_start3A = arith.constant 0 : i32
    %dma_start3A_517 = arith.constant 0 : i32
    %dma_start3A_518 = arith.constant 0 : i32
    %dma_start3A_519 = tpu.memref_slice %arg8[%dma_start3A_517, %dma_start3A_518] : memref<640x16xf32, #tpu.memory_space<vmem>> -> memref<128x16xf32, #tpu.memory_space<vmem>>
    %dma_start3A_520 = arith.constant 0 : i32
    %dma_start3A_521 = tpu.memref_slice %arg9[%dma_start3A, %dma_start3A_520] : memref<5x128xi32, #tpu.memory_space<vmem>> -> memref<1x128xi32, #tpu.memory_space<vmem>>
    %dma_start3A_522 = tpu.memref_squeeze %dma_start3A_521 : memref<1x128xi32, #tpu.memory_space<vmem>> -> memref<128xi32, #tpu.memory_space<vmem>>
    %dma_start3A_523 = arith.constant 0 : i32
    %dma_start3A_524 = arith.constant 0 : i32
    %dma_start3A_525 = tpu.memref_slice %arg11[%dma_start3A_523, %dma_start3A_524] : memref<640x16xf32, #tpu.memory_space<vmem_shared>> -> memref<640x16xf32, #tpu.memory_space<vmem_shared>>
    tpu.enqueue_indirect_dma source(%dma_start3A_519 : memref<128x16xf32, #tpu.memory_space<vmem>>) target(%dma_start3A_525 : memref<640x16xf32, #tpu.memory_space<vmem_shared>>) offsets(%dma_start3A_522 : memref<128xi32, #tpu.memory_space<vmem>>) semaphore(%arg12 : memref<!tpu.dma_semaphore, #tpu.memory_space<semaphore_mem>>) {add = true}
    %dma_start3A_526 = arith.constant 1 : i32
    %dma_start3A_527 = arith.constant 128 : i32
    %dma_start3A_528 = arith.constant 0 : i32
    %dma_start3A_529 = tpu.memref_slice %arg8[%dma_start3A_527, %dma_start3A_528] : memref<640x16xf32, #tpu.memory_space<vmem>> -> memref<128x16xf32, #tpu.memory_space<vmem>>
    %dma_start3A_530 = arith.constant 0 : i32
    %dma_start3A_531 = tpu.memref_slice %arg9[%dma_start3A_526, %dma_start3A_530] : memref<5x128xi32, #tpu.memory_space<vmem>> -> memref<1x128xi32, #tpu.memory_space<vmem>>
    %dma_start3A_532 = tpu.memref_squeeze %dma_start3A_531 : memref<1x128xi32, #tpu.memory_space<vmem>> -> memref<128xi32, #tpu.memory_space<vmem>>
    %dma_start3A_533 = arith.constant 0 : i32
    %dma_start3A_534 = arith.constant 0 : i32
    %dma_start3A_535 = tpu.memref_slice %arg11[%dma_start3A_533, %dma_start3A_534] : memref<640x16xf32, #tpu.memory_space<vmem_shared>> -> memref<640x16xf32, #tpu.memory_space<vmem_shared>>
    tpu.enqueue_indirect_dma source(%dma_start3A_529 : memref<128x16xf32, #tpu.memory_space<vmem>>) target(%dma_start3A_535 : memref<640x16xf32, #tpu.memory_space<vmem_shared>>) offsets(%dma_start3A_532 : memref<128xi32, #tpu.memory_space<vmem>>) semaphore(%arg12 : memref<!tpu.dma_semaphore, #tpu.memory_space<semaphore_mem>>) {add = true}
    %dma_start3A_536 = arith.constant 2 : i32
    %dma_start3A_537 = arith.constant 256 : i32
    %dma_start3A_538 = arith.constant 0 : i32
    %dma_start3A_539 = tpu.memref_slice %arg8[%dma_start3A_537, %dma_start3A_538] : memref<640x16xf32, #tpu.memory_space<vmem>> -> memref<128x16xf32, #tpu.memory_space<vmem>>
    %dma_start3A_540 = arith.constant 0 : i32
    %dma_start3A_541 = tpu.memref_slice %arg9[%dma_start3A_536, %dma_start3A_540] : memref<5x128xi32, #tpu.memory_space<vmem>> -> memref<1x128xi32, #tpu.memory_space<vmem>>
    %dma_start3A_542 = tpu.memref_squeeze %dma_start3A_541 : memref<1x128xi32, #tpu.memory_space<vmem>> -> memref<128xi32, #tpu.memory_space<vmem>>
    %dma_start3A_543 = arith.constant 0 : i32
    %dma_start3A_544 = arith.constant 0 : i32
    %dma_start3A_545 = tpu.memref_slice %arg11[%dma_start3A_543, %dma_start3A_544] : memref<640x16xf32, #tpu.memory_space<vmem_shared>> -> memref<640x16xf32, #tpu.memory_space<vmem_shared>>
    tpu.enqueue_indirect_dma source(%dma_start3A_539 : memref<128x16xf32, #tpu.memory_space<vmem>>) target(%dma_start3A_545 : memref<640x16xf32, #tpu.memory_space<vmem_shared>>) offsets(%dma_start3A_542 : memref<128xi32, #tpu.memory_space<vmem>>) semaphore(%arg12 : memref<!tpu.dma_semaphore, #tpu.memory_space<semaphore_mem>>) {add = true}
    %dma_start3A_546 = arith.constant 3 : i32
    %dma_start3A_547 = arith.constant 384 : i32
    %dma_start3A_548 = arith.constant 0 : i32
    %dma_start3A_549 = tpu.memref_slice %arg8[%dma_start3A_547, %dma_start3A_548] : memref<640x16xf32, #tpu.memory_space<vmem>> -> memref<128x16xf32, #tpu.memory_space<vmem>>
    %dma_start3A_550 = arith.constant 0 : i32
    %dma_start3A_551 = tpu.memref_slice %arg9[%dma_start3A_546, %dma_start3A_550] : memref<5x128xi32, #tpu.memory_space<vmem>> -> memref<1x128xi32, #tpu.memory_space<vmem>>
    %dma_start3A_552 = tpu.memref_squeeze %dma_start3A_551 : memref<1x128xi32, #tpu.memory_space<vmem>> -> memref<128xi32, #tpu.memory_space<vmem>>
    %dma_start3A_553 = arith.constant 0 : i32
    %dma_start3A_554 = arith.constant 0 : i32
    %dma_start3A_555 = tpu.memref_slice %arg11[%dma_start3A_553, %dma_start3A_554] : memref<640x16xf32, #tpu.memory_space<vmem_shared>> -> memref<640x16xf32, #tpu.memory_space<vmem_shared>>
    tpu.enqueue_indirect_dma source(%dma_start3A_549 : memref<128x16xf32, #tpu.memory_space<vmem>>) target(%dma_start3A_555 : memref<640x16xf32, #tpu.memory_space<vmem_shared>>) offsets(%dma_start3A_552 : memref<128xi32, #tpu.memory_space<vmem>>) semaphore(%arg12 : memref<!tpu.dma_semaphore, #tpu.memory_space<semaphore_mem>>) {add = true}
    %dma_start3A_556 = arith.constant 4 : i32
    %dma_start3A_557 = arith.constant 512 : i32
    %dma_start3A_558 = arith.constant 0 : i32
    %dma_start3A_559 = tpu.memref_slice %arg8[%dma_start3A_557, %dma_start3A_558] : memref<640x16xf32, #tpu.memory_space<vmem>> -> memref<128x16xf32, #tpu.memory_space<vmem>>
    %dma_start3A_560 = arith.constant 0 : i32
    %dma_start3A_561 = tpu.memref_slice %arg9[%dma_start3A_556, %dma_start3A_560] : memref<5x128xi32, #tpu.memory_space<vmem>> -> memref<1x128xi32, #tpu.memory_space<vmem>>
    %dma_start3A_562 = tpu.memref_squeeze %dma_start3A_561 : memref<1x128xi32, #tpu.memory_space<vmem>> -> memref<128xi32, #tpu.memory_space<vmem>>
    %dma_start3A_563 = arith.constant 0 : i32
    %dma_start3A_564 = arith.constant 0 : i32
    %dma_start3A_565 = tpu.memref_slice %arg11[%dma_start3A_563, %dma_start3A_564] : memref<640x16xf32, #tpu.memory_space<vmem_shared>> -> memref<640x16xf32, #tpu.memory_space<vmem_shared>>
    tpu.enqueue_indirect_dma source(%dma_start3A_559 : memref<128x16xf32, #tpu.memory_space<vmem>>) target(%dma_start3A_565 : memref<640x16xf32, #tpu.memory_space<vmem_shared>>) offsets(%dma_start3A_562 : memref<128xi32, #tpu.memory_space<vmem>>) semaphore(%arg12 : memref<!tpu.dma_semaphore, #tpu.memory_space<semaphore_mem>>) {add = true}
    %dma_wait3A = arith.constant 0 : i32
    %dma_wait3A_566 = arith.constant 0 : i32
    %dma_wait3A_567 = arith.constant 0 : i32
    %dma_wait3A_568 = tpu.memref_slice %arg8[%dma_wait3A_566, %dma_wait3A_567] : memref<640x16xf32, #tpu.memory_space<vmem>> -> memref<128x16xf32, #tpu.memory_space<vmem>>
    %dma_wait3A_569 = arith.constant 0 : i32
    %dma_wait3A_570 = tpu.memref_slice %arg9[%dma_wait3A, %dma_wait3A_569] : memref<5x128xi32, #tpu.memory_space<vmem>> -> memref<1x128xi32, #tpu.memory_space<vmem>>
    %dma_wait3A_571 = tpu.memref_squeeze %dma_wait3A_570 : memref<1x128xi32, #tpu.memory_space<vmem>> -> memref<128xi32, #tpu.memory_space<vmem>>
    %dma_wait3A_572 = arith.constant 0 : i32
    %dma_wait3A_573 = arith.constant 0 : i32
    %dma_wait3A_574 = tpu.memref_slice %arg11[%dma_wait3A_572, %dma_wait3A_573] : memref<640x16xf32, #tpu.memory_space<vmem_shared>> -> memref<640x16xf32, #tpu.memory_space<vmem_shared>>
    tpu.wait_indirect_dma semaphore(%arg12 : memref<!tpu.dma_semaphore, #tpu.memory_space<semaphore_mem>>) src(%dma_wait3A_568 : memref<128x16xf32, #tpu.memory_space<vmem>>) dst(%dma_wait3A_574 : memref<640x16xf32, #tpu.memory_space<vmem_shared>>)
    %dma_wait3A_575 = arith.constant 1 : i32
    %dma_wait3A_576 = arith.constant 128 : i32
    %dma_wait3A_577 = arith.constant 0 : i32
    %dma_wait3A_578 = tpu.memref_slice %arg8[%dma_wait3A_576, %dma_wait3A_577] : memref<640x16xf32, #tpu.memory_space<vmem>> -> memref<128x16xf32, #tpu.memory_space<vmem>>
    %dma_wait3A_579 = arith.constant 0 : i32
    %dma_wait3A_580 = tpu.memref_slice %arg9[%dma_wait3A_575, %dma_wait3A_579] : memref<5x128xi32, #tpu.memory_space<vmem>> -> memref<1x128xi32, #tpu.memory_space<vmem>>
    %dma_wait3A_581 = tpu.memref_squeeze %dma_wait3A_580 : memref<1x128xi32, #tpu.memory_space<vmem>> -> memref<128xi32, #tpu.memory_space<vmem>>
    %dma_wait3A_582 = arith.constant 0 : i32
    %dma_wait3A_583 = arith.constant 0 : i32
    %dma_wait3A_584 = tpu.memref_slice %arg11[%dma_wait3A_582, %dma_wait3A_583] : memref<640x16xf32, #tpu.memory_space<vmem_shared>> -> memref<640x16xf32, #tpu.memory_space<vmem_shared>>
    tpu.wait_indirect_dma semaphore(%arg12 : memref<!tpu.dma_semaphore, #tpu.memory_space<semaphore_mem>>) src(%dma_wait3A_578 : memref<128x16xf32, #tpu.memory_space<vmem>>) dst(%dma_wait3A_584 : memref<640x16xf32, #tpu.memory_space<vmem_shared>>)
    %dma_wait3A_585 = arith.constant 2 : i32
    %dma_wait3A_586 = arith.constant 256 : i32
    %dma_wait3A_587 = arith.constant 0 : i32
    %dma_wait3A_588 = tpu.memref_slice %arg8[%dma_wait3A_586, %dma_wait3A_587] : memref<640x16xf32, #tpu.memory_space<vmem>> -> memref<128x16xf32, #tpu.memory_space<vmem>>
    %dma_wait3A_589 = arith.constant 0 : i32
    %dma_wait3A_590 = tpu.memref_slice %arg9[%dma_wait3A_585, %dma_wait3A_589] : memref<5x128xi32, #tpu.memory_space<vmem>> -> memref<1x128xi32, #tpu.memory_space<vmem>>
    %dma_wait3A_591 = tpu.memref_squeeze %dma_wait3A_590 : memref<1x128xi32, #tpu.memory_space<vmem>> -> memref<128xi32, #tpu.memory_space<vmem>>
    %dma_wait3A_592 = arith.constant 0 : i32
    %dma_wait3A_593 = arith.constant 0 : i32
    %dma_wait3A_594 = tpu.memref_slice %arg11[%dma_wait3A_592, %dma_wait3A_593] : memref<640x16xf32, #tpu.memory_space<vmem_shared>> -> memref<640x16xf32, #tpu.memory_space<vmem_shared>>
    tpu.wait_indirect_dma semaphore(%arg12 : memref<!tpu.dma_semaphore, #tpu.memory_space<semaphore_mem>>) src(%dma_wait3A_588 : memref<128x16xf32, #tpu.memory_space<vmem>>) dst(%dma_wait3A_594 : memref<640x16xf32, #tpu.memory_space<vmem_shared>>)
    %dma_wait3A_595 = arith.constant 3 : i32
    %dma_wait3A_596 = arith.constant 384 : i32
    %dma_wait3A_597 = arith.constant 0 : i32
    %dma_wait3A_598 = tpu.memref_slice %arg8[%dma_wait3A_596, %dma_wait3A_597] : memref<640x16xf32, #tpu.memory_space<vmem>> -> memref<128x16xf32, #tpu.memory_space<vmem>>
    %dma_wait3A_599 = arith.constant 0 : i32
    %dma_wait3A_600 = tpu.memref_slice %arg9[%dma_wait3A_595, %dma_wait3A_599] : memref<5x128xi32, #tpu.memory_space<vmem>> -> memref<1x128xi32, #tpu.memory_space<vmem>>
    %dma_wait3A_601 = tpu.memref_squeeze %dma_wait3A_600 : memref<1x128xi32, #tpu.memory_space<vmem>> -> memref<128xi32, #tpu.memory_space<vmem>>
    %dma_wait3A_602 = arith.constant 0 : i32
    %dma_wait3A_603 = arith.constant 0 : i32
    %dma_wait3A_604 = tpu.memref_slice %arg11[%dma_wait3A_602, %dma_wait3A_603] : memref<640x16xf32, #tpu.memory_space<vmem_shared>> -> memref<640x16xf32, #tpu.memory_space<vmem_shared>>
    tpu.wait_indirect_dma semaphore(%arg12 : memref<!tpu.dma_semaphore, #tpu.memory_space<semaphore_mem>>) src(%dma_wait3A_598 : memref<128x16xf32, #tpu.memory_space<vmem>>) dst(%dma_wait3A_604 : memref<640x16xf32, #tpu.memory_space<vmem_shared>>)
    %dma_wait3A_605 = arith.constant 4 : i32
    %dma_wait3A_606 = arith.constant 512 : i32
    %dma_wait3A_607 = arith.constant 0 : i32
    %dma_wait3A_608 = tpu.memref_slice %arg8[%dma_wait3A_606, %dma_wait3A_607] : memref<640x16xf32, #tpu.memory_space<vmem>> -> memref<128x16xf32, #tpu.memory_space<vmem>>
    %dma_wait3A_609 = arith.constant 0 : i32
    %dma_wait3A_610 = tpu.memref_slice %arg9[%dma_wait3A_605, %dma_wait3A_609] : memref<5x128xi32, #tpu.memory_space<vmem>> -> memref<1x128xi32, #tpu.memory_space<vmem>>
    %dma_wait3A_611 = tpu.memref_squeeze %dma_wait3A_610 : memref<1x128xi32, #tpu.memory_space<vmem>> -> memref<128xi32, #tpu.memory_space<vmem>>
    %dma_wait3A_612 = arith.constant 0 : i32
    %dma_wait3A_613 = arith.constant 0 : i32
    %dma_wait3A_614 = tpu.memref_slice %arg11[%dma_wait3A_612, %dma_wait3A_613] : memref<640x16xf32, #tpu.memory_space<vmem_shared>> -> memref<640x16xf32, #tpu.memory_space<vmem_shared>>
    tpu.wait_indirect_dma semaphore(%arg12 : memref<!tpu.dma_semaphore, #tpu.memory_space<semaphore_mem>>) src(%dma_wait3A_608 : memref<128x16xf32, #tpu.memory_space<vmem>>) dst(%dma_wait3A_614 : memref<640x16xf32, #tpu.memory_space<vmem_shared>>)
    %barrier3A_615 = arith.constant 0 : index
    tpu.barrier barrier_id(%barrier3A_615)
    %mul3A_616 = arith.constant 40 : i32
    %mul3A_617 = arith.muli %arg1, %mul3A_616 : i32
    %mul3A_618 = arith.constant 40 : i32
    %mul3A_619 = arith.muli %arg1, %mul3A_618 : i32
    "tpu.region"() ({
      %run_scoped3A = tpu.sem_alloc : memref<!tpu.dma_semaphore, #tpu.memory_space<semaphore_mem>>
      %dma_start3A_620 = arith.constant 0 : i32
      %dma_start3A_621 = tpu.memref_slice %arg4[%arg0, %mul3A_619, %dma_start3A_620] : memref<2x640x16xf32, #tpu.memory_space<hbm>> -> memref<1x40x16xf32, #tpu.memory_space<hbm>>
      %dma_start3A_622 = tpu.memref_squeeze %dma_start3A_621 : memref<1x40x16xf32, #tpu.memory_space<hbm>> -> memref<40x16xf32, #tpu.memory_space<hbm>>
      %dma_start3A_623 = arith.constant 0 : i32
      %dma_start3A_624 = tpu.memref_slice %arg11[%mul3A_617, %dma_start3A_623] : memref<640x16xf32, #tpu.memory_space<vmem_shared>> -> memref<40x16xf32, #tpu.memory_space<vmem_shared>>
      tpu.enqueue_dma source(%dma_start3A_624 : memref<40x16xf32, #tpu.memory_space<vmem_shared>>) target(%dma_start3A_622 : memref<40x16xf32, #tpu.memory_space<hbm>>) target_semaphore(%run_scoped3A : memref<!tpu.dma_semaphore, #tpu.memory_space<semaphore_mem>>)
      %dma_wait3A_625 = arith.constant 0 : i32
      %dma_wait3A_626 = tpu.memref_slice %arg4[%arg0, %mul3A_619, %dma_wait3A_625] : memref<2x640x16xf32, #tpu.memory_space<hbm>> -> memref<1x40x16xf32, #tpu.memory_space<hbm>>
      %dma_wait3A_627 = tpu.memref_squeeze %dma_wait3A_626 : memref<1x40x16xf32, #tpu.memory_space<hbm>> -> memref<40x16xf32, #tpu.memory_space<hbm>>
      %dma_wait3A_628 = arith.constant 0 : i32
      %dma_wait3A_629 = tpu.memref_slice %arg11[%mul3A_617, %dma_wait3A_628] : memref<640x16xf32, #tpu.memory_space<vmem_shared>> -> memref<40x16xf32, #tpu.memory_space<vmem_shared>>
      tpu.wait_dma2 semaphore(%run_scoped3A : memref<!tpu.dma_semaphore, #tpu.memory_space<semaphore_mem>>) src(%dma_wait3A_629 : memref<40x16xf32, #tpu.memory_space<vmem_shared>>) dst(%dma_wait3A_627 : memref<40x16xf32, #tpu.memory_space<hbm>>)
      tpu.yield
    }) : () -> ()
    return
  }
}

module attributes {stable_mosaic.version = 14 : i64} {
  func.func @_mm_body(%arg0: i32, %arg1: memref<2000x128xf32, #tpu.memory_space<vmem>>, %arg2: memref<128x128xf32, #tpu.memory_space<vmem>>, %arg3: memref<2000x2xf32, #tpu.memory_space<vmem>>, %arg4: memref<2000x128xf32, #tpu.memory_space<vmem>>) attributes {dimension_semantics = [#tpu.dimension_semantics<arbitrary>], iteration_bounds = array<i64: 5>, scalar_prefetch = 0 : i64, scratch_operands = 0 : i64, tpu.core_type = #tpu.core_type<tc>, window_params = [{transform_indices = @transform_0, window_bounds = array<i64: 2000, 128>}, {pipeline_mode = #tpu.pipeline_mode<synchronous>, transform_indices = @transform_1, window_bounds = array<i64: 128, 128>}, {transform_indices = @transform_2, window_bounds = array<i64: 2000, 2>}, {transform_indices = @transform_3, window_bounds = array<i64: 2000, 128>}]} {
    %get3A = arith.constant 0 : index
    %get3A_0 = arith.constant 0 : index
    %get3A_1 = vector.load %arg3[%get3A, %get3A_0] : memref<2000x2xf32, #tpu.memory_space<vmem>>, vector<2000x1xf32>
    %get3A_2 = arith.constant 0 : index
    %get3A_3 = arith.constant 1 : index
    %get3A_4 = vector.load %arg3[%get3A_2, %get3A_3] : memref<2000x2xf32, #tpu.memory_space<vmem>>, vector<2000x1xf32>
    %add3A = arith.addf %get3A_1, %get3A_4 : vector<2000x1xf32>
    %add3A_5 = arith.constant 1.000000e+00 : f32
    %add3A_6 = vector.broadcast %add3A_5 : f32 to vector<2000x1xf32>
    %add3A_7 = arith.addf %add3A, %add3A_6 : vector<2000x1xf32>
    %rsqrt3A = math.rsqrt %add3A_7 : vector<2000x1xf32>
    %get3A_8 = arith.constant 0 : index
    %get3A_9 = arith.constant 0 : index
    %get3A_10 = vector.load %arg1[%get3A_8, %get3A_9] : memref<2000x128xf32, #tpu.memory_space<vmem>>, vector<2000x128xf32>
    %get3A_11 = arith.constant 0 : index
    %get3A_12 = arith.constant 0 : index
    %get3A_13 = vector.load %arg2[%get3A_11, %get3A_12] : memref<128x128xf32, #tpu.memory_space<vmem>>, vector<128x128xf32>
    %dot_general3A = arith.constant dense<0.000000e+00> : vector<2000x128xf32>
    %dot_general3A_14 = tpu.matmul %get3A_10, %get3A_13, %dot_general3A {dimension_numbers = #tpu.dot_dimension_numbers<[1], [0], [0], [1], [0, 0, 1, 1], [], []>, transpose_lhs_hint = false} : vector<2000x128xf32>, vector<128x128xf32>, vector<2000x128xf32> -> vector<2000x128xf32>
    %mul3A = vector.broadcast %rsqrt3A : vector<2000x1xf32> to vector<2000x128xf32>
    %mul3A_15 = arith.mulf %mul3A, %dot_general3A_14 : vector<2000x128xf32>
    %swap3A = arith.constant 0 : index
    %swap3A_16 = arith.constant 0 : index
    %swap3A_17 = vector.load %arg4[%swap3A, %swap3A_16] : memref<2000x128xf32, #tpu.memory_space<vmem>>, vector<2000x128xf32>
    tpu.vector_store %arg4[%swap3A, %swap3A_16], %mul3A_15 {strides = array<i32>} : memref<2000x128xf32, #tpu.memory_space<vmem>>, vector<2000x128xf32>,
    return
  }
  func.func @transform_0(%arg0: i32) -> (i32, i32) {
    %c0_i32 = arith.constant 0 : i32
    %c0_i32_0 = arith.constant 0 : i32
    return %arg0, %c0_i32 : i32, i32
  }
  func.func @transform_1(%arg0: i32) -> (i32, i32) {
    %c0_i32 = arith.constant 0 : i32
    %c0_i32_0 = arith.constant 0 : i32
    %c0_i32_1 = arith.constant 0 : i32
    return %c0_i32, %c0_i32_0 : i32, i32
  }
  func.func @transform_2(%arg0: i32) -> (i32, i32) {
    %c0_i32 = arith.constant 0 : i32
    %c0_i32_0 = arith.constant 0 : i32
    return %arg0, %c0_i32 : i32, i32
  }
  func.func @transform_3(%arg0: i32) -> (i32, i32) {
    %c0_i32 = arith.constant 0 : i32
    %c0_i32_0 = arith.constant 0 : i32
    return %arg0, %c0_i32 : i32, i32
  }
}

module attributes {stable_mosaic.version = 14 : i64} {
  func.func @_ep_body(%arg0: i32, %arg1: memref<2x2000x128xf32, #tpu.memory_space<vmem>>, %arg2: memref<2000x128xf32, #tpu.memory_space<vmem>>, %arg3: memref<2000x2xf32, #tpu.memory_space<vmem>>, %arg4: memref<2000x128xf32, #tpu.memory_space<vmem>>, %arg5: memref<1x128xf32, #tpu.memory_space<vmem>>, %arg6: memref<128x128xf32, #tpu.memory_space<vmem>>, %arg7: memref<1x128xf32, #tpu.memory_space<vmem>>, %arg8: memref<128x128xf32, #tpu.memory_space<vmem>>, %arg9: memref<1x128xf32, #tpu.memory_space<vmem>>, %arg10: memref<128x128xf32, #tpu.memory_space<vmem>>, %arg11: memref<1x128xf32, #tpu.memory_space<vmem>>, %arg12: memref<2000x128xf32, #tpu.memory_space<vmem>>) attributes {dimension_semantics = [#tpu.dimension_semantics<arbitrary>], iteration_bounds = array<i64: 5>, scalar_prefetch = 0 : i64, scratch_operands = 0 : i64, tpu.core_type = #tpu.core_type<tc>, window_params = [{transform_indices = @transform_0, window_bounds = array<i64: 2, 2000, 128>}, {transform_indices = @transform_1, window_bounds = array<i64: 2000, 128>}, {transform_indices = @transform_2, window_bounds = array<i64: 2000, 2>}, {transform_indices = @transform_3, window_bounds = array<i64: 2000, 128>}, {pipeline_mode = #tpu.pipeline_mode<synchronous>, transform_indices = @transform_4, window_bounds = array<i64: 1, 128>}, {pipeline_mode = #tpu.pipeline_mode<synchronous>, transform_indices = @transform_5, window_bounds = array<i64: 128, 128>}, {pipeline_mode = #tpu.pipeline_mode<synchronous>, transform_indices = @transform_6, window_bounds = array<i64: 1, 128>}, {pipeline_mode = #tpu.pipeline_mode<synchronous>, transform_indices = @transform_7, window_bounds = array<i64: 128, 128>}, {pipeline_mode = #tpu.pipeline_mode<synchronous>, transform_indices = @transform_8, window_bounds = array<i64: 1, 128>}, {pipeline_mode = #tpu.pipeline_mode<synchronous>, transform_indices = @transform_9, window_bounds = array<i64: 128, 128>}, {pipeline_mode = #tpu.pipeline_mode<synchronous>, transform_indices = @transform_10, window_bounds = array<i64: 1, 128>}, {transform_indices = @transform_11, window_bounds = array<i64: 2000, 128>}]} {
    %get3A = arith.constant 0 : index
    %get3A_0 = arith.constant 0 : index
    %get3A_1 = vector.load %arg3[%get3A, %get3A_0] : memref<2000x2xf32, #tpu.memory_space<vmem>>, vector<2000x1xf32>
    %get3A_2 = arith.constant 0 : index
    %get3A_3 = arith.constant 1 : index
    %get3A_4 = vector.load %arg3[%get3A_2, %get3A_3] : memref<2000x2xf32, #tpu.memory_space<vmem>>, vector<2000x1xf32>
    %add3A = arith.addf %get3A_1, %get3A_4 : vector<2000x1xf32>
    %add3A_5 = arith.constant 1.000000e+00 : f32
    %add3A_6 = vector.broadcast %add3A_5 : f32 to vector<2000x1xf32>
    %add3A_7 = arith.addf %add3A, %add3A_6 : vector<2000x1xf32>
    %rsqrt3A = math.rsqrt %add3A_7 : vector<2000x1xf32>
    %get3A_8 = arith.constant 0 : index
    %get3A_9 = arith.constant 0 : index
    %get3A_10 = vector.load %arg2[%get3A_8, %get3A_9] : memref<2000x128xf32, #tpu.memory_space<vmem>>, vector<2000x128xf32>
    %get3A_11 = arith.constant 0 : index
    %get3A_12 = arith.constant 0 : index
    %get3A_13 = arith.constant 0 : index
    %get3A_14 = vector.load %arg1[%get3A_11, %get3A_12, %get3A_13] : memref<2x2000x128xf32, #tpu.memory_space<vmem>>, vector<1x2000x128xf32>
    %get3A_15 = vector.shape_cast %get3A_14 : vector<1x2000x128xf32> to vector<2000x128xf32>
    %get3A_16 = arith.constant 1 : index
    %get3A_17 = arith.constant 0 : index
    %get3A_18 = arith.constant 0 : index
    %get3A_19 = vector.load %arg1[%get3A_16, %get3A_17, %get3A_18] : memref<2x2000x128xf32, #tpu.memory_space<vmem>>, vector<1x2000x128xf32>
    %get3A_20 = vector.shape_cast %get3A_19 : vector<1x2000x128xf32> to vector<2000x128xf32>
    %add3A_21 = arith.addf %get3A_15, %get3A_20 : vector<2000x128xf32>
    %add3A_22 = arith.addf %add3A_21, %get3A_10 : vector<2000x128xf32>
    %mul3A = vector.broadcast %rsqrt3A : vector<2000x1xf32> to vector<2000x128xf32>
    %mul3A_23 = arith.mulf %mul3A, %add3A_22 : vector<2000x128xf32>
    %get3A_24 = arith.constant 0 : index
    %get3A_25 = arith.constant 0 : index
    %get3A_26 = vector.load %arg5[%get3A_24, %get3A_25] : memref<1x128xf32, #tpu.memory_space<vmem>>, vector<1x128xf32>
    %add3A_27 = vector.broadcast %get3A_26 : vector<1x128xf32> to vector<2000x128xf32>
    %add3A_28 = arith.addf %mul3A_23, %add3A_27 : vector<2000x128xf32>
    %ge3A = arith.constant 0.000000e+00 : f32
    %ge3A_29 = vector.broadcast %ge3A : f32 to vector<2000x128xf32>
    %ge3A_30 = arith.cmpf oge, %add3A_28, %ge3A_29 : vector<2000x128xf32>
    %mul3A_31 = arith.constant 0.00999999977 : f32
    %mul3A_32 = vector.broadcast %mul3A_31 : f32 to vector<2000x128xf32>
    %mul3A_33 = arith.mulf %mul3A_32, %add3A_28 : vector<2000x128xf32>
    %select_n3A = arith.select %ge3A_30, %add3A_28, %mul3A_33 : vector<2000x128xi1>, vector<2000x128xf32>
    %get3A_34 = arith.constant 0 : index
    %get3A_35 = arith.constant 0 : index
    %get3A_36 = vector.load %arg4[%get3A_34, %get3A_35] : memref<2000x128xf32, #tpu.memory_space<vmem>>, vector<2000x128xf32>
    %add3A_37 = arith.addf %select_n3A, %get3A_36 : vector<2000x128xf32>
    %get3A_38 = arith.constant 0 : index
    %get3A_39 = arith.constant 0 : index
    %get3A_40 = vector.load %arg6[%get3A_38, %get3A_39] : memref<128x128xf32, #tpu.memory_space<vmem>>, vector<128x128xf32>
    %dot_general3A = arith.constant dense<0.000000e+00> : vector<2000x128xf32>
    %dot_general3A_41 = tpu.matmul %add3A_37, %get3A_40, %dot_general3A {dimension_numbers = #tpu.dot_dimension_numbers<[1], [0], [0], [1], [0, 0, 1, 1], [], []>, transpose_lhs_hint = false} : vector<2000x128xf32>, vector<128x128xf32>, vector<2000x128xf32> -> vector<2000x128xf32>
    %get3A_42 = arith.constant 0 : index
    %get3A_43 = arith.constant 0 : index
    %get3A_44 = vector.load %arg7[%get3A_42, %get3A_43] : memref<1x128xf32, #tpu.memory_space<vmem>>, vector<1x128xf32>
    %add3A_45 = vector.broadcast %get3A_44 : vector<1x128xf32> to vector<2000x128xf32>
    %add3A_46 = arith.addf %dot_general3A_41, %add3A_45 : vector<2000x128xf32>
    %ge3A_47 = arith.constant 0.000000e+00 : f32
    %ge3A_48 = vector.broadcast %ge3A_47 : f32 to vector<2000x128xf32>
    %ge3A_49 = arith.cmpf oge, %add3A_46, %ge3A_48 : vector<2000x128xf32>
    %mul3A_50 = arith.constant 0.00999999977 : f32
    %mul3A_51 = vector.broadcast %mul3A_50 : f32 to vector<2000x128xf32>
    %mul3A_52 = arith.mulf %mul3A_51, %add3A_46 : vector<2000x128xf32>
    %select_n3A_53 = arith.select %ge3A_49, %add3A_46, %mul3A_52 : vector<2000x128xi1>, vector<2000x128xf32>
    %get3A_54 = arith.constant 0 : index
    %get3A_55 = arith.constant 0 : index
    %get3A_56 = vector.load %arg8[%get3A_54, %get3A_55] : memref<128x128xf32, #tpu.memory_space<vmem>>, vector<128x128xf32>
    %dot_general3A_57 = arith.constant dense<0.000000e+00> : vector<2000x128xf32>
    %dot_general3A_58 = tpu.matmul %select_n3A_53, %get3A_56, %dot_general3A_57 {dimension_numbers = #tpu.dot_dimension_numbers<[1], [0], [0], [1], [0, 0, 1, 1], [], []>, transpose_lhs_hint = false} : vector<2000x128xf32>, vector<128x128xf32>, vector<2000x128xf32> -> vector<2000x128xf32>
    %get3A_59 = arith.constant 0 : index
    %get3A_60 = arith.constant 0 : index
    %get3A_61 = vector.load %arg9[%get3A_59, %get3A_60] : memref<1x128xf32, #tpu.memory_space<vmem>>, vector<1x128xf32>
    %add3A_62 = vector.broadcast %get3A_61 : vector<1x128xf32> to vector<2000x128xf32>
    %add3A_63 = arith.addf %dot_general3A_58, %add3A_62 : vector<2000x128xf32>
    %ge3A_64 = arith.constant 0.000000e+00 : f32
    %ge3A_65 = vector.broadcast %ge3A_64 : f32 to vector<2000x128xf32>
    %ge3A_66 = arith.cmpf oge, %add3A_63, %ge3A_65 : vector<2000x128xf32>
    %mul3A_67 = arith.constant 0.00999999977 : f32
    %mul3A_68 = vector.broadcast %mul3A_67 : f32 to vector<2000x128xf32>
    %mul3A_69 = arith.mulf %mul3A_68, %add3A_63 : vector<2000x128xf32>
    %select_n3A_70 = arith.select %ge3A_66, %add3A_63, %mul3A_69 : vector<2000x128xi1>, vector<2000x128xf32>
    %get3A_71 = arith.constant 0 : index
    %get3A_72 = arith.constant 0 : index
    %get3A_73 = vector.load %arg10[%get3A_71, %get3A_72] : memref<128x128xf32, #tpu.memory_space<vmem>>, vector<128x128xf32>
    %dot_general3A_74 = arith.constant dense<0.000000e+00> : vector<2000x128xf32>
    %dot_general3A_75 = tpu.matmul %select_n3A_70, %get3A_73, %dot_general3A_74 {dimension_numbers = #tpu.dot_dimension_numbers<[1], [0], [0], [1], [0, 0, 1, 1], [], []>, transpose_lhs_hint = false} : vector<2000x128xf32>, vector<128x128xf32>, vector<2000x128xf32> -> vector<2000x128xf32>
    %get3A_76 = arith.constant 0 : index
    %get3A_77 = arith.constant 0 : index
    %get3A_78 = vector.load %arg11[%get3A_76, %get3A_77] : memref<1x128xf32, #tpu.memory_space<vmem>>, vector<1x128xf32>
    %add3A_79 = vector.broadcast %get3A_78 : vector<1x128xf32> to vector<2000x128xf32>
    %add3A_80 = arith.addf %dot_general3A_75, %add3A_79 : vector<2000x128xf32>
    %swap3A = arith.constant 0 : index
    %swap3A_81 = arith.constant 0 : index
    %swap3A_82 = vector.load %arg12[%swap3A, %swap3A_81] : memref<2000x128xf32, #tpu.memory_space<vmem>>, vector<2000x128xf32>
    tpu.vector_store %arg12[%swap3A, %swap3A_81], %add3A_80 {strides = array<i32>} : memref<2000x128xf32, #tpu.memory_space<vmem>>, vector<2000x128xf32>,
    return
  }
  func.func @transform_0(%arg0: i32) -> (i32, i32, i32) {
    %c0_i32 = arith.constant 0 : i32
    %c0_i32_0 = arith.constant 0 : i32
    %c0_i32_1 = arith.constant 0 : i32
    return %c0_i32, %arg0, %c0_i32_0 : i32, i32, i32
  }
  func.func @transform_1(%arg0: i32) -> (i32, i32) {
    %c0_i32 = arith.constant 0 : i32
    %c0_i32_0 = arith.constant 0 : i32
    return %arg0, %c0_i32 : i32, i32
  }
  func.func @transform_2(%arg0: i32) -> (i32, i32) {
    %c0_i32 = arith.constant 0 : i32
    %c0_i32_0 = arith.constant 0 : i32
    return %arg0, %c0_i32 : i32, i32
  }
  func.func @transform_3(%arg0: i32) -> (i32, i32) {
    %c0_i32 = arith.constant 0 : i32
    %c0_i32_0 = arith.constant 0 : i32
    return %arg0, %c0_i32 : i32, i32
  }
  func.func @transform_4(%arg0: i32) -> (i32, i32) {
    %c0_i32 = arith.constant 0 : i32
    %c0_i32_0 = arith.constant 0 : i32
    %c0_i32_1 = arith.constant 0 : i32
    return %c0_i32, %c0_i32_0 : i32, i32
  }
  func.func @transform_5(%arg0: i32) -> (i32, i32) {
    %c0_i32 = arith.constant 0 : i32
    %c0_i32_0 = arith.constant 0 : i32
    %c0_i32_1 = arith.constant 0 : i32
    return %c0_i32, %c0_i32_0 : i32, i32
  }
  func.func @transform_6(%arg0: i32) -> (i32, i32) {
    %c0_i32 = arith.constant 0 : i32
    %c0_i32_0 = arith.constant 0 : i32
    %c0_i32_1 = arith.constant 0 : i32
    return %c0_i32, %c0_i32_0 : i32, i32
  }
  func.func @transform_7(%arg0: i32) -> (i32, i32) {
    %c0_i32 = arith.constant 0 : i32
    %c0_i32_0 = arith.constant 0 : i32
    %c0_i32_1 = arith.constant 0 : i32
    return %c0_i32, %c0_i32_0 : i32, i32
  }
  func.func @transform_8(%arg0: i32) -> (i32, i32) {
    %c0_i32 = arith.constant 0 : i32
    %c0_i32_0 = arith.constant 0 : i32
    %c0_i32_1 = arith.constant 0 : i32
    return %c0_i32, %c0_i32_0 : i32, i32
  }
  func.func @transform_9(%arg0: i32) -> (i32, i32) {
    %c0_i32 = arith.constant 0 : i32
    %c0_i32_0 = arith.constant 0 : i32
    %c0_i32_1 = arith.constant 0 : i32
    return %c0_i32, %c0_i32_0 : i32, i32
  }
  func.func @transform_10(%arg0: i32) -> (i32, i32) {
    %c0_i32 = arith.constant 0 : i32
    %c0_i32_0 = arith.constant 0 : i32
    %c0_i32_1 = arith.constant 0 : i32
    return %c0_i32, %c0_i32_0 : i32, i32
  }
  func.func @transform_11(%arg0: i32) -> (i32, i32) {
    %c0_i32 = arith.constant 0 : i32
    %c0_i32_0 = arith.constant 0 : i32
    return %arg0, %c0_i32 : i32, i32
  }
}

</mosaic_0001>

<sc_bundles>
// kernel: kernel.6.cloned.1.call-start
scs
__scs_entry_jumppad:
0x0: {  	(pc) =	sbr.rel $0x88, $3  }
0x1: {  	(tag) =	ssettag $0x0;
	lr =	simm.s32 $0x1  }
0x2: {  	[smem:$0x3F96] =	sst lr;
	_ =	strace $0xD0000000  }
0x3: {  	_ = 	snop  }
0x4: {  	_ = 	snop  }
0x5: {  	_ = 	snop  }
0x6: {  	_ = 	snop  }
0x7: {  	_ = 	snop  }
__scs_overlays_trampoline_lowered:
0x8: {  	[smem:$0x3FA5] =	sst s0  }
0x9: {  	[smem:$0x3FA6] =	sst s1  }
0xa: {  	[smem:$0x3FA7] =	sst s2  }
0xb: {  	[smem:$0x3FA8] =	sst s3  }
0xc: {  	[smem:$0x3FA9] =	sst s4  }
0xd: {  	[smem:$0x3FAA] =	sst s5  }
0xe: {  	[smem:$0x3FAB] =	sst s6  }
0xf: {  	[smem:$0x3FAC] =	sst s7  }
0x10: {  	[smem:$0x3FAD] =	sst s8  }
0x11: {  	[smem:$0x3FAE] =	sst s9;
	s0 =	simm.s32 @!p0 $0x0  }
0x12: {  	s1 =	sld [smem:$0x3F94];
	s0 =	simm.s32 @p0 $0x1  }
0x13: {  	[smem:$0x3FAF] =	sst s0;
	s0 =	simm.s32 @!p1 $0x0  }
0x14: {  	s2 =	sld [smem:$0x3F93];
	s0 =	simm.s32 @p1 $0x1  }
0x15: {  	[smem:$0x3FB0] =	sst s0;
	s0 =	simm.s32 @!p2 $0x0  }
0x16: {  	s3 =	sld [smem:$0x3FDB];
	s0 =	simm.s32 @p2 $0x1  }
0x17: {  	s4 =	simm.s32 $0x1BF5;
	[smem:$0x3FB2] =	sst s0  }
0x18: {  	s0 =	sld [smem:$0x3F95];
	_ =	swait.ge [sflag:s4], $0x0  }
0x19: {  	s7 =	sld [smem:$0x3F96]  }
0x1a: {  	s8 =	sadd.s32 $0xFFFFE003, lr  }
0x1b: {  	s9 =	sadd.s32 $0xFFFFFEF7, lr;
	s5 =	simm.s32 $0xFFFFFFFF;
	p2 =	slt.u32 s8, $0xFFFFF086  }
0x1c: {  	p1 =	slt.u32 s9, $0xF7A;
	s5 =	simm.s32 @!p2 $0x0  }
0x1d: {  	s5 =	simm.s32 @p1 $0x1;
	p0 =	seq.s32 s7, s2  }
0x1e: {  	s7 =	smul.u32 @!p0 $0xF7A, s2;
	p2 =	seq.s32 @!p0 s5, $0x0  }
0x1f: {  	s9 =	smul.u32 $0xF7A, s1;
	s8 =	simm.s32 @!p0 $0x1BF5;
	p2 =	por !p2, p0  }
0x20: {  	[sflag:s8] =	ssyncset.s32 @!p0 $0xFFFFF086;
	s6 =	sadd.s32 @!p0 s3, s7;
	s7 =	simm.s32 @!p0 $0x108  }
0x21: {  	s3 =	sadd.s32 s3, s9;
	s6 =	sadd.s32 @!p0 $0x88, s6;
	s7 =	simm.s32 @p2 $0x1082  }
0x22: {  	[simem:s7], [sflag:s8] =	dma.local @!p0 [hbm:s6], $0xF7A  }
0x23: {  	s9 =	sor.u32 $0xD0000000, s2;
	s6 =	simm.s32 $0x108;
	_ =	swait.ge @!p0 [sflag:s8], $0x0  }
0x24: {  	s3 =	sadd.s32 $0x88, s3;
	s6 =	simm.s32 @!p1 $0x1082;
	[sflag:s4] =	ssyncset.s32 $0xFFFFF086  }
0x25: {  	[simem:s6], [sflag:s4] =	dma.local [hbm:s3], $0xF7A  }
0x26: {  	[smem:$0x3F96] =	sst s1;
	(tag) =	ssettag s2;
	_ =	strace s9  }
0x27: {  	s1 =	sld [smem:$0x3FA6]  }
0x28: {  	s2 =	sld [smem:$0x3FA7]  }
0x29: {  	s4 =	sld [smem:$0x3FA9]  }
0x2a: {  	p0 =	seq.s32 s5, $0x0;
	s5 =	sld [smem:$0x3FAA]  }
0x2b: {  	s6 =	sld [smem:$0x3FAB]  }
0x2c: {  	s7 =	sld [smem:$0x3FAC]  }
0x2d: {  	s3 =	simm.s32 $0x108;
	s8 =	sld [smem:$0x3FAD]  }
0x2e: {  	s3 =	simm.s32 @!p0 $0x1082;
	s9 =	sld [smem:$0x3FAE]  }
0x2f: {  	lr =	sadd.s32 s0, s3;
	s0 =	sld [smem:$0x3FA5]  }
0x30: {  	s3 =	sld [smem:$0x3FA8]  }
0x31: {  	[smem:$0x3FB1] =	sst s10  }
0x32: {  	s10 =	sld [smem:$0x3FAF];
	_ =	sdelay $0x3  }
0x33: {  	p0 =	seq.s32 s10, $0x1;
	s10 =	sld [smem:$0x3FB1];
	_ =	sdelay $0x3  }
0x34: {  	[smem:$0x3FB1] =	sst s10  }
0x35: {  	s10 =	sld [smem:$0x3FB0];
	_ =	sdelay $0x3  }
0x36: {  	p1 =	seq.s32 s10, $0x1;
	s10 =	sld [smem:$0x3FB1];
	_ =	sdelay $0x3  }
0x37: {  	[smem:$0x3FB1] =	sst s10  }
0x38: {  	s10 =	sld [smem:$0x3FB2]  }
0x39: {  	_ = 	snop;
	(pc) =	sbr.ind lr, $3  }
0x3a: {  	_ = 	snop  }
0x3b: {  	_ = 	snop  }
0x3c: {  	p2 =	seq.s32 s10, $0x1;
	s10 =	sld [smem:$0x3FB1]  }
0x3d: {  	_ =	shalt  }
0x3e: {  	_ =	shalt  }
0x3f: {  	_ =	shalt  }
0x40: {  	_ =	shalt  }
0x41: {  	_ =	shalt  }
0x42: {  	_ =	shalt  }
0x43: {  	_ =	shalt  }
0x44: {  	_ =	shalt  }
0x45: {  	_ =	shalt  }
0x46: {  	_ =	shalt  }
0x47: {  	_ =	shalt  }
0x48: {  	_ =	shalt  }
0x49: {  	_ =	shalt  }
0x4a: {  	_ =	shalt  }
0x4b: {  	_ =	shalt  }
0x4c: {  	_ =	shalt  }
0x4d: {  	_ =	shalt  }
0x4e: {  	_ =	shalt  }
0x4f: {  	_ =	shalt  }
0x50: {  	_ =	shalt  }
0x51: {  	_ =	shalt  }
0x52: {  	_ =	shalt  }
0x53: {  	_ =	shalt  }
0x54: {  	_ =	shalt  }
0x55: {  	_ =	shalt  }
0x56: {  	_ =	shalt  }
0x57: {  	_ =	shalt  }
0x58: {  	_ =	shalt  }
0x59: {  	_ =	shalt  }
0x5a: {  	_ =	shalt  }
0x5b: {  	_ =	shalt  }
0x5c: {  	_ =	shalt  }
0x5d: {  	_ =	shalt  }
0x5e: {  	_ =	shalt  }
0x5f: {  	_ =	shalt  }
0x60: {  	_ =	shalt  }
0x61: {  	_ =	shalt  }
0x62: {  	_ =	shalt  }
0x63: {  	_ =	shalt  }
0x64: {  	_ =	shalt  }
0x65: {  	_ =	shalt  }
0x66: {  	_ =	shalt  }
0x67: {  	_ =	shalt  }
0x68: {  	_ =	shalt  }
0x69: {  	_ =	shalt  }
0x6a: {  	_ =	shalt  }
0x6b: {  	_ =	shalt  }
0x6c: {  	_ =	shalt  }
0x6d: {  	_ =	shalt  }
0x6e: {  	_ =	shalt  }
0x6f: {  	_ =	shalt  }
0x70: {  	_ =	shalt  }
0x71: {  	_ =	shalt  }
0x72: {  	_ =	shalt  }
0x73: {  	_ =	shalt  }
0x74: {  	_ =	shalt  }
0x75: {  	_ =	shalt  }
0x76: {  	_ =	shalt  }
0x77: {  	_ =	shalt  }
0x78: {  	_ =	shalt  }
0x79: {  	_ =	shalt  }
0x7a: {  	_ =	shalt  }
0x7b: {  	_ =	shalt  }
0x7c: {  	_ =	shalt  }
0x7d: {  	_ =	shalt  }
0x7e: {  	_ =	shalt  }
0x7f: {  	_ =	shalt  }
0x80: {  	_ =	shalt  }
0x81: {  	_ =	shalt  }
0x82: {  	_ =	shalt  }
0x83: {  	_ =	shalt  }
0x84: {  	_ =	shalt  }
0x85: {  	_ =	shalt  }
0x86: {  	_ =	shalt  }
0x87: {  	_ =	shalt  }
.Lfunc_end0:
.L_simem_size_0:
called_computation_lowered:
.L_overlay_start_0:
0x88: {  	s2 =	sld [smem:$0x3FD9]  }
0x89: {  	s3 =	sld [smem:$0x3FFE];
	_ =	sdelay $0x1  }
0x8a: {  	s1 =	srdreg.scid  }
0x8b: {  	s0 =	sand.u32 $0x1, s1  }
0x8c: {  	s17 =	sshll.u32 s0, $0xA;
	s2 =	sadd.s32 s3, s2  }
0x8d: {  	s2 =	sadd.s32 s2, s17  }
0x8e: {  	[smem:$0x3FBD] =	sst s2  }
0x8f: {  	_ = 	snop  }
0x90: {  	s2 =	sld [smem:$0x3FC7];
	(tm) =	ssettm $0x1  }
0x91: {  	s18 =	sld [smem:$0x3FFB];
	_ =	sdelay $0x3  }
0x92: {  	_ =	strace s18  }
0x93: {  	s3 =	sld [smem:$0x3FFC];
	_ =	sdelay $0x3  }
0x94: {  	_ =	strace s3  }
0x95: {  	s3 =	sld [smem:$0x3FFD];
	_ =	sdelay $0x3  }
0x96: {  	_ =	strace s3  }
0x97: {  	_ =	strace $0x8FFFFFFF  }
0x98: {  	s19 =	sld [smem:$0x3FDB];
	_ =	sdelay $0x1  }
0x99: {  	s4 =	simm.s32 $_scs_section_size  }
0x9a: {  	s5 =	simm.s32 $_size__tile_overlayer_lowered;
	s6 =	simm.s32 $_tile_overlayer_lowered  }
0x9b: {  	s22 =	simm.s32 $0x1BFF;
	s21 =	sshll.u32 s6, $0x1;
	s3 =	sadd.s32 s4, s19  }
0x9c: {  	s7 =	simm.s32 $0x0;
	s20 =	sshll.u32 s5, $0x1;
	s5 =	sadd.s32 s21, s3  }
0x9d: {  	[timem:s7], [sflag:s22] =	dma.local [hbm:s5], s20  }
0x9e: {  	_ =	swait.ge [sflag:s22], s20  }
0x9f: {  	s4 =	ssub.s32 $0x0, s20;
	[sflag:s22] =	ssyncset.done $0x0  }
0xa0: {  	[sflag:s22] =	ssyncadd.s32 s4;
	_ =	sdelay $0x1  }
0xa1: {  	s23 =	simm.s32 $0x1B8B  }
0xa2: {  	_ =	swait.ge [sflag:s23], $0x1  }
0xa3: {  	[sflag:s23] =	ssyncset.done $0x0  }
0xa4: {  	s25 =	simm.s32 $0x1B8E;
	s24 =	sld [smem:$0x3FFE];
	[sflag:s23] =	ssyncadd.s32 $0xFFFFFFFF  }
0xa5: {  	s26 =	simm.s32 $execute0_lowered;
	[smem:$0x3FD2] =	sst s25  }
0xa6: {  	s5 =	sshll.u32 s26, $0x1;
	_ =	strace $0x80000046;
	[dreg:$0x1] =	wrdreg $0xFFFFFFFF  }
0xa7: {  	s28 =	simm.s32 $_size_execute0_lowered;
	s3 =	sadd.s32 s3, s5;
	[dreg:$0x0] =	wrdreg $0x0  }
0xa8: {  	s5 =	sshll.u32 s28, $0x1;
	[dreg:$0x2] =	wrdreg s3  }
0xa9: {  	[dreg:$0x3] =	wrdreg s5  }
0xaa: {  	[dreg:$0x4] =	wrdreg $0xC0  }
0xab: {  	_ =	task [dreg:s7], $0x5FFFF  }
0xac: {  	[dreg:$0x1] =	wrdreg $0xFFFFFFFF  }
0xad: {  	[dreg:$0x0] =	wrdreg $0x60  }
0xae: {  	[dreg:$0x2] =	wrdreg s24  }
0xaf: {  	[dreg:$0x3] =	wrdreg s2  }
0xb0: {  	[dreg:$0x4] =	wrdreg $0x1BB300  }
0xb1: {  	[dreg:$0x5] =	wrdreg $0x9  }
0xb2: {  	_ =	task.clear_ibuf [dreg:s7], $0x6FFFF;
	_ =	strace $0x90000046  }
0xb3: {  	s29 =	simm.s32 $0x9;
	_ =	strace $0x80000048  }
0xb4: {  	_ =	swait.ge [sflag:s29], $0x1  }
0xb5: {  	[sflag:s29] =	ssyncadd.s32 $0xFFFFFFFF  }
0xb6: {  	_ =	strace $0x90000048  }
0xb7: {  	_ =	sfence  }
0xb8: {  	s30 =	sld [smem:$0x0];
	_ =	sdelay $0x2  }
0xb9: {  	s31 =	sshll.u32 s1, $0xD;
	s1 =	sshrl.u32 s1, $0x2  }
0xba: {  	s3 =	sand.u32 $0x4000, s31;
	s1 =	sadd.s32 s1, s30  }
0xbb: {  	s0 =	sor.u32 s3, s0;
	s1 =	sshll.u32 s1, $0x11  }
0xbc: {  	s0 =	sor.u32 s1, s0  }
0xbd: {  	s0 =	sadd.s32 $0x8F2B, s0  }
0xbe: {  	[sflag:s0] =	ssyncadd.remote.s32 $0x1  }
0xbf: {  	_ =	sfence.sel $0xFFFF  }
0xc0: {  	[dreg:$0x0] =	wrdreg $0xFFFFFFFF;
	(pc) =	sbr.abs _section_cstart, $3  }
0xc1: {  	[dreg:$0x1] =	wrdreg $0xFFFFFFFF  }
0xc2: {  	_ =	task.clear_ibuf [dreg:s7], $0x2FFFF;
	_ =	strace $0x9FFFFFFF  }
0xc3: {  	(tm) =	ssettm $0x7FFFFFFF  }
tec
execute0_lowered:
.L_overlay_start_1:
0x0: {  	(tag) =	ssettag $0x1  }
0x1: {  	s4 =	rddreg [dreg:$0x0]  }
0x2: {  	s5 =	rddreg [dreg:$0x1]  }
0x3: {  	v0 =	vlaneseq.u32;
	s2 =	rddreg [dreg:$0x2];
	v2 =	vimm.f32 $0.0e+00  }
0x4: {  	s0 =	rddreg [dreg:$0x3];
	s3 =	srdreg.scid;
	v1 =	vmul.u32 $0x1400, v0;
	v3 =	vor.u32 $0x14000, v0;
	v5 =	vor.u32 $0x10, v0  }
0x5: {  	s1 =	stileid.u32;
	s12 =	simm.s32 $0x1B8B0;
	s13 =	simm.s32 $0x80;
	v6 =	vor.u32 $0x20, v0;
	v7 =	vor.u32 $0x30, v0;
	v8 =	vor.u32 $0x40, v0  }
0x6: {  	s14 =	simm.s32 $0x1B630;
	s15 =	simm.s32 $0x18E30;
	s16 =	simm.s32 $0x1B6B0;
	v9 =	vor.u32 $0x50, v0;
	v10 =	vor.u32 $0x60, v0;
	v11 =	vor.u32 $0x70, v0  }
0x7: {  	s17 =	simm.s32 $0x19630;
	s18 =	simm.s32 $0x1B730;
	s19 =	simm.s32 $0x19E30;
	v12 =	vor.u32 $0x80, v0;
	v13 =	vor.u32 $0x90, v0;
	v14 =	vor.u32 $0xA0, v0  }
0x8: {  	s20 =	simm.s32 $0x1B7B0;
	s21 =	simm.s32 $0x1A630;
	s22 =	simm.s32 $0x1B830;
	v15 =	vor.u32 $0xB0, v0;
	v16 =	vor.u32 $0xC0, v0;
	v17 =	vor.u32 $0xD0, v0  }
0x9: {  	s23 =	simm.s32 $0x1AE30;
	s24 =	simm.s32 $0x1;
	s25 =	simm.s32 $0x0;
	v18 =	vor.u32 $0xE0, v0;
	v19 =	vor.u32 $0xF0, v0;
	v20 =	vor.u32 $0x100, v0  }
0xa: {  	s6 =	sand.u32 $0x1, s3;
	s7 =	sshll.u32 s1, $0x1;
	s8 =	smul.u32 $0x280, s1;
	v21 =	vor.u32 $0x110, v0;
	v22 =	vor.u32 $0x120, v0;
	v23 =	vor.u32 $0x130, v0  }
0xb: {  	s3 =	simm.s32 $0x0;
	v24 =	vor.u32 $0x140, v0;
	v25 =	vor.u32 $0x150, v0;
	v26 =	vor.u32 $0x160, v0;
	s7 =	sor.u32 s6, s7;
	s9 =	smul.u32 $0x2800, s6  }
0xc: {  	v27 =	vor.u32 $0x170, v0;
	v28 =	vor.u32 $0x180, v0;
	v29 =	vor.u32 $0x190, v0;
	[smem:$0x7FF] =	sst s3;
	s6 =	ssub.s32 $0x2, s6;
	s7 =	smul.u32 $0x4E2, s7  }
0xd: {  	v30 =	vor.u32 $0x1A0, v0;
	v31 =	vor.u32 $0x1B0, v0;
	v32 =	vor.u32 $0x1C0, v0;
	_ =	strace $0x80000047;
	s11 =	sshrl.u32 s6, $0x1;
	s9 =	sadd.s32 s8, s9  }
0xe: {  	v33 =	vor.u32 $0x1D0, v0;
	v34 =	vor.u32 $0x1E0, v0;
	v35 =	vor.u32 $0x1F0, v0;
	s11 =	ssub.s32 s6, s11;
	s6 =	sadd.s32 s8, s2;
	s10 =	sadd.s32 s7, s4  }
0xf: {  	v36 =	vor.u32 $0x200, v0;
	v37 =	vor.u32 $0x210, v0;
	v38 =	vor.u32 $0x220, v0;
	s9 =	sshrl.u32 s9, $0x3;
	s5 =	sadd.s32 s5, s7;
	s8 =	smax.u32 s11, $0x1  }
0x10: {  	v39 =	vor.u32 $0x230, v0;
	v40 =	vor.u32 $0x240, v0;
	v41 =	vor.u32 $0x250, v0;
	s11 =	simm.s32 $0x4E20;
	s9 =	sadd.s32 s9, s4;
	s4 =	sadd.s32 $0x1600, s10  }
0x11: {  	v42 =	vor.u32 $0x260, v0;
	v43 =	vor.u32 $0x270, v0;
	v4 =	vadd.s32 $0xFFFFEC00, v1;
	s10 =	simm.s32 $0x2710;
	s7 =	sadd.s32 $0x15200, s9;
	s9 =	simm.s32 $0x2  }
.LBB2_1:
0x12: {  	[tilespmem:s3], [sflag:$0x2] =	stream.linear.gather [hbm4b:s4+s3], $0x2710, $0x38;
	[tilespmem:$0x1BDB0] =	vst v63  }
0x13: {  	_ =	swait.ge [sflag:s9], $0x2710  }
0x14: {  	[sflag:s9] =	ssyncset.done $0x0  }
0x15: {  	[sflag:s9] =	ssyncadd.s32 $0xFFFFD8F0  }
0x16: {  	[tilespmem:s10], [sflag:$0x2] =	stream.linear.gather [hbm4b:s5+s3], $0x2710, $0x38;
	[tilespmem:$0x1BDB0] =	vst v63  }
0x17: {  	_ =	swait.ge [sflag:s9], $0x2710  }
0x18: {  	[sflag:s9] =	ssyncset.done $0x0  }
0x19: {  	s26 =	simm.s32 $0x4E60;
	[sflag:s9] =	ssyncadd.s32 $0xFFFFD8F0  }
0x1a: {  	[tilespmem:s26+$0xFFFFFFC0] =	vst v2  }
0x1b: {  	[tilespmem:s26+$0x30] =	vst v2  }
0x1c: {  	[tilespmem:s26+$0x20] =	vst v2  }
0x1d: {  	[tilespmem:s26+$0x10] =	vst v2  }
0x1e: {  	[tilespmem:s26+$0x0] =	vst v2  }
0x1f: {  	[tilespmem:s26+$0xFFFFFFF0] =	vst v2  }
0x20: {  	s28 =	simm.s32 $0x0;
	[tilespmem:s26+$0xFFFFFFE0] =	vst v2  }
.LBB2_2:
0x21: {  	s28 =	sadd.s32 $0x8, s28;
	[tilespmem:s26+$0xFFFFFFD0] =	vst v2;
	s26 =	sadd.s32 $0x80, s26  }
0x22: {  	[tilespmem:s26+$0xFFFFFFC0] =	vst v2;
	p0 =	slt.u32 s28, $0x13F8  }
0x23: {  	[tilespmem:s26+$0x30] =	vst v2  }
.Ltmp0:
0x24: {  	[tilespmem:s26+$0x20] =	vst v2;
	(pc) =	sbr.rel @p0 .LBB2_2-.Ltmp0, $4  }
0x25: {  	[tilespmem:s26+$0x10] =	vst v2  }
0x26: {  	[tilespmem:s26+$0x0] =	vst v2  }
0x27: {  	[tilespmem:s26+$0xFFFFFFF0] =	vst v2  }
0x28: {  	[tilespmem:s26+$0xFFFFFFE0] =	vst v2  }
0x29: {  	[tilespmem:s26+$0xFFFFFFD0] =	vst v2  }
0x2a: {  	s26 =	simm.s32 $0xFFFFFFFE;
	s28 =	simm.s32 $0x10;
	s29 =	simm.s32 $0x2720;
	[tilespmem:$0x18E20] =	vst v2  }
.LBB2_4:
0x2b: {  	v44 =	vld [tilespmem:s28+$0xFFFFFFF0];
	_ =	sdelay $0x4  }
0x2c: {  	vm0 =	vlt.u32 v44, $0x1400;
	v44 =	vadd.s32 v1, v44  }
0x2d: {  	v45 =	vld [tilespmem:s29+$0xFFFFFFF0];
	v44 =	vsel vm0, v44, v3;
	_ =	sdelay $0x4  }
0x2e: {  	[tilespmem:v44+s11+$0x0] =	vst.idx.add.f32.msk $0xffff, v45  }
0x2f: {  	v44 =	vld [tilespmem:s28+$0x0];
	_ =	sdelay $0x4  }
0x30: {  	s26 =	sadd.s32 $0x2, s26;
	vm15 =	vlt.u32 v44, $0x1400;
	v44 =	vadd.s32 v1, v44  }
0x31: {  	p0 =	slt.u32 s26, $0x26E;
	v45 =	vld [tilespmem:s29+$0x0];
	v44 =	vsel vm15, v44, v3  }
.Ltmp1:
0x32: {  	_ = 	snop;
	(pc) =	sbr.rel @p0 .LBB2_4-.Ltmp1, $2  }
0x33: {  	_ =	sdelay $0x2  }
0x34: {  	s28 =	sadd.s32 $0x20, s28;
	s29 =	sadd.s32 $0x20, s29;
	[tilespmem:v44+s11+$0x0] =	vst.idx.add.f32.msk $0xffff, v45  }
0x35: {  	v44 =	vld [tilespmem:$0x2700];
	_ =	sdelay $0x4  }
0x36: {  	vm0 =	vlt.u32 v44, $0x1400;
	v44 =	vadd.s32 v1, v44  }
0x37: {  	v45 =	vld [tilespmem:$0x4E10];
	v44 =	vsel vm0, v44, v3;
	_ =	sdelay $0x4  }
0x38: {  	s26 =	simm.s32 $0x0;
	[tilespmem:v44+s11+$0x0] =	vst.idx.add.f32.msk $0xffff, v45  }
0x39: {  	v44 =	vld [tilespmem:s26+$0x4E30]  }
0x3a: {  	v45 =	vld [tilespmem:s26+$0x4E20]  }
0x3b: {  	v46 =	vld [tilespmem:s26+$0x6230]  }
0x3c: {  	v47 =	vld [tilespmem:s26+$0x6220]  }
0x3d: {  	v48 =	vld [tilespmem:s26+$0x7630]  }
0x3e: {  	v49 =	vld [tilespmem:s26+$0x7620];
	v44 =	vadd.f32 $0.0e+00, v44  }
0x3f: {  	v50 =	vld [tilespmem:s26+$0x8A30];
	v45 =	vadd.f32 $0.0e+00, v45  }
0x40: {  	v51 =	vld [tilespmem:s26+$0x8A20];
	v44 =	vadd.f32 v46, v44  }
0x41: {  	v56 =	vld [tilespmem:s26+$0x9E30];
	v45 =	vadd.f32 v47, v45  }
0x42: {  	v57 =	vld [tilespmem:s26+$0x9E20];
	v44 =	vadd.f32 v48, v44  }
0x43: {  	v58 =	vld [tilespmem:s26+$0xB230];
	v45 =	vadd.f32 v49, v45  }
0x44: {  	v59 =	vld [tilespmem:s26+$0xB220];
	v44 =	vadd.f32 v50, v44  }
0x45: {  	v60 =	vld [tilespmem:s26+$0xC630];
	v45 =	vadd.f32 v51, v45  }
0x46: {  	v61 =	vld [tilespmem:s26+$0xC620];
	v44 =	vadd.f32 v56, v44  }
0x47: {  	v62 =	vld [tilespmem:s26+$0xDA30];
	v45 =	vadd.f32 v57, v45  }
0x48: {  	v63 =	vld [tilespmem:s26+$0xDA20];
	v44 =	vadd.f32 v58, v44  }
0x49: {  	v54 =	vld [tilespmem:s26+$0xEE30];
	v45 =	vadd.f32 v59, v45  }
0x4a: {  	v55 =	vld [tilespmem:s26+$0xEE20];
	v44 =	vadd.f32 v60, v44  }
0x4b: {  	v56 =	vld [tilespmem:s26+$0x10230];
	v45 =	vadd.f32 v61, v45  }
0x4c: {  	v57 =	vld [tilespmem:s26+$0x10220];
	v44 =	vadd.f32 v62, v44  }
0x4d: {  	v58 =	vld [tilespmem:s26+$0x11630];
	v45 =	vadd.f32 v63, v45  }
0x4e: {  	v59 =	vld [tilespmem:s26+$0x11620];
	v44 =	vadd.f32 v54, v44  }
0x4f: {  	v60 =	vld [tilespmem:s26+$0x12A30];
	v45 =	vadd.f32 v55, v45  }
0x50: {  	v61 =	vld [tilespmem:s26+$0x12A20];
	v44 =	vadd.f32 v56, v44  }
0x51: {  	v62 =	vld [tilespmem:s26+$0x13E30];
	v45 =	vadd.f32 v57, v45  }
0x52: {  	v63 =	vld [tilespmem:s26+$0x13E20];
	v46 =	vadd.f32 v58, v44  }
0x53: {  	v47 =	vadd.f32 v59, v45;
	v45 =	vld [tilespmem:s26+$0x15230]  }
0x54: {  	v44 =	vld [tilespmem:s26+$0x15220];
	v48 =	vadd.f32 v60, v46  }
0x55: {  	v49 =	vadd.f32 v61, v47;
	v47 =	vld [tilespmem:s26+$0x16630]  }
0x56: {  	v46 =	vld [tilespmem:s26+$0x16620];
	v50 =	vadd.f32 v62, v48  }
0x57: {  	s28 =	simm.s32 $0x0;
	s29 =	simm.s32 $0x80;
	v49 =	vadd.f32 v63, v49;
	v48 =	vld [tilespmem:s26+$0x17A30]  }
.LBB2_6:
0x58: {  	s30 =	sshra.s32 s29, $0x2;
	s28 =	sadd.s32 $0x2, s28;
	v51 =	vld [tilespmem:s26+$0x17A20];
	v45 =	vadd.f32 v45, v50  }
0x59: {  	v50 =	vld [tilespmem:s30+$0x4E30];
	p0 =	slt.u32 s28, $0x13E;
	v44 =	vadd.f32 v44, v49  }
0x5a: {  	v49 =	vld [tilespmem:s30+$0x4E20];
	v45 =	vadd.f32 v47, v45  }
0x5b: {  	v47 =	vld [tilespmem:s30+$0x6230];
	v44 =	vadd.f32 v46, v44  }
0x5c: {  	v46 =	vld [tilespmem:s30+$0x6220];
	v45 =	vadd.f32 v48, v45  }
0x5d: {  	v48 =	vld [tilespmem:s30+$0x7630];
	v44 =	vadd.f32 v51, v44  }
0x5e: {  	v51 =	vld [tilespmem:s30+$0x7620];
	v50 =	vadd.f32 $0.0e+00, v50;
	[tilespmem:s26+$0x18E40] =	vst v45  }
0x5f: {  	v45 =	vadd.f32 $0.0e+00, v49;
	v49 =	vld [tilespmem:s30+$0x8A30];
	[tilespmem:s26+$0x18E30] =	vst v44;
	s26 =	smov.u32 s30  }
0x60: {  	v44 =	vld [tilespmem:s26+$0x8A20];
	v47 =	vadd.f32 v47, v50  }
0x61: {  	v45 =	vadd.f32 v46, v45;
	v46 =	vld [tilespmem:s26+$0x9E30]  }
0x62: {  	v50 =	vld [tilespmem:s26+$0x9E20];
	v47 =	vadd.f32 v48, v47  }
0x63: {  	v45 =	vadd.f32 v51, v45;
	v48 =	vld [tilespmem:s26+$0xB230]  }
0x64: {  	v51 =	vld [tilespmem:s26+$0xB220];
	v47 =	vadd.f32 v49, v47  }
0x65: {  	v44 =	vadd.f32 v44, v45;
	v45 =	vld [tilespmem:s26+$0xC630]  }
0x66: {  	v49 =	vld [tilespmem:s26+$0xC620];
	v46 =	vadd.f32 v46, v47  }
0x67: {  	v44 =	vadd.f32 v50, v44;
	v47 =	vld [tilespmem:s26+$0xDA30]  }
0x68: {  	v50 =	vld [tilespmem:s26+$0xDA20];
	v46 =	vadd.f32 v48, v46  }
0x69: {  	v44 =	vadd.f32 v51, v44;
	v48 =	vld [tilespmem:s26+$0xEE30]  }
0x6a: {  	v51 =	vld [tilespmem:s26+$0xEE20];
	v45 =	vadd.f32 v45, v46  }
0x6b: {  	v44 =	vadd.f32 v49, v44;
	v46 =	vld [tilespmem:s26+$0x10230]  }
0x6c: {  	v49 =	vld [tilespmem:s26+$0x10220];
	v45 =	vadd.f32 v47, v45  }
0x6d: {  	v44 =	vadd.f32 v50, v44;
	v47 =	vld [tilespmem:s26+$0x11630]  }
0x6e: {  	v50 =	vld [tilespmem:s26+$0x11620];
	v45 =	vadd.f32 v48, v45  }
0x6f: {  	v44 =	vadd.f32 v51, v44;
	v48 =	vld [tilespmem:s26+$0x12A30]  }
0x70: {  	v51 =	vld [tilespmem:s26+$0x12A20];
	v45 =	vadd.f32 v46, v45  }
0x71: {  	v44 =	vadd.f32 v49, v44;
	v49 =	vld [tilespmem:s26+$0x13E30]  }
0x72: {  	v52 =	vld [tilespmem:s26+$0x13E20];
	v46 =	vadd.f32 v47, v45  }
.Ltmp2:
0x73: {  	v47 =	vadd.f32 v50, v44;
	v45 =	vld [tilespmem:s26+$0x15230];
	(pc) =	sbr.rel @p0 .LBB2_6-.Ltmp2, $4  }
0x74: {  	v44 =	vld [tilespmem:s26+$0x15220];
	v48 =	vadd.f32 v48, v46  }
0x75: {  	v51 =	vadd.f32 v51, v47;
	v47 =	vld [tilespmem:s26+$0x16630]  }
0x76: {  	v46 =	vld [tilespmem:s26+$0x16620];
	v50 =	vadd.f32 v49, v48  }
0x77: {  	s29 =	sadd.s32 $0x80, s29;
	v49 =	vadd.f32 v52, v51;
	v48 =	vld [tilespmem:s26+$0x17A30]  }
0x78: {  	v51 =	vld [tilespmem:s26+$0x17A20];
	v45 =	vadd.f32 v45, v50  }
0x79: {  	v44 =	vadd.f32 v44, v49  }
0x7a: {  	v45 =	vadd.f32 v47, v45  }
0x7b: {  	v44 =	vadd.f32 v46, v44  }
0x7c: {  	v45 =	vadd.f32 v48, v45  }
0x7d: {  	v44 =	vadd.f32 v51, v44  }
0x7e: {  	[tilespmem:s26+$0x18E40] =	vst v45  }
0x7f: {  	s28 =	simm.s32 $0x4E60;
	[tilespmem:s26+$0x18E30] =	vst v44  }
0x80: {  	[tilespmem:s28+$0xFFFFFFC0] =	vst v2  }
0x81: {  	[tilespmem:s28+$0x30] =	vst v2  }
0x82: {  	[tilespmem:s28+$0x20] =	vst v2  }
0x83: {  	[tilespmem:s28+$0x10] =	vst v2  }
0x84: {  	[tilespmem:s28+$0x0] =	vst v2  }
0x85: {  	[tilespmem:s28+$0xFFFFFFF0] =	vst v2  }
0x86: {  	s26 =	simm.s32 $0x0;
	[tilespmem:s28+$0xFFFFFFE0] =	vst v2  }
.LBB2_8:
0x87: {  	s26 =	sadd.s32 $0x8, s26;
	[tilespmem:s28+$0xFFFFFFD0] =	vst v2;
	s28 =	sadd.s32 $0x80, s28  }
0x88: {  	[tilespmem:s28+$0xFFFFFFC0] =	vst v2;
	p0 =	slt.u32 s26, $0x13F8  }
0x89: {  	[tilespmem:s28+$0x30] =	vst v2  }
.Ltmp3:
0x8a: {  	[tilespmem:s28+$0x20] =	vst v2;
	(pc) =	sbr.rel @p0 .LBB2_8-.Ltmp3, $4  }
0x8b: {  	[tilespmem:s28+$0x10] =	vst v2  }
0x8c: {  	[tilespmem:s28+$0x0] =	vst v2  }
0x8d: {  	[tilespmem:s28+$0xFFFFFFF0] =	vst v2  }
0x8e: {  	[tilespmem:s28+$0xFFFFFFE0] =	vst v2  }
0x8f: {  	[tilespmem:s28+$0xFFFFFFD0] =	vst v2  }
0x90: {  	s26 =	simm.s32 $0xFFFFFFFE;
	s28 =	simm.s32 $0x10;
	s29 =	simm.s32 $0x2720;
	[tilespmem:$0x18E20] =	vst v2  }
.LBB2_10:
0x91: {  	v44 =	vld [tilespmem:s28+$0xFFFFFFF0];
	_ =	sdelay $0x4  }
0x92: {  	v45 =	vadd.s32 $0xFFFFEC00, v44  }
0x93: {  	v44 =	vadd.s32 v4, v44;
	vm0 =	vlt.u32 v45, $0x1400  }
0x94: {  	v61 =	vld [tilespmem:s29+$0xFFFFFFF0];
	v44 =	vsel vm0, v44, v3;
	_ =	sdelay $0x4  }
0x95: {  	[tilespmem:v44+s11+$0x0] =	vst.idx.add.f32.msk $0xffff, v61  }
0x96: {  	v44 =	vld [tilespmem:s28+$0x0];
	_ =	sdelay $0x4  }
0x97: {  	v62 =	vadd.s32 $0xFFFFEC00, v44  }
0x98: {  	s26 =	sadd.s32 $0x2, s26;
	v44 =	vadd.s32 v4, v44;
	vm15 =	vlt.u32 v62, $0x1400  }
0x99: {  	p0 =	slt.u32 s26, $0x26E;
	v63 =	vld [tilespmem:s29+$0x0];
	v44 =	vsel vm15, v44, v3  }
.Ltmp4:
0x9a: {  	_ = 	snop;
	(pc) =	sbr.rel @p0 .LBB2_10-.Ltmp4, $2  }
0x9b: {  	_ =	sdelay $0x2  }
0x9c: {  	s28 =	sadd.s32 $0x20, s28;
	s29 =	sadd.s32 $0x20, s29;
	[tilespmem:v44+s11+$0x0] =	vst.idx.add.f32.msk $0xffff, v63  }
0x9d: {  	v44 =	vld [tilespmem:$0x2700];
	_ =	sdelay $0x4  }
0x9e: {  	v45 =	vadd.s32 $0xFFFFEC00, v44  }
0x9f: {  	v44 =	vadd.s32 v4, v44;
	vm0 =	vlt.u32 v45, $0x1400  }
0xa0: {  	v55 =	vld [tilespmem:$0x4E10];
	v44 =	vsel vm0, v44, v3;
	_ =	sdelay $0x4  }
0xa1: {  	s26 =	simm.s32 $0x0;
	[tilespmem:v44+s11+$0x0] =	vst.idx.add.f32.msk $0xffff, v55  }
0xa2: {  	v44 =	vld [tilespmem:s26+$0x4E30]  }
0xa3: {  	v45 =	vld [tilespmem:s26+$0x4E20]  }
0xa4: {  	v46 =	vld [tilespmem:s26+$0x6230]  }
0xa5: {  	v47 =	vld [tilespmem:s26+$0x6220]  }
0xa6: {  	v48 =	vld [tilespmem:s26+$0x7630]  }
0xa7: {  	v49 =	vld [tilespmem:s26+$0x7620];
	v44 =	vadd.f32 $0.0e+00, v44  }
0xa8: {  	v50 =	vld [tilespmem:s26+$0x8A30];
	v45 =	vadd.f32 $0.0e+00, v45  }
0xa9: {  	v51 =	vld [tilespmem:s26+$0x8A20];
	v44 =	vadd.f32 v46, v44  }
0xaa: {  	v56 =	vld [tilespmem:s26+$0x9E30];
	v45 =	vadd.f32 v47, v45  }
0xab: {  	v57 =	vld [tilespmem:s26+$0x9E20];
	v44 =	vadd.f32 v48, v44  }
0xac: {  	v58 =	vld [tilespmem:s26+$0xB230];
	v45 =	vadd.f32 v49, v45  }
0xad: {  	v59 =	vld [tilespmem:s26+$0xB220];
	v44 =	vadd.f32 v50, v44  }
0xae: {  	v60 =	vld [tilespmem:s26+$0xC630];
	v45 =	vadd.f32 v51, v45  }
0xaf: {  	v61 =	vld [tilespmem:s26+$0xC620];
	v44 =	vadd.f32 v56, v44  }
0xb0: {  	v62 =	vld [tilespmem:s26+$0xDA30];
	v45 =	vadd.f32 v57, v45  }
0xb1: {  	v63 =	vld [tilespmem:s26+$0xDA20];
	v44 =	vadd.f32 v58, v44  }
0xb2: {  	v54 =	vld [tilespmem:s26+$0xEE30];
	v45 =	vadd.f32 v59, v45  }
0xb3: {  	v55 =	vld [tilespmem:s26+$0xEE20];
	v44 =	vadd.f32 v60, v44  }
0xb4: {  	v56 =	vld [tilespmem:s26+$0x10230];
	v45 =	vadd.f32 v61, v45  }
0xb5: {  	v57 =	vld [tilespmem:s26+$0x10220];
	v44 =	vadd.f32 v62, v44  }
0xb6: {  	v58 =	vld [tilespmem:s26+$0x11630];
	v45 =	vadd.f32 v63, v45  }
0xb7: {  	v59 =	vld [tilespmem:s26+$0x11620];
	v44 =	vadd.f32 v54, v44  }
0xb8: {  	v60 =	vld [tilespmem:s26+$0x12A30];
	v45 =	vadd.f32 v55, v45  }
0xb9: {  	v61 =	vld [tilespmem:s26+$0x12A20];
	v44 =	vadd.f32 v56, v44  }
0xba: {  	v62 =	vld [tilespmem:s26+$0x13E30];
	v45 =	vadd.f32 v57, v45  }
0xbb: {  	v63 =	vld [tilespmem:s26+$0x13E20];
	v46 =	vadd.f32 v58, v44  }
0xbc: {  	v47 =	vadd.f32 v59, v45;
	v45 =	vld [tilespmem:s26+$0x15230]  }
0xbd: {  	v44 =	vld [tilespmem:s26+$0x15220];
	v48 =	vadd.f32 v60, v46  }
0xbe: {  	v49 =	vadd.f32 v61, v47;
	v47 =	vld [tilespmem:s26+$0x16630]  }
0xbf: {  	v46 =	vld [tilespmem:s26+$0x16620];
	v50 =	vadd.f32 v62, v48  }
0xc0: {  	s28 =	simm.s32 $0x0;
	s29 =	simm.s32 $0x80;
	v49 =	vadd.f32 v63, v49;
	v48 =	vld [tilespmem:s26+$0x17A30]  }
.LBB2_12:
0xc1: {  	s30 =	sshra.s32 s29, $0x2;
	s28 =	sadd.s32 $0x2, s28;
	v51 =	vld [tilespmem:s26+$0x17A20];
	v45 =	vadd.f32 v45, v50  }
0xc2: {  	v50 =	vld [tilespmem:s30+$0x4E30];
	p0 =	slt.u32 s28, $0x13E;
	v44 =	vadd.f32 v44, v49  }
0xc3: {  	v49 =	vld [tilespmem:s30+$0x4E20];
	v45 =	vadd.f32 v47, v45  }
0xc4: {  	v47 =	vld [tilespmem:s30+$0x6230];
	v44 =	vadd.f32 v46, v44  }
0xc5: {  	v46 =	vld [tilespmem:s30+$0x6220];
	v45 =	vadd.f32 v48, v45  }
0xc6: {  	v48 =	vld [tilespmem:s30+$0x7630];
	v44 =	vadd.f32 v51, v44  }
0xc7: {  	v51 =	vld [tilespmem:s30+$0x7620];
	v50 =	vadd.f32 $0.0e+00, v50;
	[tilespmem:s26+$0x1A240] =	vst v45  }
0xc8: {  	v45 =	vadd.f32 $0.0e+00, v49;
	v49 =	vld [tilespmem:s30+$0x8A30];
	[tilespmem:s26+$0x1A230] =	vst v44;
	s26 =	smov.u32 s30  }
0xc9: {  	v44 =	vld [tilespmem:s26+$0x8A20];
	v47 =	vadd.f32 v47, v50  }
0xca: {  	v45 =	vadd.f32 v46, v45;
	v46 =	vld [tilespmem:s26+$0x9E30]  }
0xcb: {  	v50 =	vld [tilespmem:s26+$0x9E20];
	v47 =	vadd.f32 v48, v47  }
0xcc: {  	v45 =	vadd.f32 v51, v45;
	v48 =	vld [tilespmem:s26+$0xB230]  }
0xcd: {  	v51 =	vld [tilespmem:s26+$0xB220];
	v47 =	vadd.f32 v49, v47  }
0xce: {  	v44 =	vadd.f32 v44, v45;
	v45 =	vld [tilespmem:s26+$0xC630]  }
0xcf: {  	v49 =	vld [tilespmem:s26+$0xC620];
	v46 =	vadd.f32 v46, v47  }
0xd0: {  	v44 =	vadd.f32 v50, v44;
	v47 =	vld [tilespmem:s26+$0xDA30]  }
0xd1: {  	v50 =	vld [tilespmem:s26+$0xDA20];
	v46 =	vadd.f32 v48, v46  }
0xd2: {  	v44 =	vadd.f32 v51, v44;
	v48 =	vld [tilespmem:s26+$0xEE30]  }
0xd3: {  	v51 =	vld [tilespmem:s26+$0xEE20];
	v45 =	vadd.f32 v45, v46  }
0xd4: {  	v44 =	vadd.f32 v49, v44;
	v46 =	vld [tilespmem:s26+$0x10230]  }
0xd5: {  	v49 =	vld [tilespmem:s26+$0x10220];
	v45 =	vadd.f32 v47, v45  }
0xd6: {  	v44 =	vadd.f32 v50, v44;
	v47 =	vld [tilespmem:s26+$0x11630]  }
0xd7: {  	v50 =	vld [tilespmem:s26+$0x11620];
	v45 =	vadd.f32 v48, v45  }
0xd8: {  	v44 =	vadd.f32 v51, v44;
	v48 =	vld [tilespmem:s26+$0x12A30]  }
0xd9: {  	v51 =	vld [tilespmem:s26+$0x12A20];
	v45 =	vadd.f32 v46, v45  }
0xda: {  	v44 =	vadd.f32 v49, v44;
	v49 =	vld [tilespmem:s26+$0x13E30]  }
0xdb: {  	v52 =	vld [tilespmem:s26+$0x13E20];
	v46 =	vadd.f32 v47, v45  }
.Ltmp5:
0xdc: {  	v47 =	vadd.f32 v50, v44;
	v45 =	vld [tilespmem:s26+$0x15230];
	(pc) =	sbr.rel @p0 .LBB2_12-.Ltmp5, $4  }
0xdd: {  	v44 =	vld [tilespmem:s26+$0x15220];
	v48 =	vadd.f32 v48, v46  }
0xde: {  	v51 =	vadd.f32 v51, v47;
	v47 =	vld [tilespmem:s26+$0x16630]  }
0xdf: {  	v46 =	vld [tilespmem:s26+$0x16620];
	v50 =	vadd.f32 v49, v48  }
0xe0: {  	s29 =	sadd.s32 $0x80, s29;
	v49 =	vadd.f32 v52, v51;
	v48 =	vld [tilespmem:s26+$0x17A30]  }
0xe1: {  	v51 =	vld [tilespmem:s26+$0x17A20];
	v45 =	vadd.f32 v45, v50  }
0xe2: {  	v44 =	vadd.f32 v44, v49  }
0xe3: {  	v45 =	vadd.f32 v47, v45  }
0xe4: {  	v44 =	vadd.f32 v46, v44  }
0xe5: {  	v45 =	vadd.f32 v48, v45  }
0xe6: {  	v44 =	vadd.f32 v51, v44  }
0xe7: {  	[tilespmem:s26+$0x1A240] =	vst v45  }
0xe8: {  	[tilespmem:s26+$0x1A230] =	vst v44  }
0xe9: {  	[tilespmem:$0x1B630] =	vst v0  }
0xea: {  	[tilespmem:$0x1B640] =	vst v5  }
0xeb: {  	[tilespmem:$0x1B650] =	vst v6  }
0xec: {  	[tilespmem:$0x1B660] =	vst v7  }
0xed: {  	[tilespmem:$0x1B670] =	vst v8  }
0xee: {  	[tilespmem:$0x1B680] =	vst v9  }
0xef: {  	[tilespmem:$0x1B690] =	vst v10  }
0xf0: {  	[tilespmem:$0x1B6A0] =	vst v11  }
0xf1: {  	[tilespmem:$0x1B6B0] =	vst v12  }
0xf2: {  	[tilespmem:$0x1B6C0] =	vst v13  }
0xf3: {  	[tilespmem:$0x1B6D0] =	vst v14  }
0xf4: {  	[tilespmem:$0x1B6E0] =	vst v15  }
0xf5: {  	[tilespmem:$0x1B6F0] =	vst v16  }
0xf6: {  	[tilespmem:$0x1B700] =	vst v17  }
0xf7: {  	[tilespmem:$0x1B710] =	vst v18  }
0xf8: {  	[tilespmem:$0x1B720] =	vst v19  }
0xf9: {  	[tilespmem:$0x1B730] =	vst v20  }
0xfa: {  	[tilespmem:$0x1B740] =	vst v21  }
0xfb: {  	[tilespmem:$0x1B750] =	vst v22  }
0xfc: {  	[tilespmem:$0x1B760] =	vst v23  }
0xfd: {  	[tilespmem:$0x1B770] =	vst v24  }
0xfe: {  	[tilespmem:$0x1B780] =	vst v25  }
0xff: {  	[tilespmem:$0x1B790] =	vst v26  }
0x100: {  	[tilespmem:$0x1B7A0] =	vst v27  }
0x101: {  	[tilespmem:$0x1B7B0] =	vst v28  }
0x102: {  	[tilespmem:$0x1B7C0] =	vst v29  }
0x103: {  	[tilespmem:$0x1B7D0] =	vst v30  }
0x104: {  	[tilespmem:$0x1B7E0] =	vst v31  }
0x105: {  	[tilespmem:$0x1B7F0] =	vst v32  }
0x106: {  	[tilespmem:$0x1B800] =	vst v33  }
0x107: {  	[tilespmem:$0x1B810] =	vst v34  }
0x108: {  	[tilespmem:$0x1B820] =	vst v35  }
0x109: {  	[tilespmem:$0x1B830] =	vst v36  }
0x10a: {  	[tilespmem:$0x1B840] =	vst v37  }
0x10b: {  	[tilespmem:$0x1B850] =	vst v38  }
0x10c: {  	[tilespmem:$0x1B860] =	vst v39  }
0x10d: {  	[tilespmem:$0x1B870] =	vst v40  }
0x10e: {  	[tilespmem:$0x1B880] =	vst v41  }
0x10f: {  	[tilespmem:$0x1B890] =	vst v42  }
0x110: {  	[tilespmem:$0x1B8A0] =	vst v43  }
0x111: {  	[tilespmem:$0x1B8B0] =	vst v2  }
0x112: {  	[tilespmem:$0x1B8C0] =	vst v2  }
0x113: {  	[tilespmem:$0x1B8D0] =	vst v2  }
0x114: {  	[tilespmem:$0x1B8E0] =	vst v2  }
0x115: {  	[tilespmem:$0x1B8F0] =	vst v2  }
0x116: {  	[tilespmem:$0x1B900] =	vst v2  }
0x117: {  	[tilespmem:$0x1B910] =	vst v2  }
0x118: {  	[tilespmem:$0x1B920] =	vst v2  }
0x119: {  	[tilespmem:$0x1B930] =	vst v2  }
0x11a: {  	[tilespmem:$0x1B940] =	vst v2  }
0x11b: {  	[tilespmem:$0x1B950] =	vst v2  }
0x11c: {  	[tilespmem:$0x1B960] =	vst v2  }
0x11d: {  	[tilespmem:$0x1B970] =	vst v2  }
0x11e: {  	[tilespmem:$0x1B980] =	vst v2  }
0x11f: {  	[tilespmem:$0x1B990] =	vst v2  }
0x120: {  	[tilespmem:$0x1B9A0] =	vst v2  }
0x121: {  	[tilespmem:$0x1B9B0] =	vst v2  }
0x122: {  	[tilespmem:$0x1B9C0] =	vst v2  }
0x123: {  	[tilespmem:$0x1B9D0] =	vst v2  }
0x124: {  	[tilespmem:$0x1B9E0] =	vst v2  }
0x125: {  	[tilespmem:$0x1B9F0] =	vst v2  }
0x126: {  	[tilespmem:$0x1BA00] =	vst v2  }
0x127: {  	[tilespmem:$0x1BA10] =	vst v2  }
0x128: {  	[tilespmem:$0x1BA20] =	vst v2  }
0x129: {  	[tilespmem:$0x1BA30] =	vst v2  }
0x12a: {  	[tilespmem:$0x1BA40] =	vst v2  }
0x12b: {  	[tilespmem:$0x1BA50] =	vst v2  }
0x12c: {  	[tilespmem:$0x1BA60] =	vst v2  }
0x12d: {  	[tilespmem:$0x1BA70] =	vst v2  }
0x12e: {  	[tilespmem:$0x1BA80] =	vst v2  }
0x12f: {  	[tilespmem:$0x1BA90] =	vst v2  }
0x130: {  	[tilespmem:$0x1BAA0] =	vst v2  }
0x131: {  	[tilespmem:$0x1BAB0] =	vst v2  }
0x132: {  	[tilespmem:$0x1BAC0] =	vst v2  }
0x133: {  	[tilespmem:$0x1BAD0] =	vst v2  }
0x134: {  	[tilespmem:$0x1BAE0] =	vst v2  }
0x135: {  	[tilespmem:$0x1BAF0] =	vst v2  }
0x136: {  	[tilespmem:$0x1BB00] =	vst v2  }
0x137: {  	[tilespmem:$0x1BB10] =	vst v2  }
0x138: {  	[tilespmem:$0x1BB20] =	vst v2  }
0x139: {  	[spmem:s6] =	stream.linear.scatter [tilespmem:s12], [sflag:$0x2], $0x280, $0x38;
	[tilespmem:$0x1BDB0] =	vst v63  }
0x13a: {  	_ =	swait.ge [sflag:s9], $0x280  }
0x13b: {  	[sflag:s9] =	ssyncset.done $0x0  }
0x13c: {  	[sflag:s9] =	ssyncadd.s32 $0xFFFFFD80  }
0x13d: {  	[bflag:$0x0] =	sbarrier.arrive $0xFFFF  }
0x13e: {  	[spmem:s2] =	stream.indirect.scatter.add.f32 [tilespmem:s15], [sflag:$0x1], $0x10, s14, s13, $0xb8;
	[tilespmem:$0x1BDB0] =	vst v63  }
0x13f: {  	_ = 	snop  }
0x140: {  	[spmem:s2] =	stream.indirect.scatter.add.f32 [tilespmem:s17], [sflag:$0x1], $0x10, s16, s13, $0xb8;
	[tilespmem:$0x1BDB0] =	vst v63  }
0x141: {  	_ = 	snop  }
0x142: {  	[spmem:s2] =	stream.indirect.scatter.add.f32 [tilespmem:s19], [sflag:$0x1], $0x10, s18, s13, $0xb8;
	[tilespmem:$0x1BDB0] =	vst v63  }
0x143: {  	_ = 	snop  }
0x144: {  	[spmem:s2] =	stream.indirect.scatter.add.f32 [tilespmem:s21], [sflag:$0x1], $0x10, s20, s13, $0xb8;
	[tilespmem:$0x1BDB0] =	vst v63  }
0x145: {  	_ = 	snop  }
0x146: {  	[spmem:s2] =	stream.indirect.scatter.add.f32 [tilespmem:s23], [sflag:$0x1], $0x10, s22, s13, $0xb8;
	[tilespmem:$0x1BDB0] =	vst v63  }
0x147: {  	_ =	swait.ge [sflag:s24], $0x800  }
0x148: {  	[sflag:s24] =	ssyncset.done $0x0  }
0x149: {  	[sflag:s24] =	ssyncadd.s32 $0xFFFFF800  }
0x14a: {  	_ =	swait.ge [sflag:s24], $0x800  }
0x14b: {  	[sflag:s24] =	ssyncset.done $0x0  }
0x14c: {  	[sflag:s24] =	ssyncadd.s32 $0xFFFFF800  }
0x14d: {  	_ =	swait.ge [sflag:s24], $0x800  }
0x14e: {  	[sflag:s24] =	ssyncset.done $0x0  }
0x14f: {  	[sflag:s24] =	ssyncadd.s32 $0xFFFFF800  }
0x150: {  	_ =	swait.ge [sflag:s24], $0x800  }
0x151: {  	[sflag:s24] =	ssyncset.done $0x0  }
0x152: {  	[sflag:s24] =	ssyncadd.s32 $0xFFFFF800  }
0x153: {  	_ =	swait.ge [sflag:s24], $0x800  }
0x154: {  	s31 =	sshll.u32 s1, $0x6;
	s25 =	sadd.s32 $0x1, s25;
	[sflag:s24] =	ssyncset.done $0x0  }
0x155: {  	s28 =	sshrl.u32 s6, $0x3;
	p0 =	sne.s32 s25, s8;
	[sflag:s24] =	ssyncadd.s32 $0xFFFFF800  }
.Ltmp6:
0x156: {  	s26 =	sor.u32 $0x1C02, s31;
	[bflag:$0x0] =	sbarrier.arrive $0xFFFF;
	(pc) =	sbr.rel @p0 .LBB2_1-.Ltmp6, $4  }
0x157: {  	[hbm:s7], [sflag:s26] =	dma.local [spmem:s28], $0x50  }
0x158: {  	_ =	swait.ge [sflag:s9], $0x50  }
0x159: {  	[sflag:s9] =	ssyncset.done $0x0  }
0x15a: {  	[sflag:s9] =	ssyncadd.s32 $0xFFFFFFB0  }
0x15b: {  	_ =	sfence.sel $0x180000  }
0x15c: {  	[bflag:$0x0] =	sbarrier.arrive $0xFFFF  }
0x15d: {  	p0 =	sne.s32 s1, $0x0;
	_ =	strace $0x90000047  }
0x15e: {  	s0 =	sadd.s32 @!p0 $0x100000, s0;
	[bflag:$0x2] =	sbarrier.arrive $0xFFFF  }
0x15f: {  	[sflag:s0] =	ssyncadd.tile.s32 @!p0 $0x1;
	_ =	shalt  }
.Lfunc_end2:
_tile_overlayer_lowered:
.L_overlay_start_2:
0x160: {  	(tag) =	ssettag $0x2  }
0x161: {  	s0 =	rddreg [dreg:$0x0];
	s2 =	stileid.u32  }
0x162: {  	s1 =	rddreg [dreg:$0x1];
	p0 =	sne.s32 s2, $0x0  }
0x163: {  	s3 =	rddreg [dreg:$0x2];
	[bflag:$0x3] =	sbarrier.arrive $0xFFFF;
	s2 =	simm.s32 @!p0 $0x1C02  }
0x164: {  	[timem:s3], [sflag:s2] =	dma.local @!p0 [hbm:s0], s1  }
0x165: {  	s0 =	simm.s32 @!p0 $0x2  }
0x166: {  	_ =	swait.ge @!p0 [sflag:s0], s1  }
0x167: {  	s1 =	ssub.s32 @!p0 $0x0, s1;
	[sflag:s0] =	ssyncset.done @!p0 $0x0  }
0x168: {  	[sflag:s0] =	ssyncadd.s32 @!p0 s1  }
0x169: {  	[bflag:$0x3] =	sbarrier.arrive $0xFFFF  }
0x16a: {  	_ =	shalt  }

// kernel: kernel.9.cloned.1.call-start
scs
__scs_entry_jumppad:
0x0: {  	(pc) =	sbr.rel $0x88, $3  }
0x1: {  	(tag) =	ssettag $0x0;
	lr =	simm.s32 $0x1  }
0x2: {  	[smem:$0x3F96] =	sst lr;
	_ =	strace $0xD0000000  }
0x3: {  	_ = 	snop  }
0x4: {  	_ = 	snop  }
0x5: {  	_ = 	snop  }
0x6: {  	_ = 	snop  }
0x7: {  	_ = 	snop  }
__scs_overlays_trampoline_lowered:
0x8: {  	[smem:$0x3FA5] =	sst s0  }
0x9: {  	[smem:$0x3FA6] =	sst s1  }
0xa: {  	[smem:$0x3FA7] =	sst s2  }
0xb: {  	[smem:$0x3FA8] =	sst s3  }
0xc: {  	[smem:$0x3FA9] =	sst s4  }
0xd: {  	[smem:$0x3FAA] =	sst s5  }
0xe: {  	[smem:$0x3FAB] =	sst s6  }
0xf: {  	[smem:$0x3FAC] =	sst s7  }
0x10: {  	[smem:$0x3FAD] =	sst s8  }
0x11: {  	[smem:$0x3FAE] =	sst s9;
	s0 =	simm.s32 @!p0 $0x0  }
0x12: {  	s1 =	sld [smem:$0x3F94];
	s0 =	simm.s32 @p0 $0x1  }
0x13: {  	[smem:$0x3FAF] =	sst s0;
	s0 =	simm.s32 @!p1 $0x0  }
0x14: {  	s2 =	sld [smem:$0x3F93];
	s0 =	simm.s32 @p1 $0x1  }
0x15: {  	[smem:$0x3FB0] =	sst s0;
	s0 =	simm.s32 @!p2 $0x0  }
0x16: {  	s3 =	sld [smem:$0x3FDB];
	s0 =	simm.s32 @p2 $0x1  }
0x17: {  	s4 =	simm.s32 $0x1BF5;
	[smem:$0x3FB2] =	sst s0  }
0x18: {  	s0 =	sld [smem:$0x3F95];
	_ =	swait.ge [sflag:s4], $0x0  }
0x19: {  	s7 =	sld [smem:$0x3F96]  }
0x1a: {  	s8 =	sadd.s32 $0xFFFFE003, lr  }
0x1b: {  	s9 =	sadd.s32 $0xFFFFFEF7, lr;
	s5 =	simm.s32 $0xFFFFFFFF;
	p2 =	slt.u32 s8, $0xFFFFF086  }
0x1c: {  	p1 =	slt.u32 s9, $0xF7A;
	s5 =	simm.s32 @!p2 $0x0  }
0x1d: {  	s5 =	simm.s32 @p1 $0x1;
	p0 =	seq.s32 s7, s2  }
0x1e: {  	s7 =	smul.u32 @!p0 $0xF7A, s2;
	p2 =	seq.s32 @!p0 s5, $0x0  }
0x1f: {  	s9 =	smul.u32 $0xF7A, s1;
	s8 =	simm.s32 @!p0 $0x1BF5;
	p2 =	por !p2, p0  }
0x20: {  	[sflag:s8] =	ssyncset.s32 @!p0 $0xFFFFF086;
	s6 =	sadd.s32 @!p0 s3, s7;
	s7 =	simm.s32 @!p0 $0x108  }
0x21: {  	s3 =	sadd.s32 s3, s9;
	s6 =	sadd.s32 @!p0 $0x88, s6;
	s7 =	simm.s32 @p2 $0x1082  }
0x22: {  	[simem:s7], [sflag:s8] =	dma.local @!p0 [hbm:s6], $0xF7A  }
0x23: {  	s9 =	sor.u32 $0xD0000000, s2;
	s6 =	simm.s32 $0x108;
	_ =	swait.ge @!p0 [sflag:s8], $0x0  }
0x24: {  	s3 =	sadd.s32 $0x88, s3;
	s6 =	simm.s32 @!p1 $0x1082;
	[sflag:s4] =	ssyncset.s32 $0xFFFFF086  }
0x25: {  	[simem:s6], [sflag:s4] =	dma.local [hbm:s3], $0xF7A  }
0x26: {  	[smem:$0x3F96] =	sst s1;
	(tag) =	ssettag s2;
	_ =	strace s9  }
0x27: {  	s1 =	sld [smem:$0x3FA6]  }
0x28: {  	s2 =	sld [smem:$0x3FA7]  }
0x29: {  	s4 =	sld [smem:$0x3FA9]  }
0x2a: {  	p0 =	seq.s32 s5, $0x0;
	s5 =	sld [smem:$0x3FAA]  }
0x2b: {  	s6 =	sld [smem:$0x3FAB]  }
0x2c: {  	s7 =	sld [smem:$0x3FAC]  }
0x2d: {  	s3 =	simm.s32 $0x108;
	s8 =	sld [smem:$0x3FAD]  }
0x2e: {  	s3 =	simm.s32 @!p0 $0x1082;
	s9 =	sld [smem:$0x3FAE]  }
0x2f: {  	lr =	sadd.s32 s0, s3;
	s0 =	sld [smem:$0x3FA5]  }
0x30: {  	s3 =	sld [smem:$0x3FA8]  }
0x31: {  	[smem:$0x3FB1] =	sst s10  }
0x32: {  	s10 =	sld [smem:$0x3FAF];
	_ =	sdelay $0x3  }
0x33: {  	p0 =	seq.s32 s10, $0x1;
	s10 =	sld [smem:$0x3FB1];
	_ =	sdelay $0x3  }
0x34: {  	[smem:$0x3FB1] =	sst s10  }
0x35: {  	s10 =	sld [smem:$0x3FB0];
	_ =	sdelay $0x3  }
0x36: {  	p1 =	seq.s32 s10, $0x1;
	s10 =	sld [smem:$0x3FB1];
	_ =	sdelay $0x3  }
0x37: {  	[smem:$0x3FB1] =	sst s10  }
0x38: {  	s10 =	sld [smem:$0x3FB2]  }
0x39: {  	_ = 	snop;
	(pc) =	sbr.ind lr, $3  }
0x3a: {  	_ = 	snop  }
0x3b: {  	_ = 	snop  }
0x3c: {  	p2 =	seq.s32 s10, $0x1;
	s10 =	sld [smem:$0x3FB1]  }
0x3d: {  	_ =	shalt  }
0x3e: {  	_ =	shalt  }
0x3f: {  	_ =	shalt  }
0x40: {  	_ =	shalt  }
0x41: {  	_ =	shalt  }
0x42: {  	_ =	shalt  }
0x43: {  	_ =	shalt  }
0x44: {  	_ =	shalt  }
0x45: {  	_ =	shalt  }
0x46: {  	_ =	shalt  }
0x47: {  	_ =	shalt  }
0x48: {  	_ =	shalt  }
0x49: {  	_ =	shalt  }
0x4a: {  	_ =	shalt  }
0x4b: {  	_ =	shalt  }
0x4c: {  	_ =	shalt  }
0x4d: {  	_ =	shalt  }
0x4e: {  	_ =	shalt  }
0x4f: {  	_ =	shalt  }
0x50: {  	_ =	shalt  }
0x51: {  	_ =	shalt  }
0x52: {  	_ =	shalt  }
0x53: {  	_ =	shalt  }
0x54: {  	_ =	shalt  }
0x55: {  	_ =	shalt  }
0x56: {  	_ =	shalt  }
0x57: {  	_ =	shalt  }
0x58: {  	_ =	shalt  }
0x59: {  	_ =	shalt  }
0x5a: {  	_ =	shalt  }
0x5b: {  	_ =	shalt  }
0x5c: {  	_ =	shalt  }
0x5d: {  	_ =	shalt  }
0x5e: {  	_ =	shalt  }
0x5f: {  	_ =	shalt  }
0x60: {  	_ =	shalt  }
0x61: {  	_ =	shalt  }
0x62: {  	_ =	shalt  }
0x63: {  	_ =	shalt  }
0x64: {  	_ =	shalt  }
0x65: {  	_ =	shalt  }
0x66: {  	_ =	shalt  }
0x67: {  	_ =	shalt  }
0x68: {  	_ =	shalt  }
0x69: {  	_ =	shalt  }
0x6a: {  	_ =	shalt  }
0x6b: {  	_ =	shalt  }
0x6c: {  	_ =	shalt  }
0x6d: {  	_ =	shalt  }
0x6e: {  	_ =	shalt  }
0x6f: {  	_ =	shalt  }
0x70: {  	_ =	shalt  }
0x71: {  	_ =	shalt  }
0x72: {  	_ =	shalt  }
0x73: {  	_ =	shalt  }
0x74: {  	_ =	shalt  }
0x75: {  	_ =	shalt  }
0x76: {  	_ =	shalt  }
0x77: {  	_ =	shalt  }
0x78: {  	_ =	shalt  }
0x79: {  	_ =	shalt  }
0x7a: {  	_ =	shalt  }
0x7b: {  	_ =	shalt  }
0x7c: {  	_ =	shalt  }
0x7d: {  	_ =	shalt  }
0x7e: {  	_ =	shalt  }
0x7f: {  	_ =	shalt  }
0x80: {  	_ =	shalt  }
0x81: {  	_ =	shalt  }
0x82: {  	_ =	shalt  }
0x83: {  	_ =	shalt  }
0x84: {  	_ =	shalt  }
0x85: {  	_ =	shalt  }
0x86: {  	_ =	shalt  }
0x87: {  	_ =	shalt  }
.Lfunc_end0:
.L_simem_size_0:
called_computation.1_lowered:
.L_overlay_start_0:
0x88: {  	s2 =	sld [smem:$0x3FD9]  }
0x89: {  	s3 =	sld [smem:$0x3FFE];
	_ =	sdelay $0x1  }
0x8a: {  	s1 =	srdreg.scid  }
0x8b: {  	s0 =	sand.u32 $0x1, s1  }
0x8c: {  	s17 =	sshll.u32 s0, $0xA;
	s2 =	sadd.s32 s3, s2  }
0x8d: {  	s2 =	sadd.s32 s2, s17  }
0x8e: {  	[smem:$0x3FBD] =	sst s2  }
0x8f: {  	_ = 	snop  }
0x90: {  	s2 =	sld [smem:$0x3FC7];
	(tm) =	ssettm $0x1  }
0x91: {  	s18 =	sld [smem:$0x3FFB];
	_ =	sdelay $0x3  }
0x92: {  	_ =	strace s18  }
0x93: {  	s3 =	sld [smem:$0x3FFC];
	_ =	sdelay $0x3  }
0x94: {  	_ =	strace s3  }
0x95: {  	s3 =	sld [smem:$0x3FFD];
	_ =	sdelay $0x3  }
0x96: {  	_ =	strace s3  }
0x97: {  	_ =	strace $0x8FFFFFFF  }
0x98: {  	s19 =	sld [smem:$0x3FDB];
	_ =	sdelay $0x1  }
0x99: {  	s4 =	simm.s32 $_scs_section_size  }
0x9a: {  	s5 =	simm.s32 $_size__tile_overlayer_lowered;
	s6 =	simm.s32 $_tile_overlayer_lowered  }
0x9b: {  	s22 =	simm.s32 $0x1BFF;
	s21 =	sshll.u32 s6, $0x1;
	s3 =	sadd.s32 s4, s19  }
0x9c: {  	s7 =	simm.s32 $0x0;
	s20 =	sshll.u32 s5, $0x1;
	s5 =	sadd.s32 s21, s3  }
0x9d: {  	[timem:s7], [sflag:s22] =	dma.local [hbm:s5], s20  }
0x9e: {  	_ =	swait.ge [sflag:s22], s20  }
0x9f: {  	s4 =	ssub.s32 $0x0, s20;
	[sflag:s22] =	ssyncset.done $0x0  }
0xa0: {  	[sflag:s22] =	ssyncadd.s32 s4;
	_ =	sdelay $0x1  }
0xa1: {  	s23 =	simm.s32 $0x1B8B  }
0xa2: {  	_ =	swait.ge [sflag:s23], $0x1  }
0xa3: {  	[sflag:s23] =	ssyncset.done $0x0  }
0xa4: {  	s25 =	simm.s32 $0x1B8E;
	s24 =	sld [smem:$0x3FFE];
	[sflag:s23] =	ssyncadd.s32 $0xFFFFFFFF  }
0xa5: {  	s26 =	simm.s32 $execute0_lowered;
	[smem:$0x3FD2] =	sst s25  }
0xa6: {  	s5 =	sshll.u32 s26, $0x1;
	_ =	strace $0x80000049;
	[dreg:$0x1] =	wrdreg $0xFFFFFFFF  }
0xa7: {  	s28 =	simm.s32 $_size_execute0_lowered;
	s3 =	sadd.s32 s3, s5;
	[dreg:$0x0] =	wrdreg $0x0  }
0xa8: {  	s5 =	sshll.u32 s28, $0x1;
	[dreg:$0x2] =	wrdreg s3  }
0xa9: {  	[dreg:$0x3] =	wrdreg s5  }
0xaa: {  	[dreg:$0x4] =	wrdreg $0xC0  }
0xab: {  	_ =	task [dreg:s7], $0x5FFFF  }
0xac: {  	[dreg:$0x1] =	wrdreg $0xFFFFFFFF  }
0xad: {  	[dreg:$0x0] =	wrdreg $0x60  }
0xae: {  	[dreg:$0x2] =	wrdreg s24  }
0xaf: {  	[dreg:$0x3] =	wrdreg s2  }
0xb0: {  	[dreg:$0x4] =	wrdreg $0xB5400  }
0xb1: {  	[dreg:$0x5] =	wrdreg $0x9  }
0xb2: {  	_ =	task.clear_ibuf [dreg:s7], $0x6FFFF;
	_ =	strace $0x90000049  }
0xb3: {  	s29 =	simm.s32 $0x9;
	_ =	strace $0x8000004B  }
0xb4: {  	_ =	swait.ge [sflag:s29], $0x1  }
0xb5: {  	[sflag:s29] =	ssyncadd.s32 $0xFFFFFFFF  }
0xb6: {  	_ =	strace $0x9000004B  }
0xb7: {  	_ =	sfence  }
0xb8: {  	s30 =	sld [smem:$0x0];
	_ =	sdelay $0x2  }
0xb9: {  	s31 =	sshll.u32 s1, $0xD;
	s1 =	sshrl.u32 s1, $0x2  }
0xba: {  	s3 =	sand.u32 $0x4000, s31;
	s1 =	sadd.s32 s1, s30  }
0xbb: {  	s0 =	sor.u32 s3, s0;
	s1 =	sshll.u32 s1, $0x11  }
0xbc: {  	s0 =	sor.u32 s1, s0  }
0xbd: {  	s0 =	sadd.s32 $0x8F2B, s0  }
0xbe: {  	[sflag:s0] =	ssyncadd.remote.s32 $0x1  }
0xbf: {  	_ =	sfence.sel $0xFFFF  }
0xc0: {  	[dreg:$0x0] =	wrdreg $0xFFFFFFFF;
	(pc) =	sbr.abs _section_cstart, $3  }
0xc1: {  	[dreg:$0x1] =	wrdreg $0xFFFFFFFF  }
0xc2: {  	_ =	task.clear_ibuf [dreg:s7], $0x2FFFF;
	_ =	strace $0x9FFFFFFF  }
0xc3: {  	(tm) =	ssettm $0x7FFFFFFF  }
tec
execute0_lowered:
.L_overlay_start_1:
0x0: {  	(tag) =	ssettag $0x1  }
0x1: {  	s0 =	rddreg [dreg:$0x0]  }
0x2: {  	s1 =	rddreg [dreg:$0x1];
	s12 =	stileid.u32  }
0x3: {  	s3 =	srdreg.scid;
	s9 =	smul.u32 $0x13880, s12  }
0x4: {  	s3 =	sand.u32 $0x1, s3;
	s7 =	sshll.u32 s12, $0x1;
	s12 =	smul.u32 $0x4E200, s12  }
0x5: {  	s6 =	smul.u32 $0x138800, s3;
	s7 =	sor.u32 s3, s7;
	s3 =	ssub.s32 $0x2, s3  }
0x6: {  	s2 =	rddreg [dreg:$0x2];
	s21 =	sshrl.u32 s3, $0x1  }
0x7: {  	s4 =	simm.s32 $0x0;
	s25 =	sshrl.u32 s12, $0x2;
	s3 =	ssub.s32 s3, s21  }
0x8: {  	[smem:$0x7FF] =	sst s4;
	s14 =	sadd.s32 s25, s2;
	s3 =	smax.u32 s3, $0x1  }
0x9: {  	_ =	strace $0x8000004A;
	s26 =	sadd.s32 $0x1900, s14;
	[dreg:$0x8] =	wrdreg s3  }
0xa: {  	s29 =	sadd.s32 $0x2580, s14;
	[dreg:$0xa] =	wrdreg s26  }
0xb: {  	s30 =	sadd.s32 $0x3200, s14;
	[dreg:$0xb] =	wrdreg s29  }
0xc: {  	s31 =	sadd.s32 $0x3E80, s14;
	[dreg:$0xc] =	wrdreg s30  }
0xd: {  	s8 =	sadd.s32 s9, s6;
	s12 =	sadd.s32 $0x7080, s14;
	[dreg:$0xd] =	wrdreg s31  }
0xe: {  	s9 =	sadd.s32 s9, s2;
	s13 =	sadd.s32 $0x7D00, s14;
	[dreg:$0x11] =	wrdreg s12  }
0xf: {  	s15 =	sshrl.u32 s9, $0x3;
	[dreg:$0x12] =	wrdreg s13  }
0x10: {  	s16 =	sadd.s32 $0x8980, s14;
	[dreg:$0x13] =	wrdreg s15  }
0x11: {  	s17 =	sadd.s32 $0x9600, s14;
	[dreg:$0x14] =	wrdreg s16  }
0x12: {  	s18 =	sadd.s32 $0xA280, s14;
	[dreg:$0x15] =	wrdreg s17  }
0x13: {  	s19 =	sadd.s32 $0xAF00, s14;
	[dreg:$0x16] =	wrdreg s18  }
0x14: {  	s7 =	smul.u32 $0x2710, s7;
	s20 =	sadd.s32 $0xBB80, s14;
	[dreg:$0x17] =	wrdreg s19  }
0x15: {  	s5 =	sadd.s32 $0xB400, s0;
	s21 =	sadd.s32 $0xC800, s14;
	[dreg:$0x18] =	wrdreg s20  }
0x16: {  	s11 =	sshrl.u32 s7, $0x3;
	s25 =	sadd.s32 $0xFA00, s14;
	[dreg:$0x19] =	wrdreg s21  }
0x17: {  	s6 =	sadd.s32 $0x1600, s0;
	s22 =	sadd.s32 s5, s11;
	[dreg:$0x1d] =	wrdreg s25  }
0x18: {  	s23 =	sadd.s32 s6, s11;
	[dreg:$0x4] =	wrdreg s22  }
0x19: {  	s10 =	sshrl.u32 s8, $0x3;
	s24 =	sadd.s32 s1, s11;
	[dreg:$0x5] =	wrdreg s23  }
0x1a: {  	s8 =	sadd.s32 $0x15200, s0;
	s3 =	sadd.s32 $0x4B00, s14;
	[dreg:$0x6] =	wrdreg s24  }
0x1b: {  	s0 =	sadd.s32 s10, s0;
	s10 =	sadd.s32 $0x5780, s14;
	[dreg:$0xe] =	wrdreg s3  }
0x1c: {  	s11 =	sadd.s32 $0x6400, s14;
	[dreg:$0xf] =	wrdreg s10  }
0x1d: {  	s26 =	sadd.s32 $0x10680, s14;
	[dreg:$0x10] =	wrdreg s11  }
0x1e: {  	s29 =	sadd.s32 $0x11300, s14;
	[dreg:$0x1e] =	wrdreg s26  }
0x1f: {  	s28 =	simm.s32 $0x0;
	s30 =	sadd.s32 $0x11F80, s14;
	[dreg:$0x1f] =	wrdreg s29  }
0x20: {  	s31 =	sadd.s32 $0x12C00, s14;
	s17 =	simm.s32 $0xA8C0;
	[smem:$0x7FC] =	sst s30  }
0x21: {  	s18 =	simm.s32 $0x1F40;
	s0 =	sadd.s32 $0x3C400, s0;
	[smem:$0x7FD] =	sst s31  }
0x22: {  	s19 =	simm.s32 $0x2;
	s22 =	sadd.s32 $0xD480, s14;
	[dreg:$0x7] =	wrdreg s0  }
0x23: {  	s20 =	simm.s32 $0x1;
	s23 =	sadd.s32 $0xE100, s14;
	[dreg:$0x1a] =	wrdreg s22  }
0x24: {  	s21 =	simm.s32 $0x50;
	s24 =	sadd.s32 $0xED80, s14;
	[dreg:$0x1b] =	wrdreg s23  }
0x25: {  	s25 =	simm.s32 $0x7;
	s0 =	sadd.s32 $0xC80, s14;
	[dreg:$0x1c] =	wrdreg s24  }
0x26: {  	v0 =	vimm.f32 $0.0e+00;
	s26 =	simm.s32 $0x9;
	s24 =	simm.s32 $0x6;
	[dreg:$0x9] =	wrdreg s0  }
.LBB2_1:
0x27: {  	s0 =	simm.s32 $0xA9C0  }
0x28: {  	[tilespmem:s0+$0xFFFFFF00] =	vst v0  }
0x29: {  	[tilespmem:s0+$0xF0] =	vst v0  }
0x2a: {  	[tilespmem:s0+$0xE0] =	vst v0  }
0x2b: {  	[tilespmem:s0+$0xD0] =	vst v0  }
0x2c: {  	[tilespmem:s0+$0xC0] =	vst v0  }
0x2d: {  	[tilespmem:s0+$0xB0] =	vst v0  }
0x2e: {  	[tilespmem:s0+$0xA0] =	vst v0  }
0x2f: {  	[tilespmem:s0+$0x90] =	vst v0  }
0x30: {  	[tilespmem:s0+$0x80] =	vst v0  }
0x31: {  	[tilespmem:s0+$0x70] =	vst v0  }
0x32: {  	[tilespmem:s0+$0x60] =	vst v0  }
0x33: {  	[tilespmem:s0+$0x50] =	vst v0  }
0x34: {  	[tilespmem:s0+$0x40] =	vst v0  }
0x35: {  	[tilespmem:s0+$0x30] =	vst v0  }
0x36: {  	[tilespmem:s0+$0x20] =	vst v0  }
0x37: {  	[tilespmem:s0+$0x10] =	vst v0  }
0x38: {  	[tilespmem:s0+$0x0] =	vst v0  }
0x39: {  	[tilespmem:s0+$0xFFFFFFF0] =	vst v0  }
0x3a: {  	[tilespmem:s0+$0xFFFFFFE0] =	vst v0  }
0x3b: {  	[tilespmem:s0+$0xFFFFFFD0] =	vst v0  }
0x3c: {  	[tilespmem:s0+$0xFFFFFFC0] =	vst v0  }
0x3d: {  	[tilespmem:s0+$0xFFFFFFB0] =	vst v0  }
0x3e: {  	[tilespmem:s0+$0xFFFFFFA0] =	vst v0  }
0x3f: {  	[tilespmem:s0+$0xFFFFFF90] =	vst v0  }
0x40: {  	[tilespmem:s0+$0xFFFFFF80] =	vst v0  }
0x41: {  	[tilespmem:s0+$0xFFFFFF70] =	vst v0  }
0x42: {  	[tilespmem:s0+$0xFFFFFF60] =	vst v0  }
0x43: {  	[tilespmem:s0+$0xFFFFFF50] =	vst v0  }
0x44: {  	[tilespmem:s0+$0xFFFFFF40] =	vst v0  }
0x45: {  	[tilespmem:s0+$0xFFFFFF30] =	vst v0  }
0x46: {  	s3 =	simm.s32 $0x0;
	[tilespmem:s0+$0xFFFFFF20] =	vst v0  }
.LBB2_2:
0x47: {  	s3 =	sadd.s32 $0x4, s3;
	[tilespmem:s0+$0xFFFFFF10] =	vst v0;
	s0 =	sadd.s32 $0x200, s0  }
0x48: {  	[tilespmem:s0+$0xFFFFFF00] =	vst v0;
	p0 =	slt.u32 s3, $0x14  }
0x49: {  	[tilespmem:s0+$0xF0] =	vst v0  }
0x4a: {  	[tilespmem:s0+$0xE0] =	vst v0  }
0x4b: {  	[tilespmem:s0+$0xD0] =	vst v0  }
0x4c: {  	[tilespmem:s0+$0xC0] =	vst v0  }
0x4d: {  	[tilespmem:s0+$0xB0] =	vst v0  }
0x4e: {  	[tilespmem:s0+$0xA0] =	vst v0  }
0x4f: {  	[tilespmem:s0+$0x90] =	vst v0  }
0x50: {  	[tilespmem:s0+$0x80] =	vst v0  }
0x51: {  	[tilespmem:s0+$0x70] =	vst v0  }
0x52: {  	[tilespmem:s0+$0x60] =	vst v0  }
0x53: {  	[tilespmem:s0+$0x50] =	vst v0  }
0x54: {  	[tilespmem:s0+$0x40] =	vst v0  }
0x55: {  	[tilespmem:s0+$0x30] =	vst v0  }
0x56: {  	[tilespmem:s0+$0x20] =	vst v0  }
0x57: {  	[tilespmem:s0+$0x10] =	vst v0  }
0x58: {  	[tilespmem:s0+$0x0] =	vst v0  }
0x59: {  	[tilespmem:s0+$0xFFFFFFF0] =	vst v0  }
0x5a: {  	[tilespmem:s0+$0xFFFFFFE0] =	vst v0  }
0x5b: {  	[tilespmem:s0+$0xFFFFFFD0] =	vst v0  }
0x5c: {  	[tilespmem:s0+$0xFFFFFFC0] =	vst v0  }
0x5d: {  	[tilespmem:s0+$0xFFFFFFB0] =	vst v0  }
0x5e: {  	[tilespmem:s0+$0xFFFFFFA0] =	vst v0  }
0x5f: {  	[tilespmem:s0+$0xFFFFFF90] =	vst v0  }
0x60: {  	[tilespmem:s0+$0xFFFFFF80] =	vst v0  }
0x61: {  	[tilespmem:s0+$0xFFFFFF70] =	vst v0  }
.Ltmp0:
0x62: {  	[tilespmem:s0+$0xFFFFFF60] =	vst v0;
	(pc) =	sbr.rel @p0 .LBB2_2-.Ltmp0, $4  }
0x63: {  	[tilespmem:s0+$0xFFFFFF50] =	vst v0  }
0x64: {  	[tilespmem:s0+$0xFFFFFF40] =	vst v0  }
0x65: {  	[tilespmem:s0+$0xFFFFFF30] =	vst v0  }
0x66: {  	[tilespmem:s0+$0xFFFFFF20] =	vst v0  }
0x67: {  	[tilespmem:s0+$0xFFFFFF10] =	vst v0  }
0x68: {  	[tilespmem:$0xB4C0] =	vst v0  }
0x69: {  	[tilespmem:$0xB4D0] =	vst v0  }
0x6a: {  	[tilespmem:$0xB4E0] =	vst v0  }
0x6b: {  	[tilespmem:$0xB4F0] =	vst v0  }
0x6c: {  	[tilespmem:$0xB500] =	vst v0  }
0x6d: {  	[tilespmem:$0xB510] =	vst v0  }
0x6e: {  	[tilespmem:$0xB520] =	vst v0  }
0x6f: {  	s11 =	rddreg [dreg:$0x9];
	[tilespmem:$0xB530] =	vst v0  }
0x70: {  	[spmem:s14] =	stream.linear.scatter [tilespmem:s17], [sflag:$0x1], $0xC80, $0x38;
	[tilespmem:$0x1EDC0] =	vst v63  }
0x71: {  	s12 =	rddreg [dreg:$0xa]  }
0x72: {  	[spmem:s11] =	stream.linear.scatter [tilespmem:s17], [sflag:$0x1], $0xC80, $0x38;
	[tilespmem:$0x1EDC0] =	vst v63  }
0x73: {  	s13 =	rddreg [dreg:$0xb]  }
0x74: {  	[spmem:s12] =	stream.linear.scatter [tilespmem:s17], [sflag:$0x1], $0xC80, $0x38;
	[tilespmem:$0x1EDC0] =	vst v63  }
0x75: {  	s15 =	rddreg [dreg:$0xc]  }
0x76: {  	[spmem:s13] =	stream.linear.scatter [tilespmem:s17], [sflag:$0x1], $0xC80, $0x38;
	[tilespmem:$0x1EDC0] =	vst v63  }
0x77: {  	s16 =	rddreg [dreg:$0xd]  }
0x78: {  	[spmem:s15] =	stream.linear.scatter [tilespmem:s17], [sflag:$0x1], $0xC80, $0x38;
	[tilespmem:$0x1EDC0] =	vst v63  }
0x79: {  	s22 =	rddreg [dreg:$0xe]  }
0x7a: {  	[spmem:s16] =	stream.linear.scatter [tilespmem:s17], [sflag:$0x1], $0xC80, $0x38;
	[tilespmem:$0x1EDC0] =	vst v63  }
0x7b: {  	s23 =	rddreg [dreg:$0xf]  }
0x7c: {  	[spmem:s22] =	stream.linear.scatter [tilespmem:s17], [sflag:$0x1], $0xC80, $0x38;
	[tilespmem:$0x1EDC0] =	vst v63  }
0x7d: {  	s3 =	rddreg [dreg:$0x10]  }
0x7e: {  	[spmem:s23] =	stream.linear.scatter [tilespmem:s17], [sflag:$0x1], $0xC80, $0x38;
	[tilespmem:$0x1EDC0] =	vst v63  }
0x7f: {  	s9 =	rddreg [dreg:$0x11]  }
0x80: {  	[spmem:s3] =	stream.linear.scatter [tilespmem:s17], [sflag:$0x1], $0xC80, $0x38;
	[tilespmem:$0x1EDC0] =	vst v63  }
0x81: {  	s10 =	rddreg [dreg:$0x12]  }
0x82: {  	[spmem:s9] =	stream.linear.scatter [tilespmem:s17], [sflag:$0x1], $0xC80, $0x38;
	[tilespmem:$0x1EDC0] =	vst v63  }
0x83: {  	s11 =	rddreg [dreg:$0x14]  }
0x84: {  	[spmem:s10] =	stream.linear.scatter [tilespmem:s17], [sflag:$0x1], $0xC80, $0x38;
	[tilespmem:$0x1EDC0] =	vst v63  }
0x85: {  	s12 =	rddreg [dreg:$0x15]  }
0x86: {  	[spmem:s11] =	stream.linear.scatter [tilespmem:s17], [sflag:$0x1], $0xC80, $0x38;
	[tilespmem:$0x1EDC0] =	vst v63  }
0x87: {  	s13 =	rddreg [dreg:$0x16]  }
0x88: {  	[spmem:s12] =	stream.linear.scatter [tilespmem:s17], [sflag:$0x1], $0xC80, $0x38;
	[tilespmem:$0x1EDC0] =	vst v63  }
0x89: {  	s15 =	rddreg [dreg:$0x17]  }
0x8a: {  	[spmem:s13] =	stream.linear.scatter [tilespmem:s17], [sflag:$0x1], $0xC80, $0x38;
	[tilespmem:$0x1EDC0] =	vst v63  }
0x8b: {  	s16 =	rddreg [dreg:$0x18]  }
0x8c: {  	[spmem:s15] =	stream.linear.scatter [tilespmem:s17], [sflag:$0x1], $0xC80, $0x38;
	[tilespmem:$0x1EDC0] =	vst v63  }
0x8d: {  	s22 =	rddreg [dreg:$0x19]  }
0x8e: {  	[spmem:s16] =	stream.linear.scatter [tilespmem:s17], [sflag:$0x1], $0xC80, $0x38;
	[tilespmem:$0x1EDC0] =	vst v63  }
0x8f: {  	s23 =	rddreg [dreg:$0x1a]  }
0x90: {  	[spmem:s22] =	stream.linear.scatter [tilespmem:s17], [sflag:$0x1], $0xC80, $0x38;
	[tilespmem:$0x1EDC0] =	vst v63  }
0x91: {  	s3 =	rddreg [dreg:$0x1b]  }
0x92: {  	[spmem:s23] =	stream.linear.scatter [tilespmem:s17], [sflag:$0x1], $0xC80, $0x38;
	[tilespmem:$0x1EDC0] =	vst v63  }
0x93: {  	s9 =	rddreg [dreg:$0x1c]  }
0x94: {  	[spmem:s3] =	stream.linear.scatter [tilespmem:s17], [sflag:$0x1], $0xC80, $0x38;
	[tilespmem:$0x1EDC0] =	vst v63  }
0x95: {  	s10 =	rddreg [dreg:$0x1d]  }
0x96: {  	[spmem:s9] =	stream.linear.scatter [tilespmem:s17], [sflag:$0x1], $0xC80, $0x38;
	[tilespmem:$0x1EDC0] =	vst v63  }
0x97: {  	s11 =	rddreg [dreg:$0x1e]  }
0x98: {  	[spmem:s10] =	stream.linear.scatter [tilespmem:s17], [sflag:$0x1], $0xC80, $0x38;
	[tilespmem:$0x1EDC0] =	vst v63  }
0x99: {  	s12 =	rddreg [dreg:$0x1f]  }
0x9a: {  	[spmem:s11] =	stream.linear.scatter [tilespmem:s17], [sflag:$0x1], $0xC80, $0x38;
	[tilespmem:$0x1EDC0] =	vst v63  }
0x9b: {  	s13 =	sld [smem:$0x7FC]  }
0x9c: {  	[spmem:s12] =	stream.linear.scatter [tilespmem:s17], [sflag:$0x1], $0xC80, $0x38;
	[tilespmem:$0x1EDC0] =	vst v63  }
0x9d: {  	s15 =	sld [smem:$0x7FD]  }
0x9e: {  	[spmem:s13] =	stream.linear.scatter [tilespmem:s17], [sflag:$0x1], $0xC80, $0x38;
	[tilespmem:$0x1EDC0] =	vst v63  }
0x9f: {  	_ = 	snop  }
0xa0: {  	[spmem:s15] =	stream.linear.scatter [tilespmem:s17], [sflag:$0x1], $0xC80, $0x38;
	[tilespmem:$0x1EDC0] =	vst v63  }
0xa1: {  	s29 =	simm.s32 $0x0;
	s16 =	rddreg [dreg:$0x4]  }
0xa2: {  	[tilespmem:s29], [sflag:$0x2] =	stream.linear.gather [hbm4b:s16+s29], $0x7D0, $0x38;
	[tilespmem:$0x1EDC0] =	vst v63  }
0xa3: {  	s22 =	rddreg [dreg:$0x5];
	s3 =	simm.s32 $0xFA0  }
0xa4: {  	[tilespmem:s3], [sflag:$0x2] =	stream.linear.gather [hbm4b:s22+s29], $0x7D0, $0x38;
	[tilespmem:$0x1EDC0] =	vst v63  }
0xa5: {  	s23 =	rddreg [dreg:$0x6]  }
0xa6: {  	[tilespmem:s18], [sflag:$0x2] =	stream.linear.gather [hbm4b:s23+s29], $0x7D0, $0x38;
	[tilespmem:$0x1EDC0] =	vst v63  }
0xa7: {  	_ =	swait.ge [sflag:s19], $0x7D0  }
0xa8: {  	[sflag:s19] =	ssyncset.done $0x0  }
0xa9: {  	[sflag:s19] =	ssyncadd.s32 $0xFFFFF830  }
0xaa: {  	_ =	swait.ge [sflag:s19], $0x7D0  }
0xab: {  	[sflag:s19] =	ssyncset.done $0x0  }
0xac: {  	[sflag:s19] =	ssyncadd.s32 $0xFFFFF830  }
0xad: {  	_ =	swait.ge [sflag:s19], $0x7D0  }
0xae: {  	[sflag:s19] =	ssyncset.done $0x0  }
0xaf: {  	[sflag:s19] =	ssyncadd.s32 $0xFFFFF830  }
0xb0: {  	_ =	swait.ge [sflag:s20], $0xC80  }
0xb1: {  	[sflag:s20] =	ssyncset.done $0x0  }
0xb2: {  	[sflag:s20] =	ssyncadd.s32 $0xFFFFF380  }
0xb3: {  	_ =	swait.ge [sflag:s20], $0xC80  }
0xb4: {  	[sflag:s20] =	ssyncset.done $0x0  }
0xb5: {  	[sflag:s20] =	ssyncadd.s32 $0xFFFFF380  }
0xb6: {  	_ =	swait.ge [sflag:s20], $0xC80  }
0xb7: {  	[sflag:s20] =	ssyncset.done $0x0  }
0xb8: {  	[sflag:s20] =	ssyncadd.s32 $0xFFFFF380  }
0xb9: {  	_ =	swait.ge [sflag:s20], $0xC80  }
0xba: {  	[sflag:s20] =	ssyncset.done $0x0  }
0xbb: {  	[sflag:s20] =	ssyncadd.s32 $0xFFFFF380  }
0xbc: {  	_ =	swait.ge [sflag:s20], $0xC80  }
0xbd: {  	[sflag:s20] =	ssyncset.done $0x0  }
0xbe: {  	[sflag:s20] =	ssyncadd.s32 $0xFFFFF380  }
0xbf: {  	_ =	swait.ge [sflag:s20], $0xC80  }
0xc0: {  	[sflag:s20] =	ssyncset.done $0x0  }
0xc1: {  	[sflag:s20] =	ssyncadd.s32 $0xFFFFF380  }
0xc2: {  	_ =	swait.ge [sflag:s20], $0xC80  }
0xc3: {  	[sflag:s20] =	ssyncset.done $0x0  }
0xc4: {  	[sflag:s20] =	ssyncadd.s32 $0xFFFFF380  }
0xc5: {  	_ =	swait.ge [sflag:s20], $0xC80  }
0xc6: {  	[sflag:s20] =	ssyncset.done $0x0  }
0xc7: {  	[sflag:s20] =	ssyncadd.s32 $0xFFFFF380  }
0xc8: {  	_ =	swait.ge [sflag:s20], $0xC80  }
0xc9: {  	[sflag:s20] =	ssyncset.done $0x0  }
0xca: {  	[sflag:s20] =	ssyncadd.s32 $0xFFFFF380  }
0xcb: {  	_ =	swait.ge [sflag:s20], $0xC80  }
0xcc: {  	[sflag:s20] =	ssyncset.done $0x0  }
0xcd: {  	[sflag:s20] =	ssyncadd.s32 $0xFFFFF380  }
0xce: {  	_ =	swait.ge [sflag:s20], $0xC80  }
0xcf: {  	[sflag:s20] =	ssyncset.done $0x0  }
0xd0: {  	[sflag:s20] =	ssyncadd.s32 $0xFFFFF380  }
0xd1: {  	_ =	swait.ge [sflag:s20], $0xC80  }
0xd2: {  	[sflag:s20] =	ssyncset.done $0x0  }
0xd3: {  	[sflag:s20] =	ssyncadd.s32 $0xFFFFF380  }
0xd4: {  	_ =	swait.ge [sflag:s20], $0xC80  }
0xd5: {  	[sflag:s20] =	ssyncset.done $0x0  }
0xd6: {  	[sflag:s20] =	ssyncadd.s32 $0xFFFFF380  }
0xd7: {  	_ =	swait.ge [sflag:s20], $0xC80  }
0xd8: {  	[sflag:s20] =	ssyncset.done $0x0  }
0xd9: {  	[sflag:s20] =	ssyncadd.s32 $0xFFFFF380  }
0xda: {  	_ =	swait.ge [sflag:s20], $0xC80  }
0xdb: {  	[sflag:s20] =	ssyncset.done $0x0  }
0xdc: {  	[sflag:s20] =	ssyncadd.s32 $0xFFFFF380  }
0xdd: {  	_ =	swait.ge [sflag:s20], $0xC80  }
0xde: {  	[sflag:s20] =	ssyncset.done $0x0  }
0xdf: {  	[sflag:s20] =	ssyncadd.s32 $0xFFFFF380  }
0xe0: {  	_ =	swait.ge [sflag:s20], $0xC80  }
0xe1: {  	[sflag:s20] =	ssyncset.done $0x0  }
0xe2: {  	[sflag:s20] =	ssyncadd.s32 $0xFFFFF380  }
0xe3: {  	_ =	swait.ge [sflag:s20], $0xC80  }
0xe4: {  	[sflag:s20] =	ssyncset.done $0x0  }
0xe5: {  	[sflag:s20] =	ssyncadd.s32 $0xFFFFF380  }
0xe6: {  	_ =	swait.ge [sflag:s20], $0xC80  }
0xe7: {  	[sflag:s20] =	ssyncset.done $0x0  }
0xe8: {  	[sflag:s20] =	ssyncadd.s32 $0xFFFFF380  }
0xe9: {  	_ =	swait.ge [sflag:s20], $0xC80  }
0xea: {  	[sflag:s20] =	ssyncset.done $0x0  }
0xeb: {  	[sflag:s20] =	ssyncadd.s32 $0xFFFFF380  }
0xec: {  	_ =	swait.ge [sflag:s20], $0xC80  }
0xed: {  	[sflag:s20] =	ssyncset.done $0x0  }
0xee: {  	[sflag:s20] =	ssyncadd.s32 $0xFFFFF380  }
0xef: {  	_ =	swait.ge [sflag:s20], $0xC80  }
0xf0: {  	[sflag:s20] =	ssyncset.done $0x0  }
0xf1: {  	[sflag:s20] =	ssyncadd.s32 $0xFFFFF380  }
0xf2: {  	_ =	swait.ge [sflag:s20], $0xC80  }
0xf3: {  	[sflag:s20] =	ssyncset.done $0x0  }
0xf4: {  	[sflag:s20] =	ssyncadd.s32 $0xFFFFF380  }
0xf5: {  	_ =	swait.ge [sflag:s20], $0xC80  }
0xf6: {  	[sflag:s20] =	ssyncset.done $0x0  }
0xf7: {  	[sflag:s20] =	ssyncadd.s32 $0xFFFFF380  }
.Ltmp1:
0xf8: {  	_ =	swait.ge [sflag:s20], $0xC80;
	(pc) =	sbr.rel .LBB2_4-.Ltmp1, $4  }
0xf9: {  	[sflag:s20] =	ssyncset.done $0x0  }
0xfa: {  	[sflag:s20] =	ssyncadd.s32 $0xFFFFF380  }
0xfb: {  	[bflag:$0x0] =	sbarrier.arrive $0xFFFF  }
0xfc: {  	s30 =	simm.s32 $0x8C0;
	s31 =	simm.s32 $0xFFFFFFFF;
	s0 =	simm.s32 $0x0  }
.LBB2_11:
0xfd: {  	s0 =	sadd.s32 $0x1, s0  }
0xfe: {  	p0 =	sne.s32 s0, $0x7D  }
.Ltmp2:
0xff: {  	_ = 	snop;
	(pc) =	sbr.rel @!p0 .LBB2_12-.Ltmp2, $2  }
0x100: {  	_ =	sdelay $0x2  }
0x101: {  	s30 =	sadd.s32 $0x2800, s30;
	s31 =	sadd.s32 $0x1, s31;
	s29 =	sadd.s32 $0x50, s29  }
.LBB2_4:
0x102: {  	s3 =	smul.u32 $0x29, s0;
	_ =	sdelay $0x1  }
0x103: {  	s3 =	sshrl.u32 s3, $0xA  }
0x104: {  	s3 =	sand.u32 $0x3F, s3  }
0x105: {  	s9 =	smul.u32 $0x19, s3;
	_ =	sdelay $0x1  }
0x106: {  	p0 =	sgt.u32 s0, $0x63;
	s9 =	ssub.s32 s0, s9  }
0x107: {  	s10 =	sand.u32 @!p0 $0xFF, s9  }
0x108: {  	p1 =	sne.s32 @!p0 s10, $0x1  }
0x109: {  	p0 =	por p0, p1  }
.Ltmp3:
0x10a: {  	_ = 	snop;
	(pc) =	sbr.rel @p0 .LBB2_6-.Ltmp3, $1  }
0x10b: {  	_ =	sdelay $0x3  }
0x10c: {  	s10 =	sadd.s32 $0x1, s3  }
0x10d: {  	s11 =	smul.u32 $0x7D0, s10;
	_ =	sdelay $0x1  }
0x10e: {  	s10 =	sand.u32 $0x1, s10;
	s11 =	sadd.s32 s7, s11  }
0x10f: {  	p0 =	seq.s32 s10, $0x1;
	s10 =	simm.s32 $0x7D0;
	s11 =	sshrl.u32 s11, $0x3  }
0x110: {  	s10 =	simm.s32 @!p0 $0x0;
	s12 =	sadd.s32 s5, s11  }
0x111: {  	[tilespmem:s10], [sflag:$0x2] =	stream.linear.gather [hbm4b:s12+s4], $0x7D0, $0x38;
	[tilespmem:$0x1EDC0] =	vst v63  }
.Ltmp4:
0x112: {  	_ = 	snop;
	(pc) =	sbr.rel .LBB2_7-.Ltmp4, $4  }
0x113: {  	s23 =	sadd.s32 $0xFA0, s10;
	s13 =	sadd.s32 s6, s11  }
0x114: {  	[tilespmem:s23], [sflag:$0x2] =	stream.linear.gather [hbm4b:s13+s4], $0x7D0, $0x38;
	[tilespmem:$0x1EDC0] =	vst v63  }
0x115: {  	s11 =	sadd.s32 s1, s11;
	s10 =	sadd.s32 $0x1F40, s10  }
0x116: {  	[tilespmem:s10], [sflag:$0x2] =	stream.linear.gather [hbm4b:s11+s4], $0x7D0, $0x38;
	[tilespmem:$0x1EDC0] =	vst v63  }
.LBB2_6:
0x117: {  	p0 =	seq.s32 s0, $0x0  }
0x118: {  	s10 =	sand.u32 @!p0 $0xFF, s9  }
0x119: {  	p1 =	sne.s32 @!p0 s10, $0x0  }
0x11a: {  	p0 =	por p1, p0  }
0x11b: {  	s10 =	simm.s32 @!p0 $0x2  }
0x11c: {  	_ =	swait.ge @!p0 [sflag:s10], $0x7D0  }
0x11d: {  	[sflag:s10] =	ssyncset.done @!p0 $0x0  }
0x11e: {  	[sflag:s10] =	ssyncadd.s32 @!p0 $0xFFFFF830  }
0x11f: {  	_ =	swait.ge @!p0 [sflag:s10], $0x7D0  }
0x120: {  	[sflag:s10] =	ssyncset.done @!p0 $0x0  }
0x121: {  	[sflag:s10] =	ssyncadd.s32 @!p0 $0xFFFFF830  }
0x122: {  	_ =	swait.ge @!p0 [sflag:s10], $0x7D0  }
0x123: {  	[sflag:s10] =	ssyncset.done @!p0 $0x0  }
0x124: {  	[sflag:s10] =	ssyncadd.s32 @!p0 $0xFFFFF830  }
.LBB2_7:
0x125: {  	s10 =	smul.u32 $0xAB, s0;
	_ =	sdelay $0x1  }
0x126: {  	s10 =	sshrl.u32 s10, $0x9  }
0x127: {  	s10 =	sand.u32 $0x7F, s10  }
0x128: {  	s10 =	smul.u32 $0x3, s10;
	_ =	sdelay $0x1  }
0x129: {  	s10 =	ssub.s32 s0, s10  }
0x12a: {  	p0 =	slt.u32 s0, $0x3;
	s9 =	sand.u32 $0xFF, s9;
	s10 =	sand.u32 $0xFF, s10  }
0x12b: {  	s3 =	sand.u32 $0x1, s3;
	s9 =	smul.u32 $0x50, s9;
	s11 =	sadd.s32 @!p0 $0x6, s10  }
0x12c: {  	p1 =	seq.s32 s3, $0x1;
	s3 =	simm.s32 $0x7D0;
	_ =	swait.ge @!p0 [sflag:s11], $0x2800  }
0x12d: {  	s3 =	simm.s32 @!p1 $0x0;
	[sflag:s11] =	ssyncset.done @!p0 $0x0  }
0x12e: {  	s3 =	sadd.s32 s9, s3;
	[sflag:s11] =	ssyncadd.s32 @!p0 $0xFFFFD800  }
0x12f: {  	v1 =	vld [tilespmem:s3+$0x0];
	_ =	sdelay $0x2  }
0x130: {  	s15 =	smul.u32 $0x50, s10;
	_ =	sdelay $0x1  }
0x131: {  	[tilespmem:s15+$0x2EE0] =	vst v1  }
0x132: {  	v1 =	vld [tilespmem:s3+$0xFA0];
	_ =	sdelay $0x4  }
0x133: {  	[tilespmem:s15+$0x2FD0] =	vst v1  }
0x134: {  	v1 =	vld [tilespmem:s3+$0x10];
	_ =	sdelay $0x4  }
0x135: {  	[tilespmem:s15+$0x2EF0] =	vst v1  }
0x136: {  	v1 =	vld [tilespmem:s3+$0xFB0];
	_ =	sdelay $0x4  }
0x137: {  	[tilespmem:s15+$0x2FE0] =	vst v1  }
0x138: {  	v1 =	vld [tilespmem:s3+$0x20];
	_ =	sdelay $0x4  }
0x139: {  	[tilespmem:s15+$0x2F00] =	vst v1  }
0x13a: {  	v1 =	vld [tilespmem:s3+$0xFC0];
	_ =	sdelay $0x4  }
0x13b: {  	[tilespmem:s15+$0x2FF0] =	vst v1  }
0x13c: {  	v1 =	vld [tilespmem:s3+$0x30];
	_ =	sdelay $0x4  }
0x13d: {  	[tilespmem:s15+$0x2F10] =	vst v1  }
0x13e: {  	v1 =	vld [tilespmem:s3+$0xFD0];
	_ =	sdelay $0x4  }
0x13f: {  	[tilespmem:s15+$0x3000] =	vst v1  }
0x140: {  	v1 =	vld [tilespmem:s3+$0x40];
	_ =	sdelay $0x4  }
0x141: {  	[tilespmem:s15+$0x2F20] =	vst v1  }
0x142: {  	s16 =	smul.u32 $0xA000, s10;
	v1 =	vld [tilespmem:s3+$0xFE0]  }
0x143: {  	s22 =	smul.u32 $0x140, s10;
	p0 =	seq.s32 s0, $0x0  }
.Ltmp5:
0x144: {  	_ = 	snop;
	(pc) =	sbr.rel @p0 .LBB2_11-.Ltmp5, $4  }
0x145: {  	_ = 	snop  }
0x146: {  	s11 =	sshrl.u32 s22, $0x2;
	s3 =	sshrl.u32 s16, $0x2  }
0x147: {  	s10 =	sadd.s32 $0x3, s10;
	s23 =	sadd.s32 $0x2EE0, s11;
	s3 =	sadd.s32 $0x30C0, s3;
	[tilespmem:s15+$0x3010] =	vst v1  }
0x148: {  	[tilespmem:s3], [sflag:s10] =	stream.indirect.gather [hbm4b:s8+s21], $0x80, s23, s21, $0xb8;
	[tilespmem:$0x1EDC0] =	vst v63  }
0x149: {  	s3 =	smulhi.u32 $0x51EB851F, s31;
	s11 =	sadd.s32 $0xFFFFFFFF, s0  }
0x14a: {  	s9 =	smulhi.u32 $0x51EB851F, s11  }
0x14b: {  	s3 =	sshrl.u32 s3, $0x3  }
0x14c: {  	s3 =	smul.u32 $0x7D0, s3;
	s9 =	sshrl.u32 s9, $0x3  }
0x14d: {  	s9 =	sand.u32 $0x1, s9  }
0x14e: {  	s22 =	smulhi.u32 $0xAAAAAAAB, s11;
	s10 =	ssub.s32 s29, s3;
	v1 =	vmov s9  }
0x14f: {  	v1 =	vmul.u32 $0x7D0, v1;
	s9 =	sadd.s32 $0xFFFFFFFC, s10  }
0x150: {  	s23 =	smulhi.u32 $0xAAAAAAAB, s31;
	s3 =	sshrl.u32 s22, $0x1;
	s12 =	sadd.s32 $0xFFFFFFB4, s9  }
0x151: {  	s3 =	smul.u32 $0x3, s3;
	v1 =	vbroadcast v1, $0x0;
	v2 =	vmov s12  }
0x152: {  	v3 =	vand.u32 $0x1FF8, v2  }
0x153: {  	s3 =	ssub.s32 s11, s3;
	s12 =	sshrl.u32 s23, $0x1;
	v2 =	vand.u32 $0x4, v2;
	v3 =	vadd.s32 v1, v3  }
0x154: {  	s13 =	sadd.s32 $0x3, s3;
	s11 =	smul.u32 $0xFFFE2000, s12;
	v2 =	vor.u32 v2, v3  }
0x155: {  	_ =	swait.ge [sflag:s13], $0x2800  }
0x156: {  	[sflag:s13] =	ssyncset.done $0x0;
	s11 =	sshra.s32 s11, $0x2  }
0x157: {  	[sflag:s13] =	ssyncadd.s32 $0xFFFFD800;
	s13 =	sadd.s32 s11, s30  }
0x158: {  	v3 =	vld [tilespmem:s13+$0x0]  }
0x159: {  	v2 =	vld.idx.msk [tilespmem:v2+s18+$0x0], $0xffff  }
0x15a: {  	v4 =	vld [tilespmem:s13+$0x70]  }
0x15b: {  	v5 =	vld [tilespmem:s13+$0x50]  }
0x15c: {  	v6 =	vld [tilespmem:s13+$0x20]  }
0x15d: {  	v7 =	vld [tilespmem:s13+$0x40]  }
0x15e: {  	v8 =	vld [tilespmem:s13+$0x30];
	v3 =	vmul.f32 v3, v2  }
0x15f: {  	s15 =	sadd.s32 $0xFFFFFFB5, s9;
	v9 =	vld [tilespmem:s13+$0x10];
	v4 =	vmul.f32 v4, v2  }
0x160: {  	v10 =	vmov s15;
	v11 =	vld [tilespmem:s13+$0x60];
	v5 =	vmul.f32 v5, v2;
	[tilespmem:s13+$0x0] =	vst v3  }
0x161: {  	v6 =	vmul.f32 v6, v2;
	v3 =	vand.u32 $0x1FF8, v10;
	[tilespmem:s13+$0x70] =	vst v4  }
0x162: {  	v4 =	vmul.f32 v7, v2;
	[tilespmem:s13+$0x50] =	vst v5;
	v5 =	vand.u32 $0x5, v10;
	v3 =	vadd.s32 v1, v3  }
0x163: {  	v7 =	vmul.f32 v8, v2;
	[tilespmem:s13+$0x20] =	vst v6;
	v3 =	vor.u32 v5, v3  }
0x164: {  	v5 =	vmul.f32 v9, v2;
	[tilespmem:s13+$0x40] =	vst v4  }
0x165: {  	v2 =	vmul.f32 v11, v2;
	[tilespmem:s13+$0x30] =	vst v7  }
0x166: {  	[tilespmem:s13+$0x10] =	vst v5  }
0x167: {  	[tilespmem:s13+$0x60] =	vst v2;
	v2 =	vld [tilespmem:s13+$0xB0]  }
0x168: {  	v5 =	vld.idx.msk [tilespmem:v3+s18+$0x0], $0xffff  }
0x169: {  	v3 =	vld [tilespmem:s13+$0x80]  }
0x16a: {  	v6 =	vld [tilespmem:s13+$0x90]  }
0x16b: {  	v7 =	vld [tilespmem:s13+$0xA0]  }
0x16c: {  	v4 =	vld [tilespmem:s13+$0xF0]  }
0x16d: {  	v8 =	vld [tilespmem:s13+$0xE0];
	v2 =	vmul.f32 v2, v5  }
0x16e: {  	s16 =	sadd.s32 $0xFFFFFFB6, s9;
	v9 =	vld [tilespmem:s13+$0xD0];
	v3 =	vmul.f32 v3, v5  }
0x16f: {  	v10 =	vld [tilespmem:s13+$0xC0];
	v11 =	vmov s16;
	v6 =	vmul.f32 v6, v5;
	[tilespmem:s13+$0xB0] =	vst v2  }
0x170: {  	v7 =	vmul.f32 v7, v5;
	v2 =	vand.u32 $0x1FF8, v11;
	[tilespmem:s13+$0x80] =	vst v3  }
0x171: {  	v4 =	vmul.f32 v4, v5;
	[tilespmem:s13+$0x90] =	vst v6;
	v6 =	vand.u32 $0x6, v11;
	v2 =	vadd.s32 v1, v2  }
0x172: {  	v3 =	vmul.f32 v8, v5;
	[tilespmem:s13+$0xA0] =	vst v7;
	v7 =	vld [tilespmem:s13+$0x130];
	v6 =	vor.u32 v6, v2  }
0x173: {  	v8 =	vmul.f32 v9, v5;
	[tilespmem:s13+$0xF0] =	vst v4;
	v9 =	vld [tilespmem:s13+$0x110]  }
0x174: {  	v5 =	vmul.f32 v10, v5;
	v10 =	vld [tilespmem:s13+$0x120];
	[tilespmem:s13+$0xE0] =	vst v3  }
0x175: {  	s9 =	sadd.s32 $0xFFFFFFB7, s9;
	s22 =	smul.u32 $0xA000, s3;
	v2 =	vld [tilespmem:s13+$0x140];
	[tilespmem:s13+$0xD0] =	vst v8  }
0x176: {  	v4 =	vmov s9;
	[tilespmem:s13+$0xC0] =	vst v5;
	v8 =	vld [tilespmem:s13+$0x100]  }
0x177: {  	s23 =	sshrl.u32 s22, $0x2;
	v5 =	vand.u32 $0x1FF8, v4;
	v6 =	vld.idx.msk [tilespmem:v6+s18+$0x0], $0xffff  }
0x178: {  	s12 =	simm.s32 $0x0;
	s11 =	sadd.s32 $0x30C0, s23;
	s9 =	smov.u32 s13;
	v3 =	vld [tilespmem:s13+$0x150];
	v5 =	vadd.s32 v1, v5  }
.LBB2_9:
0x179: {  	v11 =	vld [tilespmem:s13+$0x170];
	s9 =	sadd.s32 $0x200, s9;
	s15 =	smov.u32 s12;
	s12 =	sadd.s32 $0x4, s12  }
0x17a: {  	p0 =	slt.u32 s12, $0x4C;
	v12 =	vld [tilespmem:s13+$0x160];
	_ =	sdelay $0x1  }
0x17b: {  	v8 =	vmul.f32 v8, v6;
	v9 =	vmul.f32 v9, v6  }
0x17c: {  	v7 =	vmul.f32 v7, v6;
	v10 =	vmul.f32 v10, v6  }
0x17d: {  	v2 =	vmul.f32 v2, v6;
	v3 =	vmul.f32 v3, v6;
	[tilespmem:s13+$0x100] =	vst v8  }
0x17e: {  	[tilespmem:s13+$0x130] =	vst v7;
	v7 =	vmul.f32 v12, v6;
	v6 =	vmul.f32 v11, v6  }
0x17f: {  	v4 =	vand.u32 $0x7, v4;
	[tilespmem:s13+$0x120] =	vst v10;
	v8 =	vld [tilespmem:s13+$0x1B0]  }
0x180: {  	v4 =	vor.u32 v4, v5;
	[tilespmem:s13+$0x110] =	vst v9;
	v5 =	vld [tilespmem:s13+$0x180]  }
0x181: {  	[tilespmem:s13+$0x140] =	vst v2;
	v9 =	vld [tilespmem:s13+$0x1C0]  }
0x182: {  	v2 =	vld [tilespmem:s9+$0x140];
	[tilespmem:s13+$0x150] =	vst v3  }
0x183: {  	v3 =	vld [tilespmem:s9+$0x150];
	[tilespmem:s13+$0x170] =	vst v6  }
0x184: {  	[tilespmem:s13+$0x160] =	vst v7;
	v6 =	vld [tilespmem:s13+$0x1F0]  }
0x185: {  	v4 =	vld.idx.msk [tilespmem:v4+s18+$0x0], $0xffff  }
0x186: {  	v7 =	vld [tilespmem:s13+$0x190]  }
0x187: {  	v10 =	vld [tilespmem:s13+$0x1A0]  }
0x188: {  	v11 =	vld [tilespmem:s13+$0x1D0]  }
0x189: {  	v12 =	vld [tilespmem:s13+$0x1E0];
	_ =	sdelay $0x1  }
0x18a: {  	s15 =	sadd.s32 s15, s10;
	v5 =	vmul.f32 v5, v4;
	v7 =	vmul.f32 v7, v4  }
0x18b: {  	s16 =	sadd.s32 $0xFFFFFFB4, s15;
	s22 =	sadd.s32 $0xFFFFFFB5, s15;
	s23 =	sadd.s32 $0xFFFFFFB6, s15;
	v8 =	vmul.f32 v8, v4;
	v10 =	vmul.f32 v10, v4  }
0x18c: {  	s15 =	sadd.s32 $0xFFFFFFB7, s15;
	v13 =	vmov s16;
	[tilespmem:s13+$0x180] =	vst v5;
	v5 =	vmul.f32 v9, v4;
	v9 =	vmul.f32 v11, v4  }
0x18d: {  	v6 =	vmul.f32 v6, v4;
	v11 =	vand.u32 $0x1FF8, v13;
	[tilespmem:s13+$0x1B0] =	vst v8;
	v8 =	vmul.f32 v12, v4  }
0x18e: {  	v4 =	vand.u32 $0x4, v13;
	v11 =	vadd.s32 v1, v11;
	v12 =	vmov s22;
	[tilespmem:s13+$0x1A0] =	vst v10  }
0x18f: {  	v10 =	vor.u32 v4, v11;
	v4 =	vand.u32 $0x1FF8, v12;
	v11 =	vmov s23;
	[tilespmem:s13+$0x190] =	vst v7  }
0x190: {  	v13 =	vadd.s32 v1, v4;
	v14 =	vand.u32 $0x1FF8, v11;
	v4 =	vmov s15;
	v7 =	vld [tilespmem:s9+$0x40];
	[tilespmem:s13+$0x1C0] =	vst v5  }
0x191: {  	v14 =	vadd.s32 v1, v14;
	v5 =	vand.u32 $0x1FF8, v4;
	v15 =	vld [tilespmem:s9+$0x60];
	[tilespmem:s13+$0x1D0] =	vst v9  }
0x192: {  	v5 =	vadd.s32 v1, v5;
	v9 =	vld [tilespmem:s9+$0x50];
	[tilespmem:s13+$0x1F0] =	vst v6  }
0x193: {  	v6 =	vld [tilespmem:s9+$0x70];
	[tilespmem:s13+$0x1E0] =	vst v8;
	s13 =	smov.u32 s9  }
0x194: {  	v8 =	vld.idx.msk [tilespmem:v10+s18+$0x0], $0xffff  }
0x195: {  	v10 =	vld [tilespmem:s9+$0x0]  }
0x196: {  	v16 =	vld [tilespmem:s9+$0x20]  }
0x197: {  	v17 =	vld [tilespmem:s9+$0x10]  }
0x198: {  	v18 =	vld [tilespmem:s9+$0x30];
	_ =	sdelay $0x1  }
0x199: {  	v6 =	vmul.f32 v6, v8;
	v10 =	vmul.f32 v10, v8  }
0x19a: {  	v9 =	vmul.f32 v9, v8;
	v16 =	vmul.f32 v16, v8  }
0x19b: {  	v15 =	vmul.f32 v15, v8;
	[tilespmem:s9+$0x0] =	vst v10;
	v10 =	vmul.f32 v17, v8  }
0x19c: {  	v7 =	vmul.f32 v7, v8;
	v17 =	vmul.f32 v18, v8;
	[tilespmem:s9+$0x70] =	vst v6  }
0x19d: {  	v6 =	vand.u32 $0x5, v12;
	[tilespmem:s9+$0x50] =	vst v9  }
0x19e: {  	v6 =	vor.u32 v6, v13;
	[tilespmem:s9+$0x20] =	vst v16  }
0x19f: {  	[tilespmem:s9+$0x40] =	vst v7;
	v7 =	vld [tilespmem:s9+$0xF0]  }
0x1a0: {  	[tilespmem:s9+$0x30] =	vst v17;
	v8 =	vld [tilespmem:s9+$0xE0]  }
0x1a1: {  	[tilespmem:s9+$0x10] =	vst v10;
	v9 =	vld [tilespmem:s9+$0xD0]  }
0x1a2: {  	[tilespmem:s9+$0x60] =	vst v15;
	v10 =	vld [tilespmem:s9+$0xB0]  }
0x1a3: {  	v6 =	vld.idx.msk [tilespmem:v6+s18+$0x0], $0xffff  }
0x1a4: {  	v12 =	vld [tilespmem:s9+$0x80]  }
0x1a5: {  	v13 =	vld [tilespmem:s9+$0x90]  }
0x1a6: {  	v15 =	vld [tilespmem:s9+$0xA0]  }
0x1a7: {  	v16 =	vld [tilespmem:s9+$0xC0];
	_ =	sdelay $0x1  }
0x1a8: {  	v10 =	vmul.f32 v10, v6;
	v12 =	vmul.f32 v12, v6  }
0x1a9: {  	v9 =	vmul.f32 v9, v6;
	v13 =	vmul.f32 v13, v6  }
0x1aa: {  	v8 =	vmul.f32 v8, v6;
	v15 =	vmul.f32 v15, v6;
	[tilespmem:s9+$0xB0] =	vst v10  }
0x1ab: {  	[tilespmem:s9+$0x80] =	vst v12;
	v10 =	vmul.f32 v16, v6;
	v6 =	vmul.f32 v7, v6  }
0x1ac: {  	v7 =	vand.u32 $0x6, v11;
	[tilespmem:s9+$0x90] =	vst v13  }
0x1ad: {  	v11 =	vor.u32 v7, v14;
	[tilespmem:s9+$0xA0] =	vst v15  }
0x1ae: {  	[tilespmem:s9+$0xE0] =	vst v8  }
0x1af: {  	[tilespmem:s9+$0xD0] =	vst v9  }
.Ltmp6:
0x1b0: {  	[tilespmem:s9+$0xF0] =	vst v6;
	v7 =	vld [tilespmem:s9+$0x130];
	(pc) =	sbr.rel @p0 .LBB2_9-.Ltmp6, $4  }
0x1b1: {  	[tilespmem:s9+$0xC0] =	vst v10;
	v8 =	vld [tilespmem:s9+$0x100]  }
0x1b2: {  	v6 =	vld.idx.msk [tilespmem:v11+s18+$0x0], $0xffff  }
0x1b3: {  	v9 =	vld [tilespmem:s9+$0x110]  }
0x1b4: {  	v10 =	vld [tilespmem:s9+$0x120]  }
0x1b5: {  	_ =	sdelay $0x1  }
0x1b6: {  	v1 =	vmul.f32 v8, v6  }
0x1b7: {  	v55 =	vld [tilespmem:s13+$0x170];
	v7 =	vmul.f32 v7, v6  }
0x1b8: {  	v11 =	vld [tilespmem:s13+$0x160];
	v2 =	vmul.f32 v2, v6;
	[tilespmem:s13+$0x100] =	vst v1  }
0x1b9: {  	v1 =	vmul.f32 v9, v6;
	[tilespmem:s13+$0x130] =	vst v7  }
0x1ba: {  	v4 =	vand.u32 $0x7, v4;
	v3 =	vmul.f32 v3, v6;
	[tilespmem:s13+$0x140] =	vst v2  }
0x1bb: {  	v10 =	vmul.f32 v10, v6;
	[tilespmem:s13+$0x110] =	vst v1;
	v1 =	vor.u32 v4, v5  }
0x1bc: {  	[tilespmem:s13+$0x150] =	vst v3;
	v56 =	vmul.f32 v55, v6  }
0x1bd: {  	v2 =	vmul.f32 v11, v6;
	[tilespmem:s13+$0x120] =	vst v10  }
0x1be: {  	[tilespmem:s13+$0x170] =	vst v56  }
0x1bf: {  	v57 =	vld [tilespmem:s13+$0x180];
	[tilespmem:s13+$0x160] =	vst v2  }
0x1c0: {  	v1 =	vld.idx.msk [tilespmem:v1+s18+$0x0], $0xffff  }
0x1c1: {  	v2 =	vld [tilespmem:s13+$0x1B0]  }
0x1c2: {  	v3 =	vld [tilespmem:s13+$0x1A0]  }
0x1c3: {  	v58 =	vld [tilespmem:s13+$0x190]  }
0x1c4: {  	v61 =	vld [tilespmem:s13+$0x1F0]  }
0x1c5: {  	v59 =	vld [tilespmem:s13+$0x1C0];
	v5 =	vmul.f32 v57, v1  }
0x1c6: {  	v60 =	vld [tilespmem:s13+$0x1D0];
	v2 =	vmul.f32 v2, v1  }
0x1c7: {  	v62 =	vld [tilespmem:s13+$0x1E0];
	v3 =	vmul.f32 v3, v1;
	[tilespmem:s13+$0x180] =	vst v5  }
0x1c8: {  	v4 =	vmul.f32 v58, v1;
	[tilespmem:s13+$0x1B0] =	vst v2  }
0x1c9: {  	v63 =	vmul.f32 v61, v1;
	[tilespmem:s13+$0x1A0] =	vst v3  }
0x1ca: {  	s9 =	smul.u32 $0x140, s3;
	v2 =	vmul.f32 v59, v1;
	[tilespmem:s13+$0x190] =	vst v4  }
.Ltmp7:
0x1cb: {  	v3 =	vmul.f32 v60, v1;
	[tilespmem:s13+$0x1F0] =	vst v63;
	(pc) =	sbr.rel .LBB2_11-.Ltmp7, $4  }
0x1cc: {  	v1 =	vmul.f32 v62, v1;
	[tilespmem:s13+$0x1C0] =	vst v2  }
0x1cd: {  	s9 =	sshra.s32 s9, $0x2;
	[tilespmem:s13+$0x1D0] =	vst v3  }
0x1ce: {  	s23 =	sadd.s32 $0x6, s3;
	s9 =	sadd.s32 $0x2FD0, s9;
	[tilespmem:s13+$0x1E0] =	vst v1  }
0x1cf: {  	[spmem:s2] =	stream.indirect.scatter.add.f32 [tilespmem:s11], [sflag:s23], $0x80, s9, s21, $0xb8;
	[tilespmem:$0x1EDC0] =	vst v63  }
.LBB2_12:
0x1d0: {  	s0 =	simm.s32 $0x780  }
0x1d1: {  	v1 =	vmov s0  }
0x1d2: {  	v1 =	vand.u32 $0xFFFFFFFC, v1  }
0x1d3: {  	v1 =	vbroadcast v1, $0x0  }
0x1d4: {  	s30 =	simm.s32 $0x4  }
0x1d5: {  	_ =	swait.ge [sflag:s30], $0x2800  }
0x1d6: {  	[sflag:s30] =	ssyncset.done $0x0  }
0x1d7: {  	s0 =	simm.s32 $0x5AB0;
	[sflag:s30] =	ssyncadd.s32 $0xFFFFD800  }
0x1d8: {  	v2 =	vld [tilespmem:s0+$0xFFFFFE80]  }
0x1d9: {  	v1 =	vld.idx.msk [tilespmem:v1+s18+$0x0], $0xffff  }
0x1da: {  	v3 =	vld [tilespmem:s0+$0xFFFFFE10]  }
0x1db: {  	v4 =	vld [tilespmem:s0+$0xFFFFFE30]  }
0x1dc: {  	v5 =	vld [tilespmem:s0+$0xFFFFFE60]  }
0x1dd: {  	v6 =	vld [tilespmem:s0+$0xFFFFFE50]  }
0x1de: {  	v7 =	vld [tilespmem:s0+$0xFFFFFE70];
	v2 =	vmul.f32 v2, v1  }
0x1df: {  	s3 =	simm.s32 $0x781;
	v8 =	vld [tilespmem:s0+$0xFFFFFE40];
	v3 =	vmul.f32 v3, v1  }
0x1e0: {  	v9 =	vld [tilespmem:s0+$0xFFFFFE20];
	v4 =	vmul.f32 v4, v1;
	[tilespmem:s0+$0xFFFFFE80] =	vst v2;
	v2 =	vmov s3  }
0x1e1: {  	v5 =	vmul.f32 v5, v1;
	[tilespmem:s0+$0xFFFFFE10] =	vst v3;
	v2 =	vand.u32 $0xFFFFFFFD, v2  }
0x1e2: {  	v3 =	vmul.f32 v6, v1;
	[tilespmem:s0+$0xFFFFFE30] =	vst v4;
	v2 =	vbroadcast v2, $0x0  }
0x1e3: {  	v4 =	vmul.f32 v7, v1;
	[tilespmem:s0+$0xFFFFFE60] =	vst v5  }
0x1e4: {  	v5 =	vmul.f32 v8, v1;
	[tilespmem:s0+$0xFFFFFE50] =	vst v3  }
0x1e5: {  	v1 =	vmul.f32 v9, v1;
	[tilespmem:s0+$0xFFFFFE70] =	vst v4  }
0x1e6: {  	[tilespmem:s0+$0xFFFFFE40] =	vst v5  }
0x1e7: {  	[tilespmem:s0+$0xFFFFFE20] =	vst v1;
	v1 =	vld [tilespmem:s0+$0xFFFFFEA0]  }
0x1e8: {  	v3 =	vld.idx.msk [tilespmem:v2+s18+$0x0], $0xffff  }
0x1e9: {  	v2 =	vld [tilespmem:s0+$0xFFFFFEB0]  }
0x1ea: {  	v4 =	vld [tilespmem:s0+$0xFFFFFE90]  }
0x1eb: {  	v5 =	vld [tilespmem:s0+$0xFFFFFEC0]  }
0x1ec: {  	v6 =	vld [tilespmem:s0+$0xFFFFFED0]  }
0x1ed: {  	v7 =	vld [tilespmem:s0+$0xFFFFFEE0];
	v1 =	vmul.f32 v1, v3  }
0x1ee: {  	s31 =	simm.s32 $0x782;
	v8 =	vld [tilespmem:s0+$0xFFFFFF00];
	v2 =	vmul.f32 v2, v3  }
0x1ef: {  	v63 =	vld [tilespmem:s0+$0xFFFFFEF0];
	v4 =	vmul.f32 v4, v3;
	[tilespmem:s0+$0xFFFFFEA0] =	vst v1;
	v1 =	vmov s31  }
0x1f0: {  	v5 =	vmul.f32 v5, v3;
	[tilespmem:s0+$0xFFFFFEB0] =	vst v2;
	v1 =	vand.u32 $0xFFFFFFFE, v1  }
0x1f1: {  	v2 =	vmul.f32 v6, v3;
	[tilespmem:s0+$0xFFFFFE90] =	vst v4;
	v10 =	vbroadcast v1, $0x0  }
0x1f2: {  	v4 =	vmul.f32 v7, v3;
	[tilespmem:s0+$0xFFFFFEC0] =	vst v5;
	v6 =	vld [tilespmem:s0+$0xFFFFFF70]  }
0x1f3: {  	v5 =	vmul.f32 v8, v3;
	v7 =	vld [tilespmem:s0+$0xFFFFFF10];
	[tilespmem:s0+$0xFFFFFED0] =	vst v2  }
0x1f4: {  	v3 =	vmul.f32 v63, v3;
	v1 =	vld [tilespmem:s0+$0xFFFFFF30];
	[tilespmem:s0+$0xFFFFFEE0] =	vst v4  }
0x1f5: {  	v2 =	vld [tilespmem:s0+$0xFFFFFF40];
	[tilespmem:s0+$0xFFFFFF00] =	vst v5  }
0x1f6: {  	v4 =	vld [tilespmem:s0+$0xFFFFFF50];
	[tilespmem:s0+$0xFFFFFEF0] =	vst v3  }
0x1f7: {  	v3 =	vld.idx.msk [tilespmem:v10+s18+$0x0], $0xffff  }
0x1f8: {  	s9 =	simm.s32 $0x0;
	s10 =	simm.s32 $0x5AB0;
	s3 =	simm.s32 $0xFFFFFFFC;
	v5 =	vld [tilespmem:s0+$0xFFFFFF20]  }
.LBB2_13:
0x1f9: {  	v8 =	vld [tilespmem:s0+$0xFFFFFF60];
	s10 =	sadd.s32 $0x200, s10;
	s11 =	smov.u32 s9;
	s9 =	sadd.s32 $0x4, s9  }
0x1fa: {  	p0 =	slt.u32 s9, $0x4C;
	v9 =	vld [tilespmem:s0+$0xFFFFFF80];
	_ =	sdelay $0x1  }
0x1fb: {  	v6 =	vmul.f32 v6, v3;
	v7 =	vmul.f32 v7, v3  }
0x1fc: {  	v4 =	vmul.f32 v4, v3;
	v5 =	vmul.f32 v5, v3  }
0x1fd: {  	v1 =	vmul.f32 v1, v3;
	v2 =	vmul.f32 v2, v3;
	[tilespmem:s0+$0xFFFFFF70] =	vst v6  }
0x1fe: {  	[tilespmem:s0+$0xFFFFFF50] =	vst v4;
	v4 =	vmul.f32 v8, v3;
	v3 =	vmul.f32 v9, v3  }
0x1ff: {  	s12 =	sadd.s32 $0x787, s3;
	s3 =	smov.u32 s11;
	[tilespmem:s0+$0xFFFFFF30] =	vst v1;
	v6 =	vld [tilespmem:s0+$0xFFFFFFF0]  }
0x200: {  	v1 =	vld [tilespmem:s10+$0xFFFFFF30];
	[tilespmem:s0+$0xFFFFFF10] =	vst v7;
	v7 =	vmov s12  }
0x201: {  	[tilespmem:s0+$0xFFFFFF60] =	vst v4;
	v4 =	vld [tilespmem:s0+$0xFFFFFF90]  }
0x202: {  	[tilespmem:s0+$0xFFFFFF40] =	vst v2;
	v8 =	vld [tilespmem:s0+$0xFFFFFFD0]  }
0x203: {  	v2 =	vld [tilespmem:s10+$0xFFFFFF40];
	[tilespmem:s0+$0xFFFFFF20] =	vst v5  }
0x204: {  	[tilespmem:s0+$0xFFFFFF80] =	vst v3;
	v3 =	vld [tilespmem:s0+$0xFFFFFFB0]  }
0x205: {  	v5 =	vld.idx.msk [tilespmem:v7+s18+$0x0], $0xffff  }
0x206: {  	v7 =	vld [tilespmem:s0+$0xFFFFFFA0]  }
0x207: {  	v9 =	vld [tilespmem:s0+$0xFFFFFFC0]  }
0x208: {  	v10 =	vld [tilespmem:s0+$0xFFFFFFE0]  }
0x209: {  	v11 =	vld [tilespmem:s0+$0x0];
	_ =	sdelay $0x1  }
0x20a: {  	v4 =	vmul.f32 v4, v5;
	v7 =	vmul.f32 v7, v5  }
0x20b: {  	s11 =	sadd.s32 $0x784, s3;
	v3 =	vmul.f32 v3, v5;
	v9 =	vmul.f32 v9, v5  }
0x20c: {  	v12 =	vmov s11;
	[tilespmem:s0+$0xFFFFFF90] =	vst v4;
	v4 =	vmul.f32 v8, v5;
	v8 =	vmul.f32 v10, v5  }
0x20d: {  	v10 =	vand.u32 $0xFFFFFFFC, v12;
	[tilespmem:s0+$0xFFFFFFB0] =	vst v3;
	v3 =	vmul.f32 v6, v5;
	v5 =	vmul.f32 v11, v5  }
0x20e: {  	v6 =	vbroadcast v10, $0x0;
	[tilespmem:s0+$0xFFFFFFD0] =	vst v4  }
0x20f: {  	[tilespmem:s0+$0x0] =	vst v5  }
0x210: {  	v4 =	vld [tilespmem:s10+$0xFFFFFE50];
	[tilespmem:s0+$0xFFFFFFF0] =	vst v3  }
0x211: {  	v3 =	vld [tilespmem:s10+$0xFFFFFE60];
	[tilespmem:s0+$0xFFFFFFA0] =	vst v7  }
0x212: {  	v5 =	vld [tilespmem:s10+$0xFFFFFE70];
	[tilespmem:s0+$0xFFFFFFC0] =	vst v9  }
0x213: {  	v7 =	vld [tilespmem:s10+$0xFFFFFE80];
	[tilespmem:s0+$0xFFFFFFE0] =	vst v8;
	s0 =	smov.u32 s10  }
0x214: {  	v6 =	vld.idx.msk [tilespmem:v6+s18+$0x0], $0xffff  }
0x215: {  	v8 =	vld [tilespmem:s10+$0xFFFFFE10]  }
0x216: {  	v9 =	vld [tilespmem:s10+$0xFFFFFE30]  }
0x217: {  	v10 =	vld [tilespmem:s10+$0xFFFFFE20]  }
0x218: {  	v11 =	vld [tilespmem:s10+$0xFFFFFE40];
	_ =	sdelay $0x1  }
0x219: {  	v7 =	vmul.f32 v7, v6;
	v8 =	vmul.f32 v8, v6  }
0x21a: {  	s11 =	sadd.s32 $0x785, s3;
	v5 =	vmul.f32 v5, v6;
	v9 =	vmul.f32 v9, v6  }
0x21b: {  	v3 =	vmul.f32 v3, v6;
	v10 =	vmul.f32 v10, v6;
	[tilespmem:s10+$0xFFFFFE80] =	vst v7;
	v7 =	vmov s11  }
0x21c: {  	v4 =	vmul.f32 v4, v6;
	[tilespmem:s10+$0xFFFFFE10] =	vst v8;
	v8 =	vmul.f32 v11, v6;
	v6 =	vand.u32 $0xFFFFFFFD, v7  }
0x21d: {  	[tilespmem:s10+$0xFFFFFE30] =	vst v9;
	v6 =	vbroadcast v6, $0x0  }
0x21e: {  	[tilespmem:s10+$0xFFFFFE60] =	vst v3  }
0x21f: {  	[tilespmem:s10+$0xFFFFFE50] =	vst v4;
	v3 =	vld [tilespmem:s10+$0xFFFFFF00]  }
0x220: {  	[tilespmem:s10+$0xFFFFFE70] =	vst v5;
	v4 =	vld [tilespmem:s10+$0xFFFFFED0]  }
0x221: {  	[tilespmem:s10+$0xFFFFFE40] =	vst v8;
	v5 =	vld [tilespmem:s10+$0xFFFFFEE0]  }
0x222: {  	[tilespmem:s10+$0xFFFFFE20] =	vst v10;
	v7 =	vld [tilespmem:s10+$0xFFFFFEA0]  }
0x223: {  	v6 =	vld.idx.msk [tilespmem:v6+s18+$0x0], $0xffff  }
0x224: {  	v8 =	vld [tilespmem:s10+$0xFFFFFE90]  }
0x225: {  	v9 =	vld [tilespmem:s10+$0xFFFFFEB0]  }
0x226: {  	v10 =	vld [tilespmem:s10+$0xFFFFFEC0]  }
0x227: {  	v11 =	vld [tilespmem:s10+$0xFFFFFEF0];
	_ =	sdelay $0x1  }
0x228: {  	v7 =	vmul.f32 v7, v6;
	v8 =	vmul.f32 v8, v6  }
0x229: {  	s11 =	sadd.s32 $0x786, s3;
	v5 =	vmul.f32 v5, v6;
	v9 =	vmul.f32 v9, v6  }
0x22a: {  	v4 =	vmul.f32 v4, v6;
	[tilespmem:s10+$0xFFFFFEA0] =	vst v7;
	v7 =	vmul.f32 v10, v6;
	v10 =	vmov s11  }
0x22b: {  	v3 =	vmul.f32 v3, v6;
	[tilespmem:s10+$0xFFFFFEB0] =	vst v9;
	v9 =	vmul.f32 v11, v6;
	v6 =	vand.u32 $0xFFFFFFFE, v10  }
0x22c: {  	[tilespmem:s10+$0xFFFFFE90] =	vst v8;
	v8 =	vbroadcast v6, $0x0  }
0x22d: {  	[tilespmem:s10+$0xFFFFFEC0] =	vst v7  }
0x22e: {  	[tilespmem:s10+$0xFFFFFED0] =	vst v4  }
0x22f: {  	[tilespmem:s10+$0xFFFFFEE0] =	vst v5  }
.Ltmp8:
0x230: {  	[tilespmem:s10+$0xFFFFFF00] =	vst v3;
	v4 =	vld [tilespmem:s10+$0xFFFFFF50];
	(pc) =	sbr.rel @p0 .LBB2_13-.Ltmp8, $4  }
0x231: {  	[tilespmem:s10+$0xFFFFFEF0] =	vst v9;
	v6 =	vld [tilespmem:s10+$0xFFFFFF70]  }
0x232: {  	v3 =	vld.idx.msk [tilespmem:v8+s18+$0x0], $0xffff  }
0x233: {  	v7 =	vld [tilespmem:s10+$0xFFFFFF10]  }
0x234: {  	v5 =	vld [tilespmem:s10+$0xFFFFFF20]  }
0x235: {  	_ =	sdelay $0x1  }
0x236: {  	v6 =	vmul.f32 v6, v3  }
0x237: {  	v8 =	vld [tilespmem:s0+$0xFFFFFF60];
	v4 =	vmul.f32 v4, v3  }
0x238: {  	v9 =	vld [tilespmem:s0+$0xFFFFFF80];
	v1 =	vmul.f32 v1, v3;
	[tilespmem:s0+$0xFFFFFF70] =	vst v6  }
0x239: {  	v55 =	vmul.f32 v7, v3;
	[tilespmem:s0+$0xFFFFFF50] =	vst v4  }
0x23a: {  	s3 =	sadd.s32 $0x787, s3;
	[tilespmem:s0+$0xFFFFFF30] =	vst v1;
	v1 =	vmul.f32 v2, v3  }
0x23b: {  	v2 =	vmov s3;
	v5 =	vmul.f32 v5, v3;
	[tilespmem:s0+$0xFFFFFF10] =	vst v55  }
0x23c: {  	v56 =	vmul.f32 v8, v3;
	[tilespmem:s0+$0xFFFFFF40] =	vst v1  }
0x23d: {  	v3 =	vmul.f32 v9, v3;
	[tilespmem:s0+$0xFFFFFF20] =	vst v5  }
0x23e: {  	[tilespmem:s0+$0xFFFFFF60] =	vst v56  }
0x23f: {  	v1 =	vld [tilespmem:s0+$0xFFFFFF90];
	[tilespmem:s0+$0xFFFFFF80] =	vst v3  }
0x240: {  	v2 =	vld.idx.msk [tilespmem:v2+s18+$0x0], $0xffff  }
0x241: {  	v3 =	vld [tilespmem:s0+$0xFFFFFFB0]  }
0x242: {  	v59 =	vld [tilespmem:s0+$0xFFFFFFF0]  }
0x243: {  	v57 =	vld [tilespmem:s0+$0xFFFFFFD0]  }
0x244: {  	v58 =	vld [tilespmem:s0+$0x0]  }
0x245: {  	v60 =	vld [tilespmem:s0+$0xFFFFFFA0];
	v1 =	vmul.f32 v1, v2  }
0x246: {  	v61 =	vld [tilespmem:s0+$0xFFFFFFC0];
	v3 =	vmul.f32 v3, v2  }
0x247: {  	v62 =	vld [tilespmem:s0+$0xFFFFFFE0];
	v63 =	vmul.f32 v59, v2;
	[tilespmem:s0+$0xFFFFFF90] =	vst v1  }
0x248: {  	v1 =	vmul.f32 v57, v2;
	[tilespmem:s0+$0xFFFFFFB0] =	vst v3  }
0x249: {  	v3 =	vmul.f32 v58, v2;
	[tilespmem:s0+$0xFFFFFFF0] =	vst v63  }
0x24a: {  	[tilespmem:s0+$0xFFFFFFD0] =	vst v1;
	v1 =	vmul.f32 v60, v2  }
0x24b: {  	[tilespmem:s0+$0x0] =	vst v3;
	v3 =	vmul.f32 v61, v2  }
0x24c: {  	v2 =	vmul.f32 v62, v2;
	[tilespmem:s0+$0xFFFFFFA0] =	vst v1  }
0x24d: {  	[tilespmem:s0+$0xFFFFFFC0] =	vst v3  }
0x24e: {  	s16 =	simm.s32 $0x3020;
	s22 =	simm.s32 $0x58C0;
	s23 =	simm.s32 $0x8;
	[tilespmem:s0+$0xFFFFFFE0] =	vst v2  }
0x24f: {  	[spmem:s2] =	stream.indirect.scatter.add.f32 [tilespmem:s22], [sflag:$0x7], $0x80, s16, s21, $0xb8;
	[tilespmem:$0x1EDC0] =	vst v63  }
0x250: {  	_ =	swait.ge [sflag:s23], $0x2800  }
0x251: {  	[sflag:s23] =	ssyncset.done $0x0  }
0x252: {  	[sflag:s23] =	ssyncadd.s32 $0xFFFFD800  }
0x253: {  	_ =	swait.ge [sflag:s24], $0x2800  }
0x254: {  	[sflag:s24] =	ssyncset.done $0x0  }
0x255: {  	[sflag:s24] =	ssyncadd.s32 $0xFFFFD800  }
0x256: {  	_ =	swait.ge [sflag:s25], $0x2800  }
0x257: {  	[sflag:s25] =	ssyncset.done $0x0  }
0x258: {  	[sflag:s25] =	ssyncadd.s32 $0xFFFFD800  }
0x259: {  	s29 =	stileid.u32;
	[bflag:$0x0] =	sbarrier.arrive $0xFFFF  }
0x25a: {  	s0 =	sshll.u32 s29, $0x6;
	s30 =	rddreg [dreg:$0x7]  }
0x25b: {  	s0 =	sor.u32 $0x1C09, s0;
	s9 =	rddreg [dreg:$0x13]  }
0x25c: {  	[hbm:s30], [sflag:s0] =	dma.local [spmem:s9], $0x2710  }
0x25d: {  	_ =	swait.ge [sflag:s26], $0x2710  }
0x25e: {  	s28 =	sadd.s32 $0x1, s28;
	s31 =	rddreg [dreg:$0x8]  }
0x25f: {  	p0 =	sne.s32 s28, s31  }
.Ltmp9:
0x260: {  	_ = 	snop;
	(pc) =	sbr.rel @p0 .LBB2_1-.Ltmp9, $3  }
0x261: {  	_ =	sdelay $0x1  }
0x262: {  	[sflag:s26] =	ssyncset.done $0x0  }
0x263: {  	[sflag:s26] =	ssyncadd.s32 $0xFFFFD8F0  }
0x264: {  	_ =	sfence.sel $0x180000  }
0x265: {  	[bflag:$0x0] =	sbarrier.arrive $0xFFFF  }
0x266: {  	_ =	strace $0x9000004A  }
0x267: {  	s0 =	stileid.u32;
	[bflag:$0x2] =	sbarrier.arrive $0xFFFF  }
0x268: {  	p0 =	sne.s32 s0, $0x0;
	s0 =	rddreg [dreg:$0x3]  }
0x269: {  	s0 =	sadd.s32 @!p0 $0x100000, s0  }
0x26a: {  	[sflag:s0] =	ssyncadd.tile.s32 @!p0 $0x1;
	_ =	shalt  }
.Lfunc_end2:
_tile_overlayer_lowered:
.L_overlay_start_2:
0x26b: {  	(tag) =	ssettag $0x2  }
0x26c: {  	s0 =	rddreg [dreg:$0x0];
	s2 =	stileid.u32  }
0x26d: {  	s1 =	rddreg [dreg:$0x1];
	p0 =	sne.s32 s2, $0x0  }
0x26e: {  	s3 =	rddreg [dreg:$0x2];
	[bflag:$0x3] =	sbarrier.arrive $0xFFFF;
	s2 =	simm.s32 @!p0 $0x1C09  }
0x26f: {  	[timem:s3], [sflag:s2] =	dma.local @!p0 [hbm:s0], s1  }
0x270: {  	s0 =	simm.s32 @!p0 $0x9  }
0x271: {  	_ =	swait.ge @!p0 [sflag:s0], s1  }
0x272: {  	s1 =	ssub.s32 @!p0 $0x0, s1;
	[sflag:s0] =	ssyncset.done @!p0 $0x0  }
0x273: {  	[sflag:s0] =	ssyncadd.s32 @!p0 s1  }
0x274: {  	[bflag:$0x3] =	sbarrier.arrive $0xFFFF  }
0x275: {  	_ =	shalt  }

</sc_bundles>
